<compile_context>
chip_gen: v7x
topology: tpu7x:2x2x1
jax: 0.10.2.dev20260603
libtpu: 0.0.44.dev20260713+nightly
codegen_flags: <defaults>
</compile_context>

<pallas_src>
import functools

import jax
import jax.numpy as jnp
from jax import lax
from jax.experimental import pallas as pl
from jax.experimental.pallas import tpu as pltpu
from jax.experimental.pallas import tpu_sc as plsc

N = 10000
E = 320000
B = 100000

NC, NS = 2, 16
NW = NC * NS
CH = 128

CH5 = 64

E_PAD = ((E + 2 * NW * CH - 1) // (2 * NW * CH)) * (2 * NW * CH)
B_PAD = ((B + 2 * NW * CH5 - 1) // (2 * NW * CH5)) * (2 * NW * CH5)

ECW = 160
E_ROWS_PAD = 2680
PC0 = 76
PC1 = 24
P_IDX_PAD = (17 * PC0 + 15 * PC1) * CH5
AR = N + 48
A2 = N + 112

BN = 1000
GRID_N = N // BN



def _make_sc_segsum(table_rows, width, acc_rows, ec0):
    ec1 = ECW - ec0
    stripe = acc_rows // NS
    mesh = plsc.VectorSubcoreMesh(core_axis_name="c", subcore_axis_name="s")

    @functools.partial(
        pl.kernel, mesh=mesh,
        compiler_params=pltpu.CompilerParams(use_tc_tiling_on_sc=False),
        out_type=jax.ShapeDtypeStruct((NC, acc_rows, width), jnp.float32),
        scratch_types=[
            pltpu.VMEM((ec0, CH), jnp.int32),
            pltpu.VMEM((ec0, CH), jnp.int32),
            pltpu.VMEM((CH, width), jnp.float32),
            pltpu.VMEM((CH, width), jnp.float32),
            pltpu.VMEM_SHARED((acc_rows, width), jnp.float32),
            pltpu.SemaphoreType.DMA,
            pltpu.SemaphoreType.DMA,
        ],
    )
    def k(table, gidx, sidx, zeros, out, gv, sv, r0, r1, acc, s0, s1):
        c = lax.axis_index("c")
        s = lax.axis_index("s")
        pltpu.sync_copy(zeros, acc.at[pl.ds(s * stripe, stripe)])
        n_ch = jnp.where(c == 0, ec0, ec1)
        rb = jnp.where(c == 0, s * ec0, NS * ec0 + s * ec1)
        h1 = ec0 // 2
        h2 = ec0 - h1
        pltpu.sync_copy(gidx.at[pl.ds(rb, h1)], gv.at[pl.ds(0, h1)])
        pltpu.sync_copy(gidx.at[pl.ds(rb + h1, h2)], gv.at[pl.ds(h1, h2)])
        pltpu.sync_copy(sidx.at[pl.ds(rb, h1)], sv.at[pl.ds(0, h1)])
        pltpu.sync_copy(sidx.at[pl.ds(rb + h1, h2)], sv.at[pl.ds(h1, h2)])
        plsc.subcore_barrier()

        def fire(chunk, buf, sem):
            pltpu.async_copy(table.at[gv.at[chunk]], buf, sem)

        def wait(buf, sem):
            pltpu.make_async_copy(table.at[pl.ds(0, CH)], buf, sem).wait()

        def scat(buf, chunk):
            pltpu.sync_copy(buf, acc.at[sv.at[chunk]], add=True)

        fire(0, r0, s0)
        fire(1, r1, s1)

        def body(j2, carry):
            j = j2 * 2
            wait(r0, s0)
            scat(r0, j)
            fire(jnp.minimum(j + 2, n_ch - 1), r0, s0)
            wait(r1, s1)
            scat(r1, j + 1)
            fire(jnp.minimum(j + 3, n_ch - 1), r1, s1)
            return carry

        lax.fori_loop(0, n_ch // 2, body, 0)
        wait(r0, s0)
        wait(r1, s1)
        plsc.subcore_barrier()
        pltpu.sync_copy(acc.at[pl.ds(s * stripe, stripe)],
                        out.at[c, pl.ds(s * stripe, stripe)])

    return k


def _make_sc_pair_gather(width):
    kk = width // 16
    mesh = plsc.VectorSubcoreMesh(core_axis_name="c", subcore_axis_name="s")

    @functools.partial(
        pl.kernel, mesh=mesh,
        compiler_params=pltpu.CompilerParams(use_tc_tiling_on_sc=True),
        out_type=jax.ShapeDtypeStruct((B_PAD, width), jnp.float32),
        scratch_types=[
            pltpu.VMEM((PC0 * CH5,), jnp.int32),
            pltpu.VMEM((PC0 * CH5,), jnp.int32),
            pltpu.VMEM((CH5, width), jnp.float32),
            pltpu.VMEM((CH5, width), jnp.float32),
            pltpu.VMEM((CH5, width), jnp.float32),
            pltpu.VMEM((CH5, width), jnp.float32),
            pltpu.SemaphoreType.DMA,
            pltpu.SemaphoreType.DMA,
            pltpu.SemaphoreType.DMA,
            pltpu.SemaphoreType.DMA,
        ],
    )
    def k(pa, pb, aidx, bidx, out, av, bv, ra0, rb0, ra1, rb1,
          sa0, sb0, sa1, sb1):
        c = lax.axis_index("c")
        s = lax.axis_index("s")
        n_ch = jnp.where(c == 0, PC0, PC1)
        cb = jnp.where(c == 0, s * PC0, NS * PC0 + s * PC1)
        base = cb * CH5
        pltpu.sync_copy(aidx.at[pl.ds(base, PC0 * CH5)], av)
        pltpu.sync_copy(bidx.at[pl.ds(base, PC0 * CH5)], bv)

        def fire(chunk, ra, rb, sa, sb):
            pltpu.async_copy(pa.at[av.at[pl.ds(chunk * CH5, CH5)]], ra, sa)
            pltpu.async_copy(pb.at[bv.at[pl.ds(chunk * CH5, CH5)]], rb, sb)

        def wait(ra, rb, sa, sb):
            pltpu.make_async_copy(pa.at[pl.ds(0, CH5)], ra, sa).wait()
            pltpu.make_async_copy(pb.at[pl.ds(0, CH5)], rb, sb).wait()

        def process(ra, rb, chunk):
            def add_row(r, carry2):
                for q in range(kk):
                    ra[r, pl.ds(q * 16, 16)] = (
                        ra[r, pl.ds(q * 16, 16)] + rb[r, pl.ds(q * 16, 16)])
                return carry2

            lax.fori_loop(0, CH5, add_row, 0)
            pltpu.sync_copy(ra, out.at[pl.ds(base + chunk * CH5, CH5)])

        fire(0, ra0, rb0, sa0, sb0)
        fire(1, ra1, rb1, sa1, sb1)

        def body(j2, carry):
            j = j2 * 2
            wait(ra0, rb0, sa0, sb0)
            process(ra0, rb0, j)
            fire(jnp.minimum(j + 2, n_ch - 1), ra0, rb0, sa0, sb0)
            wait(ra1, rb1, sa1, sb1)
            process(ra1, rb1, j + 1)
            fire(jnp.minimum(j + 3, n_ch - 1), ra1, rb1, sa1, sb1)
            return carry

        lax.fori_loop(0, n_ch // 2, body, 0)
        wait(ra0, rb0, sa0, sb0)
        wait(ra1, rb1, sa1, sb1)

    return k


def _make_sc_count():
    ec0, ec1 = 104, 56
    acc_rows = 2 * AR
    stripe = acc_rows // NS
    mesh = plsc.VectorSubcoreMesh(core_axis_name="c", subcore_axis_name="s")

    @functools.partial(
        pl.kernel, mesh=mesh,
        compiler_params=pltpu.CompilerParams(use_tc_tiling_on_sc=False),
        out_type=jax.ShapeDtypeStruct((NC, acc_rows, 16), jnp.float32),
        scratch_types=[
            pltpu.VMEM((ec0, CH), jnp.int32),
            pltpu.VMEM((CH, 16), jnp.float32),
            pltpu.VMEM_SHARED((acc_rows, 16), jnp.float32),
        ],
    )
    def k(sidx, ones, zeros, out, sv, ov, acc):
        c = lax.axis_index("c")
        s = lax.axis_index("s")
        pltpu.sync_copy(zeros, acc.at[pl.ds(s * stripe, stripe)])
        pltpu.sync_copy(ones, ov)
        n_ch = jnp.where(c == 0, ec0, ec1)
        rb = jnp.where(c == 0, s * ec0, NS * ec0 + s * ec1)
        h1 = ec0 // 2
        h2 = ec0 - h1
        pltpu.sync_copy(sidx.at[pl.ds(rb, h1)], sv.at[pl.ds(0, h1)])
        pltpu.sync_copy(sidx.at[pl.ds(rb + h1, h2)], sv.at[pl.ds(h1, h2)])
        plsc.subcore_barrier()

        def body(j, carry):
            pltpu.sync_copy(ov, acc.at[sv.at[j]], add=True)
            return carry

        lax.fori_loop(0, n_ch, body, 0)
        plsc.subcore_barrier()
        pltpu.sync_copy(acc.at[pl.ds(s * stripe, stripe)],
                        out.at[c, pl.ds(s * stripe, stripe)])

    return k


_sc_count = _make_sc_count()
_sc_seg1 = _make_sc_segsum(2 * N, 64, 2 * AR, 128)
_sc_seg2 = _make_sc_segsum(N, 64, A2, 136)
_sc_seg3 = _make_sc_segsum(2 * N, 32, 2 * AR, 128)
_sc_seg4 = _make_sc_segsum(N, 32, A2, 120)
_sc_pair = _make_sc_pair_gather(256)



def _k1_body(x_ref, w_ref, t_ref):
    xb = x_ref[...]
    t_ref[0] = jnp.dot(xb, w_ref[0], preferred_element_type=jnp.float32)
    t_ref[1] = jnp.dot(xb, w_ref[1], preferred_element_type=jnp.float32)


def _k1(x, Wrel1):
    return pl.pallas_call(
        _k1_body,
        grid=(GRID_N,),
        in_specs=[
            pl.BlockSpec((BN, 128), lambda g: (g, 0)),
            pl.BlockSpec((2, 128, 64), lambda g: (0, 0, 0)),
        ],
        out_specs=pl.BlockSpec((2, BN, 64), lambda g: (0, g, 0)),
        out_shape=jax.ShapeDtypeStruct((2, N, 64), jnp.float32),
    )(x, Wrel1)


def _k2_body(x_ref, s1_ref, cnt_ref, wr_ref, b1_ref, wg_ref, w2_ref,
             x1_ref, hg1_ref, t2_ref, aux_ref):
    S0 = s1_ref[0, 0] + s1_ref[1, 0]
    S1 = s1_ref[0, 1] + s1_ref[1, 1]
    c0 = cnt_ref[0, 0, :, 0] + cnt_ref[1, 0, :, 0]
    c1 = cnt_ref[0, 1, :, 0] + cnt_ref[1, 1, :, 0]
    dinv = lax.rsqrt(c0 + c1 + 1.0)
    ic0 = 1.0 / jnp.maximum(c0, 1.0)
    ic1 = 1.0 / jnp.maximum(c1, 1.0)
    xb = x_ref[...]
    x1 = jnp.dot(xb, wr_ref[...], preferred_element_type=jnp.float32) + b1_ref[...]
    x1 = x1 + S0 * ic0[:, None] + S1 * ic1[:, None]
    x1 = jnp.maximum(x1, 0.0)
    x1_ref[...] = x1
    hg1_ref[...] = dinv[:, None] * jnp.dot(xb, wg_ref[...],
                                           preferred_element_type=jnp.float32)
    t2_ref[0] = jnp.dot(x1, w2_ref[0], preferred_element_type=jnp.float32)
    t2_ref[1] = jnp.dot(x1, w2_ref[1], preferred_element_type=jnp.float32)
    aux_ref[...] = jnp.concatenate(
        [dinv[:, None], ic0[:, None], ic1[:, None],
         jnp.zeros((BN, 5), jnp.float32)], -1)


def _k2(x, S1, CNT, Wroot1, b1, Wg1, Wrel2):
    return pl.pallas_call(
        _k2_body,
        grid=(GRID_N,),
        in_specs=[
            pl.BlockSpec((BN, 128), lambda g: (g, 0)),
            pl.BlockSpec((2, 2, BN, 64), lambda g: (0, 0, g, 0)),
            pl.BlockSpec((2, 2, BN, 16), lambda g: (0, 0, g, 0)),
            pl.BlockSpec((128, 64), lambda g: (0, 0)),
            pl.BlockSpec((1, 64), lambda g: (0, 0)),
            pl.BlockSpec((128, 64), lambda g: (0, 0)),
            pl.BlockSpec((2, 64, 32), lambda g: (0, 0, 0)),
        ],
        out_specs=[
            pl.BlockSpec((BN, 64), lambda g: (g, 0)),
            pl.BlockSpec((BN, 64), lambda g: (g, 0)),
            pl.BlockSpec((2, BN, 32), lambda g: (0, g, 0)),
            pl.BlockSpec((BN, 8), lambda g: (g, 0)),
        ],
        out_shape=[
            jax.ShapeDtypeStruct((N, 64), jnp.float32),
            jax.ShapeDtypeStruct((N, 64), jnp.float32),
            jax.ShapeDtypeStruct((2, N, 32), jnp.float32),
            jax.ShapeDtypeStruct((N, 8), jnp.float32),
        ],
    )(x, S1, CNT, Wroot1, b1, Wg1, Wrel2)


def _k3_body(g1_ref, hg1_ref, aux_ref, bg1_ref, wg2_ref, x11_ref, hg2_ref):
    dinv = aux_ref[...][:, 0]
    G = g1_ref[0] + g1_ref[1]
    x11 = jnp.maximum(dinv[:, None] * (G + hg1_ref[...]) + bg1_ref[...], 0.0)
    x11_ref[...] = x11
    hg2_ref[...] = dinv[:, None] * jnp.dot(x11, wg2_ref[...],
                                           preferred_element_type=jnp.float32)


def _k3(G1, hg1, aux, bg1, Wg2):
    return pl.pallas_call(
        _k3_body,
        grid=(GRID_N,),
        in_specs=[
            pl.BlockSpec((2, BN, 64), lambda g: (0, g, 0)),
            pl.BlockSpec((BN, 64), lambda g: (g, 0)),
            pl.BlockSpec((BN, 8), lambda g: (g, 0)),
            pl.BlockSpec((1, 64), lambda g: (0, 0)),
            pl.BlockSpec((64, 32), lambda g: (0, 0)),
        ],
        out_specs=[
            pl.BlockSpec((BN, 64), lambda g: (g, 0)),
            pl.BlockSpec((BN, 32), lambda g: (g, 0)),
        ],
        out_shape=[
            jax.ShapeDtypeStruct((N, 64), jnp.float32),
            jax.ShapeDtypeStruct((N, 32), jnp.float32),
        ],
    )(G1, hg1, aux, bg1, Wg2)


def _k4_body(s2_ref, x1_ref, wr2_ref, b2_ref, aux_ref, g2_ref, hg2_ref,
             bg2_ref, x11_ref, f3_ref, mab_ref, x2_ref, pa_ref, pb_ref):
    aux = aux_ref[...]
    dinv = aux[:, 0]
    ic0 = aux[:, 1]
    ic1 = aux[:, 2]
    S0 = s2_ref[0, 0] + s2_ref[1, 0]
    S1 = s2_ref[0, 1] + s2_ref[1, 1]
    x1 = x1_ref[...]
    x2 = jnp.dot(x1, wr2_ref[...], preferred_element_type=jnp.float32) + b2_ref[...]
    x2 = x2 + S0 * ic0[:, None] + S1 * ic1[:, None]
    x2_ref[...] = x2
    G2 = g2_ref[0] + g2_ref[1]
    x21 = dinv[:, None] * (G2 + hg2_ref[...]) + bg2_ref[...]
    Z = jnp.concatenate([x11_ref[...], x21, x1, x2, f3_ref[...]], -1)
    pa_ref[...] = jnp.dot(Z, mab_ref[0], preferred_element_type=jnp.float32)
    pb_ref[...] = jnp.dot(Z, mab_ref[1], preferred_element_type=jnp.float32)


def _k4(S2, x1_o, Wroot2, b2, aux, G2, hg2, bg2, x1_o1, f3, Mab):
    return pl.pallas_call(
        _k4_body,
        grid=(GRID_N,),
        in_specs=[
            pl.BlockSpec((2, 2, BN, 32), lambda g: (0, 0, g, 0)),
            pl.BlockSpec((BN, 64), lambda g: (g, 0)),
            pl.BlockSpec((64, 32), lambda g: (0, 0)),
            pl.BlockSpec((1, 32), lambda g: (0, 0)),
            pl.BlockSpec((BN, 8), lambda g: (g, 0)),
            pl.BlockSpec((2, BN, 32), lambda g: (0, g, 0)),
            pl.BlockSpec((BN, 32), lambda g: (g, 0)),
            pl.BlockSpec((1, 32), lambda g: (0, 0)),
            pl.BlockSpec((BN, 64), lambda g: (g, 0)),
            pl.BlockSpec((BN, 512), lambda g: (g, 0)),
            pl.BlockSpec((2, 704, 256), lambda g: (0, 0, 0)),
        ],
        out_specs=[
            pl.BlockSpec((BN, 32), lambda g: (g, 0)),
            pl.BlockSpec((BN, 256), lambda g: (g, 0)),
            pl.BlockSpec((BN, 256), lambda g: (g, 0)),
        ],
        out_shape=[
            jax.ShapeDtypeStruct((N, 32), jnp.float32),
            jax.ShapeDtypeStruct((N, 256), jnp.float32),
            jax.ShapeDtypeStruct((N, 256), jnp.float32),
        ],
    )(S2, x1_o, Wroot2, b2, aux, G2, hg2, bg2, x1_o1, f3, Mab)


BB = 1000
GRID_B = B // BB


def _k5_body(h_ref, mb1_ref, m2_ref, mb2_ref, m3_ref, mb3_ref, m4_ref,
             mb4_ref, log_ref):
    h = h_ref[...] + mb1_ref[...]
    e1 = jnp.where(h > 0, h, jnp.exp(h) - 1.0)
    t = jnp.dot(e1, m2_ref[...], preferred_element_type=jnp.float32) + mb2_ref[...]
    e2 = jnp.where(t > 0, t, jnp.exp(t) - 1.0)
    m34 = jnp.dot(m3_ref[...], m4_ref[...], preferred_element_type=jnp.float32)
    mb34 = jnp.dot(mb3_ref[...], m4_ref[...],
                   preferred_element_type=jnp.float32) + mb4_ref[...]
    log_ref[...] = jnp.dot(e2, m34, preferred_element_type=jnp.float32) + mb34


def _k5(H, mb1, M2, mb2, M3, mb3, M4, mb4):
    return pl.pallas_call(
        _k5_body,
        grid=(GRID_B,),
        in_specs=[
            pl.BlockSpec((BB, 256), lambda g: (g, 0)),
            pl.BlockSpec((1, 256), lambda g: (0, 0)),
            pl.BlockSpec((256, 128), lambda g: (0, 0)),
            pl.BlockSpec((1, 128), lambda g: (0, 0)),
            pl.BlockSpec((128, 65), lambda g: (0, 0)),
            pl.BlockSpec((1, 65), lambda g: (0, 0)),
            pl.BlockSpec((65, 2), lambda g: (0, 0)),
            pl.BlockSpec((1, 2), lambda g: (0, 0)),
        ],
        out_specs=pl.BlockSpec((BB, 2), lambda g: (g, 0)),
        out_shape=jax.ShapeDtypeStruct((B, 2), jnp.float32),
    )(H, mb1, M2, mb2, M3, mb3, M4, mb4)



def kernel(x, edge_index, edge_type, idx, attt, Wrel1, Wroot1, b1, Wrel2,
           Wroot2, b2, Wg1, bg1, Wg2, bg2, M1, mb1, M2, mb2, M3, mb3, M4,
           mb4, features3):
    src, dst = edge_index[0], edge_index[1]
    et = edge_type
    epad = E_ROWS_PAD * CH - E
    zpad = jnp.zeros((epad,), jnp.int32)
    tpad = jnp.full((epad,), N, jnp.int32)
    gidx = jnp.concatenate([et * N + src, zpad]).reshape(-1, CH)
    sidx = jnp.concatenate([et * AR + dst, tpad]).reshape(-1, CH)
    src_p = jnp.concatenate([src, zpad]).reshape(-1, CH)
    dst_p = jnp.concatenate([dst, tpad]).reshape(-1, CH)
    bpad = P_IDX_PAD - B
    aa_p = jnp.concatenate([idx[0], jnp.zeros((bpad,), jnp.int32)])
    bb_p = jnp.concatenate([idx[1], jnp.zeros((bpad,), jnp.int32)])

    a0, a1 = attt[0], attt[1]
    Ma = jnp.concatenate([a0 * M1[0:64], a1 * M1[64:96], a0 * M1[96:160],
                          a1 * M1[160:192], M1[192:704]], 0)
    Mb = jnp.concatenate([a0 * M1[704:768], a1 * M1[768:800], a0 * M1[800:864],
                          a1 * M1[864:896], M1[896:1408]], 0)
    Mab = jnp.stack([Ma, Mb])

    b1r = b1.reshape(1, 64)
    bg1r = bg1.reshape(1, 64)
    b2r = b2.reshape(1, 32)
    bg2r = bg2.reshape(1, 32)
    mb1r = mb1.reshape(1, 256)
    mb2r = mb2.reshape(1, 128)
    mb3r = mb3.reshape(1, 65)
    mb4r = mb4.reshape(1, 2)

    z16 = jnp.zeros((2 * AR // NS, 16), jnp.float32)
    z64a = jnp.zeros((2 * AR // NS, 64), jnp.float32)
    z64 = jnp.zeros((A2 // NS, 64), jnp.float32)
    z32a = jnp.zeros((2 * AR // NS, 32), jnp.float32)
    z32b = jnp.zeros((A2 // NS, 32), jnp.float32)
    ones16 = jnp.ones((CH, 16), jnp.float32)

    CNT = _sc_count(sidx, ones16, z16).reshape(NC, 2, AR, 16)
    T1 = _k1(x, Wrel1)
    S1 = _sc_seg1(T1.reshape(2 * N, 64), gidx, sidx, z64a).reshape(NC, 2, AR, 64)
    x1_o, hg1, T2, aux = _k2(x, S1, CNT, Wroot1, b1r, Wg1, Wrel2)
    G1 = _sc_seg2(hg1, src_p, dst_p, z64)
    S2 = _sc_seg3(T2.reshape(2 * N, 32), gidx, sidx, z32a).reshape(NC, 2, AR, 32)
    x1_o1, hg2 = _k3(G1, hg1, aux, bg1r, Wg2)
    G2 = _sc_seg4(hg2, src_p, dst_p, z32b)
    x2_o, Pa, Pb = _k4(S2, x1_o, Wroot2, b2r, aux, G2, hg2, bg2r, x1_o1,
                       features3, Mab)
    H = _sc_pair(Pa, Pb, aa_p, bb_p)
    logp = _k5(H, mb1r, M2, mb2r, M3, mb3r, M4, mb4r)
    return (logp[:B], x2_o)

# --- scband reference (transcript-rebuilt; emitter-appended) ---
"""Pipeline reference for scband-mrcgnn-36575941493493 (READ-ONLY COPY).

The authoritative reference and input builder live on the scoring server;
editing this copy changes nothing except your own understanding.
"""

import jax, jax.numpy as jnp
import numpy as np

N = 10000
E = 320000
B = 100000


def _gcn(x, W, b, src, dst, n):
    loop = jnp.arange(n, dtype=src.dtype)
    s2 = jnp.concatenate([src, loop])
    d2 = jnp.concatenate([dst, loop])
    deg = jax.ops.segment_sum(jnp.ones(s2.shape[0], jnp.float32), d2, num_segments=n)
    dinv = 1.0 / jnp.sqrt(jnp.clip(deg, 1.0))
    norm = dinv[s2] * dinv[d2]
    h = x @ W
    out = jax.ops.segment_sum(norm[:, None] * h[s2], d2, num_segments=n)
    return out + b


def _rgcn(x, Wrel, Wroot, b, src, dst, etype, n):
    out = x @ Wroot + b
    for r in range(Wrel.shape[0]):
        m = (etype == r).astype(x.dtype)
        msg = (x[src] @ Wrel[r]) * m[:, None]
        s = jax.ops.segment_sum(msg, dst, num_segments=n)
        c = jax.ops.segment_sum(m, dst, num_segments=n)
        out = out + s / jnp.clip(c, 1.0)[:, None]
    return out


def _forward(x, attt, Wrel1, Wroot1, b1, Wrel2, Wroot2, b2, Wg1, bg1, Wg2, bg2, M1, mb1, M2, mb2, M3, mb3, M4, mb4, features3, edge_index, edge_type, idx):
    n = x.shape[0]
    src, dst = edge_index[0], edge_index[1]
    # RGCN branch (eval mode: dropout is a no-op)
    x1_o = jax.nn.relu(_rgcn(x, Wrel1, Wroot1, b1, src, dst, edge_type, n))
    x2_o = _rgcn(x1_o, Wrel2, Wroot2, b2, src, dst, edge_type, n)
    # GCN branch
    x1_o1 = jax.nn.relu(_gcn(x, Wg1, bg1, src, dst, n))
    x2_o1 = _gcn(x1_o1, Wg2, bg2, src, dst, n)
    aa, bb = idx[0], idx[1]
    final = jnp.concatenate([attt[0] * x1_o, attt[1] * x2_o], axis=1)
    final1 = jnp.concatenate([attt[0] * x1_o1, attt[1] * x2_o1], axis=1)
    entity1 = final[aa]
    entity2 = final[bb]
    entity3 = final1[aa]
    entity4 = final1[bb]
    entity1_res = features3[aa]
    entity2_res = features3[bb]
    entity1 = jnp.concatenate([entity3, entity1], axis=1)
    entity3 = jnp.concatenate([entity1, entity1_res], axis=1)
    entity2 = jnp.concatenate([entity4, entity2], axis=1)
    entity4 = jnp.concatenate([entity2, entity2_res], axis=1)
    concatenate = jnp.concatenate([entity3, entity4], axis=1)  # [B, 1408]
    h = concatenate @ M1 + mb1
    h = jax.nn.elu(h)
    h = h @ M2 + mb2
    h = jax.nn.elu(h)
    h = h @ M3 + mb3
    log = h @ M4 + mb4
    return (log, x2_o)


def setup_inputs(seed: int = 0):
    key = jax.random.key(seed)
    ks = jax.random.split(key, 24)

    def nrm(k, shape, scale):
        return jax.random.normal(k, shape, jnp.float32) * scale

    inp = {}
    inp["x"] = nrm(ks[0], (N, 128), 1.0)
    inp["edge_index"] = jax.random.randint(ks[1], (2, E), 0, N, jnp.int32)
    inp["edge_type"] = jax.random.randint(ks[2], (E,), 0, 2, jnp.int32)
    inp["idx"] = jax.random.randint(ks[3], (2, B), 0, N, jnp.int32)
    inp["attt"] = jnp.array([0.5, 0.5], jnp.float32)
    inp["Wrel1"] = nrm(ks[4], (2, 128, 64), 0.088)
    inp["Wroot1"] = nrm(ks[5], (128, 64), 0.088)
    inp["b1"] = jnp.zeros((64,), jnp.float32)
    inp["Wrel2"] = nrm(ks[6], (2, 64, 32), 0.125)
    inp["Wroot2"] = nrm(ks[7], (64, 32), 0.125)
    inp["b2"] = jnp.zeros((32,), jnp.float32)
    inp["Wg1"] = nrm(ks[8], (128, 64), 0.088)
    inp["bg1"] = jnp.zeros((64,), jnp.float32)
    inp["Wg2"] = nrm(ks[9], (64, 32), 0.125)
    inp["bg2"] = jnp.zeros((32,), jnp.float32)
    inp["M1"] = nrm(ks[10], (1408, 256), 0.027)
    inp["mb1"] = jnp.zeros((256,), jnp.float32)
    inp["M2"] = nrm(ks[11], (256, 128), 0.0625)
    inp["mb2"] = jnp.zeros((128,), jnp.float32)
    inp["M3"] = nrm(ks[12], (128, 65), 0.088)
    inp["mb3"] = jnp.zeros((65,), jnp.float32)
    inp["M4"] = nrm(ks[13], (65, 2), 0.124)
    inp["mb4"] = jnp.zeros((2,), jnp.float32)
    inp["features3"] = nrm(ks[14], (N, 512), 1.0)
    return inp


def reference(x, edge_index, edge_type, idx, attt, Wrel1, Wroot1, b1, Wrel2, Wroot2, b2, Wg1, bg1, Wg2, bg2, M1, mb1, M2, mb2, M3, mb3, M4, mb4, features3):
    return _forward(x, attt, Wrel1, Wroot1, b1, Wrel2, Wroot2, b2, Wg1, bg1, Wg2, bg2, M1, mb1, M2, mb2, M3, mb3, M4, mb4, features3, edge_index, edge_type, idx)

if __name__ == "__main__":
    import jax
    _d = setup_inputs()
    print(jax.jit(kernel)(*tuple(_d.values())))

</pallas_src>

<mosaic_0001>
#map = affine_map<(d0, d1) -> (0, 0)>
#map1 = affine_map<(d0, d1) -> (0, 0, 0)>
module attributes {stable_mosaic.version = 14 : i64} {
  func.func @k(%arg0: i32, %arg1: i32, %arg2: memref<20000x64xf32, #tpu.memory_space<hbm>>, %arg3: memref<2680x128xi32, #tpu.memory_space<hbm>>, %arg4: memref<2680x128xi32, #tpu.memory_space<hbm>>, %arg5: memref<1256x64xf32, #tpu.memory_space<hbm>>, %arg6: memref<2x20096x64xf32, #tpu.memory_space<hbm>>, %arg7: memref<128x128xi32, #tpu.memory_space<vmem>>, %arg8: memref<128x128xi32, #tpu.memory_space<vmem>>, %arg9: memref<128x64xf32, #tpu.memory_space<vmem>>, %arg10: memref<128x64xf32, #tpu.memory_space<vmem>>, %arg11: memref<20096x64xf32, #tpu.memory_space<vmem_shared>>, %arg12: memref<!tpu.dma_semaphore, #tpu.memory_space<semaphore_mem>>, %arg13: memref<!tpu.dma_semaphore, #tpu.memory_space<semaphore_mem>>) attributes {dimension_semantics = [#tpu.dimension_semantics<core_parallel>, #tpu.dimension_semantics<subcore_parallel>], iteration_bounds = array<i64: 2, 16>, scalar_prefetch = 0 : i64, scratch_operands = 7 : i64, tpu.core_type = #tpu.core_type<sc_vector_subcore>, window_params = [{transform_indices = #map}, {transform_indices = #map}, {transform_indices = #map}, {transform_indices = #map}, {transform_indices = #map1}]} {
    %mul3A = arith.constant 1256 : i32
    %mul3A_0 = arith.muli %arg1, %mul3A : i32
    "tpu.region"() ({
      %run_scoped3A = tpu.sem_alloc : memref<!tpu.dma_semaphore, #tpu.memory_space<semaphore_mem>>
      %dma_start3A_71 = arith.constant 0 : i32
      %dma_start3A_72 = tpu.memref_slice %arg11[%mul3A_0, %dma_start3A_71] : memref<20096x64xf32, #tpu.memory_space<vmem_shared>> -> memref<1256x64xf32, #tpu.memory_space<vmem_shared>>
      tpu.enqueue_dma source(%arg5 : memref<1256x64xf32, #tpu.memory_space<hbm>>) target(%dma_start3A_72 : memref<1256x64xf32, #tpu.memory_space<vmem_shared>>) target_semaphore(%run_scoped3A : memref<!tpu.dma_semaphore, #tpu.memory_space<semaphore_mem>>)
      %dma_wait3A_73 = arith.constant 0 : i32
      %dma_wait3A_74 = tpu.memref_slice %arg11[%mul3A_0, %dma_wait3A_73] : memref<20096x64xf32, #tpu.memory_space<vmem_shared>> -> memref<1256x64xf32, #tpu.memory_space<vmem_shared>>
      tpu.wait_dma2 semaphore(%run_scoped3A : memref<!tpu.dma_semaphore, #tpu.memory_space<semaphore_mem>>) src(%arg5 : memref<1256x64xf32, #tpu.memory_space<hbm>>) dst(%dma_wait3A_74 : memref<1256x64xf32, #tpu.memory_space<vmem_shared>>)
      tpu.yield
    }) : () -> ()
    %eq3A = arith.constant 0 : i32
    %eq3A_1 = arith.cmpi eq, %arg0, %eq3A : i32
    %jit3A = arith.constant 128 : i32
    %jit3A_2 = arith.constant 32 : i32
    %select_n3A = arith.select %eq3A_1, %jit3A, %jit3A_2 : i32
    %eq3A_3 = arith.constant 0 : i32
    %eq3A_4 = arith.cmpi eq, %arg0, %eq3A_3 : i32
    %mul3A_5 = arith.constant 128 : i32
    %mul3A_6 = arith.muli %arg1, %mul3A_5 : i32
    %mul3A_7 = arith.constant 32 : i32
    %mul3A_8 = arith.muli %arg1, %mul3A_7 : i32
    %add3A = arith.constant 2048 : i32
    %add3A_9 = arith.addi %add3A, %mul3A_8 : i32
    %select_n3A_10 = arith.select %eq3A_4, %mul3A_6, %add3A_9 : i32
    "tpu.region"() ({
      %run_scoped3A = tpu.sem_alloc : memref<!tpu.dma_semaphore, #tpu.memory_space<semaphore_mem>>
      %dma_start3A_71 = arith.constant 0 : i32
      %dma_start3A_72 = arith.constant 0 : i32
      %dma_start3A_73 = tpu.memref_slice %arg7[%dma_start3A_71, %dma_start3A_72] : memref<128x128xi32, #tpu.memory_space<vmem>> -> memref<64x128xi32, #tpu.memory_space<vmem>>
      %dma_start3A_74 = arith.constant 0 : i32
      %dma_start3A_75 = tpu.memref_slice %arg3[%select_n3A_10, %dma_start3A_74] : memref<2680x128xi32, #tpu.memory_space<hbm>> -> memref<64x128xi32, #tpu.memory_space<hbm>>
      %dma_start3A_76 = arith.constant 0 : i32
      %dma_start3A_77 = arith.constant 0 : i32
      %dma_start3A_78 = tpu.memref_slice %arg7[%dma_start3A_76, %dma_start3A_77] : memref<128x128xi32, #tpu.memory_space<vmem>> -> memref<64x128xi32, #tpu.memory_space<vmem>>
      %dma_start3A_79 = arith.constant 0 : i32
      %dma_start3A_80 = tpu.memref_slice %arg3[%select_n3A_10, %dma_start3A_79] : memref<2680x128xi32, #tpu.memory_space<hbm>> -> memref<64x128xi32, #tpu.memory_space<hbm>>
      tpu.enqueue_dma source(%dma_start3A_80 : memref<64x128xi32, #tpu.memory_space<hbm>>) target(%dma_start3A_78 : memref<64x128xi32, #tpu.memory_space<vmem>>) target_semaphore(%run_scoped3A : memref<!tpu.dma_semaphore, #tpu.memory_space<semaphore_mem>>)
      %dma_wait3A_81 = arith.constant 0 : i32
      %dma_wait3A_82 = arith.constant 0 : i32
      %dma_wait3A_83 = tpu.memref_slice %arg7[%dma_wait3A_81, %dma_wait3A_82] : memref<128x128xi32, #tpu.memory_space<vmem>> -> memref<64x128xi32, #tpu.memory_space<vmem>>
      %dma_wait3A_84 = arith.constant 0 : i32
      %dma_wait3A_85 = tpu.memref_slice %arg3[%select_n3A_10, %dma_wait3A_84] : memref<2680x128xi32, #tpu.memory_space<hbm>> -> memref<64x128xi32, #tpu.memory_space<hbm>>
      %dma_wait3A_86 = arith.constant 0 : i32
      %dma_wait3A_87 = arith.constant 0 : i32
      %dma_wait3A_88 = tpu.memref_slice %arg7[%dma_wait3A_86, %dma_wait3A_87] : memref<128x128xi32, #tpu.memory_space<vmem>> -> memref<64x128xi32, #tpu.memory_space<vmem>>
      %dma_wait3A_89 = arith.constant 0 : i32
      %dma_wait3A_90 = tpu.memref_slice %arg3[%select_n3A_10, %dma_wait3A_89] : memref<2680x128xi32, #tpu.memory_space<hbm>> -> memref<64x128xi32, #tpu.memory_space<hbm>>
      tpu.wait_dma2 semaphore(%run_scoped3A : memref<!tpu.dma_semaphore, #tpu.memory_space<semaphore_mem>>) src(%dma_wait3A_90 : memref<64x128xi32, #tpu.memory_space<hbm>>) dst(%dma_wait3A_88 : memref<64x128xi32, #tpu.memory_space<vmem>>)
      tpu.yield
    }) : () -> ()
    %add3A_11 = arith.constant 64 : i32
    %add3A_12 = arith.addi %select_n3A_10, %add3A_11 : i32
    "tpu.region"() ({
      %run_scoped3A = tpu.sem_alloc : memref<!tpu.dma_semaphore, #tpu.memory_space<semaphore_mem>>
      %dma_start3A_71 = arith.constant 64 : i32
      %dma_start3A_72 = arith.constant 0 : i32
      %dma_start3A_73 = tpu.memref_slice %arg7[%dma_start3A_71, %dma_start3A_72] : memref<128x128xi32, #tpu.memory_space<vmem>> -> memref<64x128xi32, #tpu.memory_space<vmem>>
      %dma_start3A_74 = arith.constant 0 : i32
      %dma_start3A_75 = tpu.memref_slice %arg3[%add3A_12, %dma_start3A_74] : memref<2680x128xi32, #tpu.memory_space<hbm>> -> memref<64x128xi32, #tpu.memory_space<hbm>>
      %dma_start3A_76 = arith.constant 64 : i32
      %dma_start3A_77 = arith.constant 0 : i32
      %dma_start3A_78 = tpu.memref_slice %arg7[%dma_start3A_76, %dma_start3A_77] : memref<128x128xi32, #tpu.memory_space<vmem>> -> memref<64x128xi32, #tpu.memory_space<vmem>>
      %dma_start3A_79 = arith.constant 0 : i32
      %dma_start3A_80 = tpu.memref_slice %arg3[%add3A_12, %dma_start3A_79] : memref<2680x128xi32, #tpu.memory_space<hbm>> -> memref<64x128xi32, #tpu.memory_space<hbm>>
      tpu.enqueue_dma source(%dma_start3A_80 : memref<64x128xi32, #tpu.memory_space<hbm>>) target(%dma_start3A_78 : memref<64x128xi32, #tpu.memory_space<vmem>>) target_semaphore(%run_scoped3A : memref<!tpu.dma_semaphore, #tpu.memory_space<semaphore_mem>>)
      %dma_wait3A_81 = arith.constant 64 : i32
      %dma_wait3A_82 = arith.constant 0 : i32
      %dma_wait3A_83 = tpu.memref_slice %arg7[%dma_wait3A_81, %dma_wait3A_82] : memref<128x128xi32, #tpu.memory_space<vmem>> -> memref<64x128xi32, #tpu.memory_space<vmem>>
      %dma_wait3A_84 = arith.constant 0 : i32
      %dma_wait3A_85 = tpu.memref_slice %arg3[%add3A_12, %dma_wait3A_84] : memref<2680x128xi32, #tpu.memory_space<hbm>> -> memref<64x128xi32, #tpu.memory_space<hbm>>
      %dma_wait3A_86 = arith.constant 64 : i32
      %dma_wait3A_87 = arith.constant 0 : i32
      %dma_wait3A_88 = tpu.memref_slice %arg7[%dma_wait3A_86, %dma_wait3A_87] : memref<128x128xi32, #tpu.memory_space<vmem>> -> memref<64x128xi32, #tpu.memory_space<vmem>>
      %dma_wait3A_89 = arith.constant 0 : i32
      %dma_wait3A_90 = tpu.memref_slice %arg3[%add3A_12, %dma_wait3A_89] : memref<2680x128xi32, #tpu.memory_space<hbm>> -> memref<64x128xi32, #tpu.memory_space<hbm>>
      tpu.wait_dma2 semaphore(%run_scoped3A : memref<!tpu.dma_semaphore, #tpu.memory_space<semaphore_mem>>) src(%dma_wait3A_90 : memref<64x128xi32, #tpu.memory_space<hbm>>) dst(%dma_wait3A_88 : memref<64x128xi32, #tpu.memory_space<vmem>>)
      tpu.yield
    }) : () -> ()
    "tpu.region"() ({
      %run_scoped3A = tpu.sem_alloc : memref<!tpu.dma_semaphore, #tpu.memory_space<semaphore_mem>>
      %dma_start3A_71 = arith.constant 0 : i32
      %dma_start3A_72 = arith.constant 0 : i32
      %dma_start3A_73 = tpu.memref_slice %arg8[%dma_start3A_71, %dma_start3A_72] : memref<128x128xi32, #tpu.memory_space<vmem>> -> memref<64x128xi32, #tpu.memory_space<vmem>>
      %dma_start3A_74 = arith.constant 0 : i32
      %dma_start3A_75 = tpu.memref_slice %arg4[%select_n3A_10, %dma_start3A_74] : memref<2680x128xi32, #tpu.memory_space<hbm>> -> memref<64x128xi32, #tpu.memory_space<hbm>>
      %dma_start3A_76 = arith.constant 0 : i32
      %dma_start3A_77 = arith.constant 0 : i32
      %dma_start3A_78 = tpu.memref_slice %arg8[%dma_start3A_76, %dma_start3A_77] : memref<128x128xi32, #tpu.memory_space<vmem>> -> memref<64x128xi32, #tpu.memory_space<vmem>>
      %dma_start3A_79 = arith.constant 0 : i32
      %dma_start3A_80 = tpu.memref_slice %arg4[%select_n3A_10, %dma_start3A_79] : memref<2680x128xi32, #tpu.memory_space<hbm>> -> memref<64x128xi32, #tpu.memory_space<hbm>>
      tpu.enqueue_dma source(%dma_start3A_80 : memref<64x128xi32, #tpu.memory_space<hbm>>) target(%dma_start3A_78 : memref<64x128xi32, #tpu.memory_space<vmem>>) target_semaphore(%run_scoped3A : memref<!tpu.dma_semaphore, #tpu.memory_space<semaphore_mem>>)
      %dma_wait3A_81 = arith.constant 0 : i32
      %dma_wait3A_82 = arith.constant 0 : i32
      %dma_wait3A_83 = tpu.memref_slice %arg8[%dma_wait3A_81, %dma_wait3A_82] : memref<128x128xi32, #tpu.memory_space<vmem>> -> memref<64x128xi32, #tpu.memory_space<vmem>>
      %dma_wait3A_84 = arith.constant 0 : i32
      %dma_wait3A_85 = tpu.memref_slice %arg4[%select_n3A_10, %dma_wait3A_84] : memref<2680x128xi32, #tpu.memory_space<hbm>> -> memref<64x128xi32, #tpu.memory_space<hbm>>
      %dma_wait3A_86 = arith.constant 0 : i32
      %dma_wait3A_87 = arith.constant 0 : i32
      %dma_wait3A_88 = tpu.memref_slice %arg8[%dma_wait3A_86, %dma_wait3A_87] : memref<128x128xi32, #tpu.memory_space<vmem>> -> memref<64x128xi32, #tpu.memory_space<vmem>>
      %dma_wait3A_89 = arith.constant 0 : i32
      %dma_wait3A_90 = tpu.memref_slice %arg4[%select_n3A_10, %dma_wait3A_89] : memref<2680x128xi32, #tpu.memory_space<hbm>> -> memref<64x128xi32, #tpu.memory_space<hbm>>
      tpu.wait_dma2 semaphore(%run_scoped3A : memref<!tpu.dma_semaphore, #tpu.memory_space<semaphore_mem>>) src(%dma_wait3A_90 : memref<64x128xi32, #tpu.memory_space<hbm>>) dst(%dma_wait3A_88 : memref<64x128xi32, #tpu.memory_space<vmem>>)
      tpu.yield
    }) : () -> ()
    %add3A_13 = arith.constant 64 : i32
    %add3A_14 = arith.addi %select_n3A_10, %add3A_13 : i32
    "tpu.region"() ({
      %run_scoped3A = tpu.sem_alloc : memref<!tpu.dma_semaphore, #tpu.memory_space<semaphore_mem>>
      %dma_start3A_71 = arith.constant 64 : i32
      %dma_start3A_72 = arith.constant 0 : i32
      %dma_start3A_73 = tpu.memref_slice %arg8[%dma_start3A_71, %dma_start3A_72] : memref<128x128xi32, #tpu.memory_space<vmem>> -> memref<64x128xi32, #tpu.memory_space<vmem>>
      %dma_start3A_74 = arith.constant 0 : i32
      %dma_start3A_75 = tpu.memref_slice %arg4[%add3A_14, %dma_start3A_74] : memref<2680x128xi32, #tpu.memory_space<hbm>> -> memref<64x128xi32, #tpu.memory_space<hbm>>
      %dma_start3A_76 = arith.constant 64 : i32
      %dma_start3A_77 = arith.constant 0 : i32
      %dma_start3A_78 = tpu.memref_slice %arg8[%dma_start3A_76, %dma_start3A_77] : memref<128x128xi32, #tpu.memory_space<vmem>> -> memref<64x128xi32, #tpu.memory_space<vmem>>
      %dma_start3A_79 = arith.constant 0 : i32
      %dma_start3A_80 = tpu.memref_slice %arg4[%add3A_14, %dma_start3A_79] : memref<2680x128xi32, #tpu.memory_space<hbm>> -> memref<64x128xi32, #tpu.memory_space<hbm>>
      tpu.enqueue_dma source(%dma_start3A_80 : memref<64x128xi32, #tpu.memory_space<hbm>>) target(%dma_start3A_78 : memref<64x128xi32, #tpu.memory_space<vmem>>) target_semaphore(%run_scoped3A : memref<!tpu.dma_semaphore, #tpu.memory_space<semaphore_mem>>)
      %dma_wait3A_81 = arith.constant 64 : i32
      %dma_wait3A_82 = arith.constant 0 : i32
      %dma_wait3A_83 = tpu.memref_slice %arg8[%dma_wait3A_81, %dma_wait3A_82] : memref<128x128xi32, #tpu.memory_space<vmem>> -> memref<64x128xi32, #tpu.memory_space<vmem>>
      %dma_wait3A_84 = arith.constant 0 : i32
      %dma_wait3A_85 = tpu.memref_slice %arg4[%add3A_14, %dma_wait3A_84] : memref<2680x128xi32, #tpu.memory_space<hbm>> -> memref<64x128xi32, #tpu.memory_space<hbm>>
      %dma_wait3A_86 = arith.constant 64 : i32
      %dma_wait3A_87 = arith.constant 0 : i32
      %dma_wait3A_88 = tpu.memref_slice %arg8[%dma_wait3A_86, %dma_wait3A_87] : memref<128x128xi32, #tpu.memory_space<vmem>> -> memref<64x128xi32, #tpu.memory_space<vmem>>
      %dma_wait3A_89 = arith.constant 0 : i32
      %dma_wait3A_90 = tpu.memref_slice %arg4[%add3A_14, %dma_wait3A_89] : memref<2680x128xi32, #tpu.memory_space<hbm>> -> memref<64x128xi32, #tpu.memory_space<hbm>>
      tpu.wait_dma2 semaphore(%run_scoped3A : memref<!tpu.dma_semaphore, #tpu.memory_space<semaphore_mem>>) src(%dma_wait3A_90 : memref<64x128xi32, #tpu.memory_space<hbm>>) dst(%dma_wait3A_88 : memref<64x128xi32, #tpu.memory_space<vmem>>)
      tpu.yield
    }) : () -> ()
    %barrier3A = arith.constant 0 : index
    tpu.barrier barrier_id(%barrier3A)
    %dma_start3A = arith.constant 0 : i32
    %dma_start3A_15 = arith.constant 0 : i32
    %dma_start3A_16 = tpu.memref_slice %arg7[%dma_start3A, %dma_start3A_15] : memref<128x128xi32, #tpu.memory_space<vmem>> -> memref<1x128xi32, #tpu.memory_space<vmem>>
    %dma_start3A_17 = tpu.memref_squeeze %dma_start3A_16 : memref<1x128xi32, #tpu.memory_space<vmem>> -> memref<128xi32, #tpu.memory_space<vmem>>
    %dma_start3A_18 = arith.constant 0 : i32
    %dma_start3A_19 = arith.constant 0 : i32
    %dma_start3A_20 = tpu.memref_slice %arg2[%dma_start3A_18, %dma_start3A_19] : memref<20000x64xf32, #tpu.memory_space<hbm>> -> memref<20000x64xf32, #tpu.memory_space<hbm>>
    tpu.enqueue_indirect_dma source(%dma_start3A_20 : memref<20000x64xf32, #tpu.memory_space<hbm>>) target(%arg9 : memref<128x64xf32, #tpu.memory_space<vmem>>) offsets(%dma_start3A_17 : memref<128xi32, #tpu.memory_space<vmem>>) semaphore(%arg12 : memref<!tpu.dma_semaphore, #tpu.memory_space<semaphore_mem>>)
    %dma_start3A_21 = arith.constant 1 : i32
    %dma_start3A_22 = arith.constant 0 : i32
    %dma_start3A_23 = tpu.memref_slice %arg7[%dma_start3A_21, %dma_start3A_22] : memref<128x128xi32, #tpu.memory_space<vmem>> -> memref<1x128xi32, #tpu.memory_space<vmem>>
    %dma_start3A_24 = tpu.memref_squeeze %dma_start3A_23 : memref<1x128xi32, #tpu.memory_space<vmem>> -> memref<128xi32, #tpu.memory_space<vmem>>
    %dma_start3A_25 = arith.constant 0 : i32
    %dma_start3A_26 = arith.constant 0 : i32
    %dma_start3A_27 = tpu.memref_slice %arg2[%dma_start3A_25, %dma_start3A_26] : memref<20000x64xf32, #tpu.memory_space<hbm>> -> memref<20000x64xf32, #tpu.memory_space<hbm>>
    tpu.enqueue_indirect_dma source(%dma_start3A_27 : memref<20000x64xf32, #tpu.memory_space<hbm>>) target(%arg10 : memref<128x64xf32, #tpu.memory_space<vmem>>) offsets(%dma_start3A_24 : memref<128xi32, #tpu.memory_space<vmem>>) semaphore(%arg13 : memref<!tpu.dma_semaphore, #tpu.memory_space<semaphore_mem>>)
    %jit3A_28 = arith.constant 2 : i32
    %div3A = arith.divsi %select_n3A, %jit3A_28 : i32
    %sign3A = arith.constant 0 : i32
    %sign3A_29 = arith.cmpi sgt, %select_n3A, %sign3A : i32
    %sign3A_30 = arith.extui %sign3A_29 : i1 to i32
    %sign3A_31 = arith.constant 0 : i32
    %sign3A_32 = arith.cmpi slt, %select_n3A, %sign3A_31 : i32
    %sign3A_33 = arith.extui %sign3A_32 : i1 to i32
    %sign3A_34 = arith.subi %sign3A_30, %sign3A_33 : i32
    %sign3A_35 = arith.constant 0 : i32
    %sign3A_36 = arith.cmpi sgt, %jit3A_28, %sign3A_35 : i32
    %sign3A_37 = arith.extui %sign3A_36 : i1 to i32
    %sign3A_38 = arith.constant 0 : i32
    %sign3A_39 = arith.cmpi slt, %jit3A_28, %sign3A_38 : i32
    %sign3A_40 = arith.extui %sign3A_39 : i1 to i32
    %sign3A_41 = arith.subi %sign3A_37, %sign3A_40 : i32
    %ne3A = arith.cmpi ne, %sign3A_34, %sign3A_41 : i32
    %rem3A = arith.remsi %select_n3A, %jit3A_28 : i32
    %ne3A_42 = arith.constant 0 : i32
    %ne3A_43 = arith.cmpi ne, %rem3A, %ne3A_42 : i32
    %and3A = arith.andi %ne3A, %ne3A_43 : i1
    %sub3A = arith.constant 1 : i32
    %sub3A_44 = arith.subi %div3A, %sub3A : i32
    %select_n3A_45 = arith.select %and3A, %sub3A_44, %div3A : i32
    %while3A = arith.constant 0 : i32
    %while3A_46 = arith.constant 0 : i32
    %while3A_47 = arith.subi %select_n3A_45, %while3A_46 : i32
    %while3A_48 = arith.addi %while3A_46, %while3A_47 : i32
    %while3A_49 = arith.constant 1 : i32
    %while3A_50 = arith.divsi %while3A_47, %while3A_49 : i32
    %while3A_51 = arith.muli %while3A_50, %while3A_49 : i32
    %while3A_52 = arith.addi %while3A_46, %while3A_51 : i32
    %while3A_53 = arith.constant 1 : i32
    scf.for %while3A_71 = %while3A_46 to %while3A_52 step %while3A_53  : i32 {
      %mul3A_72 = arith.constant 2 : i32
      %mul3A_73 = arith.muli %while3A_71, %mul3A_72 : i32
      %dma_wait3A_74 = arith.constant 0 : i32
      %dma_wait3A_75 = arith.constant 0 : i32
      %dma_wait3A_76 = tpu.memref_slice %arg2[%dma_wait3A_74, %dma_wait3A_75] : memref<20000x64xf32, #tpu.memory_space<hbm>> -> memref<128x64xf32, #tpu.memory_space<hbm>>
      %dma_wait3A_77 = arith.constant 0 : i32
      %dma_wait3A_78 = arith.constant 0 : i32
      %dma_wait3A_79 = tpu.memref_slice %arg2[%dma_wait3A_77, %dma_wait3A_78] : memref<20000x64xf32, #tpu.memory_space<hbm>> -> memref<128x64xf32, #tpu.memory_space<hbm>>
      tpu.wait_dma2 semaphore(%arg12 : memref<!tpu.dma_semaphore, #tpu.memory_space<semaphore_mem>>) src(%dma_wait3A_79 : memref<128x64xf32, #tpu.memory_space<hbm>>) dst(%arg9 : memref<128x64xf32, #tpu.memory_space<vmem>>)
      "tpu.region"() ({
        %run_scoped3A = tpu.sem_alloc : memref<!tpu.dma_semaphore, #tpu.memory_space<semaphore_mem>>
        %dma_start3A_109 = arith.constant 0 : i32
        %dma_start3A_110 = tpu.memref_slice %arg8[%mul3A_73, %dma_start3A_109] : memref<128x128xi32, #tpu.memory_space<vmem>> -> memref<1x128xi32, #tpu.memory_space<vmem>>
        %dma_start3A_111 = tpu.memref_squeeze %dma_start3A_110 : memref<1x128xi32, #tpu.memory_space<vmem>> -> memref<128xi32, #tpu.memory_space<vmem>>
        %dma_start3A_112 = arith.constant 0 : i32
        %dma_start3A_113 = arith.constant 0 : i32
        %dma_start3A_114 = tpu.memref_slice %arg11[%dma_start3A_112, %dma_start3A_113] : memref<20096x64xf32, #tpu.memory_space<vmem_shared>> -> memref<20096x64xf32, #tpu.memory_space<vmem_shared>>
        tpu.enqueue_indirect_dma source(%arg9 : memref<128x64xf32, #tpu.memory_space<vmem>>) target(%dma_start3A_114 : memref<20096x64xf32, #tpu.memory_space<vmem_shared>>) offsets(%dma_start3A_111 : memref<128xi32, #tpu.memory_space<vmem>>) semaphore(%run_scoped3A : memref<!tpu.dma_semaphore, #tpu.memory_space<semaphore_mem>>) {add = true}
        %dma_wait3A_115 = arith.constant 0 : i32
        %dma_wait3A_116 = tpu.memref_slice %arg8[%mul3A_73, %dma_wait3A_115] : memref<128x128xi32, #tpu.memory_space<vmem>> -> memref<1x128xi32, #tpu.memory_space<vmem>>
        %dma_wait3A_117 = tpu.memref_squeeze %dma_wait3A_116 : memref<1x128xi32, #tpu.memory_space<vmem>> -> memref<128xi32, #tpu.memory_space<vmem>>
        %dma_wait3A_118 = arith.constant 0 : i32
        %dma_wait3A_119 = arith.constant 0 : i32
        %dma_wait3A_120 = tpu.memref_slice %arg11[%dma_wait3A_118, %dma_wait3A_119] : memref<20096x64xf32, #tpu.memory_space<vmem_shared>> -> memref<20096x64xf32, #tpu.memory_space<vmem_shared>>
        tpu.wait_indirect_dma semaphore(%run_scoped3A : memref<!tpu.dma_semaphore, #tpu.memory_space<semaphore_mem>>) src(%arg9 : memref<128x64xf32, #tpu.memory_space<vmem>>) dst(%dma_wait3A_120 : memref<20096x64xf32, #tpu.memory_space<vmem_shared>>)
        tpu.yield
      }) : () -> ()
      %add3A_80 = arith.constant 2 : i32
      %add3A_81 = arith.addi %mul3A_73, %add3A_80 : i32
      %sub3A_82 = arith.constant 1 : i32
      %sub3A_83 = arith.subi %select_n3A, %sub3A_82 : i32
      %min3A = arith.minsi %add3A_81, %sub3A_83 : i32
      %dma_start3A_84 = arith.constant 0 : i32
      %dma_start3A_85 = tpu.memref_slice %arg7[%min3A, %dma_start3A_84] : memref<128x128xi32, #tpu.memory_space<vmem>> -> memref<1x128xi32, #tpu.memory_space<vmem>>
      %dma_start3A_86 = tpu.memref_squeeze %dma_start3A_85 : memref<1x128xi32, #tpu.memory_space<vmem>> -> memref<128xi32, #tpu.memory_space<vmem>>
      %dma_start3A_87 = arith.constant 0 : i32
      %dma_start3A_88 = arith.constant 0 : i32
      %dma_start3A_89 = tpu.memref_slice %arg2[%dma_start3A_87, %dma_start3A_88] : memref<20000x64xf32, #tpu.memory_space<hbm>> -> memref<20000x64xf32, #tpu.memory_space<hbm>>
      tpu.enqueue_indirect_dma source(%dma_start3A_89 : memref<20000x64xf32, #tpu.memory_space<hbm>>) target(%arg9 : memref<128x64xf32, #tpu.memory_space<vmem>>) offsets(%dma_start3A_86 : memref<128xi32, #tpu.memory_space<vmem>>) semaphore(%arg12 : memref<!tpu.dma_semaphore, #tpu.memory_space<semaphore_mem>>)
      %dma_wait3A_90 = arith.constant 0 : i32
      %dma_wait3A_91 = arith.constant 0 : i32
      %dma_wait3A_92 = tpu.memref_slice %arg2[%dma_wait3A_90, %dma_wait3A_91] : memref<20000x64xf32, #tpu.memory_space<hbm>> -> memref<128x64xf32, #tpu.memory_space<hbm>>
      %dma_wait3A_93 = arith.constant 0 : i32
      %dma_wait3A_94 = arith.constant 0 : i32
      %dma_wait3A_95 = tpu.memref_slice %arg2[%dma_wait3A_93, %dma_wait3A_94] : memref<20000x64xf32, #tpu.memory_space<hbm>> -> memref<128x64xf32, #tpu.memory_space<hbm>>
      tpu.wait_dma2 semaphore(%arg13 : memref<!tpu.dma_semaphore, #tpu.memory_space<semaphore_mem>>) src(%dma_wait3A_95 : memref<128x64xf32, #tpu.memory_space<hbm>>) dst(%arg10 : memref<128x64xf32, #tpu.memory_space<vmem>>)
      %add3A_96 = arith.constant 1 : i32
      %add3A_97 = arith.addi %mul3A_73, %add3A_96 : i32
      "tpu.region"() ({
        %run_scoped3A = tpu.sem_alloc : memref<!tpu.dma_semaphore, #tpu.memory_space<semaphore_mem>>
        %dma_start3A_109 = arith.constant 0 : i32
        %dma_start3A_110 = tpu.memref_slice %arg8[%add3A_97, %dma_start3A_109] : memref<128x128xi32, #tpu.memory_space<vmem>> -> memref<1x128xi32, #tpu.memory_space<vmem>>
        %dma_start3A_111 = tpu.memref_squeeze %dma_start3A_110 : memref<1x128xi32, #tpu.memory_space<vmem>> -> memref<128xi32, #tpu.memory_space<vmem>>
        %dma_start3A_112 = arith.constant 0 : i32
        %dma_start3A_113 = arith.constant 0 : i32
        %dma_start3A_114 = tpu.memref_slice %arg11[%dma_start3A_112, %dma_start3A_113] : memref<20096x64xf32, #tpu.memory_space<vmem_shared>> -> memref<20096x64xf32, #tpu.memory_space<vmem_shared>>
        tpu.enqueue_indirect_dma source(%arg10 : memref<128x64xf32, #tpu.memory_space<vmem>>) target(%dma_start3A_114 : memref<20096x64xf32, #tpu.memory_space<vmem_shared>>) offsets(%dma_start3A_111 : memref<128xi32, #tpu.memory_space<vmem>>) semaphore(%run_scoped3A : memref<!tpu.dma_semaphore, #tpu.memory_space<semaphore_mem>>) {add = true}
        %dma_wait3A_115 = arith.constant 0 : i32
        %dma_wait3A_116 = tpu.memref_slice %arg8[%add3A_97, %dma_wait3A_115] : memref<128x128xi32, #tpu.memory_space<vmem>> -> memref<1x128xi32, #tpu.memory_space<vmem>>
        %dma_wait3A_117 = tpu.memref_squeeze %dma_wait3A_116 : memref<1x128xi32, #tpu.memory_space<vmem>> -> memref<128xi32, #tpu.memory_space<vmem>>
        %dma_wait3A_118 = arith.constant 0 : i32
        %dma_wait3A_119 = arith.constant 0 : i32
        %dma_wait3A_120 = tpu.memref_slice %arg11[%dma_wait3A_118, %dma_wait3A_119] : memref<20096x64xf32, #tpu.memory_space<vmem_shared>> -> memref<20096x64xf32, #tpu.memory_space<vmem_shared>>
        tpu.wait_indirect_dma semaphore(%run_scoped3A : memref<!tpu.dma_semaphore, #tpu.memory_space<semaphore_mem>>) src(%arg10 : memref<128x64xf32, #tpu.memory_space<vmem>>) dst(%dma_wait3A_120 : memref<20096x64xf32, #tpu.memory_space<vmem_shared>>)
        tpu.yield
      }) : () -> ()
      %add3A_98 = arith.constant 3 : i32
      %add3A_99 = arith.addi %mul3A_73, %add3A_98 : i32
      %sub3A_100 = arith.constant 1 : i32
      %sub3A_101 = arith.subi %select_n3A, %sub3A_100 : i32
      %min3A_102 = arith.minsi %add3A_99, %sub3A_101 : i32
      %dma_start3A_103 = arith.constant 0 : i32
      %dma_start3A_104 = tpu.memref_slice %arg7[%min3A_102, %dma_start3A_103] : memref<128x128xi32, #tpu.memory_space<vmem>> -> memref<1x128xi32, #tpu.memory_space<vmem>>
      %dma_start3A_105 = tpu.memref_squeeze %dma_start3A_104 : memref<1x128xi32, #tpu.memory_space<vmem>> -> memref<128xi32, #tpu.memory_space<vmem>>
      %dma_start3A_106 = arith.constant 0 : i32
      %dma_start3A_107 = arith.constant 0 : i32
      %dma_start3A_108 = tpu.memref_slice %arg2[%dma_start3A_106, %dma_start3A_107] : memref<20000x64xf32, #tpu.memory_space<hbm>> -> memref<20000x64xf32, #tpu.memory_space<hbm>>
      tpu.enqueue_indirect_dma source(%dma_start3A_108 : memref<20000x64xf32, #tpu.memory_space<hbm>>) target(%arg10 : memref<128x64xf32, #tpu.memory_space<vmem>>) offsets(%dma_start3A_105 : memref<128xi32, #tpu.memory_space<vmem>>) semaphore(%arg13 : memref<!tpu.dma_semaphore, #tpu.memory_space<semaphore_mem>>)
    }
    %while3A_54 = arith.constant 1 : i32
    scf.for %while3A_71 = %while3A_52 to %while3A_48 step %while3A_54  : i32 {
      %mul3A_72 = arith.constant 2 : i32
      %mul3A_73 = arith.muli %while3A_71, %mul3A_72 : i32
      %dma_wait3A_74 = arith.constant 0 : i32
      %dma_wait3A_75 = arith.constant 0 : i32
      %dma_wait3A_76 = tpu.memref_slice %arg2[%dma_wait3A_74, %dma_wait3A_75] : memref<20000x64xf32, #tpu.memory_space<hbm>> -> memref<128x64xf32, #tpu.memory_space<hbm>>
      %dma_wait3A_77 = arith.constant 0 : i32
      %dma_wait3A_78 = arith.constant 0 : i32
      %dma_wait3A_79 = tpu.memref_slice %arg2[%dma_wait3A_77, %dma_wait3A_78] : memref<20000x64xf32, #tpu.memory_space<hbm>> -> memref<128x64xf32, #tpu.memory_space<hbm>>
      tpu.wait_dma2 semaphore(%arg12 : memref<!tpu.dma_semaphore, #tpu.memory_space<semaphore_mem>>) src(%dma_wait3A_79 : memref<128x64xf32, #tpu.memory_space<hbm>>) dst(%arg9 : memref<128x64xf32, #tpu.memory_space<vmem>>)
      "tpu.region"() ({
        %run_scoped3A = tpu.sem_alloc : memref<!tpu.dma_semaphore, #tpu.memory_space<semaphore_mem>>
        %dma_start3A_109 = arith.constant 0 : i32
        %dma_start3A_110 = tpu.memref_slice %arg8[%mul3A_73, %dma_start3A_109] : memref<128x128xi32, #tpu.memory_space<vmem>> -> memref<1x128xi32, #tpu.memory_space<vmem>>
        %dma_start3A_111 = tpu.memref_squeeze %dma_start3A_110 : memref<1x128xi32, #tpu.memory_space<vmem>> -> memref<128xi32, #tpu.memory_space<vmem>>
        %dma_start3A_112 = arith.constant 0 : i32
        %dma_start3A_113 = arith.constant 0 : i32
        %dma_start3A_114 = tpu.memref_slice %arg11[%dma_start3A_112, %dma_start3A_113] : memref<20096x64xf32, #tpu.memory_space<vmem_shared>> -> memref<20096x64xf32, #tpu.memory_space<vmem_shared>>
        tpu.enqueue_indirect_dma source(%arg9 : memref<128x64xf32, #tpu.memory_space<vmem>>) target(%dma_start3A_114 : memref<20096x64xf32, #tpu.memory_space<vmem_shared>>) offsets(%dma_start3A_111 : memref<128xi32, #tpu.memory_space<vmem>>) semaphore(%run_scoped3A : memref<!tpu.dma_semaphore, #tpu.memory_space<semaphore_mem>>) {add = true}
        %dma_wait3A_115 = arith.constant 0 : i32
        %dma_wait3A_116 = tpu.memref_slice %arg8[%mul3A_73, %dma_wait3A_115] : memref<128x128xi32, #tpu.memory_space<vmem>> -> memref<1x128xi32, #tpu.memory_space<vmem>>
        %dma_wait3A_117 = tpu.memref_squeeze %dma_wait3A_116 : memref<1x128xi32, #tpu.memory_space<vmem>> -> memref<128xi32, #tpu.memory_space<vmem>>
        %dma_wait3A_118 = arith.constant 0 : i32
        %dma_wait3A_119 = arith.constant 0 : i32
        %dma_wait3A_120 = tpu.memref_slice %arg11[%dma_wait3A_118, %dma_wait3A_119] : memref<20096x64xf32, #tpu.memory_space<vmem_shared>> -> memref<20096x64xf32, #tpu.memory_space<vmem_shared>>
        tpu.wait_indirect_dma semaphore(%run_scoped3A : memref<!tpu.dma_semaphore, #tpu.memory_space<semaphore_mem>>) src(%arg9 : memref<128x64xf32, #tpu.memory_space<vmem>>) dst(%dma_wait3A_120 : memref<20096x64xf32, #tpu.memory_space<vmem_shared>>)
        tpu.yield
      }) : () -> ()
      %add3A_80 = arith.constant 2 : i32
      %add3A_81 = arith.addi %mul3A_73, %add3A_80 : i32
      %sub3A_82 = arith.constant 1 : i32
      %sub3A_83 = arith.subi %select_n3A, %sub3A_82 : i32
      %min3A = arith.minsi %add3A_81, %sub3A_83 : i32
      %dma_start3A_84 = arith.constant 0 : i32
      %dma_start3A_85 = tpu.memref_slice %arg7[%min3A, %dma_start3A_84] : memref<128x128xi32, #tpu.memory_space<vmem>> -> memref<1x128xi32, #tpu.memory_space<vmem>>
      %dma_start3A_86 = tpu.memref_squeeze %dma_start3A_85 : memref<1x128xi32, #tpu.memory_space<vmem>> -> memref<128xi32, #tpu.memory_space<vmem>>
      %dma_start3A_87 = arith.constant 0 : i32
      %dma_start3A_88 = arith.constant 0 : i32
      %dma_start3A_89 = tpu.memref_slice %arg2[%dma_start3A_87, %dma_start3A_88] : memref<20000x64xf32, #tpu.memory_space<hbm>> -> memref<20000x64xf32, #tpu.memory_space<hbm>>
      tpu.enqueue_indirect_dma source(%dma_start3A_89 : memref<20000x64xf32, #tpu.memory_space<hbm>>) target(%arg9 : memref<128x64xf32, #tpu.memory_space<vmem>>) offsets(%dma_start3A_86 : memref<128xi32, #tpu.memory_space<vmem>>) semaphore(%arg12 : memref<!tpu.dma_semaphore, #tpu.memory_space<semaphore_mem>>)
      %dma_wait3A_90 = arith.constant 0 : i32
      %dma_wait3A_91 = arith.constant 0 : i32
      %dma_wait3A_92 = tpu.memref_slice %arg2[%dma_wait3A_90, %dma_wait3A_91] : memref<20000x64xf32, #tpu.memory_space<hbm>> -> memref<128x64xf32, #tpu.memory_space<hbm>>
      %dma_wait3A_93 = arith.constant 0 : i32
      %dma_wait3A_94 = arith.constant 0 : i32
      %dma_wait3A_95 = tpu.memref_slice %arg2[%dma_wait3A_93, %dma_wait3A_94] : memref<20000x64xf32, #tpu.memory_space<hbm>> -> memref<128x64xf32, #tpu.memory_space<hbm>>
      tpu.wait_dma2 semaphore(%arg13 : memref<!tpu.dma_semaphore, #tpu.memory_space<semaphore_mem>>) src(%dma_wait3A_95 : memref<128x64xf32, #tpu.memory_space<hbm>>) dst(%arg10 : memref<128x64xf32, #tpu.memory_space<vmem>>)
      %add3A_96 = arith.constant 1 : i32
      %add3A_97 = arith.addi %mul3A_73, %add3A_96 : i32
      "tpu.region"() ({
        %run_scoped3A = tpu.sem_alloc : memref<!tpu.dma_semaphore, #tpu.memory_space<semaphore_mem>>
        %dma_start3A_109 = arith.constant 0 : i32
        %dma_start3A_110 = tpu.memref_slice %arg8[%add3A_97, %dma_start3A_109] : memref<128x128xi32, #tpu.memory_space<vmem>> -> memref<1x128xi32, #tpu.memory_space<vmem>>
        %dma_start3A_111 = tpu.memref_squeeze %dma_start3A_110 : memref<1x128xi32, #tpu.memory_space<vmem>> -> memref<128xi32, #tpu.memory_space<vmem>>
        %dma_start3A_112 = arith.constant 0 : i32
        %dma_start3A_113 = arith.constant 0 : i32
        %dma_start3A_114 = tpu.memref_slice %arg11[%dma_start3A_112, %dma_start3A_113] : memref<20096x64xf32, #tpu.memory_space<vmem_shared>> -> memref<20096x64xf32, #tpu.memory_space<vmem_shared>>
        tpu.enqueue_indirect_dma source(%arg10 : memref<128x64xf32, #tpu.memory_space<vmem>>) target(%dma_start3A_114 : memref<20096x64xf32, #tpu.memory_space<vmem_shared>>) offsets(%dma_start3A_111 : memref<128xi32, #tpu.memory_space<vmem>>) semaphore(%run_scoped3A : memref<!tpu.dma_semaphore, #tpu.memory_space<semaphore_mem>>) {add = true}
        %dma_wait3A_115 = arith.constant 0 : i32
        %dma_wait3A_116 = tpu.memref_slice %arg8[%add3A_97, %dma_wait3A_115] : memref<128x128xi32, #tpu.memory_space<vmem>> -> memref<1x128xi32, #tpu.memory_space<vmem>>
        %dma_wait3A_117 = tpu.memref_squeeze %dma_wait3A_116 : memref<1x128xi32, #tpu.memory_space<vmem>> -> memref<128xi32, #tpu.memory_space<vmem>>
        %dma_wait3A_118 = arith.constant 0 : i32
        %dma_wait3A_119 = arith.constant 0 : i32
        %dma_wait3A_120 = tpu.memref_slice %arg11[%dma_wait3A_118, %dma_wait3A_119] : memref<20096x64xf32, #tpu.memory_space<vmem_shared>> -> memref<20096x64xf32, #tpu.memory_space<vmem_shared>>
        tpu.wait_indirect_dma semaphore(%run_scoped3A : memref<!tpu.dma_semaphore, #tpu.memory_space<semaphore_mem>>) src(%arg10 : memref<128x64xf32, #tpu.memory_space<vmem>>) dst(%dma_wait3A_120 : memref<20096x64xf32, #tpu.memory_space<vmem_shared>>)
        tpu.yield
      }) : () -> ()
      %add3A_98 = arith.constant 3 : i32
      %add3A_99 = arith.addi %mul3A_73, %add3A_98 : i32
      %sub3A_100 = arith.constant 1 : i32
      %sub3A_101 = arith.subi %select_n3A, %sub3A_100 : i32
      %min3A_102 = arith.minsi %add3A_99, %sub3A_101 : i32
      %dma_start3A_103 = arith.constant 0 : i32
      %dma_start3A_104 = tpu.memref_slice %arg7[%min3A_102, %dma_start3A_103] : memref<128x128xi32, #tpu.memory_space<vmem>> -> memref<1x128xi32, #tpu.memory_space<vmem>>
      %dma_start3A_105 = tpu.memref_squeeze %dma_start3A_104 : memref<1x128xi32, #tpu.memory_space<vmem>> -> memref<128xi32, #tpu.memory_space<vmem>>
      %dma_start3A_106 = arith.constant 0 : i32
      %dma_start3A_107 = arith.constant 0 : i32
      %dma_start3A_108 = tpu.memref_slice %arg2[%dma_start3A_106, %dma_start3A_107] : memref<20000x64xf32, #tpu.memory_space<hbm>> -> memref<20000x64xf32, #tpu.memory_space<hbm>>
      tpu.enqueue_indirect_dma source(%dma_start3A_108 : memref<20000x64xf32, #tpu.memory_space<hbm>>) target(%arg10 : memref<128x64xf32, #tpu.memory_space<vmem>>) offsets(%dma_start3A_105 : memref<128xi32, #tpu.memory_space<vmem>>) semaphore(%arg13 : memref<!tpu.dma_semaphore, #tpu.memory_space<semaphore_mem>>)
    }
    %dma_wait3A = arith.constant 0 : i32
    %dma_wait3A_55 = arith.constant 0 : i32
    %dma_wait3A_56 = tpu.memref_slice %arg2[%dma_wait3A, %dma_wait3A_55] : memref<20000x64xf32, #tpu.memory_space<hbm>> -> memref<128x64xf32, #tpu.memory_space<hbm>>
    %dma_wait3A_57 = arith.constant 0 : i32
    %dma_wait3A_58 = arith.constant 0 : i32
    %dma_wait3A_59 = tpu.memref_slice %arg2[%dma_wait3A_57, %dma_wait3A_58] : memref<20000x64xf32, #tpu.memory_space<hbm>> -> memref<128x64xf32, #tpu.memory_space<hbm>>
    tpu.wait_dma2 semaphore(%arg12 : memref<!tpu.dma_semaphore, #tpu.memory_space<semaphore_mem>>) src(%dma_wait3A_59 : memref<128x64xf32, #tpu.memory_space<hbm>>) dst(%arg9 : memref<128x64xf32, #tpu.memory_space<vmem>>)
    %dma_wait3A_60 = arith.constant 0 : i32
    %dma_wait3A_61 = arith.constant 0 : i32
    %dma_wait3A_62 = tpu.memref_slice %arg2[%dma_wait3A_60, %dma_wait3A_61] : memref<20000x64xf32, #tpu.memory_space<hbm>> -> memref<128x64xf32, #tpu.memory_space<hbm>>
    %dma_wait3A_63 = arith.constant 0 : i32
    %dma_wait3A_64 = arith.constant 0 : i32
    %dma_wait3A_65 = tpu.memref_slice %arg2[%dma_wait3A_63, %dma_wait3A_64] : memref<20000x64xf32, #tpu.memory_space<hbm>> -> memref<128x64xf32, #tpu.memory_space<hbm>>
    tpu.wait_dma2 semaphore(%arg13 : memref<!tpu.dma_semaphore, #tpu.memory_space<semaphore_mem>>) src(%dma_wait3A_65 : memref<128x64xf32, #tpu.memory_space<hbm>>) dst(%arg10 : memref<128x64xf32, #tpu.memory_space<vmem>>)
    %barrier3A_66 = arith.constant 0 : index
    tpu.barrier barrier_id(%barrier3A_66)
    %mul3A_67 = arith.constant 1256 : i32
    %mul3A_68 = arith.muli %arg1, %mul3A_67 : i32
    %mul3A_69 = arith.constant 1256 : i32
    %mul3A_70 = arith.muli %arg1, %mul3A_69 : i32
    "tpu.region"() ({
      %run_scoped3A = tpu.sem_alloc : memref<!tpu.dma_semaphore, #tpu.memory_space<semaphore_mem>>
      %dma_start3A_71 = arith.constant 0 : i32
      %dma_start3A_72 = tpu.memref_slice %arg6[%arg0, %mul3A_70, %dma_start3A_71] : memref<2x20096x64xf32, #tpu.memory_space<hbm>> -> memref<1x1256x64xf32, #tpu.memory_space<hbm>>
      %dma_start3A_73 = tpu.memref_squeeze %dma_start3A_72 : memref<1x1256x64xf32, #tpu.memory_space<hbm>> -> memref<1256x64xf32, #tpu.memory_space<hbm>>
      %dma_start3A_74 = arith.constant 0 : i32
      %dma_start3A_75 = tpu.memref_slice %arg11[%mul3A_68, %dma_start3A_74] : memref<20096x64xf32, #tpu.memory_space<vmem_shared>> -> memref<1256x64xf32, #tpu.memory_space<vmem_shared>>
      tpu.enqueue_dma source(%dma_start3A_75 : memref<1256x64xf32, #tpu.memory_space<vmem_shared>>) target(%dma_start3A_73 : memref<1256x64xf32, #tpu.memory_space<hbm>>) target_semaphore(%run_scoped3A : memref<!tpu.dma_semaphore, #tpu.memory_space<semaphore_mem>>)
      %dma_wait3A_76 = arith.constant 0 : i32
      %dma_wait3A_77 = tpu.memref_slice %arg6[%arg0, %mul3A_70, %dma_wait3A_76] : memref<2x20096x64xf32, #tpu.memory_space<hbm>> -> memref<1x1256x64xf32, #tpu.memory_space<hbm>>
      %dma_wait3A_78 = tpu.memref_squeeze %dma_wait3A_77 : memref<1x1256x64xf32, #tpu.memory_space<hbm>> -> memref<1256x64xf32, #tpu.memory_space<hbm>>
      %dma_wait3A_79 = arith.constant 0 : i32
      %dma_wait3A_80 = tpu.memref_slice %arg11[%mul3A_68, %dma_wait3A_79] : memref<20096x64xf32, #tpu.memory_space<vmem_shared>> -> memref<1256x64xf32, #tpu.memory_space<vmem_shared>>
      tpu.wait_dma2 semaphore(%run_scoped3A : memref<!tpu.dma_semaphore, #tpu.memory_space<semaphore_mem>>) src(%dma_wait3A_80 : memref<1256x64xf32, #tpu.memory_space<vmem_shared>>) dst(%dma_wait3A_78 : memref<1256x64xf32, #tpu.memory_space<hbm>>)
      tpu.yield
    }) : () -> ()
    return
  }
}

#map = affine_map<(d0, d1) -> (0, 0)>
#map1 = affine_map<(d0, d1) -> (0, 0, 0)>
module attributes {stable_mosaic.version = 14 : i64} {
  func.func @k(%arg0: i32, %arg1: i32, %arg2: memref<10000x64xf32, #tpu.memory_space<hbm>>, %arg3: memref<2680x128xi32, #tpu.memory_space<hbm>>, %arg4: memref<2680x128xi32, #tpu.memory_space<hbm>>, %arg5: memref<632x64xf32, #tpu.memory_space<hbm>>, %arg6: memref<2x10112x64xf32, #tpu.memory_space<hbm>>, %arg7: memref<136x128xi32, #tpu.memory_space<vmem>>, %arg8: memref<136x128xi32, #tpu.memory_space<vmem>>, %arg9: memref<128x64xf32, #tpu.memory_space<vmem>>, %arg10: memref<128x64xf32, #tpu.memory_space<vmem>>, %arg11: memref<10112x64xf32, #tpu.memory_space<vmem_shared>>, %arg12: memref<!tpu.dma_semaphore, #tpu.memory_space<semaphore_mem>>, %arg13: memref<!tpu.dma_semaphore, #tpu.memory_space<semaphore_mem>>) attributes {dimension_semantics = [#tpu.dimension_semantics<core_parallel>, #tpu.dimension_semantics<subcore_parallel>], iteration_bounds = array<i64: 2, 16>, scalar_prefetch = 0 : i64, scratch_operands = 7 : i64, tpu.core_type = #tpu.core_type<sc_vector_subcore>, window_params = [{transform_indices = #map}, {transform_indices = #map}, {transform_indices = #map}, {transform_indices = #map}, {transform_indices = #map1}]} {
    %mul3A = arith.constant 632 : i32
    %mul3A_0 = arith.muli %arg1, %mul3A : i32
    "tpu.region"() ({
      %run_scoped3A = tpu.sem_alloc : memref<!tpu.dma_semaphore, #tpu.memory_space<semaphore_mem>>
      %dma_start3A_71 = arith.constant 0 : i32
      %dma_start3A_72 = tpu.memref_slice %arg11[%mul3A_0, %dma_start3A_71] : memref<10112x64xf32, #tpu.memory_space<vmem_shared>> -> memref<632x64xf32, #tpu.memory_space<vmem_shared>>
      tpu.enqueue_dma source(%arg5 : memref<632x64xf32, #tpu.memory_space<hbm>>) target(%dma_start3A_72 : memref<632x64xf32, #tpu.memory_space<vmem_shared>>) target_semaphore(%run_scoped3A : memref<!tpu.dma_semaphore, #tpu.memory_space<semaphore_mem>>)
      %dma_wait3A_73 = arith.constant 0 : i32
      %dma_wait3A_74 = tpu.memref_slice %arg11[%mul3A_0, %dma_wait3A_73] : memref<10112x64xf32, #tpu.memory_space<vmem_shared>> -> memref<632x64xf32, #tpu.memory_space<vmem_shared>>
      tpu.wait_dma2 semaphore(%run_scoped3A : memref<!tpu.dma_semaphore, #tpu.memory_space<semaphore_mem>>) src(%arg5 : memref<632x64xf32, #tpu.memory_space<hbm>>) dst(%dma_wait3A_74 : memref<632x64xf32, #tpu.memory_space<vmem_shared>>)
      tpu.yield
    }) : () -> ()
    %eq3A = arith.constant 0 : i32
    %eq3A_1 = arith.cmpi eq, %arg0, %eq3A : i32
    %jit3A = arith.constant 136 : i32
    %jit3A_2 = arith.constant 24 : i32
    %select_n3A = arith.select %eq3A_1, %jit3A, %jit3A_2 : i32
    %eq3A_3 = arith.constant 0 : i32
    %eq3A_4 = arith.cmpi eq, %arg0, %eq3A_3 : i32
    %mul3A_5 = arith.constant 136 : i32
    %mul3A_6 = arith.muli %arg1, %mul3A_5 : i32
    %mul3A_7 = arith.constant 24 : i32
    %mul3A_8 = arith.muli %arg1, %mul3A_7 : i32
    %add3A = arith.constant 2176 : i32
    %add3A_9 = arith.addi %add3A, %mul3A_8 : i32
    %select_n3A_10 = arith.select %eq3A_4, %mul3A_6, %add3A_9 : i32
    "tpu.region"() ({
      %run_scoped3A = tpu.sem_alloc : memref<!tpu.dma_semaphore, #tpu.memory_space<semaphore_mem>>
      %dma_start3A_71 = arith.constant 0 : i32
      %dma_start3A_72 = arith.constant 0 : i32
      %dma_start3A_73 = tpu.memref_slice %arg7[%dma_start3A_71, %dma_start3A_72] : memref<136x128xi32, #tpu.memory_space<vmem>> -> memref<68x128xi32, #tpu.memory_space<vmem>>
      %dma_start3A_74 = arith.constant 0 : i32
      %dma_start3A_75 = tpu.memref_slice %arg3[%select_n3A_10, %dma_start3A_74] : memref<2680x128xi32, #tpu.memory_space<hbm>> -> memref<68x128xi32, #tpu.memory_space<hbm>>
      %dma_start3A_76 = arith.constant 0 : i32
      %dma_start3A_77 = arith.constant 0 : i32
      %dma_start3A_78 = tpu.memref_slice %arg7[%dma_start3A_76, %dma_start3A_77] : memref<136x128xi32, #tpu.memory_space<vmem>> -> memref<68x128xi32, #tpu.memory_space<vmem>>
      %dma_start3A_79 = arith.constant 0 : i32
      %dma_start3A_80 = tpu.memref_slice %arg3[%select_n3A_10, %dma_start3A_79] : memref<2680x128xi32, #tpu.memory_space<hbm>> -> memref<68x128xi32, #tpu.memory_space<hbm>>
      tpu.enqueue_dma source(%dma_start3A_80 : memref<68x128xi32, #tpu.memory_space<hbm>>) target(%dma_start3A_78 : memref<68x128xi32, #tpu.memory_space<vmem>>) target_semaphore(%run_scoped3A : memref<!tpu.dma_semaphore, #tpu.memory_space<semaphore_mem>>)
      %dma_wait3A_81 = arith.constant 0 : i32
      %dma_wait3A_82 = arith.constant 0 : i32
      %dma_wait3A_83 = tpu.memref_slice %arg7[%dma_wait3A_81, %dma_wait3A_82] : memref<136x128xi32, #tpu.memory_space<vmem>> -> memref<68x128xi32, #tpu.memory_space<vmem>>
      %dma_wait3A_84 = arith.constant 0 : i32
      %dma_wait3A_85 = tpu.memref_slice %arg3[%select_n3A_10, %dma_wait3A_84] : memref<2680x128xi32, #tpu.memory_space<hbm>> -> memref<68x128xi32, #tpu.memory_space<hbm>>
      %dma_wait3A_86 = arith.constant 0 : i32
      %dma_wait3A_87 = arith.constant 0 : i32
      %dma_wait3A_88 = tpu.memref_slice %arg7[%dma_wait3A_86, %dma_wait3A_87] : memref<136x128xi32, #tpu.memory_space<vmem>> -> memref<68x128xi32, #tpu.memory_space<vmem>>
      %dma_wait3A_89 = arith.constant 0 : i32
      %dma_wait3A_90 = tpu.memref_slice %arg3[%select_n3A_10, %dma_wait3A_89] : memref<2680x128xi32, #tpu.memory_space<hbm>> -> memref<68x128xi32, #tpu.memory_space<hbm>>
      tpu.wait_dma2 semaphore(%run_scoped3A : memref<!tpu.dma_semaphore, #tpu.memory_space<semaphore_mem>>) src(%dma_wait3A_90 : memref<68x128xi32, #tpu.memory_space<hbm>>) dst(%dma_wait3A_88 : memref<68x128xi32, #tpu.memory_space<vmem>>)
      tpu.yield
    }) : () -> ()
    %add3A_11 = arith.constant 68 : i32
    %add3A_12 = arith.addi %select_n3A_10, %add3A_11 : i32
    "tpu.region"() ({
      %run_scoped3A = tpu.sem_alloc : memref<!tpu.dma_semaphore, #tpu.memory_space<semaphore_mem>>
      %dma_start3A_71 = arith.constant 68 : i32
      %dma_start3A_72 = arith.constant 0 : i32
      %dma_start3A_73 = tpu.memref_slice %arg7[%dma_start3A_71, %dma_start3A_72] : memref<136x128xi32, #tpu.memory_space<vmem>> -> memref<68x128xi32, #tpu.memory_space<vmem>>
      %dma_start3A_74 = arith.constant 0 : i32
      %dma_start3A_75 = tpu.memref_slice %arg3[%add3A_12, %dma_start3A_74] : memref<2680x128xi32, #tpu.memory_space<hbm>> -> memref<68x128xi32, #tpu.memory_space<hbm>>
      %dma_start3A_76 = arith.constant 68 : i32
      %dma_start3A_77 = arith.constant 0 : i32
      %dma_start3A_78 = tpu.memref_slice %arg7[%dma_start3A_76, %dma_start3A_77] : memref<136x128xi32, #tpu.memory_space<vmem>> -> memref<68x128xi32, #tpu.memory_space<vmem>>
      %dma_start3A_79 = arith.constant 0 : i32
      %dma_start3A_80 = tpu.memref_slice %arg3[%add3A_12, %dma_start3A_79] : memref<2680x128xi32, #tpu.memory_space<hbm>> -> memref<68x128xi32, #tpu.memory_space<hbm>>
      tpu.enqueue_dma source(%dma_start3A_80 : memref<68x128xi32, #tpu.memory_space<hbm>>) target(%dma_start3A_78 : memref<68x128xi32, #tpu.memory_space<vmem>>) target_semaphore(%run_scoped3A : memref<!tpu.dma_semaphore, #tpu.memory_space<semaphore_mem>>)
      %dma_wait3A_81 = arith.constant 68 : i32
      %dma_wait3A_82 = arith.constant 0 : i32
      %dma_wait3A_83 = tpu.memref_slice %arg7[%dma_wait3A_81, %dma_wait3A_82] : memref<136x128xi32, #tpu.memory_space<vmem>> -> memref<68x128xi32, #tpu.memory_space<vmem>>
      %dma_wait3A_84 = arith.constant 0 : i32
      %dma_wait3A_85 = tpu.memref_slice %arg3[%add3A_12, %dma_wait3A_84] : memref<2680x128xi32, #tpu.memory_space<hbm>> -> memref<68x128xi32, #tpu.memory_space<hbm>>
      %dma_wait3A_86 = arith.constant 68 : i32
      %dma_wait3A_87 = arith.constant 0 : i32
      %dma_wait3A_88 = tpu.memref_slice %arg7[%dma_wait3A_86, %dma_wait3A_87] : memref<136x128xi32, #tpu.memory_space<vmem>> -> memref<68x128xi32, #tpu.memory_space<vmem>>
      %dma_wait3A_89 = arith.constant 0 : i32
      %dma_wait3A_90 = tpu.memref_slice %arg3[%add3A_12, %dma_wait3A_89] : memref<2680x128xi32, #tpu.memory_space<hbm>> -> memref<68x128xi32, #tpu.memory_space<hbm>>
      tpu.wait_dma2 semaphore(%run_scoped3A : memref<!tpu.dma_semaphore, #tpu.memory_space<semaphore_mem>>) src(%dma_wait3A_90 : memref<68x128xi32, #tpu.memory_space<hbm>>) dst(%dma_wait3A_88 : memref<68x128xi32, #tpu.memory_space<vmem>>)
      tpu.yield
    }) : () -> ()
    "tpu.region"() ({
      %run_scoped3A = tpu.sem_alloc : memref<!tpu.dma_semaphore, #tpu.memory_space<semaphore_mem>>
      %dma_start3A_71 = arith.constant 0 : i32
      %dma_start3A_72 = arith.constant 0 : i32
      %dma_start3A_73 = tpu.memref_slice %arg8[%dma_start3A_71, %dma_start3A_72] : memref<136x128xi32, #tpu.memory_space<vmem>> -> memref<68x128xi32, #tpu.memory_space<vmem>>
      %dma_start3A_74 = arith.constant 0 : i32
      %dma_start3A_75 = tpu.memref_slice %arg4[%select_n3A_10, %dma_start3A_74] : memref<2680x128xi32, #tpu.memory_space<hbm>> -> memref<68x128xi32, #tpu.memory_space<hbm>>
      %dma_start3A_76 = arith.constant 0 : i32
      %dma_start3A_77 = arith.constant 0 : i32
      %dma_start3A_78 = tpu.memref_slice %arg8[%dma_start3A_76, %dma_start3A_77] : memref<136x128xi32, #tpu.memory_space<vmem>> -> memref<68x128xi32, #tpu.memory_space<vmem>>
      %dma_start3A_79 = arith.constant 0 : i32
      %dma_start3A_80 = tpu.memref_slice %arg4[%select_n3A_10, %dma_start3A_79] : memref<2680x128xi32, #tpu.memory_space<hbm>> -> memref<68x128xi32, #tpu.memory_space<hbm>>
      tpu.enqueue_dma source(%dma_start3A_80 : memref<68x128xi32, #tpu.memory_space<hbm>>) target(%dma_start3A_78 : memref<68x128xi32, #tpu.memory_space<vmem>>) target_semaphore(%run_scoped3A : memref<!tpu.dma_semaphore, #tpu.memory_space<semaphore_mem>>)
      %dma_wait3A_81 = arith.constant 0 : i32
      %dma_wait3A_82 = arith.constant 0 : i32
      %dma_wait3A_83 = tpu.memref_slice %arg8[%dma_wait3A_81, %dma_wait3A_82] : memref<136x128xi32, #tpu.memory_space<vmem>> -> memref<68x128xi32, #tpu.memory_space<vmem>>
      %dma_wait3A_84 = arith.constant 0 : i32
      %dma_wait3A_85 = tpu.memref_slice %arg4[%select_n3A_10, %dma_wait3A_84] : memref<2680x128xi32, #tpu.memory_space<hbm>> -> memref<68x128xi32, #tpu.memory_space<hbm>>
      %dma_wait3A_86 = arith.constant 0 : i32
      %dma_wait3A_87 = arith.constant 0 : i32
      %dma_wait3A_88 = tpu.memref_slice %arg8[%dma_wait3A_86, %dma_wait3A_87] : memref<136x128xi32, #tpu.memory_space<vmem>> -> memref<68x128xi32, #tpu.memory_space<vmem>>
      %dma_wait3A_89 = arith.constant 0 : i32
      %dma_wait3A_90 = tpu.memref_slice %arg4[%select_n3A_10, %dma_wait3A_89] : memref<2680x128xi32, #tpu.memory_space<hbm>> -> memref<68x128xi32, #tpu.memory_space<hbm>>
      tpu.wait_dma2 semaphore(%run_scoped3A : memref<!tpu.dma_semaphore, #tpu.memory_space<semaphore_mem>>) src(%dma_wait3A_90 : memref<68x128xi32, #tpu.memory_space<hbm>>) dst(%dma_wait3A_88 : memref<68x128xi32, #tpu.memory_space<vmem>>)
      tpu.yield
    }) : () -> ()
    %add3A_13 = arith.constant 68 : i32
    %add3A_14 = arith.addi %select_n3A_10, %add3A_13 : i32
    "tpu.region"() ({
      %run_scoped3A = tpu.sem_alloc : memref<!tpu.dma_semaphore, #tpu.memory_space<semaphore_mem>>
      %dma_start3A_71 = arith.constant 68 : i32
      %dma_start3A_72 = arith.constant 0 : i32
      %dma_start3A_73 = tpu.memref_slice %arg8[%dma_start3A_71, %dma_start3A_72] : memref<136x128xi32, #tpu.memory_space<vmem>> -> memref<68x128xi32, #tpu.memory_space<vmem>>
      %dma_start3A_74 = arith.constant 0 : i32
      %dma_start3A_75 = tpu.memref_slice %arg4[%add3A_14, %dma_start3A_74] : memref<2680x128xi32, #tpu.memory_space<hbm>> -> memref<68x128xi32, #tpu.memory_space<hbm>>
      %dma_start3A_76 = arith.constant 68 : i32
      %dma_start3A_77 = arith.constant 0 : i32
      %dma_start3A_78 = tpu.memref_slice %arg8[%dma_start3A_76, %dma_start3A_77] : memref<136x128xi32, #tpu.memory_space<vmem>> -> memref<68x128xi32, #tpu.memory_space<vmem>>
      %dma_start3A_79 = arith.constant 0 : i32
      %dma_start3A_80 = tpu.memref_slice %arg4[%add3A_14, %dma_start3A_79] : memref<2680x128xi32, #tpu.memory_space<hbm>> -> memref<68x128xi32, #tpu.memory_space<hbm>>
      tpu.enqueue_dma source(%dma_start3A_80 : memref<68x128xi32, #tpu.memory_space<hbm>>) target(%dma_start3A_78 : memref<68x128xi32, #tpu.memory_space<vmem>>) target_semaphore(%run_scoped3A : memref<!tpu.dma_semaphore, #tpu.memory_space<semaphore_mem>>)
      %dma_wait3A_81 = arith.constant 68 : i32
      %dma_wait3A_82 = arith.constant 0 : i32
      %dma_wait3A_83 = tpu.memref_slice %arg8[%dma_wait3A_81, %dma_wait3A_82] : memref<136x128xi32, #tpu.memory_space<vmem>> -> memref<68x128xi32, #tpu.memory_space<vmem>>
      %dma_wait3A_84 = arith.constant 0 : i32
      %dma_wait3A_85 = tpu.memref_slice %arg4[%add3A_14, %dma_wait3A_84] : memref<2680x128xi32, #tpu.memory_space<hbm>> -> memref<68x128xi32, #tpu.memory_space<hbm>>
      %dma_wait3A_86 = arith.constant 68 : i32
      %dma_wait3A_87 = arith.constant 0 : i32
      %dma_wait3A_88 = tpu.memref_slice %arg8[%dma_wait3A_86, %dma_wait3A_87] : memref<136x128xi32, #tpu.memory_space<vmem>> -> memref<68x128xi32, #tpu.memory_space<vmem>>
      %dma_wait3A_89 = arith.constant 0 : i32
      %dma_wait3A_90 = tpu.memref_slice %arg4[%add3A_14, %dma_wait3A_89] : memref<2680x128xi32, #tpu.memory_space<hbm>> -> memref<68x128xi32, #tpu.memory_space<hbm>>
      tpu.wait_dma2 semaphore(%run_scoped3A : memref<!tpu.dma_semaphore, #tpu.memory_space<semaphore_mem>>) src(%dma_wait3A_90 : memref<68x128xi32, #tpu.memory_space<hbm>>) dst(%dma_wait3A_88 : memref<68x128xi32, #tpu.memory_space<vmem>>)
      tpu.yield
    }) : () -> ()
    %barrier3A = arith.constant 0 : index
    tpu.barrier barrier_id(%barrier3A)
    %dma_start3A = arith.constant 0 : i32
    %dma_start3A_15 = arith.constant 0 : i32
    %dma_start3A_16 = tpu.memref_slice %arg7[%dma_start3A, %dma_start3A_15] : memref<136x128xi32, #tpu.memory_space<vmem>> -> memref<1x128xi32, #tpu.memory_space<vmem>>
    %dma_start3A_17 = tpu.memref_squeeze %dma_start3A_16 : memref<1x128xi32, #tpu.memory_space<vmem>> -> memref<128xi32, #tpu.memory_space<vmem>>
    %dma_start3A_18 = arith.constant 0 : i32
    %dma_start3A_19 = arith.constant 0 : i32
    %dma_start3A_20 = tpu.memref_slice %arg2[%dma_start3A_18, %dma_start3A_19] : memref<10000x64xf32, #tpu.memory_space<hbm>> -> memref<10000x64xf32, #tpu.memory_space<hbm>>
    tpu.enqueue_indirect_dma source(%dma_start3A_20 : memref<10000x64xf32, #tpu.memory_space<hbm>>) target(%arg9 : memref<128x64xf32, #tpu.memory_space<vmem>>) offsets(%dma_start3A_17 : memref<128xi32, #tpu.memory_space<vmem>>) semaphore(%arg12 : memref<!tpu.dma_semaphore, #tpu.memory_space<semaphore_mem>>)
    %dma_start3A_21 = arith.constant 1 : i32
    %dma_start3A_22 = arith.constant 0 : i32
    %dma_start3A_23 = tpu.memref_slice %arg7[%dma_start3A_21, %dma_start3A_22] : memref<136x128xi32, #tpu.memory_space<vmem>> -> memref<1x128xi32, #tpu.memory_space<vmem>>
    %dma_start3A_24 = tpu.memref_squeeze %dma_start3A_23 : memref<1x128xi32, #tpu.memory_space<vmem>> -> memref<128xi32, #tpu.memory_space<vmem>>
    %dma_start3A_25 = arith.constant 0 : i32
    %dma_start3A_26 = arith.constant 0 : i32
    %dma_start3A_27 = tpu.memref_slice %arg2[%dma_start3A_25, %dma_start3A_26] : memref<10000x64xf32, #tpu.memory_space<hbm>> -> memref<10000x64xf32, #tpu.memory_space<hbm>>
    tpu.enqueue_indirect_dma source(%dma_start3A_27 : memref<10000x64xf32, #tpu.memory_space<hbm>>) target(%arg10 : memref<128x64xf32, #tpu.memory_space<vmem>>) offsets(%dma_start3A_24 : memref<128xi32, #tpu.memory_space<vmem>>) semaphore(%arg13 : memref<!tpu.dma_semaphore, #tpu.memory_space<semaphore_mem>>)
    %jit3A_28 = arith.constant 2 : i32
    %div3A = arith.divsi %select_n3A, %jit3A_28 : i32
    %sign3A = arith.constant 0 : i32
    %sign3A_29 = arith.cmpi sgt, %select_n3A, %sign3A : i32
    %sign3A_30 = arith.extui %sign3A_29 : i1 to i32
    %sign3A_31 = arith.constant 0 : i32
    %sign3A_32 = arith.cmpi slt, %select_n3A, %sign3A_31 : i32
    %sign3A_33 = arith.extui %sign3A_32 : i1 to i32
    %sign3A_34 = arith.subi %sign3A_30, %sign3A_33 : i32
    %sign3A_35 = arith.constant 0 : i32
    %sign3A_36 = arith.cmpi sgt, %jit3A_28, %sign3A_35 : i32
    %sign3A_37 = arith.extui %sign3A_36 : i1 to i32
    %sign3A_38 = arith.constant 0 : i32
    %sign3A_39 = arith.cmpi slt, %jit3A_28, %sign3A_38 : i32
    %sign3A_40 = arith.extui %sign3A_39 : i1 to i32
    %sign3A_41 = arith.subi %sign3A_37, %sign3A_40 : i32
    %ne3A = arith.cmpi ne, %sign3A_34, %sign3A_41 : i32
    %rem3A = arith.remsi %select_n3A, %jit3A_28 : i32
    %ne3A_42 = arith.constant 0 : i32
    %ne3A_43 = arith.cmpi ne, %rem3A, %ne3A_42 : i32
    %and3A = arith.andi %ne3A, %ne3A_43 : i1
    %sub3A = arith.constant 1 : i32
    %sub3A_44 = arith.subi %div3A, %sub3A : i32
    %select_n3A_45 = arith.select %and3A, %sub3A_44, %div3A : i32
    %while3A = arith.constant 0 : i32
    %while3A_46 = arith.constant 0 : i32
    %while3A_47 = arith.subi %select_n3A_45, %while3A_46 : i32
    %while3A_48 = arith.addi %while3A_46, %while3A_47 : i32
    %while3A_49 = arith.constant 1 : i32
    %while3A_50 = arith.divsi %while3A_47, %while3A_49 : i32
    %while3A_51 = arith.muli %while3A_50, %while3A_49 : i32
    %while3A_52 = arith.addi %while3A_46, %while3A_51 : i32
    %while3A_53 = arith.constant 1 : i32
    scf.for %while3A_71 = %while3A_46 to %while3A_52 step %while3A_53  : i32 {
      %mul3A_72 = arith.constant 2 : i32
      %mul3A_73 = arith.muli %while3A_71, %mul3A_72 : i32
      %dma_wait3A_74 = arith.constant 0 : i32
      %dma_wait3A_75 = arith.constant 0 : i32
      %dma_wait3A_76 = tpu.memref_slice %arg2[%dma_wait3A_74, %dma_wait3A_75] : memref<10000x64xf32, #tpu.memory_space<hbm>> -> memref<128x64xf32, #tpu.memory_space<hbm>>
      %dma_wait3A_77 = arith.constant 0 : i32
      %dma_wait3A_78 = arith.constant 0 : i32
      %dma_wait3A_79 = tpu.memref_slice %arg2[%dma_wait3A_77, %dma_wait3A_78] : memref<10000x64xf32, #tpu.memory_space<hbm>> -> memref<128x64xf32, #tpu.memory_space<hbm>>
      tpu.wait_dma2 semaphore(%arg12 : memref<!tpu.dma_semaphore, #tpu.memory_space<semaphore_mem>>) src(%dma_wait3A_79 : memref<128x64xf32, #tpu.memory_space<hbm>>) dst(%arg9 : memref<128x64xf32, #tpu.memory_space<vmem>>)
      "tpu.region"() ({
        %run_scoped3A = tpu.sem_alloc : memref<!tpu.dma_semaphore, #tpu.memory_space<semaphore_mem>>
        %dma_start3A_109 = arith.constant 0 : i32
        %dma_start3A_110 = tpu.memref_slice %arg8[%mul3A_73, %dma_start3A_109] : memref<136x128xi32, #tpu.memory_space<vmem>> -> memref<1x128xi32, #tpu.memory_space<vmem>>
        %dma_start3A_111 = tpu.memref_squeeze %dma_start3A_110 : memref<1x128xi32, #tpu.memory_space<vmem>> -> memref<128xi32, #tpu.memory_space<vmem>>
        %dma_start3A_112 = arith.constant 0 : i32
        %dma_start3A_113 = arith.constant 0 : i32
        %dma_start3A_114 = tpu.memref_slice %arg11[%dma_start3A_112, %dma_start3A_113] : memref<10112x64xf32, #tpu.memory_space<vmem_shared>> -> memref<10112x64xf32, #tpu.memory_space<vmem_shared>>
        tpu.enqueue_indirect_dma source(%arg9 : memref<128x64xf32, #tpu.memory_space<vmem>>) target(%dma_start3A_114 : memref<10112x64xf32, #tpu.memory_space<vmem_shared>>) offsets(%dma_start3A_111 : memref<128xi32, #tpu.memory_space<vmem>>) semaphore(%run_scoped3A : memref<!tpu.dma_semaphore, #tpu.memory_space<semaphore_mem>>) {add = true}
        %dma_wait3A_115 = arith.constant 0 : i32
        %dma_wait3A_116 = tpu.memref_slice %arg8[%mul3A_73, %dma_wait3A_115] : memref<136x128xi32, #tpu.memory_space<vmem>> -> memref<1x128xi32, #tpu.memory_space<vmem>>
        %dma_wait3A_117 = tpu.memref_squeeze %dma_wait3A_116 : memref<1x128xi32, #tpu.memory_space<vmem>> -> memref<128xi32, #tpu.memory_space<vmem>>
        %dma_wait3A_118 = arith.constant 0 : i32
        %dma_wait3A_119 = arith.constant 0 : i32
        %dma_wait3A_120 = tpu.memref_slice %arg11[%dma_wait3A_118, %dma_wait3A_119] : memref<10112x64xf32, #tpu.memory_space<vmem_shared>> -> memref<10112x64xf32, #tpu.memory_space<vmem_shared>>
        tpu.wait_indirect_dma semaphore(%run_scoped3A : memref<!tpu.dma_semaphore, #tpu.memory_space<semaphore_mem>>) src(%arg9 : memref<128x64xf32, #tpu.memory_space<vmem>>) dst(%dma_wait3A_120 : memref<10112x64xf32, #tpu.memory_space<vmem_shared>>)
        tpu.yield
      }) : () -> ()
      %add3A_80 = arith.constant 2 : i32
      %add3A_81 = arith.addi %mul3A_73, %add3A_80 : i32
      %sub3A_82 = arith.constant 1 : i32
      %sub3A_83 = arith.subi %select_n3A, %sub3A_82 : i32
      %min3A = arith.minsi %add3A_81, %sub3A_83 : i32
      %dma_start3A_84 = arith.constant 0 : i32
      %dma_start3A_85 = tpu.memref_slice %arg7[%min3A, %dma_start3A_84] : memref<136x128xi32, #tpu.memory_space<vmem>> -> memref<1x128xi32, #tpu.memory_space<vmem>>
      %dma_start3A_86 = tpu.memref_squeeze %dma_start3A_85 : memref<1x128xi32, #tpu.memory_space<vmem>> -> memref<128xi32, #tpu.memory_space<vmem>>
      %dma_start3A_87 = arith.constant 0 : i32
      %dma_start3A_88 = arith.constant 0 : i32
      %dma_start3A_89 = tpu.memref_slice %arg2[%dma_start3A_87, %dma_start3A_88] : memref<10000x64xf32, #tpu.memory_space<hbm>> -> memref<10000x64xf32, #tpu.memory_space<hbm>>
      tpu.enqueue_indirect_dma source(%dma_start3A_89 : memref<10000x64xf32, #tpu.memory_space<hbm>>) target(%arg9 : memref<128x64xf32, #tpu.memory_space<vmem>>) offsets(%dma_start3A_86 : memref<128xi32, #tpu.memory_space<vmem>>) semaphore(%arg12 : memref<!tpu.dma_semaphore, #tpu.memory_space<semaphore_mem>>)
      %dma_wait3A_90 = arith.constant 0 : i32
      %dma_wait3A_91 = arith.constant 0 : i32
      %dma_wait3A_92 = tpu.memref_slice %arg2[%dma_wait3A_90, %dma_wait3A_91] : memref<10000x64xf32, #tpu.memory_space<hbm>> -> memref<128x64xf32, #tpu.memory_space<hbm>>
      %dma_wait3A_93 = arith.constant 0 : i32
      %dma_wait3A_94 = arith.constant 0 : i32
      %dma_wait3A_95 = tpu.memref_slice %arg2[%dma_wait3A_93, %dma_wait3A_94] : memref<10000x64xf32, #tpu.memory_space<hbm>> -> memref<128x64xf32, #tpu.memory_space<hbm>>
      tpu.wait_dma2 semaphore(%arg13 : memref<!tpu.dma_semaphore, #tpu.memory_space<semaphore_mem>>) src(%dma_wait3A_95 : memref<128x64xf32, #tpu.memory_space<hbm>>) dst(%arg10 : memref<128x64xf32, #tpu.memory_space<vmem>>)
      %add3A_96 = arith.constant 1 : i32
      %add3A_97 = arith.addi %mul3A_73, %add3A_96 : i32
      "tpu.region"() ({
        %run_scoped3A = tpu.sem_alloc : memref<!tpu.dma_semaphore, #tpu.memory_space<semaphore_mem>>
        %dma_start3A_109 = arith.constant 0 : i32
        %dma_start3A_110 = tpu.memref_slice %arg8[%add3A_97, %dma_start3A_109] : memref<136x128xi32, #tpu.memory_space<vmem>> -> memref<1x128xi32, #tpu.memory_space<vmem>>
        %dma_start3A_111 = tpu.memref_squeeze %dma_start3A_110 : memref<1x128xi32, #tpu.memory_space<vmem>> -> memref<128xi32, #tpu.memory_space<vmem>>
        %dma_start3A_112 = arith.constant 0 : i32
        %dma_start3A_113 = arith.constant 0 : i32
        %dma_start3A_114 = tpu.memref_slice %arg11[%dma_start3A_112, %dma_start3A_113] : memref<10112x64xf32, #tpu.memory_space<vmem_shared>> -> memref<10112x64xf32, #tpu.memory_space<vmem_shared>>
        tpu.enqueue_indirect_dma source(%arg10 : memref<128x64xf32, #tpu.memory_space<vmem>>) target(%dma_start3A_114 : memref<10112x64xf32, #tpu.memory_space<vmem_shared>>) offsets(%dma_start3A_111 : memref<128xi32, #tpu.memory_space<vmem>>) semaphore(%run_scoped3A : memref<!tpu.dma_semaphore, #tpu.memory_space<semaphore_mem>>) {add = true}
        %dma_wait3A_115 = arith.constant 0 : i32
        %dma_wait3A_116 = tpu.memref_slice %arg8[%add3A_97, %dma_wait3A_115] : memref<136x128xi32, #tpu.memory_space<vmem>> -> memref<1x128xi32, #tpu.memory_space<vmem>>
        %dma_wait3A_117 = tpu.memref_squeeze %dma_wait3A_116 : memref<1x128xi32, #tpu.memory_space<vmem>> -> memref<128xi32, #tpu.memory_space<vmem>>
        %dma_wait3A_118 = arith.constant 0 : i32
        %dma_wait3A_119 = arith.constant 0 : i32
        %dma_wait3A_120 = tpu.memref_slice %arg11[%dma_wait3A_118, %dma_wait3A_119] : memref<10112x64xf32, #tpu.memory_space<vmem_shared>> -> memref<10112x64xf32, #tpu.memory_space<vmem_shared>>
        tpu.wait_indirect_dma semaphore(%run_scoped3A : memref<!tpu.dma_semaphore, #tpu.memory_space<semaphore_mem>>) src(%arg10 : memref<128x64xf32, #tpu.memory_space<vmem>>) dst(%dma_wait3A_120 : memref<10112x64xf32, #tpu.memory_space<vmem_shared>>)
        tpu.yield
      }) : () -> ()
      %add3A_98 = arith.constant 3 : i32
      %add3A_99 = arith.addi %mul3A_73, %add3A_98 : i32
      %sub3A_100 = arith.constant 1 : i32
      %sub3A_101 = arith.subi %select_n3A, %sub3A_100 : i32
      %min3A_102 = arith.minsi %add3A_99, %sub3A_101 : i32
      %dma_start3A_103 = arith.constant 0 : i32
      %dma_start3A_104 = tpu.memref_slice %arg7[%min3A_102, %dma_start3A_103] : memref<136x128xi32, #tpu.memory_space<vmem>> -> memref<1x128xi32, #tpu.memory_space<vmem>>
      %dma_start3A_105 = tpu.memref_squeeze %dma_start3A_104 : memref<1x128xi32, #tpu.memory_space<vmem>> -> memref<128xi32, #tpu.memory_space<vmem>>
      %dma_start3A_106 = arith.constant 0 : i32
      %dma_start3A_107 = arith.constant 0 : i32
      %dma_start3A_108 = tpu.memref_slice %arg2[%dma_start3A_106, %dma_start3A_107] : memref<10000x64xf32, #tpu.memory_space<hbm>> -> memref<10000x64xf32, #tpu.memory_space<hbm>>
      tpu.enqueue_indirect_dma source(%dma_start3A_108 : memref<10000x64xf32, #tpu.memory_space<hbm>>) target(%arg10 : memref<128x64xf32, #tpu.memory_space<vmem>>) offsets(%dma_start3A_105 : memref<128xi32, #tpu.memory_space<vmem>>) semaphore(%arg13 : memref<!tpu.dma_semaphore, #tpu.memory_space<semaphore_mem>>)
    }
    %while3A_54 = arith.constant 1 : i32
    scf.for %while3A_71 = %while3A_52 to %while3A_48 step %while3A_54  : i32 {
      %mul3A_72 = arith.constant 2 : i32
      %mul3A_73 = arith.muli %while3A_71, %mul3A_72 : i32
      %dma_wait3A_74 = arith.constant 0 : i32
      %dma_wait3A_75 = arith.constant 0 : i32
      %dma_wait3A_76 = tpu.memref_slice %arg2[%dma_wait3A_74, %dma_wait3A_75] : memref<10000x64xf32, #tpu.memory_space<hbm>> -> memref<128x64xf32, #tpu.memory_space<hbm>>
      %dma_wait3A_77 = arith.constant 0 : i32
      %dma_wait3A_78 = arith.constant 0 : i32
      %dma_wait3A_79 = tpu.memref_slice %arg2[%dma_wait3A_77, %dma_wait3A_78] : memref<10000x64xf32, #tpu.memory_space<hbm>> -> memref<128x64xf32, #tpu.memory_space<hbm>>
      tpu.wait_dma2 semaphore(%arg12 : memref<!tpu.dma_semaphore, #tpu.memory_space<semaphore_mem>>) src(%dma_wait3A_79 : memref<128x64xf32, #tpu.memory_space<hbm>>) dst(%arg9 : memref<128x64xf32, #tpu.memory_space<vmem>>)
      "tpu.region"() ({
        %run_scoped3A = tpu.sem_alloc : memref<!tpu.dma_semaphore, #tpu.memory_space<semaphore_mem>>
        %dma_start3A_109 = arith.constant 0 : i32
        %dma_start3A_110 = tpu.memref_slice %arg8[%mul3A_73, %dma_start3A_109] : memref<136x128xi32, #tpu.memory_space<vmem>> -> memref<1x128xi32, #tpu.memory_space<vmem>>
        %dma_start3A_111 = tpu.memref_squeeze %dma_start3A_110 : memref<1x128xi32, #tpu.memory_space<vmem>> -> memref<128xi32, #tpu.memory_space<vmem>>
        %dma_start3A_112 = arith.constant 0 : i32
        %dma_start3A_113 = arith.constant 0 : i32
        %dma_start3A_114 = tpu.memref_slice %arg11[%dma_start3A_112, %dma_start3A_113] : memref<10112x64xf32, #tpu.memory_space<vmem_shared>> -> memref<10112x64xf32, #tpu.memory_space<vmem_shared>>
        tpu.enqueue_indirect_dma source(%arg9 : memref<128x64xf32, #tpu.memory_space<vmem>>) target(%dma_start3A_114 : memref<10112x64xf32, #tpu.memory_space<vmem_shared>>) offsets(%dma_start3A_111 : memref<128xi32, #tpu.memory_space<vmem>>) semaphore(%run_scoped3A : memref<!tpu.dma_semaphore, #tpu.memory_space<semaphore_mem>>) {add = true}
        %dma_wait3A_115 = arith.constant 0 : i32
        %dma_wait3A_116 = tpu.memref_slice %arg8[%mul3A_73, %dma_wait3A_115] : memref<136x128xi32, #tpu.memory_space<vmem>> -> memref<1x128xi32, #tpu.memory_space<vmem>>
        %dma_wait3A_117 = tpu.memref_squeeze %dma_wait3A_116 : memref<1x128xi32, #tpu.memory_space<vmem>> -> memref<128xi32, #tpu.memory_space<vmem>>
        %dma_wait3A_118 = arith.constant 0 : i32
        %dma_wait3A_119 = arith.constant 0 : i32
        %dma_wait3A_120 = tpu.memref_slice %arg11[%dma_wait3A_118, %dma_wait3A_119] : memref<10112x64xf32, #tpu.memory_space<vmem_shared>> -> memref<10112x64xf32, #tpu.memory_space<vmem_shared>>
        tpu.wait_indirect_dma semaphore(%run_scoped3A : memref<!tpu.dma_semaphore, #tpu.memory_space<semaphore_mem>>) src(%arg9 : memref<128x64xf32, #tpu.memory_space<vmem>>) dst(%dma_wait3A_120 : memref<10112x64xf32, #tpu.memory_space<vmem_shared>>)
        tpu.yield
      }) : () -> ()
      %add3A_80 = arith.constant 2 : i32
      %add3A_81 = arith.addi %mul3A_73, %add3A_80 : i32
      %sub3A_82 = arith.constant 1 : i32
      %sub3A_83 = arith.subi %select_n3A, %sub3A_82 : i32
      %min3A = arith.minsi %add3A_81, %sub3A_83 : i32
      %dma_start3A_84 = arith.constant 0 : i32
      %dma_start3A_85 = tpu.memref_slice %arg7[%min3A, %dma_start3A_84] : memref<136x128xi32, #tpu.memory_space<vmem>> -> memref<1x128xi32, #tpu.memory_space<vmem>>
      %dma_start3A_86 = tpu.memref_squeeze %dma_start3A_85 : memref<1x128xi32, #tpu.memory_space<vmem>> -> memref<128xi32, #tpu.memory_space<vmem>>
      %dma_start3A_87 = arith.constant 0 : i32
      %dma_start3A_88 = arith.constant 0 : i32
      %dma_start3A_89 = tpu.memref_slice %arg2[%dma_start3A_87, %dma_start3A_88] : memref<10000x64xf32, #tpu.memory_space<hbm>> -> memref<10000x64xf32, #tpu.memory_space<hbm>>
      tpu.enqueue_indirect_dma source(%dma_start3A_89 : memref<10000x64xf32, #tpu.memory_space<hbm>>) target(%arg9 : memref<128x64xf32, #tpu.memory_space<vmem>>) offsets(%dma_start3A_86 : memref<128xi32, #tpu.memory_space<vmem>>) semaphore(%arg12 : memref<!tpu.dma_semaphore, #tpu.memory_space<semaphore_mem>>)
      %dma_wait3A_90 = arith.constant 0 : i32
      %dma_wait3A_91 = arith.constant 0 : i32
      %dma_wait3A_92 = tpu.memref_slice %arg2[%dma_wait3A_90, %dma_wait3A_91] : memref<10000x64xf32, #tpu.memory_space<hbm>> -> memref<128x64xf32, #tpu.memory_space<hbm>>
      %dma_wait3A_93 = arith.constant 0 : i32
      %dma_wait3A_94 = arith.constant 0 : i32
      %dma_wait3A_95 = tpu.memref_slice %arg2[%dma_wait3A_93, %dma_wait3A_94] : memref<10000x64xf32, #tpu.memory_space<hbm>> -> memref<128x64xf32, #tpu.memory_space<hbm>>
      tpu.wait_dma2 semaphore(%arg13 : memref<!tpu.dma_semaphore, #tpu.memory_space<semaphore_mem>>) src(%dma_wait3A_95 : memref<128x64xf32, #tpu.memory_space<hbm>>) dst(%arg10 : memref<128x64xf32, #tpu.memory_space<vmem>>)
      %add3A_96 = arith.constant 1 : i32
      %add3A_97 = arith.addi %mul3A_73, %add3A_96 : i32
      "tpu.region"() ({
        %run_scoped3A = tpu.sem_alloc : memref<!tpu.dma_semaphore, #tpu.memory_space<semaphore_mem>>
        %dma_start3A_109 = arith.constant 0 : i32
        %dma_start3A_110 = tpu.memref_slice %arg8[%add3A_97, %dma_start3A_109] : memref<136x128xi32, #tpu.memory_space<vmem>> -> memref<1x128xi32, #tpu.memory_space<vmem>>
        %dma_start3A_111 = tpu.memref_squeeze %dma_start3A_110 : memref<1x128xi32, #tpu.memory_space<vmem>> -> memref<128xi32, #tpu.memory_space<vmem>>
        %dma_start3A_112 = arith.constant 0 : i32
        %dma_start3A_113 = arith.constant 0 : i32
        %dma_start3A_114 = tpu.memref_slice %arg11[%dma_start3A_112, %dma_start3A_113] : memref<10112x64xf32, #tpu.memory_space<vmem_shared>> -> memref<10112x64xf32, #tpu.memory_space<vmem_shared>>
        tpu.enqueue_indirect_dma source(%arg10 : memref<128x64xf32, #tpu.memory_space<vmem>>) target(%dma_start3A_114 : memref<10112x64xf32, #tpu.memory_space<vmem_shared>>) offsets(%dma_start3A_111 : memref<128xi32, #tpu.memory_space<vmem>>) semaphore(%run_scoped3A : memref<!tpu.dma_semaphore, #tpu.memory_space<semaphore_mem>>) {add = true}
        %dma_wait3A_115 = arith.constant 0 : i32
        %dma_wait3A_116 = tpu.memref_slice %arg8[%add3A_97, %dma_wait3A_115] : memref<136x128xi32, #tpu.memory_space<vmem>> -> memref<1x128xi32, #tpu.memory_space<vmem>>
        %dma_wait3A_117 = tpu.memref_squeeze %dma_wait3A_116 : memref<1x128xi32, #tpu.memory_space<vmem>> -> memref<128xi32, #tpu.memory_space<vmem>>
        %dma_wait3A_118 = arith.constant 0 : i32
        %dma_wait3A_119 = arith.constant 0 : i32
        %dma_wait3A_120 = tpu.memref_slice %arg11[%dma_wait3A_118, %dma_wait3A_119] : memref<10112x64xf32, #tpu.memory_space<vmem_shared>> -> memref<10112x64xf32, #tpu.memory_space<vmem_shared>>
        tpu.wait_indirect_dma semaphore(%run_scoped3A : memref<!tpu.dma_semaphore, #tpu.memory_space<semaphore_mem>>) src(%arg10 : memref<128x64xf32, #tpu.memory_space<vmem>>) dst(%dma_wait3A_120 : memref<10112x64xf32, #tpu.memory_space<vmem_shared>>)
        tpu.yield
      }) : () -> ()
      %add3A_98 = arith.constant 3 : i32
      %add3A_99 = arith.addi %mul3A_73, %add3A_98 : i32
      %sub3A_100 = arith.constant 1 : i32
      %sub3A_101 = arith.subi %select_n3A, %sub3A_100 : i32
      %min3A_102 = arith.minsi %add3A_99, %sub3A_101 : i32
      %dma_start3A_103 = arith.constant 0 : i32
      %dma_start3A_104 = tpu.memref_slice %arg7[%min3A_102, %dma_start3A_103] : memref<136x128xi32, #tpu.memory_space<vmem>> -> memref<1x128xi32, #tpu.memory_space<vmem>>
      %dma_start3A_105 = tpu.memref_squeeze %dma_start3A_104 : memref<1x128xi32, #tpu.memory_space<vmem>> -> memref<128xi32, #tpu.memory_space<vmem>>
      %dma_start3A_106 = arith.constant 0 : i32
      %dma_start3A_107 = arith.constant 0 : i32
      %dma_start3A_108 = tpu.memref_slice %arg2[%dma_start3A_106, %dma_start3A_107] : memref<10000x64xf32, #tpu.memory_space<hbm>> -> memref<10000x64xf32, #tpu.memory_space<hbm>>
      tpu.enqueue_indirect_dma source(%dma_start3A_108 : memref<10000x64xf32, #tpu.memory_space<hbm>>) target(%arg10 : memref<128x64xf32, #tpu.memory_space<vmem>>) offsets(%dma_start3A_105 : memref<128xi32, #tpu.memory_space<vmem>>) semaphore(%arg13 : memref<!tpu.dma_semaphore, #tpu.memory_space<semaphore_mem>>)
    }
    %dma_wait3A = arith.constant 0 : i32
    %dma_wait3A_55 = arith.constant 0 : i32
    %dma_wait3A_56 = tpu.memref_slice %arg2[%dma_wait3A, %dma_wait3A_55] : memref<10000x64xf32, #tpu.memory_space<hbm>> -> memref<128x64xf32, #tpu.memory_space<hbm>>
    %dma_wait3A_57 = arith.constant 0 : i32
    %dma_wait3A_58 = arith.constant 0 : i32
    %dma_wait3A_59 = tpu.memref_slice %arg2[%dma_wait3A_57, %dma_wait3A_58] : memref<10000x64xf32, #tpu.memory_space<hbm>> -> memref<128x64xf32, #tpu.memory_space<hbm>>
    tpu.wait_dma2 semaphore(%arg12 : memref<!tpu.dma_semaphore, #tpu.memory_space<semaphore_mem>>) src(%dma_wait3A_59 : memref<128x64xf32, #tpu.memory_space<hbm>>) dst(%arg9 : memref<128x64xf32, #tpu.memory_space<vmem>>)
    %dma_wait3A_60 = arith.constant 0 : i32
    %dma_wait3A_61 = arith.constant 0 : i32
    %dma_wait3A_62 = tpu.memref_slice %arg2[%dma_wait3A_60, %dma_wait3A_61] : memref<10000x64xf32, #tpu.memory_space<hbm>> -> memref<128x64xf32, #tpu.memory_space<hbm>>
    %dma_wait3A_63 = arith.constant 0 : i32
    %dma_wait3A_64 = arith.constant 0 : i32
    %dma_wait3A_65 = tpu.memref_slice %arg2[%dma_wait3A_63, %dma_wait3A_64] : memref<10000x64xf32, #tpu.memory_space<hbm>> -> memref<128x64xf32, #tpu.memory_space<hbm>>
    tpu.wait_dma2 semaphore(%arg13 : memref<!tpu.dma_semaphore, #tpu.memory_space<semaphore_mem>>) src(%dma_wait3A_65 : memref<128x64xf32, #tpu.memory_space<hbm>>) dst(%arg10 : memref<128x64xf32, #tpu.memory_space<vmem>>)
    %barrier3A_66 = arith.constant 0 : index
    tpu.barrier barrier_id(%barrier3A_66)
    %mul3A_67 = arith.constant 632 : i32
    %mul3A_68 = arith.muli %arg1, %mul3A_67 : i32
    %mul3A_69 = arith.constant 632 : i32
    %mul3A_70 = arith.muli %arg1, %mul3A_69 : i32
    "tpu.region"() ({
      %run_scoped3A = tpu.sem_alloc : memref<!tpu.dma_semaphore, #tpu.memory_space<semaphore_mem>>
      %dma_start3A_71 = arith.constant 0 : i32
      %dma_start3A_72 = tpu.memref_slice %arg6[%arg0, %mul3A_70, %dma_start3A_71] : memref<2x10112x64xf32, #tpu.memory_space<hbm>> -> memref<1x632x64xf32, #tpu.memory_space<hbm>>
      %dma_start3A_73 = tpu.memref_squeeze %dma_start3A_72 : memref<1x632x64xf32, #tpu.memory_space<hbm>> -> memref<632x64xf32, #tpu.memory_space<hbm>>
      %dma_start3A_74 = arith.constant 0 : i32
      %dma_start3A_75 = tpu.memref_slice %arg11[%mul3A_68, %dma_start3A_74] : memref<10112x64xf32, #tpu.memory_space<vmem_shared>> -> memref<632x64xf32, #tpu.memory_space<vmem_shared>>
      tpu.enqueue_dma source(%dma_start3A_75 : memref<632x64xf32, #tpu.memory_space<vmem_shared>>) target(%dma_start3A_73 : memref<632x64xf32, #tpu.memory_space<hbm>>) target_semaphore(%run_scoped3A : memref<!tpu.dma_semaphore, #tpu.memory_space<semaphore_mem>>)
      %dma_wait3A_76 = arith.constant 0 : i32
      %dma_wait3A_77 = tpu.memref_slice %arg6[%arg0, %mul3A_70, %dma_wait3A_76] : memref<2x10112x64xf32, #tpu.memory_space<hbm>> -> memref<1x632x64xf32, #tpu.memory_space<hbm>>
      %dma_wait3A_78 = tpu.memref_squeeze %dma_wait3A_77 : memref<1x632x64xf32, #tpu.memory_space<hbm>> -> memref<632x64xf32, #tpu.memory_space<hbm>>
      %dma_wait3A_79 = arith.constant 0 : i32
      %dma_wait3A_80 = tpu.memref_slice %arg11[%mul3A_68, %dma_wait3A_79] : memref<10112x64xf32, #tpu.memory_space<vmem_shared>> -> memref<632x64xf32, #tpu.memory_space<vmem_shared>>
      tpu.wait_dma2 semaphore(%run_scoped3A : memref<!tpu.dma_semaphore, #tpu.memory_space<semaphore_mem>>) src(%dma_wait3A_80 : memref<632x64xf32, #tpu.memory_space<vmem_shared>>) dst(%dma_wait3A_78 : memref<632x64xf32, #tpu.memory_space<hbm>>)
      tpu.yield
    }) : () -> ()
    return
  }
}

#map = affine_map<(d0, d1) -> (0, 0)>
#map1 = affine_map<(d0, d1) -> (0, 0, 0)>
module attributes {stable_mosaic.version = 14 : i64} {
  func.func @k(%arg0: i32, %arg1: i32, %arg2: memref<2680x128xi32, #tpu.memory_space<hbm>>, %arg3: memref<128x16xf32, #tpu.memory_space<hbm>>, %arg4: memref<1256x16xf32, #tpu.memory_space<hbm>>, %arg5: memref<2x20096x16xf32, #tpu.memory_space<hbm>>, %arg6: memref<104x128xi32, #tpu.memory_space<vmem>>, %arg7: memref<128x16xf32, #tpu.memory_space<vmem>>, %arg8: memref<20096x16xf32, #tpu.memory_space<vmem_shared>>) attributes {dimension_semantics = [#tpu.dimension_semantics<core_parallel>, #tpu.dimension_semantics<subcore_parallel>], iteration_bounds = array<i64: 2, 16>, scalar_prefetch = 0 : i64, scratch_operands = 3 : i64, tpu.core_type = #tpu.core_type<sc_vector_subcore>, window_params = [{transform_indices = #map}, {transform_indices = #map}, {transform_indices = #map}, {transform_indices = #map1}]} {
    %mul3A = arith.constant 1256 : i32
    %mul3A_0 = arith.muli %arg1, %mul3A : i32
    "tpu.region"() ({
      %run_scoped3A = tpu.sem_alloc : memref<!tpu.dma_semaphore, #tpu.memory_space<semaphore_mem>>
      %dma_start3A = arith.constant 0 : i32
      %dma_start3A_27 = tpu.memref_slice %arg8[%mul3A_0, %dma_start3A] : memref<20096x16xf32, #tpu.memory_space<vmem_shared>> -> memref<1256x16xf32, #tpu.memory_space<vmem_shared>>
      tpu.enqueue_dma source(%arg4 : memref<1256x16xf32, #tpu.memory_space<hbm>>) target(%dma_start3A_27 : memref<1256x16xf32, #tpu.memory_space<vmem_shared>>) target_semaphore(%run_scoped3A : memref<!tpu.dma_semaphore, #tpu.memory_space<semaphore_mem>>)
      %dma_wait3A = arith.constant 0 : i32
      %dma_wait3A_28 = tpu.memref_slice %arg8[%mul3A_0, %dma_wait3A] : memref<20096x16xf32, #tpu.memory_space<vmem_shared>> -> memref<1256x16xf32, #tpu.memory_space<vmem_shared>>
      tpu.wait_dma2 semaphore(%run_scoped3A : memref<!tpu.dma_semaphore, #tpu.memory_space<semaphore_mem>>) src(%arg4 : memref<1256x16xf32, #tpu.memory_space<hbm>>) dst(%dma_wait3A_28 : memref<1256x16xf32, #tpu.memory_space<vmem_shared>>)
      tpu.yield
    }) : () -> ()
    "tpu.region"() ({
      %run_scoped3A = tpu.sem_alloc : memref<!tpu.dma_semaphore, #tpu.memory_space<semaphore_mem>>
      tpu.enqueue_dma source(%arg3 : memref<128x16xf32, #tpu.memory_space<hbm>>) target(%arg7 : memref<128x16xf32, #tpu.memory_space<vmem>>) target_semaphore(%run_scoped3A : memref<!tpu.dma_semaphore, #tpu.memory_space<semaphore_mem>>)
      tpu.wait_dma2 semaphore(%run_scoped3A : memref<!tpu.dma_semaphore, #tpu.memory_space<semaphore_mem>>) src(%arg3 : memref<128x16xf32, #tpu.memory_space<hbm>>) dst(%arg7 : memref<128x16xf32, #tpu.memory_space<vmem>>)
      tpu.yield
    }) : () -> ()
    %eq3A = arith.constant 0 : i32
    %eq3A_1 = arith.cmpi eq, %arg0, %eq3A : i32
    %jit3A = arith.constant 104 : i32
    %jit3A_2 = arith.constant 56 : i32
    %select_n3A = arith.select %eq3A_1, %jit3A, %jit3A_2 : i32
    %eq3A_3 = arith.constant 0 : i32
    %eq3A_4 = arith.cmpi eq, %arg0, %eq3A_3 : i32
    %mul3A_5 = arith.constant 104 : i32
    %mul3A_6 = arith.muli %arg1, %mul3A_5 : i32
    %mul3A_7 = arith.constant 56 : i32
    %mul3A_8 = arith.muli %arg1, %mul3A_7 : i32
    %add3A = arith.constant 1664 : i32
    %add3A_9 = arith.addi %add3A, %mul3A_8 : i32
    %select_n3A_10 = arith.select %eq3A_4, %mul3A_6, %add3A_9 : i32
    "tpu.region"() ({
      %run_scoped3A = tpu.sem_alloc : memref<!tpu.dma_semaphore, #tpu.memory_space<semaphore_mem>>
      %dma_start3A = arith.constant 0 : i32
      %dma_start3A_27 = arith.constant 0 : i32
      %dma_start3A_28 = tpu.memref_slice %arg6[%dma_start3A, %dma_start3A_27] : memref<104x128xi32, #tpu.memory_space<vmem>> -> memref<52x128xi32, #tpu.memory_space<vmem>>
      %dma_start3A_29 = arith.constant 0 : i32
      %dma_start3A_30 = tpu.memref_slice %arg2[%select_n3A_10, %dma_start3A_29] : memref<2680x128xi32, #tpu.memory_space<hbm>> -> memref<52x128xi32, #tpu.memory_space<hbm>>
      %dma_start3A_31 = arith.constant 0 : i32
      %dma_start3A_32 = arith.constant 0 : i32
      %dma_start3A_33 = tpu.memref_slice %arg6[%dma_start3A_31, %dma_start3A_32] : memref<104x128xi32, #tpu.memory_space<vmem>> -> memref<52x128xi32, #tpu.memory_space<vmem>>
      %dma_start3A_34 = arith.constant 0 : i32
      %dma_start3A_35 = tpu.memref_slice %arg2[%select_n3A_10, %dma_start3A_34] : memref<2680x128xi32, #tpu.memory_space<hbm>> -> memref<52x128xi32, #tpu.memory_space<hbm>>
      tpu.enqueue_dma source(%dma_start3A_35 : memref<52x128xi32, #tpu.memory_space<hbm>>) target(%dma_start3A_33 : memref<52x128xi32, #tpu.memory_space<vmem>>) target_semaphore(%run_scoped3A : memref<!tpu.dma_semaphore, #tpu.memory_space<semaphore_mem>>)
      %dma_wait3A = arith.constant 0 : i32
      %dma_wait3A_36 = arith.constant 0 : i32
      %dma_wait3A_37 = tpu.memref_slice %arg6[%dma_wait3A, %dma_wait3A_36] : memref<104x128xi32, #tpu.memory_space<vmem>> -> memref<52x128xi32, #tpu.memory_space<vmem>>
      %dma_wait3A_38 = arith.constant 0 : i32
      %dma_wait3A_39 = tpu.memref_slice %arg2[%select_n3A_10, %dma_wait3A_38] : memref<2680x128xi32, #tpu.memory_space<hbm>> -> memref<52x128xi32, #tpu.memory_space<hbm>>
      %dma_wait3A_40 = arith.constant 0 : i32
      %dma_wait3A_41 = arith.constant 0 : i32
      %dma_wait3A_42 = tpu.memref_slice %arg6[%dma_wait3A_40, %dma_wait3A_41] : memref<104x128xi32, #tpu.memory_space<vmem>> -> memref<52x128xi32, #tpu.memory_space<vmem>>
      %dma_wait3A_43 = arith.constant 0 : i32
      %dma_wait3A_44 = tpu.memref_slice %arg2[%select_n3A_10, %dma_wait3A_43] : memref<2680x128xi32, #tpu.memory_space<hbm>> -> memref<52x128xi32, #tpu.memory_space<hbm>>
      tpu.wait_dma2 semaphore(%run_scoped3A : memref<!tpu.dma_semaphore, #tpu.memory_space<semaphore_mem>>) src(%dma_wait3A_44 : memref<52x128xi32, #tpu.memory_space<hbm>>) dst(%dma_wait3A_42 : memref<52x128xi32, #tpu.memory_space<vmem>>)
      tpu.yield
    }) : () -> ()
    %add3A_11 = arith.constant 52 : i32
    %add3A_12 = arith.addi %select_n3A_10, %add3A_11 : i32
    "tpu.region"() ({
      %run_scoped3A = tpu.sem_alloc : memref<!tpu.dma_semaphore, #tpu.memory_space<semaphore_mem>>
      %dma_start3A = arith.constant 52 : i32
      %dma_start3A_27 = arith.constant 0 : i32
      %dma_start3A_28 = tpu.memref_slice %arg6[%dma_start3A, %dma_start3A_27] : memref<104x128xi32, #tpu.memory_space<vmem>> -> memref<52x128xi32, #tpu.memory_space<vmem>>
      %dma_start3A_29 = arith.constant 0 : i32
      %dma_start3A_30 = tpu.memref_slice %arg2[%add3A_12, %dma_start3A_29] : memref<2680x128xi32, #tpu.memory_space<hbm>> -> memref<52x128xi32, #tpu.memory_space<hbm>>
      %dma_start3A_31 = arith.constant 52 : i32
      %dma_start3A_32 = arith.constant 0 : i32
      %dma_start3A_33 = tpu.memref_slice %arg6[%dma_start3A_31, %dma_start3A_32] : memref<104x128xi32, #tpu.memory_space<vmem>> -> memref<52x128xi32, #tpu.memory_space<vmem>>
      %dma_start3A_34 = arith.constant 0 : i32
      %dma_start3A_35 = tpu.memref_slice %arg2[%add3A_12, %dma_start3A_34] : memref<2680x128xi32, #tpu.memory_space<hbm>> -> memref<52x128xi32, #tpu.memory_space<hbm>>
      tpu.enqueue_dma source(%dma_start3A_35 : memref<52x128xi32, #tpu.memory_space<hbm>>) target(%dma_start3A_33 : memref<52x128xi32, #tpu.memory_space<vmem>>) target_semaphore(%run_scoped3A : memref<!tpu.dma_semaphore, #tpu.memory_space<semaphore_mem>>)
      %dma_wait3A = arith.constant 52 : i32
      %dma_wait3A_36 = arith.constant 0 : i32
      %dma_wait3A_37 = tpu.memref_slice %arg6[%dma_wait3A, %dma_wait3A_36] : memref<104x128xi32, #tpu.memory_space<vmem>> -> memref<52x128xi32, #tpu.memory_space<vmem>>
      %dma_wait3A_38 = arith.constant 0 : i32
      %dma_wait3A_39 = tpu.memref_slice %arg2[%add3A_12, %dma_wait3A_38] : memref<2680x128xi32, #tpu.memory_space<hbm>> -> memref<52x128xi32, #tpu.memory_space<hbm>>
      %dma_wait3A_40 = arith.constant 52 : i32
      %dma_wait3A_41 = arith.constant 0 : i32
      %dma_wait3A_42 = tpu.memref_slice %arg6[%dma_wait3A_40, %dma_wait3A_41] : memref<104x128xi32, #tpu.memory_space<vmem>> -> memref<52x128xi32, #tpu.memory_space<vmem>>
      %dma_wait3A_43 = arith.constant 0 : i32
      %dma_wait3A_44 = tpu.memref_slice %arg2[%add3A_12, %dma_wait3A_43] : memref<2680x128xi32, #tpu.memory_space<hbm>> -> memref<52x128xi32, #tpu.memory_space<hbm>>
      tpu.wait_dma2 semaphore(%run_scoped3A : memref<!tpu.dma_semaphore, #tpu.memory_space<semaphore_mem>>) src(%dma_wait3A_44 : memref<52x128xi32, #tpu.memory_space<hbm>>) dst(%dma_wait3A_42 : memref<52x128xi32, #tpu.memory_space<vmem>>)
      tpu.yield
    }) : () -> ()
    %barrier3A = arith.constant 0 : index
    tpu.barrier barrier_id(%barrier3A)
    %while3A = arith.constant 0 : i32
    %while3A_13 = arith.constant 0 : i32
    %while3A_14 = arith.subi %select_n3A, %while3A_13 : i32
    %while3A_15 = arith.addi %while3A_13, %while3A_14 : i32
    %while3A_16 = arith.constant 1 : i32
    %while3A_17 = arith.divsi %while3A_14, %while3A_16 : i32
    %while3A_18 = arith.muli %while3A_17, %while3A_16 : i32
    %while3A_19 = arith.addi %while3A_13, %while3A_18 : i32
    %while3A_20 = arith.constant 1 : i32
    scf.for %while3A_27 = %while3A_13 to %while3A_19 step %while3A_20  : i32 {
      "tpu.region"() ({
        %run_scoped3A = tpu.sem_alloc : memref<!tpu.dma_semaphore, #tpu.memory_space<semaphore_mem>>
        %dma_start3A = arith.constant 0 : i32
        %dma_start3A_28 = tpu.memref_slice %arg6[%while3A_27, %dma_start3A] : memref<104x128xi32, #tpu.memory_space<vmem>> -> memref<1x128xi32, #tpu.memory_space<vmem>>
        %dma_start3A_29 = tpu.memref_squeeze %dma_start3A_28 : memref<1x128xi32, #tpu.memory_space<vmem>> -> memref<128xi32, #tpu.memory_space<vmem>>
        %dma_start3A_30 = arith.constant 0 : i32
        %dma_start3A_31 = arith.constant 0 : i32
        %dma_start3A_32 = tpu.memref_slice %arg8[%dma_start3A_30, %dma_start3A_31] : memref<20096x16xf32, #tpu.memory_space<vmem_shared>> -> memref<20096x16xf32, #tpu.memory_space<vmem_shared>>
        tpu.enqueue_indirect_dma source(%arg7 : memref<128x16xf32, #tpu.memory_space<vmem>>) target(%dma_start3A_32 : memref<20096x16xf32, #tpu.memory_space<vmem_shared>>) offsets(%dma_start3A_29 : memref<128xi32, #tpu.memory_space<vmem>>) semaphore(%run_scoped3A : memref<!tpu.dma_semaphore, #tpu.memory_space<semaphore_mem>>) {add = true}
        %dma_wait3A = arith.constant 0 : i32
        %dma_wait3A_33 = tpu.memref_slice %arg6[%while3A_27, %dma_wait3A] : memref<104x128xi32, #tpu.memory_space<vmem>> -> memref<1x128xi32, #tpu.memory_space<vmem>>
        %dma_wait3A_34 = tpu.memref_squeeze %dma_wait3A_33 : memref<1x128xi32, #tpu.memory_space<vmem>> -> memref<128xi32, #tpu.memory_space<vmem>>
        %dma_wait3A_35 = arith.constant 0 : i32
        %dma_wait3A_36 = arith.constant 0 : i32
        %dma_wait3A_37 = tpu.memref_slice %arg8[%dma_wait3A_35, %dma_wait3A_36] : memref<20096x16xf32, #tpu.memory_space<vmem_shared>> -> memref<20096x16xf32, #tpu.memory_space<vmem_shared>>
        tpu.wait_indirect_dma semaphore(%run_scoped3A : memref<!tpu.dma_semaphore, #tpu.memory_space<semaphore_mem>>) src(%arg7 : memref<128x16xf32, #tpu.memory_space<vmem>>) dst(%dma_wait3A_37 : memref<20096x16xf32, #tpu.memory_space<vmem_shared>>)
        tpu.yield
      }) : () -> ()
    }
    %while3A_21 = arith.constant 1 : i32
    scf.for %while3A_27 = %while3A_19 to %while3A_15 step %while3A_21  : i32 {
      "tpu.region"() ({
        %run_scoped3A = tpu.sem_alloc : memref<!tpu.dma_semaphore, #tpu.memory_space<semaphore_mem>>
        %dma_start3A = arith.constant 0 : i32
        %dma_start3A_28 = tpu.memref_slice %arg6[%while3A_27, %dma_start3A] : memref<104x128xi32, #tpu.memory_space<vmem>> -> memref<1x128xi32, #tpu.memory_space<vmem>>
        %dma_start3A_29 = tpu.memref_squeeze %dma_start3A_28 : memref<1x128xi32, #tpu.memory_space<vmem>> -> memref<128xi32, #tpu.memory_space<vmem>>
        %dma_start3A_30 = arith.constant 0 : i32
        %dma_start3A_31 = arith.constant 0 : i32
        %dma_start3A_32 = tpu.memref_slice %arg8[%dma_start3A_30, %dma_start3A_31] : memref<20096x16xf32, #tpu.memory_space<vmem_shared>> -> memref<20096x16xf32, #tpu.memory_space<vmem_shared>>
        tpu.enqueue_indirect_dma source(%arg7 : memref<128x16xf32, #tpu.memory_space<vmem>>) target(%dma_start3A_32 : memref<20096x16xf32, #tpu.memory_space<vmem_shared>>) offsets(%dma_start3A_29 : memref<128xi32, #tpu.memory_space<vmem>>) semaphore(%run_scoped3A : memref<!tpu.dma_semaphore, #tpu.memory_space<semaphore_mem>>) {add = true}
        %dma_wait3A = arith.constant 0 : i32
        %dma_wait3A_33 = tpu.memref_slice %arg6[%while3A_27, %dma_wait3A] : memref<104x128xi32, #tpu.memory_space<vmem>> -> memref<1x128xi32, #tpu.memory_space<vmem>>
        %dma_wait3A_34 = tpu.memref_squeeze %dma_wait3A_33 : memref<1x128xi32, #tpu.memory_space<vmem>> -> memref<128xi32, #tpu.memory_space<vmem>>
        %dma_wait3A_35 = arith.constant 0 : i32
        %dma_wait3A_36 = arith.constant 0 : i32
        %dma_wait3A_37 = tpu.memref_slice %arg8[%dma_wait3A_35, %dma_wait3A_36] : memref<20096x16xf32, #tpu.memory_space<vmem_shared>> -> memref<20096x16xf32, #tpu.memory_space<vmem_shared>>
        tpu.wait_indirect_dma semaphore(%run_scoped3A : memref<!tpu.dma_semaphore, #tpu.memory_space<semaphore_mem>>) src(%arg7 : memref<128x16xf32, #tpu.memory_space<vmem>>) dst(%dma_wait3A_37 : memref<20096x16xf32, #tpu.memory_space<vmem_shared>>)
        tpu.yield
      }) : () -> ()
    }
    %barrier3A_22 = arith.constant 0 : index
    tpu.barrier barrier_id(%barrier3A_22)
    %mul3A_23 = arith.constant 1256 : i32
    %mul3A_24 = arith.muli %arg1, %mul3A_23 : i32
    %mul3A_25 = arith.constant 1256 : i32
    %mul3A_26 = arith.muli %arg1, %mul3A_25 : i32
    "tpu.region"() ({
      %run_scoped3A = tpu.sem_alloc : memref<!tpu.dma_semaphore, #tpu.memory_space<semaphore_mem>>
      %dma_start3A = arith.constant 0 : i32
      %dma_start3A_27 = tpu.memref_slice %arg5[%arg0, %mul3A_26, %dma_start3A] : memref<2x20096x16xf32, #tpu.memory_space<hbm>> -> memref<1x1256x16xf32, #tpu.memory_space<hbm>>
      %dma_start3A_28 = tpu.memref_squeeze %dma_start3A_27 : memref<1x1256x16xf32, #tpu.memory_space<hbm>> -> memref<1256x16xf32, #tpu.memory_space<hbm>>
      %dma_start3A_29 = arith.constant 0 : i32
      %dma_start3A_30 = tpu.memref_slice %arg8[%mul3A_24, %dma_start3A_29] : memref<20096x16xf32, #tpu.memory_space<vmem_shared>> -> memref<1256x16xf32, #tpu.memory_space<vmem_shared>>
      tpu.enqueue_dma source(%dma_start3A_30 : memref<1256x16xf32, #tpu.memory_space<vmem_shared>>) target(%dma_start3A_28 : memref<1256x16xf32, #tpu.memory_space<hbm>>) target_semaphore(%run_scoped3A : memref<!tpu.dma_semaphore, #tpu.memory_space<semaphore_mem>>)
      %dma_wait3A = arith.constant 0 : i32
      %dma_wait3A_31 = tpu.memref_slice %arg5[%arg0, %mul3A_26, %dma_wait3A] : memref<2x20096x16xf32, #tpu.memory_space<hbm>> -> memref<1x1256x16xf32, #tpu.memory_space<hbm>>
      %dma_wait3A_32 = tpu.memref_squeeze %dma_wait3A_31 : memref<1x1256x16xf32, #tpu.memory_space<hbm>> -> memref<1256x16xf32, #tpu.memory_space<hbm>>
      %dma_wait3A_33 = arith.constant 0 : i32
      %dma_wait3A_34 = tpu.memref_slice %arg8[%mul3A_24, %dma_wait3A_33] : memref<20096x16xf32, #tpu.memory_space<vmem_shared>> -> memref<1256x16xf32, #tpu.memory_space<vmem_shared>>
      tpu.wait_dma2 semaphore(%run_scoped3A : memref<!tpu.dma_semaphore, #tpu.memory_space<semaphore_mem>>) src(%dma_wait3A_34 : memref<1256x16xf32, #tpu.memory_space<vmem_shared>>) dst(%dma_wait3A_32 : memref<1256x16xf32, #tpu.memory_space<hbm>>)
      tpu.yield
    }) : () -> ()
    return
  }
}

#map = affine_map<(d0, d1) -> (0, 0)>
#map1 = affine_map<(d0, d1) -> (0, 0, 0)>
module attributes {stable_mosaic.version = 14 : i64} {
  func.func @k(%arg0: i32, %arg1: i32, %arg2: memref<20000x32xf32, #tpu.memory_space<hbm>>, %arg3: memref<2680x128xi32, #tpu.memory_space<hbm>>, %arg4: memref<2680x128xi32, #tpu.memory_space<hbm>>, %arg5: memref<1256x32xf32, #tpu.memory_space<hbm>>, %arg6: memref<2x20096x32xf32, #tpu.memory_space<hbm>>, %arg7: memref<128x128xi32, #tpu.memory_space<vmem>>, %arg8: memref<128x128xi32, #tpu.memory_space<vmem>>, %arg9: memref<128x32xf32, #tpu.memory_space<vmem>>, %arg10: memref<128x32xf32, #tpu.memory_space<vmem>>, %arg11: memref<20096x32xf32, #tpu.memory_space<vmem_shared>>, %arg12: memref<!tpu.dma_semaphore, #tpu.memory_space<semaphore_mem>>, %arg13: memref<!tpu.dma_semaphore, #tpu.memory_space<semaphore_mem>>) attributes {dimension_semantics = [#tpu.dimension_semantics<core_parallel>, #tpu.dimension_semantics<subcore_parallel>], iteration_bounds = array<i64: 2, 16>, scalar_prefetch = 0 : i64, scratch_operands = 7 : i64, tpu.core_type = #tpu.core_type<sc_vector_subcore>, window_params = [{transform_indices = #map}, {transform_indices = #map}, {transform_indices = #map}, {transform_indices = #map}, {transform_indices = #map1}]} {
    %mul3A = arith.constant 1256 : i32
    %mul3A_0 = arith.muli %arg1, %mul3A : i32
    "tpu.region"() ({
      %run_scoped3A = tpu.sem_alloc : memref<!tpu.dma_semaphore, #tpu.memory_space<semaphore_mem>>
      %dma_start3A_71 = arith.constant 0 : i32
      %dma_start3A_72 = tpu.memref_slice %arg11[%mul3A_0, %dma_start3A_71] : memref<20096x32xf32, #tpu.memory_space<vmem_shared>> -> memref<1256x32xf32, #tpu.memory_space<vmem_shared>>
      tpu.enqueue_dma source(%arg5 : memref<1256x32xf32, #tpu.memory_space<hbm>>) target(%dma_start3A_72 : memref<1256x32xf32, #tpu.memory_space<vmem_shared>>) target_semaphore(%run_scoped3A : memref<!tpu.dma_semaphore, #tpu.memory_space<semaphore_mem>>)
      %dma_wait3A_73 = arith.constant 0 : i32
      %dma_wait3A_74 = tpu.memref_slice %arg11[%mul3A_0, %dma_wait3A_73] : memref<20096x32xf32, #tpu.memory_space<vmem_shared>> -> memref<1256x32xf32, #tpu.memory_space<vmem_shared>>
      tpu.wait_dma2 semaphore(%run_scoped3A : memref<!tpu.dma_semaphore, #tpu.memory_space<semaphore_mem>>) src(%arg5 : memref<1256x32xf32, #tpu.memory_space<hbm>>) dst(%dma_wait3A_74 : memref<1256x32xf32, #tpu.memory_space<vmem_shared>>)
      tpu.yield
    }) : () -> ()
    %eq3A = arith.constant 0 : i32
    %eq3A_1 = arith.cmpi eq, %arg0, %eq3A : i32
    %jit3A = arith.constant 128 : i32
    %jit3A_2 = arith.constant 32 : i32
    %select_n3A = arith.select %eq3A_1, %jit3A, %jit3A_2 : i32
    %eq3A_3 = arith.constant 0 : i32
    %eq3A_4 = arith.cmpi eq, %arg0, %eq3A_3 : i32
    %mul3A_5 = arith.constant 128 : i32
    %mul3A_6 = arith.muli %arg1, %mul3A_5 : i32
    %mul3A_7 = arith.constant 32 : i32
    %mul3A_8 = arith.muli %arg1, %mul3A_7 : i32
    %add3A = arith.constant 2048 : i32
    %add3A_9 = arith.addi %add3A, %mul3A_8 : i32
    %select_n3A_10 = arith.select %eq3A_4, %mul3A_6, %add3A_9 : i32
    "tpu.region"() ({
      %run_scoped3A = tpu.sem_alloc : memref<!tpu.dma_semaphore, #tpu.memory_space<semaphore_mem>>
      %dma_start3A_71 = arith.constant 0 : i32
      %dma_start3A_72 = arith.constant 0 : i32
      %dma_start3A_73 = tpu.memref_slice %arg7[%dma_start3A_71, %dma_start3A_72] : memref<128x128xi32, #tpu.memory_space<vmem>> -> memref<64x128xi32, #tpu.memory_space<vmem>>
      %dma_start3A_74 = arith.constant 0 : i32
      %dma_start3A_75 = tpu.memref_slice %arg3[%select_n3A_10, %dma_start3A_74] : memref<2680x128xi32, #tpu.memory_space<hbm>> -> memref<64x128xi32, #tpu.memory_space<hbm>>
      %dma_start3A_76 = arith.constant 0 : i32
      %dma_start3A_77 = arith.constant 0 : i32
      %dma_start3A_78 = tpu.memref_slice %arg7[%dma_start3A_76, %dma_start3A_77] : memref<128x128xi32, #tpu.memory_space<vmem>> -> memref<64x128xi32, #tpu.memory_space<vmem>>
      %dma_start3A_79 = arith.constant 0 : i32
      %dma_start3A_80 = tpu.memref_slice %arg3[%select_n3A_10, %dma_start3A_79] : memref<2680x128xi32, #tpu.memory_space<hbm>> -> memref<64x128xi32, #tpu.memory_space<hbm>>
      tpu.enqueue_dma source(%dma_start3A_80 : memref<64x128xi32, #tpu.memory_space<hbm>>) target(%dma_start3A_78 : memref<64x128xi32, #tpu.memory_space<vmem>>) target_semaphore(%run_scoped3A : memref<!tpu.dma_semaphore, #tpu.memory_space<semaphore_mem>>)
      %dma_wait3A_81 = arith.constant 0 : i32
      %dma_wait3A_82 = arith.constant 0 : i32
      %dma_wait3A_83 = tpu.memref_slice %arg7[%dma_wait3A_81, %dma_wait3A_82] : memref<128x128xi32, #tpu.memory_space<vmem>> -> memref<64x128xi32, #tpu.memory_space<vmem>>
      %dma_wait3A_84 = arith.constant 0 : i32
      %dma_wait3A_85 = tpu.memref_slice %arg3[%select_n3A_10, %dma_wait3A_84] : memref<2680x128xi32, #tpu.memory_space<hbm>> -> memref<64x128xi32, #tpu.memory_space<hbm>>
      %dma_wait3A_86 = arith.constant 0 : i32
      %dma_wait3A_87 = arith.constant 0 : i32
      %dma_wait3A_88 = tpu.memref_slice %arg7[%dma_wait3A_86, %dma_wait3A_87] : memref<128x128xi32, #tpu.memory_space<vmem>> -> memref<64x128xi32, #tpu.memory_space<vmem>>
      %dma_wait3A_89 = arith.constant 0 : i32
      %dma_wait3A_90 = tpu.memref_slice %arg3[%select_n3A_10, %dma_wait3A_89] : memref<2680x128xi32, #tpu.memory_space<hbm>> -> memref<64x128xi32, #tpu.memory_space<hbm>>
      tpu.wait_dma2 semaphore(%run_scoped3A : memref<!tpu.dma_semaphore, #tpu.memory_space<semaphore_mem>>) src(%dma_wait3A_90 : memref<64x128xi32, #tpu.memory_space<hbm>>) dst(%dma_wait3A_88 : memref<64x128xi32, #tpu.memory_space<vmem>>)
      tpu.yield
    }) : () -> ()
    %add3A_11 = arith.constant 64 : i32
    %add3A_12 = arith.addi %select_n3A_10, %add3A_11 : i32
    "tpu.region"() ({
      %run_scoped3A = tpu.sem_alloc : memref<!tpu.dma_semaphore, #tpu.memory_space<semaphore_mem>>
      %dma_start3A_71 = arith.constant 64 : i32
      %dma_start3A_72 = arith.constant 0 : i32
      %dma_start3A_73 = tpu.memref_slice %arg7[%dma_start3A_71, %dma_start3A_72] : memref<128x128xi32, #tpu.memory_space<vmem>> -> memref<64x128xi32, #tpu.memory_space<vmem>>
      %dma_start3A_74 = arith.constant 0 : i32
      %dma_start3A_75 = tpu.memref_slice %arg3[%add3A_12, %dma_start3A_74] : memref<2680x128xi32, #tpu.memory_space<hbm>> -> memref<64x128xi32, #tpu.memory_space<hbm>>
      %dma_start3A_76 = arith.constant 64 : i32
      %dma_start3A_77 = arith.constant 0 : i32
      %dma_start3A_78 = tpu.memref_slice %arg7[%dma_start3A_76, %dma_start3A_77] : memref<128x128xi32, #tpu.memory_space<vmem>> -> memref<64x128xi32, #tpu.memory_space<vmem>>
      %dma_start3A_79 = arith.constant 0 : i32
      %dma_start3A_80 = tpu.memref_slice %arg3[%add3A_12, %dma_start3A_79] : memref<2680x128xi32, #tpu.memory_space<hbm>> -> memref<64x128xi32, #tpu.memory_space<hbm>>
      tpu.enqueue_dma source(%dma_start3A_80 : memref<64x128xi32, #tpu.memory_space<hbm>>) target(%dma_start3A_78 : memref<64x128xi32, #tpu.memory_space<vmem>>) target_semaphore(%run_scoped3A : memref<!tpu.dma_semaphore, #tpu.memory_space<semaphore_mem>>)
      %dma_wait3A_81 = arith.constant 64 : i32
      %dma_wait3A_82 = arith.constant 0 : i32
      %dma_wait3A_83 = tpu.memref_slice %arg7[%dma_wait3A_81, %dma_wait3A_82] : memref<128x128xi32, #tpu.memory_space<vmem>> -> memref<64x128xi32, #tpu.memory_space<vmem>>
      %dma_wait3A_84 = arith.constant 0 : i32
      %dma_wait3A_85 = tpu.memref_slice %arg3[%add3A_12, %dma_wait3A_84] : memref<2680x128xi32, #tpu.memory_space<hbm>> -> memref<64x128xi32, #tpu.memory_space<hbm>>
      %dma_wait3A_86 = arith.constant 64 : i32
      %dma_wait3A_87 = arith.constant 0 : i32
      %dma_wait3A_88 = tpu.memref_slice %arg7[%dma_wait3A_86, %dma_wait3A_87] : memref<128x128xi32, #tpu.memory_space<vmem>> -> memref<64x128xi32, #tpu.memory_space<vmem>>
      %dma_wait3A_89 = arith.constant 0 : i32
      %dma_wait3A_90 = tpu.memref_slice %arg3[%add3A_12, %dma_wait3A_89] : memref<2680x128xi32, #tpu.memory_space<hbm>> -> memref<64x128xi32, #tpu.memory_space<hbm>>
      tpu.wait_dma2 semaphore(%run_scoped3A : memref<!tpu.dma_semaphore, #tpu.memory_space<semaphore_mem>>) src(%dma_wait3A_90 : memref<64x128xi32, #tpu.memory_space<hbm>>) dst(%dma_wait3A_88 : memref<64x128xi32, #tpu.memory_space<vmem>>)
      tpu.yield
    }) : () -> ()
    "tpu.region"() ({
      %run_scoped3A = tpu.sem_alloc : memref<!tpu.dma_semaphore, #tpu.memory_space<semaphore_mem>>
      %dma_start3A_71 = arith.constant 0 : i32
      %dma_start3A_72 = arith.constant 0 : i32
      %dma_start3A_73 = tpu.memref_slice %arg8[%dma_start3A_71, %dma_start3A_72] : memref<128x128xi32, #tpu.memory_space<vmem>> -> memref<64x128xi32, #tpu.memory_space<vmem>>
      %dma_start3A_74 = arith.constant 0 : i32
      %dma_start3A_75 = tpu.memref_slice %arg4[%select_n3A_10, %dma_start3A_74] : memref<2680x128xi32, #tpu.memory_space<hbm>> -> memref<64x128xi32, #tpu.memory_space<hbm>>
      %dma_start3A_76 = arith.constant 0 : i32
      %dma_start3A_77 = arith.constant 0 : i32
      %dma_start3A_78 = tpu.memref_slice %arg8[%dma_start3A_76, %dma_start3A_77] : memref<128x128xi32, #tpu.memory_space<vmem>> -> memref<64x128xi32, #tpu.memory_space<vmem>>
      %dma_start3A_79 = arith.constant 0 : i32
      %dma_start3A_80 = tpu.memref_slice %arg4[%select_n3A_10, %dma_start3A_79] : memref<2680x128xi32, #tpu.memory_space<hbm>> -> memref<64x128xi32, #tpu.memory_space<hbm>>
      tpu.enqueue_dma source(%dma_start3A_80 : memref<64x128xi32, #tpu.memory_space<hbm>>) target(%dma_start3A_78 : memref<64x128xi32, #tpu.memory_space<vmem>>) target_semaphore(%run_scoped3A : memref<!tpu.dma_semaphore, #tpu.memory_space<semaphore_mem>>)
      %dma_wait3A_81 = arith.constant 0 : i32
      %dma_wait3A_82 = arith.constant 0 : i32
      %dma_wait3A_83 = tpu.memref_slice %arg8[%dma_wait3A_81, %dma_wait3A_82] : memref<128x128xi32, #tpu.memory_space<vmem>> -> memref<64x128xi32, #tpu.memory_space<vmem>>
      %dma_wait3A_84 = arith.constant 0 : i32
      %dma_wait3A_85 = tpu.memref_slice %arg4[%select_n3A_10, %dma_wait3A_84] : memref<2680x128xi32, #tpu.memory_space<hbm>> -> memref<64x128xi32, #tpu.memory_space<hbm>>
      %dma_wait3A_86 = arith.constant 0 : i32
      %dma_wait3A_87 = arith.constant 0 : i32
      %dma_wait3A_88 = tpu.memref_slice %arg8[%dma_wait3A_86, %dma_wait3A_87] : memref<128x128xi32, #tpu.memory_space<vmem>> -> memref<64x128xi32, #tpu.memory_space<vmem>>
      %dma_wait3A_89 = arith.constant 0 : i32
      %dma_wait3A_90 = tpu.memref_slice %arg4[%select_n3A_10, %dma_wait3A_89] : memref<2680x128xi32, #tpu.memory_space<hbm>> -> memref<64x128xi32, #tpu.memory_space<hbm>>
      tpu.wait_dma2 semaphore(%run_scoped3A : memref<!tpu.dma_semaphore, #tpu.memory_space<semaphore_mem>>) src(%dma_wait3A_90 : memref<64x128xi32, #tpu.memory_space<hbm>>) dst(%dma_wait3A_88 : memref<64x128xi32, #tpu.memory_space<vmem>>)
      tpu.yield
    }) : () -> ()
    %add3A_13 = arith.constant 64 : i32
    %add3A_14 = arith.addi %select_n3A_10, %add3A_13 : i32
    "tpu.region"() ({
      %run_scoped3A = tpu.sem_alloc : memref<!tpu.dma_semaphore, #tpu.memory_space<semaphore_mem>>
      %dma_start3A_71 = arith.constant 64 : i32
      %dma_start3A_72 = arith.constant 0 : i32
      %dma_start3A_73 = tpu.memref_slice %arg8[%dma_start3A_71, %dma_start3A_72] : memref<128x128xi32, #tpu.memory_space<vmem>> -> memref<64x128xi32, #tpu.memory_space<vmem>>
      %dma_start3A_74 = arith.constant 0 : i32
      %dma_start3A_75 = tpu.memref_slice %arg4[%add3A_14, %dma_start3A_74] : memref<2680x128xi32, #tpu.memory_space<hbm>> -> memref<64x128xi32, #tpu.memory_space<hbm>>
      %dma_start3A_76 = arith.constant 64 : i32
      %dma_start3A_77 = arith.constant 0 : i32
      %dma_start3A_78 = tpu.memref_slice %arg8[%dma_start3A_76, %dma_start3A_77] : memref<128x128xi32, #tpu.memory_space<vmem>> -> memref<64x128xi32, #tpu.memory_space<vmem>>
      %dma_start3A_79 = arith.constant 0 : i32
      %dma_start3A_80 = tpu.memref_slice %arg4[%add3A_14, %dma_start3A_79] : memref<2680x128xi32, #tpu.memory_space<hbm>> -> memref<64x128xi32, #tpu.memory_space<hbm>>
      tpu.enqueue_dma source(%dma_start3A_80 : memref<64x128xi32, #tpu.memory_space<hbm>>) target(%dma_start3A_78 : memref<64x128xi32, #tpu.memory_space<vmem>>) target_semaphore(%run_scoped3A : memref<!tpu.dma_semaphore, #tpu.memory_space<semaphore_mem>>)
      %dma_wait3A_81 = arith.constant 64 : i32
      %dma_wait3A_82 = arith.constant 0 : i32
      %dma_wait3A_83 = tpu.memref_slice %arg8[%dma_wait3A_81, %dma_wait3A_82] : memref<128x128xi32, #tpu.memory_space<vmem>> -> memref<64x128xi32, #tpu.memory_space<vmem>>
      %dma_wait3A_84 = arith.constant 0 : i32
      %dma_wait3A_85 = tpu.memref_slice %arg4[%add3A_14, %dma_wait3A_84] : memref<2680x128xi32, #tpu.memory_space<hbm>> -> memref<64x128xi32, #tpu.memory_space<hbm>>
      %dma_wait3A_86 = arith.constant 64 : i32
      %dma_wait3A_87 = arith.constant 0 : i32
      %dma_wait3A_88 = tpu.memref_slice %arg8[%dma_wait3A_86, %dma_wait3A_87] : memref<128x128xi32, #tpu.memory_space<vmem>> -> memref<64x128xi32, #tpu.memory_space<vmem>>
      %dma_wait3A_89 = arith.constant 0 : i32
      %dma_wait3A_90 = tpu.memref_slice %arg4[%add3A_14, %dma_wait3A_89] : memref<2680x128xi32, #tpu.memory_space<hbm>> -> memref<64x128xi32, #tpu.memory_space<hbm>>
      tpu.wait_dma2 semaphore(%run_scoped3A : memref<!tpu.dma_semaphore, #tpu.memory_space<semaphore_mem>>) src(%dma_wait3A_90 : memref<64x128xi32, #tpu.memory_space<hbm>>) dst(%dma_wait3A_88 : memref<64x128xi32, #tpu.memory_space<vmem>>)
      tpu.yield
    }) : () -> ()
    %barrier3A = arith.constant 0 : index
    tpu.barrier barrier_id(%barrier3A)
    %dma_start3A = arith.constant 0 : i32
    %dma_start3A_15 = arith.constant 0 : i32
    %dma_start3A_16 = tpu.memref_slice %arg7[%dma_start3A, %dma_start3A_15] : memref<128x128xi32, #tpu.memory_space<vmem>> -> memref<1x128xi32, #tpu.memory_space<vmem>>
    %dma_start3A_17 = tpu.memref_squeeze %dma_start3A_16 : memref<1x128xi32, #tpu.memory_space<vmem>> -> memref<128xi32, #tpu.memory_space<vmem>>
    %dma_start3A_18 = arith.constant 0 : i32
    %dma_start3A_19 = arith.constant 0 : i32
    %dma_start3A_20 = tpu.memref_slice %arg2[%dma_start3A_18, %dma_start3A_19] : memref<20000x32xf32, #tpu.memory_space<hbm>> -> memref<20000x32xf32, #tpu.memory_space<hbm>>
    tpu.enqueue_indirect_dma source(%dma_start3A_20 : memref<20000x32xf32, #tpu.memory_space<hbm>>) target(%arg9 : memref<128x32xf32, #tpu.memory_space<vmem>>) offsets(%dma_start3A_17 : memref<128xi32, #tpu.memory_space<vmem>>) semaphore(%arg12 : memref<!tpu.dma_semaphore, #tpu.memory_space<semaphore_mem>>)
    %dma_start3A_21 = arith.constant 1 : i32
    %dma_start3A_22 = arith.constant 0 : i32
    %dma_start3A_23 = tpu.memref_slice %arg7[%dma_start3A_21, %dma_start3A_22] : memref<128x128xi32, #tpu.memory_space<vmem>> -> memref<1x128xi32, #tpu.memory_space<vmem>>
    %dma_start3A_24 = tpu.memref_squeeze %dma_start3A_23 : memref<1x128xi32, #tpu.memory_space<vmem>> -> memref<128xi32, #tpu.memory_space<vmem>>
    %dma_start3A_25 = arith.constant 0 : i32
    %dma_start3A_26 = arith.constant 0 : i32
    %dma_start3A_27 = tpu.memref_slice %arg2[%dma_start3A_25, %dma_start3A_26] : memref<20000x32xf32, #tpu.memory_space<hbm>> -> memref<20000x32xf32, #tpu.memory_space<hbm>>
    tpu.enqueue_indirect_dma source(%dma_start3A_27 : memref<20000x32xf32, #tpu.memory_space<hbm>>) target(%arg10 : memref<128x32xf32, #tpu.memory_space<vmem>>) offsets(%dma_start3A_24 : memref<128xi32, #tpu.memory_space<vmem>>) semaphore(%arg13 : memref<!tpu.dma_semaphore, #tpu.memory_space<semaphore_mem>>)
    %jit3A_28 = arith.constant 2 : i32
    %div3A = arith.divsi %select_n3A, %jit3A_28 : i32
    %sign3A = arith.constant 0 : i32
    %sign3A_29 = arith.cmpi sgt, %select_n3A, %sign3A : i32
    %sign3A_30 = arith.extui %sign3A_29 : i1 to i32
    %sign3A_31 = arith.constant 0 : i32
    %sign3A_32 = arith.cmpi slt, %select_n3A, %sign3A_31 : i32
    %sign3A_33 = arith.extui %sign3A_32 : i1 to i32
    %sign3A_34 = arith.subi %sign3A_30, %sign3A_33 : i32
    %sign3A_35 = arith.constant 0 : i32
    %sign3A_36 = arith.cmpi sgt, %jit3A_28, %sign3A_35 : i32
    %sign3A_37 = arith.extui %sign3A_36 : i1 to i32
    %sign3A_38 = arith.constant 0 : i32
    %sign3A_39 = arith.cmpi slt, %jit3A_28, %sign3A_38 : i32
    %sign3A_40 = arith.extui %sign3A_39 : i1 to i32
    %sign3A_41 = arith.subi %sign3A_37, %sign3A_40 : i32
    %ne3A = arith.cmpi ne, %sign3A_34, %sign3A_41 : i32
    %rem3A = arith.remsi %select_n3A, %jit3A_28 : i32
    %ne3A_42 = arith.constant 0 : i32
    %ne3A_43 = arith.cmpi ne, %rem3A, %ne3A_42 : i32
    %and3A = arith.andi %ne3A, %ne3A_43 : i1
    %sub3A = arith.constant 1 : i32
    %sub3A_44 = arith.subi %div3A, %sub3A : i32
    %select_n3A_45 = arith.select %and3A, %sub3A_44, %div3A : i32
    %while3A = arith.constant 0 : i32
    %while3A_46 = arith.constant 0 : i32
    %while3A_47 = arith.subi %select_n3A_45, %while3A_46 : i32
    %while3A_48 = arith.addi %while3A_46, %while3A_47 : i32
    %while3A_49 = arith.constant 1 : i32
    %while3A_50 = arith.divsi %while3A_47, %while3A_49 : i32
    %while3A_51 = arith.muli %while3A_50, %while3A_49 : i32
    %while3A_52 = arith.addi %while3A_46, %while3A_51 : i32
    %while3A_53 = arith.constant 1 : i32
    scf.for %while3A_71 = %while3A_46 to %while3A_52 step %while3A_53  : i32 {
      %mul3A_72 = arith.constant 2 : i32
      %mul3A_73 = arith.muli %while3A_71, %mul3A_72 : i32
      %dma_wait3A_74 = arith.constant 0 : i32
      %dma_wait3A_75 = arith.constant 0 : i32
      %dma_wait3A_76 = tpu.memref_slice %arg2[%dma_wait3A_74, %dma_wait3A_75] : memref<20000x32xf32, #tpu.memory_space<hbm>> -> memref<128x32xf32, #tpu.memory_space<hbm>>
      %dma_wait3A_77 = arith.constant 0 : i32
      %dma_wait3A_78 = arith.constant 0 : i32
      %dma_wait3A_79 = tpu.memref_slice %arg2[%dma_wait3A_77, %dma_wait3A_78] : memref<20000x32xf32, #tpu.memory_space<hbm>> -> memref<128x32xf32, #tpu.memory_space<hbm>>
      tpu.wait_dma2 semaphore(%arg12 : memref<!tpu.dma_semaphore, #tpu.memory_space<semaphore_mem>>) src(%dma_wait3A_79 : memref<128x32xf32, #tpu.memory_space<hbm>>) dst(%arg9 : memref<128x32xf32, #tpu.memory_space<vmem>>)
      "tpu.region"() ({
        %run_scoped3A = tpu.sem_alloc : memref<!tpu.dma_semaphore, #tpu.memory_space<semaphore_mem>>
        %dma_start3A_109 = arith.constant 0 : i32
        %dma_start3A_110 = tpu.memref_slice %arg8[%mul3A_73, %dma_start3A_109] : memref<128x128xi32, #tpu.memory_space<vmem>> -> memref<1x128xi32, #tpu.memory_space<vmem>>
        %dma_start3A_111 = tpu.memref_squeeze %dma_start3A_110 : memref<1x128xi32, #tpu.memory_space<vmem>> -> memref<128xi32, #tpu.memory_space<vmem>>
        %dma_start3A_112 = arith.constant 0 : i32
        %dma_start3A_113 = arith.constant 0 : i32
        %dma_start3A_114 = tpu.memref_slice %arg11[%dma_start3A_112, %dma_start3A_113] : memref<20096x32xf32, #tpu.memory_space<vmem_shared>> -> memref<20096x32xf32, #tpu.memory_space<vmem_shared>>
        tpu.enqueue_indirect_dma source(%arg9 : memref<128x32xf32, #tpu.memory_space<vmem>>) target(%dma_start3A_114 : memref<20096x32xf32, #tpu.memory_space<vmem_shared>>) offsets(%dma_start3A_111 : memref<128xi32, #tpu.memory_space<vmem>>) semaphore(%run_scoped3A : memref<!tpu.dma_semaphore, #tpu.memory_space<semaphore_mem>>) {add = true}
        %dma_wait3A_115 = arith.constant 0 : i32
        %dma_wait3A_116 = tpu.memref_slice %arg8[%mul3A_73, %dma_wait3A_115] : memref<128x128xi32, #tpu.memory_space<vmem>> -> memref<1x128xi32, #tpu.memory_space<vmem>>
        %dma_wait3A_117 = tpu.memref_squeeze %dma_wait3A_116 : memref<1x128xi32, #tpu.memory_space<vmem>> -> memref<128xi32, #tpu.memory_space<vmem>>
        %dma_wait3A_118 = arith.constant 0 : i32
        %dma_wait3A_119 = arith.constant 0 : i32
        %dma_wait3A_120 = tpu.memref_slice %arg11[%dma_wait3A_118, %dma_wait3A_119] : memref<20096x32xf32, #tpu.memory_space<vmem_shared>> -> memref<20096x32xf32, #tpu.memory_space<vmem_shared>>
        tpu.wait_indirect_dma semaphore(%run_scoped3A : memref<!tpu.dma_semaphore, #tpu.memory_space<semaphore_mem>>) src(%arg9 : memref<128x32xf32, #tpu.memory_space<vmem>>) dst(%dma_wait3A_120 : memref<20096x32xf32, #tpu.memory_space<vmem_shared>>)
        tpu.yield
      }) : () -> ()
      %add3A_80 = arith.constant 2 : i32
      %add3A_81 = arith.addi %mul3A_73, %add3A_80 : i32
      %sub3A_82 = arith.constant 1 : i32
      %sub3A_83 = arith.subi %select_n3A, %sub3A_82 : i32
      %min3A = arith.minsi %add3A_81, %sub3A_83 : i32
      %dma_start3A_84 = arith.constant 0 : i32
      %dma_start3A_85 = tpu.memref_slice %arg7[%min3A, %dma_start3A_84] : memref<128x128xi32, #tpu.memory_space<vmem>> -> memref<1x128xi32, #tpu.memory_space<vmem>>
      %dma_start3A_86 = tpu.memref_squeeze %dma_start3A_85 : memref<1x128xi32, #tpu.memory_space<vmem>> -> memref<128xi32, #tpu.memory_space<vmem>>
      %dma_start3A_87 = arith.constant 0 : i32
      %dma_start3A_88 = arith.constant 0 : i32
      %dma_start3A_89 = tpu.memref_slice %arg2[%dma_start3A_87, %dma_start3A_88] : memref<20000x32xf32, #tpu.memory_space<hbm>> -> memref<20000x32xf32, #tpu.memory_space<hbm>>
      tpu.enqueue_indirect_dma source(%dma_start3A_89 : memref<20000x32xf32, #tpu.memory_space<hbm>>) target(%arg9 : memref<128x32xf32, #tpu.memory_space<vmem>>) offsets(%dma_start3A_86 : memref<128xi32, #tpu.memory_space<vmem>>) semaphore(%arg12 : memref<!tpu.dma_semaphore, #tpu.memory_space<semaphore_mem>>)
      %dma_wait3A_90 = arith.constant 0 : i32
      %dma_wait3A_91 = arith.constant 0 : i32
      %dma_wait3A_92 = tpu.memref_slice %arg2[%dma_wait3A_90, %dma_wait3A_91] : memref<20000x32xf32, #tpu.memory_space<hbm>> -> memref<128x32xf32, #tpu.memory_space<hbm>>
      %dma_wait3A_93 = arith.constant 0 : i32
      %dma_wait3A_94 = arith.constant 0 : i32
      %dma_wait3A_95 = tpu.memref_slice %arg2[%dma_wait3A_93, %dma_wait3A_94] : memref<20000x32xf32, #tpu.memory_space<hbm>> -> memref<128x32xf32, #tpu.memory_space<hbm>>
      tpu.wait_dma2 semaphore(%arg13 : memref<!tpu.dma_semaphore, #tpu.memory_space<semaphore_mem>>) src(%dma_wait3A_95 : memref<128x32xf32, #tpu.memory_space<hbm>>) dst(%arg10 : memref<128x32xf32, #tpu.memory_space<vmem>>)
      %add3A_96 = arith.constant 1 : i32
      %add3A_97 = arith.addi %mul3A_73, %add3A_96 : i32
      "tpu.region"() ({
        %run_scoped3A = tpu.sem_alloc : memref<!tpu.dma_semaphore, #tpu.memory_space<semaphore_mem>>
        %dma_start3A_109 = arith.constant 0 : i32
        %dma_start3A_110 = tpu.memref_slice %arg8[%add3A_97, %dma_start3A_109] : memref<128x128xi32, #tpu.memory_space<vmem>> -> memref<1x128xi32, #tpu.memory_space<vmem>>
        %dma_start3A_111 = tpu.memref_squeeze %dma_start3A_110 : memref<1x128xi32, #tpu.memory_space<vmem>> -> memref<128xi32, #tpu.memory_space<vmem>>
        %dma_start3A_112 = arith.constant 0 : i32
        %dma_start3A_113 = arith.constant 0 : i32
        %dma_start3A_114 = tpu.memref_slice %arg11[%dma_start3A_112, %dma_start3A_113] : memref<20096x32xf32, #tpu.memory_space<vmem_shared>> -> memref<20096x32xf32, #tpu.memory_space<vmem_shared>>
        tpu.enqueue_indirect_dma source(%arg10 : memref<128x32xf32, #tpu.memory_space<vmem>>) target(%dma_start3A_114 : memref<20096x32xf32, #tpu.memory_space<vmem_shared>>) offsets(%dma_start3A_111 : memref<128xi32, #tpu.memory_space<vmem>>) semaphore(%run_scoped3A : memref<!tpu.dma_semaphore, #tpu.memory_space<semaphore_mem>>) {add = true}
        %dma_wait3A_115 = arith.constant 0 : i32
        %dma_wait3A_116 = tpu.memref_slice %arg8[%add3A_97, %dma_wait3A_115] : memref<128x128xi32, #tpu.memory_space<vmem>> -> memref<1x128xi32, #tpu.memory_space<vmem>>
        %dma_wait3A_117 = tpu.memref_squeeze %dma_wait3A_116 : memref<1x128xi32, #tpu.memory_space<vmem>> -> memref<128xi32, #tpu.memory_space<vmem>>
        %dma_wait3A_118 = arith.constant 0 : i32
        %dma_wait3A_119 = arith.constant 0 : i32
        %dma_wait3A_120 = tpu.memref_slice %arg11[%dma_wait3A_118, %dma_wait3A_119] : memref<20096x32xf32, #tpu.memory_space<vmem_shared>> -> memref<20096x32xf32, #tpu.memory_space<vmem_shared>>
        tpu.wait_indirect_dma semaphore(%run_scoped3A : memref<!tpu.dma_semaphore, #tpu.memory_space<semaphore_mem>>) src(%arg10 : memref<128x32xf32, #tpu.memory_space<vmem>>) dst(%dma_wait3A_120 : memref<20096x32xf32, #tpu.memory_space<vmem_shared>>)
        tpu.yield
      }) : () -> ()
      %add3A_98 = arith.constant 3 : i32
      %add3A_99 = arith.addi %mul3A_73, %add3A_98 : i32
      %sub3A_100 = arith.constant 1 : i32
      %sub3A_101 = arith.subi %select_n3A, %sub3A_100 : i32
      %min3A_102 = arith.minsi %add3A_99, %sub3A_101 : i32
      %dma_start3A_103 = arith.constant 0 : i32
      %dma_start3A_104 = tpu.memref_slice %arg7[%min3A_102, %dma_start3A_103] : memref<128x128xi32, #tpu.memory_space<vmem>> -> memref<1x128xi32, #tpu.memory_space<vmem>>
      %dma_start3A_105 = tpu.memref_squeeze %dma_start3A_104 : memref<1x128xi32, #tpu.memory_space<vmem>> -> memref<128xi32, #tpu.memory_space<vmem>>
      %dma_start3A_106 = arith.constant 0 : i32
      %dma_start3A_107 = arith.constant 0 : i32
      %dma_start3A_108 = tpu.memref_slice %arg2[%dma_start3A_106, %dma_start3A_107] : memref<20000x32xf32, #tpu.memory_space<hbm>> -> memref<20000x32xf32, #tpu.memory_space<hbm>>
      tpu.enqueue_indirect_dma source(%dma_start3A_108 : memref<20000x32xf32, #tpu.memory_space<hbm>>) target(%arg10 : memref<128x32xf32, #tpu.memory_space<vmem>>) offsets(%dma_start3A_105 : memref<128xi32, #tpu.memory_space<vmem>>) semaphore(%arg13 : memref<!tpu.dma_semaphore, #tpu.memory_space<semaphore_mem>>)
    }
    %while3A_54 = arith.constant 1 : i32
    scf.for %while3A_71 = %while3A_52 to %while3A_48 step %while3A_54  : i32 {
      %mul3A_72 = arith.constant 2 : i32
      %mul3A_73 = arith.muli %while3A_71, %mul3A_72 : i32
      %dma_wait3A_74 = arith.constant 0 : i32
      %dma_wait3A_75 = arith.constant 0 : i32
      %dma_wait3A_76 = tpu.memref_slice %arg2[%dma_wait3A_74, %dma_wait3A_75] : memref<20000x32xf32, #tpu.memory_space<hbm>> -> memref<128x32xf32, #tpu.memory_space<hbm>>
      %dma_wait3A_77 = arith.constant 0 : i32
      %dma_wait3A_78 = arith.constant 0 : i32
      %dma_wait3A_79 = tpu.memref_slice %arg2[%dma_wait3A_77, %dma_wait3A_78] : memref<20000x32xf32, #tpu.memory_space<hbm>> -> memref<128x32xf32, #tpu.memory_space<hbm>>
      tpu.wait_dma2 semaphore(%arg12 : memref<!tpu.dma_semaphore, #tpu.memory_space<semaphore_mem>>) src(%dma_wait3A_79 : memref<128x32xf32, #tpu.memory_space<hbm>>) dst(%arg9 : memref<128x32xf32, #tpu.memory_space<vmem>>)
      "tpu.region"() ({
        %run_scoped3A = tpu.sem_alloc : memref<!tpu.dma_semaphore, #tpu.memory_space<semaphore_mem>>
        %dma_start3A_109 = arith.constant 0 : i32
        %dma_start3A_110 = tpu.memref_slice %arg8[%mul3A_73, %dma_start3A_109] : memref<128x128xi32, #tpu.memory_space<vmem>> -> memref<1x128xi32, #tpu.memory_space<vmem>>
        %dma_start3A_111 = tpu.memref_squeeze %dma_start3A_110 : memref<1x128xi32, #tpu.memory_space<vmem>> -> memref<128xi32, #tpu.memory_space<vmem>>
        %dma_start3A_112 = arith.constant 0 : i32
        %dma_start3A_113 = arith.constant 0 : i32
        %dma_start3A_114 = tpu.memref_slice %arg11[%dma_start3A_112, %dma_start3A_113] : memref<20096x32xf32, #tpu.memory_space<vmem_shared>> -> memref<20096x32xf32, #tpu.memory_space<vmem_shared>>
        tpu.enqueue_indirect_dma source(%arg9 : memref<128x32xf32, #tpu.memory_space<vmem>>) target(%dma_start3A_114 : memref<20096x32xf32, #tpu.memory_space<vmem_shared>>) offsets(%dma_start3A_111 : memref<128xi32, #tpu.memory_space<vmem>>) semaphore(%run_scoped3A : memref<!tpu.dma_semaphore, #tpu.memory_space<semaphore_mem>>) {add = true}
        %dma_wait3A_115 = arith.constant 0 : i32
        %dma_wait3A_116 = tpu.memref_slice %arg8[%mul3A_73, %dma_wait3A_115] : memref<128x128xi32, #tpu.memory_space<vmem>> -> memref<1x128xi32, #tpu.memory_space<vmem>>
        %dma_wait3A_117 = tpu.memref_squeeze %dma_wait3A_116 : memref<1x128xi32, #tpu.memory_space<vmem>> -> memref<128xi32, #tpu.memory_space<vmem>>
        %dma_wait3A_118 = arith.constant 0 : i32
        %dma_wait3A_119 = arith.constant 0 : i32
        %dma_wait3A_120 = tpu.memref_slice %arg11[%dma_wait3A_118, %dma_wait3A_119] : memref<20096x32xf32, #tpu.memory_space<vmem_shared>> -> memref<20096x32xf32, #tpu.memory_space<vmem_shared>>
        tpu.wait_indirect_dma semaphore(%run_scoped3A : memref<!tpu.dma_semaphore, #tpu.memory_space<semaphore_mem>>) src(%arg9 : memref<128x32xf32, #tpu.memory_space<vmem>>) dst(%dma_wait3A_120 : memref<20096x32xf32, #tpu.memory_space<vmem_shared>>)
        tpu.yield
      }) : () -> ()
      %add3A_80 = arith.constant 2 : i32
      %add3A_81 = arith.addi %mul3A_73, %add3A_80 : i32
      %sub3A_82 = arith.constant 1 : i32
      %sub3A_83 = arith.subi %select_n3A, %sub3A_82 : i32
      %min3A = arith.minsi %add3A_81, %sub3A_83 : i32
      %dma_start3A_84 = arith.constant 0 : i32
      %dma_start3A_85 = tpu.memref_slice %arg7[%min3A, %dma_start3A_84] : memref<128x128xi32, #tpu.memory_space<vmem>> -> memref<1x128xi32, #tpu.memory_space<vmem>>
      %dma_start3A_86 = tpu.memref_squeeze %dma_start3A_85 : memref<1x128xi32, #tpu.memory_space<vmem>> -> memref<128xi32, #tpu.memory_space<vmem>>
      %dma_start3A_87 = arith.constant 0 : i32
      %dma_start3A_88 = arith.constant 0 : i32
      %dma_start3A_89 = tpu.memref_slice %arg2[%dma_start3A_87, %dma_start3A_88] : memref<20000x32xf32, #tpu.memory_space<hbm>> -> memref<20000x32xf32, #tpu.memory_space<hbm>>
      tpu.enqueue_indirect_dma source(%dma_start3A_89 : memref<20000x32xf32, #tpu.memory_space<hbm>>) target(%arg9 : memref<128x32xf32, #tpu.memory_space<vmem>>) offsets(%dma_start3A_86 : memref<128xi32, #tpu.memory_space<vmem>>) semaphore(%arg12 : memref<!tpu.dma_semaphore, #tpu.memory_space<semaphore_mem>>)
      %dma_wait3A_90 = arith.constant 0 : i32
      %dma_wait3A_91 = arith.constant 0 : i32
      %dma_wait3A_92 = tpu.memref_slice %arg2[%dma_wait3A_90, %dma_wait3A_91] : memref<20000x32xf32, #tpu.memory_space<hbm>> -> memref<128x32xf32, #tpu.memory_space<hbm>>
      %dma_wait3A_93 = arith.constant 0 : i32
      %dma_wait3A_94 = arith.constant 0 : i32
      %dma_wait3A_95 = tpu.memref_slice %arg2[%dma_wait3A_93, %dma_wait3A_94] : memref<20000x32xf32, #tpu.memory_space<hbm>> -> memref<128x32xf32, #tpu.memory_space<hbm>>
      tpu.wait_dma2 semaphore(%arg13 : memref<!tpu.dma_semaphore, #tpu.memory_space<semaphore_mem>>) src(%dma_wait3A_95 : memref<128x32xf32, #tpu.memory_space<hbm>>) dst(%arg10 : memref<128x32xf32, #tpu.memory_space<vmem>>)
      %add3A_96 = arith.constant 1 : i32
      %add3A_97 = arith.addi %mul3A_73, %add3A_96 : i32
      "tpu.region"() ({
        %run_scoped3A = tpu.sem_alloc : memref<!tpu.dma_semaphore, #tpu.memory_space<semaphore_mem>>
        %dma_start3A_109 = arith.constant 0 : i32
        %dma_start3A_110 = tpu.memref_slice %arg8[%add3A_97, %dma_start3A_109] : memref<128x128xi32, #tpu.memory_space<vmem>> -> memref<1x128xi32, #tpu.memory_space<vmem>>
        %dma_start3A_111 = tpu.memref_squeeze %dma_start3A_110 : memref<1x128xi32, #tpu.memory_space<vmem>> -> memref<128xi32, #tpu.memory_space<vmem>>
        %dma_start3A_112 = arith.constant 0 : i32
        %dma_start3A_113 = arith.constant 0 : i32
        %dma_start3A_114 = tpu.memref_slice %arg11[%dma_start3A_112, %dma_start3A_113] : memref<20096x32xf32, #tpu.memory_space<vmem_shared>> -> memref<20096x32xf32, #tpu.memory_space<vmem_shared>>
        tpu.enqueue_indirect_dma source(%arg10 : memref<128x32xf32, #tpu.memory_space<vmem>>) target(%dma_start3A_114 : memref<20096x32xf32, #tpu.memory_space<vmem_shared>>) offsets(%dma_start3A_111 : memref<128xi32, #tpu.memory_space<vmem>>) semaphore(%run_scoped3A : memref<!tpu.dma_semaphore, #tpu.memory_space<semaphore_mem>>) {add = true}
        %dma_wait3A_115 = arith.constant 0 : i32
        %dma_wait3A_116 = tpu.memref_slice %arg8[%add3A_97, %dma_wait3A_115] : memref<128x128xi32, #tpu.memory_space<vmem>> -> memref<1x128xi32, #tpu.memory_space<vmem>>
        %dma_wait3A_117 = tpu.memref_squeeze %dma_wait3A_116 : memref<1x128xi32, #tpu.memory_space<vmem>> -> memref<128xi32, #tpu.memory_space<vmem>>
        %dma_wait3A_118 = arith.constant 0 : i32
        %dma_wait3A_119 = arith.constant 0 : i32
        %dma_wait3A_120 = tpu.memref_slice %arg11[%dma_wait3A_118, %dma_wait3A_119] : memref<20096x32xf32, #tpu.memory_space<vmem_shared>> -> memref<20096x32xf32, #tpu.memory_space<vmem_shared>>
        tpu.wait_indirect_dma semaphore(%run_scoped3A : memref<!tpu.dma_semaphore, #tpu.memory_space<semaphore_mem>>) src(%arg10 : memref<128x32xf32, #tpu.memory_space<vmem>>) dst(%dma_wait3A_120 : memref<20096x32xf32, #tpu.memory_space<vmem_shared>>)
        tpu.yield
      }) : () -> ()
      %add3A_98 = arith.constant 3 : i32
      %add3A_99 = arith.addi %mul3A_73, %add3A_98 : i32
      %sub3A_100 = arith.constant 1 : i32
      %sub3A_101 = arith.subi %select_n3A, %sub3A_100 : i32
      %min3A_102 = arith.minsi %add3A_99, %sub3A_101 : i32
      %dma_start3A_103 = arith.constant 0 : i32
      %dma_start3A_104 = tpu.memref_slice %arg7[%min3A_102, %dma_start3A_103] : memref<128x128xi32, #tpu.memory_space<vmem>> -> memref<1x128xi32, #tpu.memory_space<vmem>>
      %dma_start3A_105 = tpu.memref_squeeze %dma_start3A_104 : memref<1x128xi32, #tpu.memory_space<vmem>> -> memref<128xi32, #tpu.memory_space<vmem>>
      %dma_start3A_106 = arith.constant 0 : i32
      %dma_start3A_107 = arith.constant 0 : i32
      %dma_start3A_108 = tpu.memref_slice %arg2[%dma_start3A_106, %dma_start3A_107] : memref<20000x32xf32, #tpu.memory_space<hbm>> -> memref<20000x32xf32, #tpu.memory_space<hbm>>
      tpu.enqueue_indirect_dma source(%dma_start3A_108 : memref<20000x32xf32, #tpu.memory_space<hbm>>) target(%arg10 : memref<128x32xf32, #tpu.memory_space<vmem>>) offsets(%dma_start3A_105 : memref<128xi32, #tpu.memory_space<vmem>>) semaphore(%arg13 : memref<!tpu.dma_semaphore, #tpu.memory_space<semaphore_mem>>)
    }
    %dma_wait3A = arith.constant 0 : i32
    %dma_wait3A_55 = arith.constant 0 : i32
    %dma_wait3A_56 = tpu.memref_slice %arg2[%dma_wait3A, %dma_wait3A_55] : memref<20000x32xf32, #tpu.memory_space<hbm>> -> memref<128x32xf32, #tpu.memory_space<hbm>>
    %dma_wait3A_57 = arith.constant 0 : i32
    %dma_wait3A_58 = arith.constant 0 : i32
    %dma_wait3A_59 = tpu.memref_slice %arg2[%dma_wait3A_57, %dma_wait3A_58] : memref<20000x32xf32, #tpu.memory_space<hbm>> -> memref<128x32xf32, #tpu.memory_space<hbm>>
    tpu.wait_dma2 semaphore(%arg12 : memref<!tpu.dma_semaphore, #tpu.memory_space<semaphore_mem>>) src(%dma_wait3A_59 : memref<128x32xf32, #tpu.memory_space<hbm>>) dst(%arg9 : memref<128x32xf32, #tpu.memory_space<vmem>>)
    %dma_wait3A_60 = arith.constant 0 : i32
    %dma_wait3A_61 = arith.constant 0 : i32
    %dma_wait3A_62 = tpu.memref_slice %arg2[%dma_wait3A_60, %dma_wait3A_61] : memref<20000x32xf32, #tpu.memory_space<hbm>> -> memref<128x32xf32, #tpu.memory_space<hbm>>
    %dma_wait3A_63 = arith.constant 0 : i32
    %dma_wait3A_64 = arith.constant 0 : i32
    %dma_wait3A_65 = tpu.memref_slice %arg2[%dma_wait3A_63, %dma_wait3A_64] : memref<20000x32xf32, #tpu.memory_space<hbm>> -> memref<128x32xf32, #tpu.memory_space<hbm>>
    tpu.wait_dma2 semaphore(%arg13 : memref<!tpu.dma_semaphore, #tpu.memory_space<semaphore_mem>>) src(%dma_wait3A_65 : memref<128x32xf32, #tpu.memory_space<hbm>>) dst(%arg10 : memref<128x32xf32, #tpu.memory_space<vmem>>)
    %barrier3A_66 = arith.constant 0 : index
    tpu.barrier barrier_id(%barrier3A_66)
    %mul3A_67 = arith.constant 1256 : i32
    %mul3A_68 = arith.muli %arg1, %mul3A_67 : i32
    %mul3A_69 = arith.constant 1256 : i32
    %mul3A_70 = arith.muli %arg1, %mul3A_69 : i32
    "tpu.region"() ({
      %run_scoped3A = tpu.sem_alloc : memref<!tpu.dma_semaphore, #tpu.memory_space<semaphore_mem>>
      %dma_start3A_71 = arith.constant 0 : i32
      %dma_start3A_72 = tpu.memref_slice %arg6[%arg0, %mul3A_70, %dma_start3A_71] : memref<2x20096x32xf32, #tpu.memory_space<hbm>> -> memref<1x1256x32xf32, #tpu.memory_space<hbm>>
      %dma_start3A_73 = tpu.memref_squeeze %dma_start3A_72 : memref<1x1256x32xf32, #tpu.memory_space<hbm>> -> memref<1256x32xf32, #tpu.memory_space<hbm>>
      %dma_start3A_74 = arith.constant 0 : i32
      %dma_start3A_75 = tpu.memref_slice %arg11[%mul3A_68, %dma_start3A_74] : memref<20096x32xf32, #tpu.memory_space<vmem_shared>> -> memref<1256x32xf32, #tpu.memory_space<vmem_shared>>
      tpu.enqueue_dma source(%dma_start3A_75 : memref<1256x32xf32, #tpu.memory_space<vmem_shared>>) target(%dma_start3A_73 : memref<1256x32xf32, #tpu.memory_space<hbm>>) target_semaphore(%run_scoped3A : memref<!tpu.dma_semaphore, #tpu.memory_space<semaphore_mem>>)
      %dma_wait3A_76 = arith.constant 0 : i32
      %dma_wait3A_77 = tpu.memref_slice %arg6[%arg0, %mul3A_70, %dma_wait3A_76] : memref<2x20096x32xf32, #tpu.memory_space<hbm>> -> memref<1x1256x32xf32, #tpu.memory_space<hbm>>
      %dma_wait3A_78 = tpu.memref_squeeze %dma_wait3A_77 : memref<1x1256x32xf32, #tpu.memory_space<hbm>> -> memref<1256x32xf32, #tpu.memory_space<hbm>>
      %dma_wait3A_79 = arith.constant 0 : i32
      %dma_wait3A_80 = tpu.memref_slice %arg11[%mul3A_68, %dma_wait3A_79] : memref<20096x32xf32, #tpu.memory_space<vmem_shared>> -> memref<1256x32xf32, #tpu.memory_space<vmem_shared>>
      tpu.wait_dma2 semaphore(%run_scoped3A : memref<!tpu.dma_semaphore, #tpu.memory_space<semaphore_mem>>) src(%dma_wait3A_80 : memref<1256x32xf32, #tpu.memory_space<vmem_shared>>) dst(%dma_wait3A_78 : memref<1256x32xf32, #tpu.memory_space<hbm>>)
      tpu.yield
    }) : () -> ()
    return
  }
}

#map = affine_map<(d0, d1) -> (0, 0)>
#map1 = affine_map<(d0, d1) -> (0, 0, 0)>
module attributes {stable_mosaic.version = 14 : i64} {
  func.func @k(%arg0: i32, %arg1: i32, %arg2: memref<10000x32xf32, #tpu.memory_space<hbm>>, %arg3: memref<2680x128xi32, #tpu.memory_space<hbm>>, %arg4: memref<2680x128xi32, #tpu.memory_space<hbm>>, %arg5: memref<632x32xf32, #tpu.memory_space<hbm>>, %arg6: memref<2x10112x32xf32, #tpu.memory_space<hbm>>, %arg7: memref<120x128xi32, #tpu.memory_space<vmem>>, %arg8: memref<120x128xi32, #tpu.memory_space<vmem>>, %arg9: memref<128x32xf32, #tpu.memory_space<vmem>>, %arg10: memref<128x32xf32, #tpu.memory_space<vmem>>, %arg11: memref<10112x32xf32, #tpu.memory_space<vmem_shared>>, %arg12: memref<!tpu.dma_semaphore, #tpu.memory_space<semaphore_mem>>, %arg13: memref<!tpu.dma_semaphore, #tpu.memory_space<semaphore_mem>>) attributes {dimension_semantics = [#tpu.dimension_semantics<core_parallel>, #tpu.dimension_semantics<subcore_parallel>], iteration_bounds = array<i64: 2, 16>, scalar_prefetch = 0 : i64, scratch_operands = 7 : i64, tpu.core_type = #tpu.core_type<sc_vector_subcore>, window_params = [{transform_indices = #map}, {transform_indices = #map}, {transform_indices = #map}, {transform_indices = #map}, {transform_indices = #map1}]} {
    %mul3A = arith.constant 632 : i32
    %mul3A_0 = arith.muli %arg1, %mul3A : i32
    "tpu.region"() ({
      %run_scoped3A = tpu.sem_alloc : memref<!tpu.dma_semaphore, #tpu.memory_space<semaphore_mem>>
      %dma_start3A_71 = arith.constant 0 : i32
      %dma_start3A_72 = tpu.memref_slice %arg11[%mul3A_0, %dma_start3A_71] : memref<10112x32xf32, #tpu.memory_space<vmem_shared>> -> memref<632x32xf32, #tpu.memory_space<vmem_shared>>
      tpu.enqueue_dma source(%arg5 : memref<632x32xf32, #tpu.memory_space<hbm>>) target(%dma_start3A_72 : memref<632x32xf32, #tpu.memory_space<vmem_shared>>) target_semaphore(%run_scoped3A : memref<!tpu.dma_semaphore, #tpu.memory_space<semaphore_mem>>)
      %dma_wait3A_73 = arith.constant 0 : i32
      %dma_wait3A_74 = tpu.memref_slice %arg11[%mul3A_0, %dma_wait3A_73] : memref<10112x32xf32, #tpu.memory_space<vmem_shared>> -> memref<632x32xf32, #tpu.memory_space<vmem_shared>>
      tpu.wait_dma2 semaphore(%run_scoped3A : memref<!tpu.dma_semaphore, #tpu.memory_space<semaphore_mem>>) src(%arg5 : memref<632x32xf32, #tpu.memory_space<hbm>>) dst(%dma_wait3A_74 : memref<632x32xf32, #tpu.memory_space<vmem_shared>>)
      tpu.yield
    }) : () -> ()
    %eq3A = arith.constant 0 : i32
    %eq3A_1 = arith.cmpi eq, %arg0, %eq3A : i32
    %jit3A = arith.constant 120 : i32
    %jit3A_2 = arith.constant 40 : i32
    %select_n3A = arith.select %eq3A_1, %jit3A, %jit3A_2 : i32
    %eq3A_3 = arith.constant 0 : i32
    %eq3A_4 = arith.cmpi eq, %arg0, %eq3A_3 : i32
    %mul3A_5 = arith.constant 120 : i32
    %mul3A_6 = arith.muli %arg1, %mul3A_5 : i32
    %mul3A_7 = arith.constant 40 : i32
    %mul3A_8 = arith.muli %arg1, %mul3A_7 : i32
    %add3A = arith.constant 1920 : i32
    %add3A_9 = arith.addi %add3A, %mul3A_8 : i32
    %select_n3A_10 = arith.select %eq3A_4, %mul3A_6, %add3A_9 : i32
    "tpu.region"() ({
      %run_scoped3A = tpu.sem_alloc : memref<!tpu.dma_semaphore, #tpu.memory_space<semaphore_mem>>
      %dma_start3A_71 = arith.constant 0 : i32
      %dma_start3A_72 = arith.constant 0 : i32
      %dma_start3A_73 = tpu.memref_slice %arg7[%dma_start3A_71, %dma_start3A_72] : memref<120x128xi32, #tpu.memory_space<vmem>> -> memref<60x128xi32, #tpu.memory_space<vmem>>
      %dma_start3A_74 = arith.constant 0 : i32
      %dma_start3A_75 = tpu.memref_slice %arg3[%select_n3A_10, %dma_start3A_74] : memref<2680x128xi32, #tpu.memory_space<hbm>> -> memref<60x128xi32, #tpu.memory_space<hbm>>
      %dma_start3A_76 = arith.constant 0 : i32
      %dma_start3A_77 = arith.constant 0 : i32
      %dma_start3A_78 = tpu.memref_slice %arg7[%dma_start3A_76, %dma_start3A_77] : memref<120x128xi32, #tpu.memory_space<vmem>> -> memref<60x128xi32, #tpu.memory_space<vmem>>
      %dma_start3A_79 = arith.constant 0 : i32
      %dma_start3A_80 = tpu.memref_slice %arg3[%select_n3A_10, %dma_start3A_79] : memref<2680x128xi32, #tpu.memory_space<hbm>> -> memref<60x128xi32, #tpu.memory_space<hbm>>
      tpu.enqueue_dma source(%dma_start3A_80 : memref<60x128xi32, #tpu.memory_space<hbm>>) target(%dma_start3A_78 : memref<60x128xi32, #tpu.memory_space<vmem>>) target_semaphore(%run_scoped3A : memref<!tpu.dma_semaphore, #tpu.memory_space<semaphore_mem>>)
      %dma_wait3A_81 = arith.constant 0 : i32
      %dma_wait3A_82 = arith.constant 0 : i32
      %dma_wait3A_83 = tpu.memref_slice %arg7[%dma_wait3A_81, %dma_wait3A_82] : memref<120x128xi32, #tpu.memory_space<vmem>> -> memref<60x128xi32, #tpu.memory_space<vmem>>
      %dma_wait3A_84 = arith.constant 0 : i32
      %dma_wait3A_85 = tpu.memref_slice %arg3[%select_n3A_10, %dma_wait3A_84] : memref<2680x128xi32, #tpu.memory_space<hbm>> -> memref<60x128xi32, #tpu.memory_space<hbm>>
      %dma_wait3A_86 = arith.constant 0 : i32
      %dma_wait3A_87 = arith.constant 0 : i32
      %dma_wait3A_88 = tpu.memref_slice %arg7[%dma_wait3A_86, %dma_wait3A_87] : memref<120x128xi32, #tpu.memory_space<vmem>> -> memref<60x128xi32, #tpu.memory_space<vmem>>
      %dma_wait3A_89 = arith.constant 0 : i32
      %dma_wait3A_90 = tpu.memref_slice %arg3[%select_n3A_10, %dma_wait3A_89] : memref<2680x128xi32, #tpu.memory_space<hbm>> -> memref<60x128xi32, #tpu.memory_space<hbm>>
      tpu.wait_dma2 semaphore(%run_scoped3A : memref<!tpu.dma_semaphore, #tpu.memory_space<semaphore_mem>>) src(%dma_wait3A_90 : memref<60x128xi32, #tpu.memory_space<hbm>>) dst(%dma_wait3A_88 : memref<60x128xi32, #tpu.memory_space<vmem>>)
      tpu.yield
    }) : () -> ()
    %add3A_11 = arith.constant 60 : i32
    %add3A_12 = arith.addi %select_n3A_10, %add3A_11 : i32
    "tpu.region"() ({
      %run_scoped3A = tpu.sem_alloc : memref<!tpu.dma_semaphore, #tpu.memory_space<semaphore_mem>>
      %dma_start3A_71 = arith.constant 60 : i32
      %dma_start3A_72 = arith.constant 0 : i32
      %dma_start3A_73 = tpu.memref_slice %arg7[%dma_start3A_71, %dma_start3A_72] : memref<120x128xi32, #tpu.memory_space<vmem>> -> memref<60x128xi32, #tpu.memory_space<vmem>>
      %dma_start3A_74 = arith.constant 0 : i32
      %dma_start3A_75 = tpu.memref_slice %arg3[%add3A_12, %dma_start3A_74] : memref<2680x128xi32, #tpu.memory_space<hbm>> -> memref<60x128xi32, #tpu.memory_space<hbm>>
      %dma_start3A_76 = arith.constant 60 : i32
      %dma_start3A_77 = arith.constant 0 : i32
      %dma_start3A_78 = tpu.memref_slice %arg7[%dma_start3A_76, %dma_start3A_77] : memref<120x128xi32, #tpu.memory_space<vmem>> -> memref<60x128xi32, #tpu.memory_space<vmem>>
      %dma_start3A_79 = arith.constant 0 : i32
      %dma_start3A_80 = tpu.memref_slice %arg3[%add3A_12, %dma_start3A_79] : memref<2680x128xi32, #tpu.memory_space<hbm>> -> memref<60x128xi32, #tpu.memory_space<hbm>>
      tpu.enqueue_dma source(%dma_start3A_80 : memref<60x128xi32, #tpu.memory_space<hbm>>) target(%dma_start3A_78 : memref<60x128xi32, #tpu.memory_space<vmem>>) target_semaphore(%run_scoped3A : memref<!tpu.dma_semaphore, #tpu.memory_space<semaphore_mem>>)
      %dma_wait3A_81 = arith.constant 60 : i32
      %dma_wait3A_82 = arith.constant 0 : i32
      %dma_wait3A_83 = tpu.memref_slice %arg7[%dma_wait3A_81, %dma_wait3A_82] : memref<120x128xi32, #tpu.memory_space<vmem>> -> memref<60x128xi32, #tpu.memory_space<vmem>>
      %dma_wait3A_84 = arith.constant 0 : i32
      %dma_wait3A_85 = tpu.memref_slice %arg3[%add3A_12, %dma_wait3A_84] : memref<2680x128xi32, #tpu.memory_space<hbm>> -> memref<60x128xi32, #tpu.memory_space<hbm>>
      %dma_wait3A_86 = arith.constant 60 : i32
      %dma_wait3A_87 = arith.constant 0 : i32
      %dma_wait3A_88 = tpu.memref_slice %arg7[%dma_wait3A_86, %dma_wait3A_87] : memref<120x128xi32, #tpu.memory_space<vmem>> -> memref<60x128xi32, #tpu.memory_space<vmem>>
      %dma_wait3A_89 = arith.constant 0 : i32
      %dma_wait3A_90 = tpu.memref_slice %arg3[%add3A_12, %dma_wait3A_89] : memref<2680x128xi32, #tpu.memory_space<hbm>> -> memref<60x128xi32, #tpu.memory_space<hbm>>
      tpu.wait_dma2 semaphore(%run_scoped3A : memref<!tpu.dma_semaphore, #tpu.memory_space<semaphore_mem>>) src(%dma_wait3A_90 : memref<60x128xi32, #tpu.memory_space<hbm>>) dst(%dma_wait3A_88 : memref<60x128xi32, #tpu.memory_space<vmem>>)
      tpu.yield
    }) : () -> ()
    "tpu.region"() ({
      %run_scoped3A = tpu.sem_alloc : memref<!tpu.dma_semaphore, #tpu.memory_space<semaphore_mem>>
      %dma_start3A_71 = arith.constant 0 : i32
      %dma_start3A_72 = arith.constant 0 : i32
      %dma_start3A_73 = tpu.memref_slice %arg8[%dma_start3A_71, %dma_start3A_72] : memref<120x128xi32, #tpu.memory_space<vmem>> -> memref<60x128xi32, #tpu.memory_space<vmem>>
      %dma_start3A_74 = arith.constant 0 : i32
      %dma_start3A_75 = tpu.memref_slice %arg4[%select_n3A_10, %dma_start3A_74] : memref<2680x128xi32, #tpu.memory_space<hbm>> -> memref<60x128xi32, #tpu.memory_space<hbm>>
      %dma_start3A_76 = arith.constant 0 : i32
      %dma_start3A_77 = arith.constant 0 : i32
      %dma_start3A_78 = tpu.memref_slice %arg8[%dma_start3A_76, %dma_start3A_77] : memref<120x128xi32, #tpu.memory_space<vmem>> -> memref<60x128xi32, #tpu.memory_space<vmem>>
      %dma_start3A_79 = arith.constant 0 : i32
      %dma_start3A_80 = tpu.memref_slice %arg4[%select_n3A_10, %dma_start3A_79] : memref<2680x128xi32, #tpu.memory_space<hbm>> -> memref<60x128xi32, #tpu.memory_space<hbm>>
      tpu.enqueue_dma source(%dma_start3A_80 : memref<60x128xi32, #tpu.memory_space<hbm>>) target(%dma_start3A_78 : memref<60x128xi32, #tpu.memory_space<vmem>>) target_semaphore(%run_scoped3A : memref<!tpu.dma_semaphore, #tpu.memory_space<semaphore_mem>>)
      %dma_wait3A_81 = arith.constant 0 : i32
      %dma_wait3A_82 = arith.constant 0 : i32
      %dma_wait3A_83 = tpu.memref_slice %arg8[%dma_wait3A_81, %dma_wait3A_82] : memref<120x128xi32, #tpu.memory_space<vmem>> -> memref<60x128xi32, #tpu.memory_space<vmem>>
      %dma_wait3A_84 = arith.constant 0 : i32
      %dma_wait3A_85 = tpu.memref_slice %arg4[%select_n3A_10, %dma_wait3A_84] : memref<2680x128xi32, #tpu.memory_space<hbm>> -> memref<60x128xi32, #tpu.memory_space<hbm>>
      %dma_wait3A_86 = arith.constant 0 : i32
      %dma_wait3A_87 = arith.constant 0 : i32
      %dma_wait3A_88 = tpu.memref_slice %arg8[%dma_wait3A_86, %dma_wait3A_87] : memref<120x128xi32, #tpu.memory_space<vmem>> -> memref<60x128xi32, #tpu.memory_space<vmem>>
      %dma_wait3A_89 = arith.constant 0 : i32
      %dma_wait3A_90 = tpu.memref_slice %arg4[%select_n3A_10, %dma_wait3A_89] : memref<2680x128xi32, #tpu.memory_space<hbm>> -> memref<60x128xi32, #tpu.memory_space<hbm>>
      tpu.wait_dma2 semaphore(%run_scoped3A : memref<!tpu.dma_semaphore, #tpu.memory_space<semaphore_mem>>) src(%dma_wait3A_90 : memref<60x128xi32, #tpu.memory_space<hbm>>) dst(%dma_wait3A_88 : memref<60x128xi32, #tpu.memory_space<vmem>>)
      tpu.yield
    }) : () -> ()
    %add3A_13 = arith.constant 60 : i32
    %add3A_14 = arith.addi %select_n3A_10, %add3A_13 : i32
    "tpu.region"() ({
      %run_scoped3A = tpu.sem_alloc : memref<!tpu.dma_semaphore, #tpu.memory_space<semaphore_mem>>
      %dma_start3A_71 = arith.constant 60 : i32
      %dma_start3A_72 = arith.constant 0 : i32
      %dma_start3A_73 = tpu.memref_slice %arg8[%dma_start3A_71, %dma_start3A_72] : memref<120x128xi32, #tpu.memory_space<vmem>> -> memref<60x128xi32, #tpu.memory_space<vmem>>
      %dma_start3A_74 = arith.constant 0 : i32
      %dma_start3A_75 = tpu.memref_slice %arg4[%add3A_14, %dma_start3A_74] : memref<2680x128xi32, #tpu.memory_space<hbm>> -> memref<60x128xi32, #tpu.memory_space<hbm>>
      %dma_start3A_76 = arith.constant 60 : i32
      %dma_start3A_77 = arith.constant 0 : i32
      %dma_start3A_78 = tpu.memref_slice %arg8[%dma_start3A_76, %dma_start3A_77] : memref<120x128xi32, #tpu.memory_space<vmem>> -> memref<60x128xi32, #tpu.memory_space<vmem>>
      %dma_start3A_79 = arith.constant 0 : i32
      %dma_start3A_80 = tpu.memref_slice %arg4[%add3A_14, %dma_start3A_79] : memref<2680x128xi32, #tpu.memory_space<hbm>> -> memref<60x128xi32, #tpu.memory_space<hbm>>
      tpu.enqueue_dma source(%dma_start3A_80 : memref<60x128xi32, #tpu.memory_space<hbm>>) target(%dma_start3A_78 : memref<60x128xi32, #tpu.memory_space<vmem>>) target_semaphore(%run_scoped3A : memref<!tpu.dma_semaphore, #tpu.memory_space<semaphore_mem>>)
      %dma_wait3A_81 = arith.constant 60 : i32
      %dma_wait3A_82 = arith.constant 0 : i32
      %dma_wait3A_83 = tpu.memref_slice %arg8[%dma_wait3A_81, %dma_wait3A_82] : memref<120x128xi32, #tpu.memory_space<vmem>> -> memref<60x128xi32, #tpu.memory_space<vmem>>
      %dma_wait3A_84 = arith.constant 0 : i32
      %dma_wait3A_85 = tpu.memref_slice %arg4[%add3A_14, %dma_wait3A_84] : memref<2680x128xi32, #tpu.memory_space<hbm>> -> memref<60x128xi32, #tpu.memory_space<hbm>>
      %dma_wait3A_86 = arith.constant 60 : i32
      %dma_wait3A_87 = arith.constant 0 : i32
      %dma_wait3A_88 = tpu.memref_slice %arg8[%dma_wait3A_86, %dma_wait3A_87] : memref<120x128xi32, #tpu.memory_space<vmem>> -> memref<60x128xi32, #tpu.memory_space<vmem>>
      %dma_wait3A_89 = arith.constant 0 : i32
      %dma_wait3A_90 = tpu.memref_slice %arg4[%add3A_14, %dma_wait3A_89] : memref<2680x128xi32, #tpu.memory_space<hbm>> -> memref<60x128xi32, #tpu.memory_space<hbm>>
      tpu.wait_dma2 semaphore(%run_scoped3A : memref<!tpu.dma_semaphore, #tpu.memory_space<semaphore_mem>>) src(%dma_wait3A_90 : memref<60x128xi32, #tpu.memory_space<hbm>>) dst(%dma_wait3A_88 : memref<60x128xi32, #tpu.memory_space<vmem>>)
      tpu.yield
    }) : () -> ()
    %barrier3A = arith.constant 0 : index
    tpu.barrier barrier_id(%barrier3A)
    %dma_start3A = arith.constant 0 : i32
    %dma_start3A_15 = arith.constant 0 : i32
    %dma_start3A_16 = tpu.memref_slice %arg7[%dma_start3A, %dma_start3A_15] : memref<120x128xi32, #tpu.memory_space<vmem>> -> memref<1x128xi32, #tpu.memory_space<vmem>>
    %dma_start3A_17 = tpu.memref_squeeze %dma_start3A_16 : memref<1x128xi32, #tpu.memory_space<vmem>> -> memref<128xi32, #tpu.memory_space<vmem>>
    %dma_start3A_18 = arith.constant 0 : i32
    %dma_start3A_19 = arith.constant 0 : i32
    %dma_start3A_20 = tpu.memref_slice %arg2[%dma_start3A_18, %dma_start3A_19] : memref<10000x32xf32, #tpu.memory_space<hbm>> -> memref<10000x32xf32, #tpu.memory_space<hbm>>
    tpu.enqueue_indirect_dma source(%dma_start3A_20 : memref<10000x32xf32, #tpu.memory_space<hbm>>) target(%arg9 : memref<128x32xf32, #tpu.memory_space<vmem>>) offsets(%dma_start3A_17 : memref<128xi32, #tpu.memory_space<vmem>>) semaphore(%arg12 : memref<!tpu.dma_semaphore, #tpu.memory_space<semaphore_mem>>)
    %dma_start3A_21 = arith.constant 1 : i32
    %dma_start3A_22 = arith.constant 0 : i32
    %dma_start3A_23 = tpu.memref_slice %arg7[%dma_start3A_21, %dma_start3A_22] : memref<120x128xi32, #tpu.memory_space<vmem>> -> memref<1x128xi32, #tpu.memory_space<vmem>>
    %dma_start3A_24 = tpu.memref_squeeze %dma_start3A_23 : memref<1x128xi32, #tpu.memory_space<vmem>> -> memref<128xi32, #tpu.memory_space<vmem>>
    %dma_start3A_25 = arith.constant 0 : i32
    %dma_start3A_26 = arith.constant 0 : i32
    %dma_start3A_27 = tpu.memref_slice %arg2[%dma_start3A_25, %dma_start3A_26] : memref<10000x32xf32, #tpu.memory_space<hbm>> -> memref<10000x32xf32, #tpu.memory_space<hbm>>
    tpu.enqueue_indirect_dma source(%dma_start3A_27 : memref<10000x32xf32, #tpu.memory_space<hbm>>) target(%arg10 : memref<128x32xf32, #tpu.memory_space<vmem>>) offsets(%dma_start3A_24 : memref<128xi32, #tpu.memory_space<vmem>>) semaphore(%arg13 : memref<!tpu.dma_semaphore, #tpu.memory_space<semaphore_mem>>)
    %jit3A_28 = arith.constant 2 : i32
    %div3A = arith.divsi %select_n3A, %jit3A_28 : i32
    %sign3A = arith.constant 0 : i32
    %sign3A_29 = arith.cmpi sgt, %select_n3A, %sign3A : i32
    %sign3A_30 = arith.extui %sign3A_29 : i1 to i32
    %sign3A_31 = arith.constant 0 : i32
    %sign3A_32 = arith.cmpi slt, %select_n3A, %sign3A_31 : i32
    %sign3A_33 = arith.extui %sign3A_32 : i1 to i32
    %sign3A_34 = arith.subi %sign3A_30, %sign3A_33 : i32
    %sign3A_35 = arith.constant 0 : i32
    %sign3A_36 = arith.cmpi sgt, %jit3A_28, %sign3A_35 : i32
    %sign3A_37 = arith.extui %sign3A_36 : i1 to i32
    %sign3A_38 = arith.constant 0 : i32
    %sign3A_39 = arith.cmpi slt, %jit3A_28, %sign3A_38 : i32
    %sign3A_40 = arith.extui %sign3A_39 : i1 to i32
    %sign3A_41 = arith.subi %sign3A_37, %sign3A_40 : i32
    %ne3A = arith.cmpi ne, %sign3A_34, %sign3A_41 : i32
    %rem3A = arith.remsi %select_n3A, %jit3A_28 : i32
    %ne3A_42 = arith.constant 0 : i32
    %ne3A_43 = arith.cmpi ne, %rem3A, %ne3A_42 : i32
    %and3A = arith.andi %ne3A, %ne3A_43 : i1
    %sub3A = arith.constant 1 : i32
    %sub3A_44 = arith.subi %div3A, %sub3A : i32
    %select_n3A_45 = arith.select %and3A, %sub3A_44, %div3A : i32
    %while3A = arith.constant 0 : i32
    %while3A_46 = arith.constant 0 : i32
    %while3A_47 = arith.subi %select_n3A_45, %while3A_46 : i32
    %while3A_48 = arith.addi %while3A_46, %while3A_47 : i32
    %while3A_49 = arith.constant 1 : i32
    %while3A_50 = arith.divsi %while3A_47, %while3A_49 : i32
    %while3A_51 = arith.muli %while3A_50, %while3A_49 : i32
    %while3A_52 = arith.addi %while3A_46, %while3A_51 : i32
    %while3A_53 = arith.constant 1 : i32
    scf.for %while3A_71 = %while3A_46 to %while3A_52 step %while3A_53  : i32 {
      %mul3A_72 = arith.constant 2 : i32
      %mul3A_73 = arith.muli %while3A_71, %mul3A_72 : i32
      %dma_wait3A_74 = arith.constant 0 : i32
      %dma_wait3A_75 = arith.constant 0 : i32
      %dma_wait3A_76 = tpu.memref_slice %arg2[%dma_wait3A_74, %dma_wait3A_75] : memref<10000x32xf32, #tpu.memory_space<hbm>> -> memref<128x32xf32, #tpu.memory_space<hbm>>
      %dma_wait3A_77 = arith.constant 0 : i32
      %dma_wait3A_78 = arith.constant 0 : i32
      %dma_wait3A_79 = tpu.memref_slice %arg2[%dma_wait3A_77, %dma_wait3A_78] : memref<10000x32xf32, #tpu.memory_space<hbm>> -> memref<128x32xf32, #tpu.memory_space<hbm>>
      tpu.wait_dma2 semaphore(%arg12 : memref<!tpu.dma_semaphore, #tpu.memory_space<semaphore_mem>>) src(%dma_wait3A_79 : memref<128x32xf32, #tpu.memory_space<hbm>>) dst(%arg9 : memref<128x32xf32, #tpu.memory_space<vmem>>)
      "tpu.region"() ({
        %run_scoped3A = tpu.sem_alloc : memref<!tpu.dma_semaphore, #tpu.memory_space<semaphore_mem>>
        %dma_start3A_109 = arith.constant 0 : i32
        %dma_start3A_110 = tpu.memref_slice %arg8[%mul3A_73, %dma_start3A_109] : memref<120x128xi32, #tpu.memory_space<vmem>> -> memref<1x128xi32, #tpu.memory_space<vmem>>
        %dma_start3A_111 = tpu.memref_squeeze %dma_start3A_110 : memref<1x128xi32, #tpu.memory_space<vmem>> -> memref<128xi32, #tpu.memory_space<vmem>>
        %dma_start3A_112 = arith.constant 0 : i32
        %dma_start3A_113 = arith.constant 0 : i32
        %dma_start3A_114 = tpu.memref_slice %arg11[%dma_start3A_112, %dma_start3A_113] : memref<10112x32xf32, #tpu.memory_space<vmem_shared>> -> memref<10112x32xf32, #tpu.memory_space<vmem_shared>>
        tpu.enqueue_indirect_dma source(%arg9 : memref<128x32xf32, #tpu.memory_space<vmem>>) target(%dma_start3A_114 : memref<10112x32xf32, #tpu.memory_space<vmem_shared>>) offsets(%dma_start3A_111 : memref<128xi32, #tpu.memory_space<vmem>>) semaphore(%run_scoped3A : memref<!tpu.dma_semaphore, #tpu.memory_space<semaphore_mem>>) {add = true}
        %dma_wait3A_115 = arith.constant 0 : i32
        %dma_wait3A_116 = tpu.memref_slice %arg8[%mul3A_73, %dma_wait3A_115] : memref<120x128xi32, #tpu.memory_space<vmem>> -> memref<1x128xi32, #tpu.memory_space<vmem>>
        %dma_wait3A_117 = tpu.memref_squeeze %dma_wait3A_116 : memref<1x128xi32, #tpu.memory_space<vmem>> -> memref<128xi32, #tpu.memory_space<vmem>>
        %dma_wait3A_118 = arith.constant 0 : i32
        %dma_wait3A_119 = arith.constant 0 : i32
        %dma_wait3A_120 = tpu.memref_slice %arg11[%dma_wait3A_118, %dma_wait3A_119] : memref<10112x32xf32, #tpu.memory_space<vmem_shared>> -> memref<10112x32xf32, #tpu.memory_space<vmem_shared>>
        tpu.wait_indirect_dma semaphore(%run_scoped3A : memref<!tpu.dma_semaphore, #tpu.memory_space<semaphore_mem>>) src(%arg9 : memref<128x32xf32, #tpu.memory_space<vmem>>) dst(%dma_wait3A_120 : memref<10112x32xf32, #tpu.memory_space<vmem_shared>>)
        tpu.yield
      }) : () -> ()
      %add3A_80 = arith.constant 2 : i32
      %add3A_81 = arith.addi %mul3A_73, %add3A_80 : i32
      %sub3A_82 = arith.constant 1 : i32
      %sub3A_83 = arith.subi %select_n3A, %sub3A_82 : i32
      %min3A = arith.minsi %add3A_81, %sub3A_83 : i32
      %dma_start3A_84 = arith.constant 0 : i32
      %dma_start3A_85 = tpu.memref_slice %arg7[%min3A, %dma_start3A_84] : memref<120x128xi32, #tpu.memory_space<vmem>> -> memref<1x128xi32, #tpu.memory_space<vmem>>
      %dma_start3A_86 = tpu.memref_squeeze %dma_start3A_85 : memref<1x128xi32, #tpu.memory_space<vmem>> -> memref<128xi32, #tpu.memory_space<vmem>>
      %dma_start3A_87 = arith.constant 0 : i32
      %dma_start3A_88 = arith.constant 0 : i32
      %dma_start3A_89 = tpu.memref_slice %arg2[%dma_start3A_87, %dma_start3A_88] : memref<10000x32xf32, #tpu.memory_space<hbm>> -> memref<10000x32xf32, #tpu.memory_space<hbm>>
      tpu.enqueue_indirect_dma source(%dma_start3A_89 : memref<10000x32xf32, #tpu.memory_space<hbm>>) target(%arg9 : memref<128x32xf32, #tpu.memory_space<vmem>>) offsets(%dma_start3A_86 : memref<128xi32, #tpu.memory_space<vmem>>) semaphore(%arg12 : memref<!tpu.dma_semaphore, #tpu.memory_space<semaphore_mem>>)
      %dma_wait3A_90 = arith.constant 0 : i32
      %dma_wait3A_91 = arith.constant 0 : i32
      %dma_wait3A_92 = tpu.memref_slice %arg2[%dma_wait3A_90, %dma_wait3A_91] : memref<10000x32xf32, #tpu.memory_space<hbm>> -> memref<128x32xf32, #tpu.memory_space<hbm>>
      %dma_wait3A_93 = arith.constant 0 : i32
      %dma_wait3A_94 = arith.constant 0 : i32
      %dma_wait3A_95 = tpu.memref_slice %arg2[%dma_wait3A_93, %dma_wait3A_94] : memref<10000x32xf32, #tpu.memory_space<hbm>> -> memref<128x32xf32, #tpu.memory_space<hbm>>
      tpu.wait_dma2 semaphore(%arg13 : memref<!tpu.dma_semaphore, #tpu.memory_space<semaphore_mem>>) src(%dma_wait3A_95 : memref<128x32xf32, #tpu.memory_space<hbm>>) dst(%arg10 : memref<128x32xf32, #tpu.memory_space<vmem>>)
      %add3A_96 = arith.constant 1 : i32
      %add3A_97 = arith.addi %mul3A_73, %add3A_96 : i32
      "tpu.region"() ({
        %run_scoped3A = tpu.sem_alloc : memref<!tpu.dma_semaphore, #tpu.memory_space<semaphore_mem>>
        %dma_start3A_109 = arith.constant 0 : i32
        %dma_start3A_110 = tpu.memref_slice %arg8[%add3A_97, %dma_start3A_109] : memref<120x128xi32, #tpu.memory_space<vmem>> -> memref<1x128xi32, #tpu.memory_space<vmem>>
        %dma_start3A_111 = tpu.memref_squeeze %dma_start3A_110 : memref<1x128xi32, #tpu.memory_space<vmem>> -> memref<128xi32, #tpu.memory_space<vmem>>
        %dma_start3A_112 = arith.constant 0 : i32
        %dma_start3A_113 = arith.constant 0 : i32
        %dma_start3A_114 = tpu.memref_slice %arg11[%dma_start3A_112, %dma_start3A_113] : memref<10112x32xf32, #tpu.memory_space<vmem_shared>> -> memref<10112x32xf32, #tpu.memory_space<vmem_shared>>
        tpu.enqueue_indirect_dma source(%arg10 : memref<128x32xf32, #tpu.memory_space<vmem>>) target(%dma_start3A_114 : memref<10112x32xf32, #tpu.memory_space<vmem_shared>>) offsets(%dma_start3A_111 : memref<128xi32, #tpu.memory_space<vmem>>) semaphore(%run_scoped3A : memref<!tpu.dma_semaphore, #tpu.memory_space<semaphore_mem>>) {add = true}
        %dma_wait3A_115 = arith.constant 0 : i32
        %dma_wait3A_116 = tpu.memref_slice %arg8[%add3A_97, %dma_wait3A_115] : memref<120x128xi32, #tpu.memory_space<vmem>> -> memref<1x128xi32, #tpu.memory_space<vmem>>
        %dma_wait3A_117 = tpu.memref_squeeze %dma_wait3A_116 : memref<1x128xi32, #tpu.memory_space<vmem>> -> memref<128xi32, #tpu.memory_space<vmem>>
        %dma_wait3A_118 = arith.constant 0 : i32
        %dma_wait3A_119 = arith.constant 0 : i32
        %dma_wait3A_120 = tpu.memref_slice %arg11[%dma_wait3A_118, %dma_wait3A_119] : memref<10112x32xf32, #tpu.memory_space<vmem_shared>> -> memref<10112x32xf32, #tpu.memory_space<vmem_shared>>
        tpu.wait_indirect_dma semaphore(%run_scoped3A : memref<!tpu.dma_semaphore, #tpu.memory_space<semaphore_mem>>) src(%arg10 : memref<128x32xf32, #tpu.memory_space<vmem>>) dst(%dma_wait3A_120 : memref<10112x32xf32, #tpu.memory_space<vmem_shared>>)
        tpu.yield
      }) : () -> ()
      %add3A_98 = arith.constant 3 : i32
      %add3A_99 = arith.addi %mul3A_73, %add3A_98 : i32
      %sub3A_100 = arith.constant 1 : i32
      %sub3A_101 = arith.subi %select_n3A, %sub3A_100 : i32
      %min3A_102 = arith.minsi %add3A_99, %sub3A_101 : i32
      %dma_start3A_103 = arith.constant 0 : i32
      %dma_start3A_104 = tpu.memref_slice %arg7[%min3A_102, %dma_start3A_103] : memref<120x128xi32, #tpu.memory_space<vmem>> -> memref<1x128xi32, #tpu.memory_space<vmem>>
      %dma_start3A_105 = tpu.memref_squeeze %dma_start3A_104 : memref<1x128xi32, #tpu.memory_space<vmem>> -> memref<128xi32, #tpu.memory_space<vmem>>
      %dma_start3A_106 = arith.constant 0 : i32
      %dma_start3A_107 = arith.constant 0 : i32
      %dma_start3A_108 = tpu.memref_slice %arg2[%dma_start3A_106, %dma_start3A_107] : memref<10000x32xf32, #tpu.memory_space<hbm>> -> memref<10000x32xf32, #tpu.memory_space<hbm>>
      tpu.enqueue_indirect_dma source(%dma_start3A_108 : memref<10000x32xf32, #tpu.memory_space<hbm>>) target(%arg10 : memref<128x32xf32, #tpu.memory_space<vmem>>) offsets(%dma_start3A_105 : memref<128xi32, #tpu.memory_space<vmem>>) semaphore(%arg13 : memref<!tpu.dma_semaphore, #tpu.memory_space<semaphore_mem>>)
    }
    %while3A_54 = arith.constant 1 : i32
    scf.for %while3A_71 = %while3A_52 to %while3A_48 step %while3A_54  : i32 {
      %mul3A_72 = arith.constant 2 : i32
      %mul3A_73 = arith.muli %while3A_71, %mul3A_72 : i32
      %dma_wait3A_74 = arith.constant 0 : i32
      %dma_wait3A_75 = arith.constant 0 : i32
      %dma_wait3A_76 = tpu.memref_slice %arg2[%dma_wait3A_74, %dma_wait3A_75] : memref<10000x32xf32, #tpu.memory_space<hbm>> -> memref<128x32xf32, #tpu.memory_space<hbm>>
      %dma_wait3A_77 = arith.constant 0 : i32
      %dma_wait3A_78 = arith.constant 0 : i32
      %dma_wait3A_79 = tpu.memref_slice %arg2[%dma_wait3A_77, %dma_wait3A_78] : memref<10000x32xf32, #tpu.memory_space<hbm>> -> memref<128x32xf32, #tpu.memory_space<hbm>>
      tpu.wait_dma2 semaphore(%arg12 : memref<!tpu.dma_semaphore, #tpu.memory_space<semaphore_mem>>) src(%dma_wait3A_79 : memref<128x32xf32, #tpu.memory_space<hbm>>) dst(%arg9 : memref<128x32xf32, #tpu.memory_space<vmem>>)
      "tpu.region"() ({
        %run_scoped3A = tpu.sem_alloc : memref<!tpu.dma_semaphore, #tpu.memory_space<semaphore_mem>>
        %dma_start3A_109 = arith.constant 0 : i32
        %dma_start3A_110 = tpu.memref_slice %arg8[%mul3A_73, %dma_start3A_109] : memref<120x128xi32, #tpu.memory_space<vmem>> -> memref<1x128xi32, #tpu.memory_space<vmem>>
        %dma_start3A_111 = tpu.memref_squeeze %dma_start3A_110 : memref<1x128xi32, #tpu.memory_space<vmem>> -> memref<128xi32, #tpu.memory_space<vmem>>
        %dma_start3A_112 = arith.constant 0 : i32
        %dma_start3A_113 = arith.constant 0 : i32
        %dma_start3A_114 = tpu.memref_slice %arg11[%dma_start3A_112, %dma_start3A_113] : memref<10112x32xf32, #tpu.memory_space<vmem_shared>> -> memref<10112x32xf32, #tpu.memory_space<vmem_shared>>
        tpu.enqueue_indirect_dma source(%arg9 : memref<128x32xf32, #tpu.memory_space<vmem>>) target(%dma_start3A_114 : memref<10112x32xf32, #tpu.memory_space<vmem_shared>>) offsets(%dma_start3A_111 : memref<128xi32, #tpu.memory_space<vmem>>) semaphore(%run_scoped3A : memref<!tpu.dma_semaphore, #tpu.memory_space<semaphore_mem>>) {add = true}
        %dma_wait3A_115 = arith.constant 0 : i32
        %dma_wait3A_116 = tpu.memref_slice %arg8[%mul3A_73, %dma_wait3A_115] : memref<120x128xi32, #tpu.memory_space<vmem>> -> memref<1x128xi32, #tpu.memory_space<vmem>>
        %dma_wait3A_117 = tpu.memref_squeeze %dma_wait3A_116 : memref<1x128xi32, #tpu.memory_space<vmem>> -> memref<128xi32, #tpu.memory_space<vmem>>
        %dma_wait3A_118 = arith.constant 0 : i32
        %dma_wait3A_119 = arith.constant 0 : i32
        %dma_wait3A_120 = tpu.memref_slice %arg11[%dma_wait3A_118, %dma_wait3A_119] : memref<10112x32xf32, #tpu.memory_space<vmem_shared>> -> memref<10112x32xf32, #tpu.memory_space<vmem_shared>>
        tpu.wait_indirect_dma semaphore(%run_scoped3A : memref<!tpu.dma_semaphore, #tpu.memory_space<semaphore_mem>>) src(%arg9 : memref<128x32xf32, #tpu.memory_space<vmem>>) dst(%dma_wait3A_120 : memref<10112x32xf32, #tpu.memory_space<vmem_shared>>)
        tpu.yield
      }) : () -> ()
      %add3A_80 = arith.constant 2 : i32
      %add3A_81 = arith.addi %mul3A_73, %add3A_80 : i32
      %sub3A_82 = arith.constant 1 : i32
      %sub3A_83 = arith.subi %select_n3A, %sub3A_82 : i32
      %min3A = arith.minsi %add3A_81, %sub3A_83 : i32
      %dma_start3A_84 = arith.constant 0 : i32
      %dma_start3A_85 = tpu.memref_slice %arg7[%min3A, %dma_start3A_84] : memref<120x128xi32, #tpu.memory_space<vmem>> -> memref<1x128xi32, #tpu.memory_space<vmem>>
      %dma_start3A_86 = tpu.memref_squeeze %dma_start3A_85 : memref<1x128xi32, #tpu.memory_space<vmem>> -> memref<128xi32, #tpu.memory_space<vmem>>
      %dma_start3A_87 = arith.constant 0 : i32
      %dma_start3A_88 = arith.constant 0 : i32
      %dma_start3A_89 = tpu.memref_slice %arg2[%dma_start3A_87, %dma_start3A_88] : memref<10000x32xf32, #tpu.memory_space<hbm>> -> memref<10000x32xf32, #tpu.memory_space<hbm>>
      tpu.enqueue_indirect_dma source(%dma_start3A_89 : memref<10000x32xf32, #tpu.memory_space<hbm>>) target(%arg9 : memref<128x32xf32, #tpu.memory_space<vmem>>) offsets(%dma_start3A_86 : memref<128xi32, #tpu.memory_space<vmem>>) semaphore(%arg12 : memref<!tpu.dma_semaphore, #tpu.memory_space<semaphore_mem>>)
      %dma_wait3A_90 = arith.constant 0 : i32
      %dma_wait3A_91 = arith.constant 0 : i32
      %dma_wait3A_92 = tpu.memref_slice %arg2[%dma_wait3A_90, %dma_wait3A_91] : memref<10000x32xf32, #tpu.memory_space<hbm>> -> memref<128x32xf32, #tpu.memory_space<hbm>>
      %dma_wait3A_93 = arith.constant 0 : i32
      %dma_wait3A_94 = arith.constant 0 : i32
      %dma_wait3A_95 = tpu.memref_slice %arg2[%dma_wait3A_93, %dma_wait3A_94] : memref<10000x32xf32, #tpu.memory_space<hbm>> -> memref<128x32xf32, #tpu.memory_space<hbm>>
      tpu.wait_dma2 semaphore(%arg13 : memref<!tpu.dma_semaphore, #tpu.memory_space<semaphore_mem>>) src(%dma_wait3A_95 : memref<128x32xf32, #tpu.memory_space<hbm>>) dst(%arg10 : memref<128x32xf32, #tpu.memory_space<vmem>>)
      %add3A_96 = arith.constant 1 : i32
      %add3A_97 = arith.addi %mul3A_73, %add3A_96 : i32
      "tpu.region"() ({
        %run_scoped3A = tpu.sem_alloc : memref<!tpu.dma_semaphore, #tpu.memory_space<semaphore_mem>>
        %dma_start3A_109 = arith.constant 0 : i32
        %dma_start3A_110 = tpu.memref_slice %arg8[%add3A_97, %dma_start3A_109] : memref<120x128xi32, #tpu.memory_space<vmem>> -> memref<1x128xi32, #tpu.memory_space<vmem>>
        %dma_start3A_111 = tpu.memref_squeeze %dma_start3A_110 : memref<1x128xi32, #tpu.memory_space<vmem>> -> memref<128xi32, #tpu.memory_space<vmem>>
        %dma_start3A_112 = arith.constant 0 : i32
        %dma_start3A_113 = arith.constant 0 : i32
        %dma_start3A_114 = tpu.memref_slice %arg11[%dma_start3A_112, %dma_start3A_113] : memref<10112x32xf32, #tpu.memory_space<vmem_shared>> -> memref<10112x32xf32, #tpu.memory_space<vmem_shared>>
        tpu.enqueue_indirect_dma source(%arg10 : memref<128x32xf32, #tpu.memory_space<vmem>>) target(%dma_start3A_114 : memref<10112x32xf32, #tpu.memory_space<vmem_shared>>) offsets(%dma_start3A_111 : memref<128xi32, #tpu.memory_space<vmem>>) semaphore(%run_scoped3A : memref<!tpu.dma_semaphore, #tpu.memory_space<semaphore_mem>>) {add = true}
        %dma_wait3A_115 = arith.constant 0 : i32
        %dma_wait3A_116 = tpu.memref_slice %arg8[%add3A_97, %dma_wait3A_115] : memref<120x128xi32, #tpu.memory_space<vmem>> -> memref<1x128xi32, #tpu.memory_space<vmem>>
        %dma_wait3A_117 = tpu.memref_squeeze %dma_wait3A_116 : memref<1x128xi32, #tpu.memory_space<vmem>> -> memref<128xi32, #tpu.memory_space<vmem>>
        %dma_wait3A_118 = arith.constant 0 : i32
        %dma_wait3A_119 = arith.constant 0 : i32
        %dma_wait3A_120 = tpu.memref_slice %arg11[%dma_wait3A_118, %dma_wait3A_119] : memref<10112x32xf32, #tpu.memory_space<vmem_shared>> -> memref<10112x32xf32, #tpu.memory_space<vmem_shared>>
        tpu.wait_indirect_dma semaphore(%run_scoped3A : memref<!tpu.dma_semaphore, #tpu.memory_space<semaphore_mem>>) src(%arg10 : memref<128x32xf32, #tpu.memory_space<vmem>>) dst(%dma_wait3A_120 : memref<10112x32xf32, #tpu.memory_space<vmem_shared>>)
        tpu.yield
      }) : () -> ()
      %add3A_98 = arith.constant 3 : i32
      %add3A_99 = arith.addi %mul3A_73, %add3A_98 : i32
      %sub3A_100 = arith.constant 1 : i32
      %sub3A_101 = arith.subi %select_n3A, %sub3A_100 : i32
      %min3A_102 = arith.minsi %add3A_99, %sub3A_101 : i32
      %dma_start3A_103 = arith.constant 0 : i32
      %dma_start3A_104 = tpu.memref_slice %arg7[%min3A_102, %dma_start3A_103] : memref<120x128xi32, #tpu.memory_space<vmem>> -> memref<1x128xi32, #tpu.memory_space<vmem>>
      %dma_start3A_105 = tpu.memref_squeeze %dma_start3A_104 : memref<1x128xi32, #tpu.memory_space<vmem>> -> memref<128xi32, #tpu.memory_space<vmem>>
      %dma_start3A_106 = arith.constant 0 : i32
      %dma_start3A_107 = arith.constant 0 : i32
      %dma_start3A_108 = tpu.memref_slice %arg2[%dma_start3A_106, %dma_start3A_107] : memref<10000x32xf32, #tpu.memory_space<hbm>> -> memref<10000x32xf32, #tpu.memory_space<hbm>>
      tpu.enqueue_indirect_dma source(%dma_start3A_108 : memref<10000x32xf32, #tpu.memory_space<hbm>>) target(%arg10 : memref<128x32xf32, #tpu.memory_space<vmem>>) offsets(%dma_start3A_105 : memref<128xi32, #tpu.memory_space<vmem>>) semaphore(%arg13 : memref<!tpu.dma_semaphore, #tpu.memory_space<semaphore_mem>>)
    }
    %dma_wait3A = arith.constant 0 : i32
    %dma_wait3A_55 = arith.constant 0 : i32
    %dma_wait3A_56 = tpu.memref_slice %arg2[%dma_wait3A, %dma_wait3A_55] : memref<10000x32xf32, #tpu.memory_space<hbm>> -> memref<128x32xf32, #tpu.memory_space<hbm>>
    %dma_wait3A_57 = arith.constant 0 : i32
    %dma_wait3A_58 = arith.constant 0 : i32
    %dma_wait3A_59 = tpu.memref_slice %arg2[%dma_wait3A_57, %dma_wait3A_58] : memref<10000x32xf32, #tpu.memory_space<hbm>> -> memref<128x32xf32, #tpu.memory_space<hbm>>
    tpu.wait_dma2 semaphore(%arg12 : memref<!tpu.dma_semaphore, #tpu.memory_space<semaphore_mem>>) src(%dma_wait3A_59 : memref<128x32xf32, #tpu.memory_space<hbm>>) dst(%arg9 : memref<128x32xf32, #tpu.memory_space<vmem>>)
    %dma_wait3A_60 = arith.constant 0 : i32
    %dma_wait3A_61 = arith.constant 0 : i32
    %dma_wait3A_62 = tpu.memref_slice %arg2[%dma_wait3A_60, %dma_wait3A_61] : memref<10000x32xf32, #tpu.memory_space<hbm>> -> memref<128x32xf32, #tpu.memory_space<hbm>>
    %dma_wait3A_63 = arith.constant 0 : i32
    %dma_wait3A_64 = arith.constant 0 : i32
    %dma_wait3A_65 = tpu.memref_slice %arg2[%dma_wait3A_63, %dma_wait3A_64] : memref<10000x32xf32, #tpu.memory_space<hbm>> -> memref<128x32xf32, #tpu.memory_space<hbm>>
    tpu.wait_dma2 semaphore(%arg13 : memref<!tpu.dma_semaphore, #tpu.memory_space<semaphore_mem>>) src(%dma_wait3A_65 : memref<128x32xf32, #tpu.memory_space<hbm>>) dst(%arg10 : memref<128x32xf32, #tpu.memory_space<vmem>>)
    %barrier3A_66 = arith.constant 0 : index
    tpu.barrier barrier_id(%barrier3A_66)
    %mul3A_67 = arith.constant 632 : i32
    %mul3A_68 = arith.muli %arg1, %mul3A_67 : i32
    %mul3A_69 = arith.constant 632 : i32
    %mul3A_70 = arith.muli %arg1, %mul3A_69 : i32
    "tpu.region"() ({
      %run_scoped3A = tpu.sem_alloc : memref<!tpu.dma_semaphore, #tpu.memory_space<semaphore_mem>>
      %dma_start3A_71 = arith.constant 0 : i32
      %dma_start3A_72 = tpu.memref_slice %arg6[%arg0, %mul3A_70, %dma_start3A_71] : memref<2x10112x32xf32, #tpu.memory_space<hbm>> -> memref<1x632x32xf32, #tpu.memory_space<hbm>>
      %dma_start3A_73 = tpu.memref_squeeze %dma_start3A_72 : memref<1x632x32xf32, #tpu.memory_space<hbm>> -> memref<632x32xf32, #tpu.memory_space<hbm>>
      %dma_start3A_74 = arith.constant 0 : i32
      %dma_start3A_75 = tpu.memref_slice %arg11[%mul3A_68, %dma_start3A_74] : memref<10112x32xf32, #tpu.memory_space<vmem_shared>> -> memref<632x32xf32, #tpu.memory_space<vmem_shared>>
      tpu.enqueue_dma source(%dma_start3A_75 : memref<632x32xf32, #tpu.memory_space<vmem_shared>>) target(%dma_start3A_73 : memref<632x32xf32, #tpu.memory_space<hbm>>) target_semaphore(%run_scoped3A : memref<!tpu.dma_semaphore, #tpu.memory_space<semaphore_mem>>)
      %dma_wait3A_76 = arith.constant 0 : i32
      %dma_wait3A_77 = tpu.memref_slice %arg6[%arg0, %mul3A_70, %dma_wait3A_76] : memref<2x10112x32xf32, #tpu.memory_space<hbm>> -> memref<1x632x32xf32, #tpu.memory_space<hbm>>
      %dma_wait3A_78 = tpu.memref_squeeze %dma_wait3A_77 : memref<1x632x32xf32, #tpu.memory_space<hbm>> -> memref<632x32xf32, #tpu.memory_space<hbm>>
      %dma_wait3A_79 = arith.constant 0 : i32
      %dma_wait3A_80 = tpu.memref_slice %arg11[%mul3A_68, %dma_wait3A_79] : memref<10112x32xf32, #tpu.memory_space<vmem_shared>> -> memref<632x32xf32, #tpu.memory_space<vmem_shared>>
      tpu.wait_dma2 semaphore(%run_scoped3A : memref<!tpu.dma_semaphore, #tpu.memory_space<semaphore_mem>>) src(%dma_wait3A_80 : memref<632x32xf32, #tpu.memory_space<vmem_shared>>) dst(%dma_wait3A_78 : memref<632x32xf32, #tpu.memory_space<hbm>>)
      tpu.yield
    }) : () -> ()
    return
  }
}

#map = affine_map<(d0, d1) -> (0, 0)>
#map1 = affine_map<(d0, d1) -> (0)>
module attributes {stable_mosaic.version = 14 : i64} {
  func.func @k(%arg0: i32, %arg1: i32, %arg2: memref<10000x256xf32, #tpu.memory_space<hbm>>, %arg3: memref<10000x256xf32, #tpu.memory_space<hbm>>, %arg4: memref<105728xi32, #tpu.memory_space<hbm>>, %arg5: memref<105728xi32, #tpu.memory_space<hbm>>, %arg6: memref<102400x256xf32, #tpu.memory_space<hbm>>, %arg7: memref<4864xi32, #tpu.memory_space<vmem>>, %arg8: memref<4864xi32, #tpu.memory_space<vmem>>, %arg9: memref<64x256xf32, #tpu.memory_space<vmem>>, %arg10: memref<64x256xf32, #tpu.memory_space<vmem>>, %arg11: memref<64x256xf32, #tpu.memory_space<vmem>>, %arg12: memref<64x256xf32, #tpu.memory_space<vmem>>, %arg13: memref<!tpu.dma_semaphore, #tpu.memory_space<semaphore_mem>>, %arg14: memref<!tpu.dma_semaphore, #tpu.memory_space<semaphore_mem>>, %arg15: memref<!tpu.dma_semaphore, #tpu.memory_space<semaphore_mem>>, %arg16: memref<!tpu.dma_semaphore, #tpu.memory_space<semaphore_mem>>) attributes {dimension_semantics = [#tpu.dimension_semantics<core_parallel>, #tpu.dimension_semantics<subcore_parallel>], iteration_bounds = array<i64: 2, 16>, scalar_prefetch = 0 : i64, scratch_operands = 10 : i64, tpu.core_type = #tpu.core_type<sc_vector_subcore>, window_params = [{transform_indices = #map}, {transform_indices = #map}, {transform_indices = #map1}, {transform_indices = #map1}, {transform_indices = #map}]} {
    %eq3A = arith.constant 0 : i32
    %eq3A_0 = arith.cmpi eq, %arg0, %eq3A : i32
    %jit3A = arith.constant 76 : i32
    %jit3A_1 = arith.constant 24 : i32
    %select_n3A = arith.select %eq3A_0, %jit3A, %jit3A_1 : i32
    %eq3A_2 = arith.constant 0 : i32
    %eq3A_3 = arith.cmpi eq, %arg0, %eq3A_2 : i32
    %mul3A = arith.constant 76 : i32
    %mul3A_4 = arith.muli %arg1, %mul3A : i32
    %mul3A_5 = arith.constant 24 : i32
    %mul3A_6 = arith.muli %arg1, %mul3A_5 : i32
    %add3A = arith.constant 1216 : i32
    %add3A_7 = arith.addi %add3A, %mul3A_6 : i32
    %select_n3A_8 = arith.select %eq3A_3, %mul3A_4, %add3A_7 : i32
    %mul3A_9 = arith.constant 64 : i32
    %mul3A_10 = arith.muli %select_n3A_8, %mul3A_9 : i32
    "tpu.region"() ({
      %run_scoped3A = tpu.sem_alloc : memref<!tpu.dma_semaphore, #tpu.memory_space<semaphore_mem>>
      %dma_start3A_80 = tpu.memref_slice %arg4[%mul3A_10] : memref<105728xi32, #tpu.memory_space<hbm>> -> memref<4864xi32, #tpu.memory_space<hbm>>
      %dma_start3A_81 = tpu.memref_slice %arg4[%mul3A_10] : memref<105728xi32, #tpu.memory_space<hbm>> -> memref<4864xi32, #tpu.memory_space<hbm>>
      tpu.enqueue_dma source(%dma_start3A_81 : memref<4864xi32, #tpu.memory_space<hbm>>) target(%arg7 : memref<4864xi32, #tpu.memory_space<vmem>>) target_semaphore(%run_scoped3A : memref<!tpu.dma_semaphore, #tpu.memory_space<semaphore_mem>>)
      %dma_wait3A_82 = tpu.memref_slice %arg4[%mul3A_10] : memref<105728xi32, #tpu.memory_space<hbm>> -> memref<4864xi32, #tpu.memory_space<hbm>>
      %dma_wait3A_83 = tpu.memref_slice %arg4[%mul3A_10] : memref<105728xi32, #tpu.memory_space<hbm>> -> memref<4864xi32, #tpu.memory_space<hbm>>
      tpu.wait_dma2 semaphore(%run_scoped3A : memref<!tpu.dma_semaphore, #tpu.memory_space<semaphore_mem>>) src(%dma_wait3A_83 : memref<4864xi32, #tpu.memory_space<hbm>>) dst(%arg7 : memref<4864xi32, #tpu.memory_space<vmem>>)
      tpu.yield
    }) : () -> ()
    "tpu.region"() ({
      %run_scoped3A = tpu.sem_alloc : memref<!tpu.dma_semaphore, #tpu.memory_space<semaphore_mem>>
      %dma_start3A_80 = tpu.memref_slice %arg5[%mul3A_10] : memref<105728xi32, #tpu.memory_space<hbm>> -> memref<4864xi32, #tpu.memory_space<hbm>>
      %dma_start3A_81 = tpu.memref_slice %arg5[%mul3A_10] : memref<105728xi32, #tpu.memory_space<hbm>> -> memref<4864xi32, #tpu.memory_space<hbm>>
      tpu.enqueue_dma source(%dma_start3A_81 : memref<4864xi32, #tpu.memory_space<hbm>>) target(%arg8 : memref<4864xi32, #tpu.memory_space<vmem>>) target_semaphore(%run_scoped3A : memref<!tpu.dma_semaphore, #tpu.memory_space<semaphore_mem>>)
      %dma_wait3A_82 = tpu.memref_slice %arg5[%mul3A_10] : memref<105728xi32, #tpu.memory_space<hbm>> -> memref<4864xi32, #tpu.memory_space<hbm>>
      %dma_wait3A_83 = tpu.memref_slice %arg5[%mul3A_10] : memref<105728xi32, #tpu.memory_space<hbm>> -> memref<4864xi32, #tpu.memory_space<hbm>>
      tpu.wait_dma2 semaphore(%run_scoped3A : memref<!tpu.dma_semaphore, #tpu.memory_space<semaphore_mem>>) src(%dma_wait3A_83 : memref<4864xi32, #tpu.memory_space<hbm>>) dst(%arg8 : memref<4864xi32, #tpu.memory_space<vmem>>)
      tpu.yield
    }) : () -> ()
    %dma_start3A = arith.constant 0 : i32
    %dma_start3A_11 = tpu.memref_slice %arg7[%dma_start3A] : memref<4864xi32, #tpu.memory_space<vmem>> -> memref<64xi32, #tpu.memory_space<vmem>>
    %dma_start3A_12 = arith.constant 0 : i32
    %dma_start3A_13 = arith.constant 0 : i32
    %dma_start3A_14 = tpu.memref_slice %arg2[%dma_start3A_12, %dma_start3A_13] : memref<10000x256xf32, #tpu.memory_space<hbm>> -> memref<10000x256xf32, #tpu.memory_space<hbm>>
    tpu.enqueue_indirect_dma source(%dma_start3A_14 : memref<10000x256xf32, #tpu.memory_space<hbm>>) target(%arg9 : memref<64x256xf32, #tpu.memory_space<vmem>>) offsets(%dma_start3A_11 : memref<64xi32, #tpu.memory_space<vmem>>) semaphore(%arg13 : memref<!tpu.dma_semaphore, #tpu.memory_space<semaphore_mem>>)
    %dma_start3A_15 = arith.constant 0 : i32
    %dma_start3A_16 = tpu.memref_slice %arg8[%dma_start3A_15] : memref<4864xi32, #tpu.memory_space<vmem>> -> memref<64xi32, #tpu.memory_space<vmem>>
    %dma_start3A_17 = arith.constant 0 : i32
    %dma_start3A_18 = arith.constant 0 : i32
    %dma_start3A_19 = tpu.memref_slice %arg3[%dma_start3A_17, %dma_start3A_18] : memref<10000x256xf32, #tpu.memory_space<hbm>> -> memref<10000x256xf32, #tpu.memory_space<hbm>>
    tpu.enqueue_indirect_dma source(%dma_start3A_19 : memref<10000x256xf32, #tpu.memory_space<hbm>>) target(%arg10 : memref<64x256xf32, #tpu.memory_space<vmem>>) offsets(%dma_start3A_16 : memref<64xi32, #tpu.memory_space<vmem>>) semaphore(%arg14 : memref<!tpu.dma_semaphore, #tpu.memory_space<semaphore_mem>>)
    %dma_start3A_20 = arith.constant 64 : i32
    %dma_start3A_21 = tpu.memref_slice %arg7[%dma_start3A_20] : memref<4864xi32, #tpu.memory_space<vmem>> -> memref<64xi32, #tpu.memory_space<vmem>>
    %dma_start3A_22 = arith.constant 0 : i32
    %dma_start3A_23 = arith.constant 0 : i32
    %dma_start3A_24 = tpu.memref_slice %arg2[%dma_start3A_22, %dma_start3A_23] : memref<10000x256xf32, #tpu.memory_space<hbm>> -> memref<10000x256xf32, #tpu.memory_space<hbm>>
    tpu.enqueue_indirect_dma source(%dma_start3A_24 : memref<10000x256xf32, #tpu.memory_space<hbm>>) target(%arg11 : memref<64x256xf32, #tpu.memory_space<vmem>>) offsets(%dma_start3A_21 : memref<64xi32, #tpu.memory_space<vmem>>) semaphore(%arg15 : memref<!tpu.dma_semaphore, #tpu.memory_space<semaphore_mem>>)
    %dma_start3A_25 = arith.constant 64 : i32
    %dma_start3A_26 = tpu.memref_slice %arg8[%dma_start3A_25] : memref<4864xi32, #tpu.memory_space<vmem>> -> memref<64xi32, #tpu.memory_space<vmem>>
    %dma_start3A_27 = arith.constant 0 : i32
    %dma_start3A_28 = arith.constant 0 : i32
    %dma_start3A_29 = tpu.memref_slice %arg3[%dma_start3A_27, %dma_start3A_28] : memref<10000x256xf32, #tpu.memory_space<hbm>> -> memref<10000x256xf32, #tpu.memory_space<hbm>>
    tpu.enqueue_indirect_dma source(%dma_start3A_29 : memref<10000x256xf32, #tpu.memory_space<hbm>>) target(%arg12 : memref<64x256xf32, #tpu.memory_space<vmem>>) offsets(%dma_start3A_26 : memref<64xi32, #tpu.memory_space<vmem>>) semaphore(%arg16 : memref<!tpu.dma_semaphore, #tpu.memory_space<semaphore_mem>>)
    %jit3A_30 = arith.constant 2 : i32
    %div3A = arith.divsi %select_n3A, %jit3A_30 : i32
    %sign3A = arith.constant 0 : i32
    %sign3A_31 = arith.cmpi sgt, %select_n3A, %sign3A : i32
    %sign3A_32 = arith.extui %sign3A_31 : i1 to i32
    %sign3A_33 = arith.constant 0 : i32
    %sign3A_34 = arith.cmpi slt, %select_n3A, %sign3A_33 : i32
    %sign3A_35 = arith.extui %sign3A_34 : i1 to i32
    %sign3A_36 = arith.subi %sign3A_32, %sign3A_35 : i32
    %sign3A_37 = arith.constant 0 : i32
    %sign3A_38 = arith.cmpi sgt, %jit3A_30, %sign3A_37 : i32
    %sign3A_39 = arith.extui %sign3A_38 : i1 to i32
    %sign3A_40 = arith.constant 0 : i32
    %sign3A_41 = arith.cmpi slt, %jit3A_30, %sign3A_40 : i32
    %sign3A_42 = arith.extui %sign3A_41 : i1 to i32
    %sign3A_43 = arith.subi %sign3A_39, %sign3A_42 : i32
    %ne3A = arith.cmpi ne, %sign3A_36, %sign3A_43 : i32
    %rem3A = arith.remsi %select_n3A, %jit3A_30 : i32
    %ne3A_44 = arith.constant 0 : i32
    %ne3A_45 = arith.cmpi ne, %rem3A, %ne3A_44 : i32
    %and3A = arith.andi %ne3A, %ne3A_45 : i1
    %sub3A = arith.constant 1 : i32
    %sub3A_46 = arith.subi %div3A, %sub3A : i32
    %select_n3A_47 = arith.select %and3A, %sub3A_46, %div3A : i32
    %while3A = arith.constant 0 : i32
    %while3A_48 = arith.constant 0 : i32
    %while3A_49 = arith.subi %select_n3A_47, %while3A_48 : i32
    %while3A_50 = arith.addi %while3A_48, %while3A_49 : i32
    %while3A_51 = arith.constant 1 : i32
    %while3A_52 = arith.divsi %while3A_49, %while3A_51 : i32
    %while3A_53 = arith.muli %while3A_52, %while3A_51 : i32
    %while3A_54 = arith.addi %while3A_48, %while3A_53 : i32
    %while3A_55 = arith.constant 1 : i32
    scf.for %while3A_80 = %while3A_48 to %while3A_54 step %while3A_55  : i32 {
      %mul3A_81 = arith.constant 2 : i32
      %mul3A_82 = arith.muli %while3A_80, %mul3A_81 : i32
      %dma_wait3A_83 = arith.constant 0 : i32
      %dma_wait3A_84 = arith.constant 0 : i32
      %dma_wait3A_85 = tpu.memref_slice %arg2[%dma_wait3A_83, %dma_wait3A_84] : memref<10000x256xf32, #tpu.memory_space<hbm>> -> memref<64x256xf32, #tpu.memory_space<hbm>>
      %dma_wait3A_86 = arith.constant 0 : i32
      %dma_wait3A_87 = arith.constant 0 : i32
      %dma_wait3A_88 = tpu.memref_slice %arg2[%dma_wait3A_86, %dma_wait3A_87] : memref<10000x256xf32, #tpu.memory_space<hbm>> -> memref<64x256xf32, #tpu.memory_space<hbm>>
      tpu.wait_dma2 semaphore(%arg13 : memref<!tpu.dma_semaphore, #tpu.memory_space<semaphore_mem>>) src(%dma_wait3A_88 : memref<64x256xf32, #tpu.memory_space<hbm>>) dst(%arg9 : memref<64x256xf32, #tpu.memory_space<vmem>>)
      %dma_wait3A_89 = arith.constant 0 : i32
      %dma_wait3A_90 = arith.constant 0 : i32
      %dma_wait3A_91 = tpu.memref_slice %arg3[%dma_wait3A_89, %dma_wait3A_90] : memref<10000x256xf32, #tpu.memory_space<hbm>> -> memref<64x256xf32, #tpu.memory_space<hbm>>
      %dma_wait3A_92 = arith.constant 0 : i32
      %dma_wait3A_93 = arith.constant 0 : i32
      %dma_wait3A_94 = tpu.memref_slice %arg3[%dma_wait3A_92, %dma_wait3A_93] : memref<10000x256xf32, #tpu.memory_space<hbm>> -> memref<64x256xf32, #tpu.memory_space<hbm>>
      tpu.wait_dma2 semaphore(%arg14 : memref<!tpu.dma_semaphore, #tpu.memory_space<semaphore_mem>>) src(%dma_wait3A_94 : memref<64x256xf32, #tpu.memory_space<hbm>>) dst(%arg10 : memref<64x256xf32, #tpu.memory_space<vmem>>)
      %scan3A = arith.constant 0 : i32
      %scan3A_95 = arith.constant 0 : i32
      %scan3A_96 = arith.constant 64 : i32
      %scan3A_97 = arith.addi %scan3A_95, %scan3A_96 : i32
      %scan3A_98 = arith.constant 1 : i32
      scf.for %scan3A_159 = %scan3A_95 to %scan3A_97 step %scan3A_98  : i32 {
        %get3A = arith.index_cast %scan3A_159 : i32 to index
        %get3A_160 = arith.constant 0 : index
        %get3A_161 = tpu.vector_load %arg9[%get3A, %get3A_160] {strides = array<i32>} : memref<64x256xf32, #tpu.memory_space<vmem>>, vector<1x16xf32>,
        %get3A_162 = vector.shape_cast %get3A_161 : vector<1x16xf32> to vector<16xf32>
        %get3A_163 = arith.index_cast %scan3A_159 : i32 to index
        %get3A_164 = arith.constant 0 : index
        %get3A_165 = tpu.vector_load %arg10[%get3A_163, %get3A_164] {strides = array<i32>} : memref<64x256xf32, #tpu.memory_space<vmem>>, vector<1x16xf32>,
        %get3A_166 = vector.shape_cast %get3A_165 : vector<1x16xf32> to vector<16xf32>
        %add3A_167 = arith.addf %get3A_162, %get3A_166 : vector<16xf32>
        %swap3A = arith.index_cast %scan3A_159 : i32 to index
        %swap3A_168 = arith.constant 0 : index
        %swap3A_169 = tpu.vector_load %arg9[%swap3A, %swap3A_168] {strides = array<i32>} : memref<64x256xf32, #tpu.memory_space<vmem>>, vector<1x16xf32>,
        %swap3A_170 = vector.shape_cast %swap3A_169 : vector<1x16xf32> to vector<16xf32>
        %swap3A_171 = vector.shape_cast %add3A_167 : vector<16xf32> to vector<1x16xf32>
        tpu.vector_store %arg9[%swap3A, %swap3A_168], %swap3A_171 {strides = array<i32>} : memref<64x256xf32, #tpu.memory_space<vmem>>, vector<1x16xf32>,
        %get3A_172 = arith.index_cast %scan3A_159 : i32 to index
        %get3A_173 = arith.constant 16 : index
        %get3A_174 = tpu.vector_load %arg9[%get3A_172, %get3A_173] {strides = array<i32>} : memref<64x256xf32, #tpu.memory_space<vmem>>, vector<1x16xf32>,
        %get3A_175 = vector.shape_cast %get3A_174 : vector<1x16xf32> to vector<16xf32>
        %get3A_176 = arith.index_cast %scan3A_159 : i32 to index
        %get3A_177 = arith.constant 16 : index
        %get3A_178 = tpu.vector_load %arg10[%get3A_176, %get3A_177] {strides = array<i32>} : memref<64x256xf32, #tpu.memory_space<vmem>>, vector<1x16xf32>,
        %get3A_179 = vector.shape_cast %get3A_178 : vector<1x16xf32> to vector<16xf32>
        %add3A_180 = arith.addf %get3A_175, %get3A_179 : vector<16xf32>
        %swap3A_181 = arith.index_cast %scan3A_159 : i32 to index
        %swap3A_182 = arith.constant 16 : index
        %swap3A_183 = tpu.vector_load %arg9[%swap3A_181, %swap3A_182] {strides = array<i32>} : memref<64x256xf32, #tpu.memory_space<vmem>>, vector<1x16xf32>,
        %swap3A_184 = vector.shape_cast %swap3A_183 : vector<1x16xf32> to vector<16xf32>
        %swap3A_185 = vector.shape_cast %add3A_180 : vector<16xf32> to vector<1x16xf32>
        tpu.vector_store %arg9[%swap3A_181, %swap3A_182], %swap3A_185 {strides = array<i32>} : memref<64x256xf32, #tpu.memory_space<vmem>>, vector<1x16xf32>,
        %get3A_186 = arith.index_cast %scan3A_159 : i32 to index
        %get3A_187 = arith.constant 32 : index
        %get3A_188 = tpu.vector_load %arg9[%get3A_186, %get3A_187] {strides = array<i32>} : memref<64x256xf32, #tpu.memory_space<vmem>>, vector<1x16xf32>,
        %get3A_189 = vector.shape_cast %get3A_188 : vector<1x16xf32> to vector<16xf32>
        %get3A_190 = arith.index_cast %scan3A_159 : i32 to index
        %get3A_191 = arith.constant 32 : index
        %get3A_192 = tpu.vector_load %arg10[%get3A_190, %get3A_191] {strides = array<i32>} : memref<64x256xf32, #tpu.memory_space<vmem>>, vector<1x16xf32>,
        %get3A_193 = vector.shape_cast %get3A_192 : vector<1x16xf32> to vector<16xf32>
        %add3A_194 = arith.addf %get3A_189, %get3A_193 : vector<16xf32>
        %swap3A_195 = arith.index_cast %scan3A_159 : i32 to index
        %swap3A_196 = arith.constant 32 : index
        %swap3A_197 = tpu.vector_load %arg9[%swap3A_195, %swap3A_196] {strides = array<i32>} : memref<64x256xf32, #tpu.memory_space<vmem>>, vector<1x16xf32>,
        %swap3A_198 = vector.shape_cast %swap3A_197 : vector<1x16xf32> to vector<16xf32>
        %swap3A_199 = vector.shape_cast %add3A_194 : vector<16xf32> to vector<1x16xf32>
        tpu.vector_store %arg9[%swap3A_195, %swap3A_196], %swap3A_199 {strides = array<i32>} : memref<64x256xf32, #tpu.memory_space<vmem>>, vector<1x16xf32>,
        %get3A_200 = arith.index_cast %scan3A_159 : i32 to index
        %get3A_201 = arith.constant 48 : index
        %get3A_202 = tpu.vector_load %arg9[%get3A_200, %get3A_201] {strides = array<i32>} : memref<64x256xf32, #tpu.memory_space<vmem>>, vector<1x16xf32>,
        %get3A_203 = vector.shape_cast %get3A_202 : vector<1x16xf32> to vector<16xf32>
        %get3A_204 = arith.index_cast %scan3A_159 : i32 to index
        %get3A_205 = arith.constant 48 : index
        %get3A_206 = tpu.vector_load %arg10[%get3A_204, %get3A_205] {strides = array<i32>} : memref<64x256xf32, #tpu.memory_space<vmem>>, vector<1x16xf32>,
        %get3A_207 = vector.shape_cast %get3A_206 : vector<1x16xf32> to vector<16xf32>
        %add3A_208 = arith.addf %get3A_203, %get3A_207 : vector<16xf32>
        %swap3A_209 = arith.index_cast %scan3A_159 : i32 to index
        %swap3A_210 = arith.constant 48 : index
        %swap3A_211 = tpu.vector_load %arg9[%swap3A_209, %swap3A_210] {strides = array<i32>} : memref<64x256xf32, #tpu.memory_space<vmem>>, vector<1x16xf32>,
        %swap3A_212 = vector.shape_cast %swap3A_211 : vector<1x16xf32> to vector<16xf32>
        %swap3A_213 = vector.shape_cast %add3A_208 : vector<16xf32> to vector<1x16xf32>
        tpu.vector_store %arg9[%swap3A_209, %swap3A_210], %swap3A_213 {strides = array<i32>} : memref<64x256xf32, #tpu.memory_space<vmem>>, vector<1x16xf32>,
        %get3A_214 = arith.index_cast %scan3A_159 : i32 to index
        %get3A_215 = arith.constant 64 : index
        %get3A_216 = tpu.vector_load %arg9[%get3A_214, %get3A_215] {strides = array<i32>} : memref<64x256xf32, #tpu.memory_space<vmem>>, vector<1x16xf32>,
        %get3A_217 = vector.shape_cast %get3A_216 : vector<1x16xf32> to vector<16xf32>
        %get3A_218 = arith.index_cast %scan3A_159 : i32 to index
        %get3A_219 = arith.constant 64 : index
        %get3A_220 = tpu.vector_load %arg10[%get3A_218, %get3A_219] {strides = array<i32>} : memref<64x256xf32, #tpu.memory_space<vmem>>, vector<1x16xf32>,
        %get3A_221 = vector.shape_cast %get3A_220 : vector<1x16xf32> to vector<16xf32>
        %add3A_222 = arith.addf %get3A_217, %get3A_221 : vector<16xf32>
        %swap3A_223 = arith.index_cast %scan3A_159 : i32 to index
        %swap3A_224 = arith.constant 64 : index
        %swap3A_225 = tpu.vector_load %arg9[%swap3A_223, %swap3A_224] {strides = array<i32>} : memref<64x256xf32, #tpu.memory_space<vmem>>, vector<1x16xf32>,
        %swap3A_226 = vector.shape_cast %swap3A_225 : vector<1x16xf32> to vector<16xf32>
        %swap3A_227 = vector.shape_cast %add3A_222 : vector<16xf32> to vector<1x16xf32>
        tpu.vector_store %arg9[%swap3A_223, %swap3A_224], %swap3A_227 {strides = array<i32>} : memref<64x256xf32, #tpu.memory_space<vmem>>, vector<1x16xf32>,
        %get3A_228 = arith.index_cast %scan3A_159 : i32 to index
        %get3A_229 = arith.constant 80 : index
        %get3A_230 = tpu.vector_load %arg9[%get3A_228, %get3A_229] {strides = array<i32>} : memref<64x256xf32, #tpu.memory_space<vmem>>, vector<1x16xf32>,
        %get3A_231 = vector.shape_cast %get3A_230 : vector<1x16xf32> to vector<16xf32>
        %get3A_232 = arith.index_cast %scan3A_159 : i32 to index
        %get3A_233 = arith.constant 80 : index
        %get3A_234 = tpu.vector_load %arg10[%get3A_232, %get3A_233] {strides = array<i32>} : memref<64x256xf32, #tpu.memory_space<vmem>>, vector<1x16xf32>,
        %get3A_235 = vector.shape_cast %get3A_234 : vector<1x16xf32> to vector<16xf32>
        %add3A_236 = arith.addf %get3A_231, %get3A_235 : vector<16xf32>
        %swap3A_237 = arith.index_cast %scan3A_159 : i32 to index
        %swap3A_238 = arith.constant 80 : index
        %swap3A_239 = tpu.vector_load %arg9[%swap3A_237, %swap3A_238] {strides = array<i32>} : memref<64x256xf32, #tpu.memory_space<vmem>>, vector<1x16xf32>,
        %swap3A_240 = vector.shape_cast %swap3A_239 : vector<1x16xf32> to vector<16xf32>
        %swap3A_241 = vector.shape_cast %add3A_236 : vector<16xf32> to vector<1x16xf32>
        tpu.vector_store %arg9[%swap3A_237, %swap3A_238], %swap3A_241 {strides = array<i32>} : memref<64x256xf32, #tpu.memory_space<vmem>>, vector<1x16xf32>,
        %get3A_242 = arith.index_cast %scan3A_159 : i32 to index
        %get3A_243 = arith.constant 96 : index
        %get3A_244 = tpu.vector_load %arg9[%get3A_242, %get3A_243] {strides = array<i32>} : memref<64x256xf32, #tpu.memory_space<vmem>>, vector<1x16xf32>,
        %get3A_245 = vector.shape_cast %get3A_244 : vector<1x16xf32> to vector<16xf32>
        %get3A_246 = arith.index_cast %scan3A_159 : i32 to index
        %get3A_247 = arith.constant 96 : index
        %get3A_248 = tpu.vector_load %arg10[%get3A_246, %get3A_247] {strides = array<i32>} : memref<64x256xf32, #tpu.memory_space<vmem>>, vector<1x16xf32>,
        %get3A_249 = vector.shape_cast %get3A_248 : vector<1x16xf32> to vector<16xf32>
        %add3A_250 = arith.addf %get3A_245, %get3A_249 : vector<16xf32>
        %swap3A_251 = arith.index_cast %scan3A_159 : i32 to index
        %swap3A_252 = arith.constant 96 : index
        %swap3A_253 = tpu.vector_load %arg9[%swap3A_251, %swap3A_252] {strides = array<i32>} : memref<64x256xf32, #tpu.memory_space<vmem>>, vector<1x16xf32>,
        %swap3A_254 = vector.shape_cast %swap3A_253 : vector<1x16xf32> to vector<16xf32>
        %swap3A_255 = vector.shape_cast %add3A_250 : vector<16xf32> to vector<1x16xf32>
        tpu.vector_store %arg9[%swap3A_251, %swap3A_252], %swap3A_255 {strides = array<i32>} : memref<64x256xf32, #tpu.memory_space<vmem>>, vector<1x16xf32>,
        %get3A_256 = arith.index_cast %scan3A_159 : i32 to index
        %get3A_257 = arith.constant 112 : index
        %get3A_258 = tpu.vector_load %arg9[%get3A_256, %get3A_257] {strides = array<i32>} : memref<64x256xf32, #tpu.memory_space<vmem>>, vector<1x16xf32>,
        %get3A_259 = vector.shape_cast %get3A_258 : vector<1x16xf32> to vector<16xf32>
        %get3A_260 = arith.index_cast %scan3A_159 : i32 to index
        %get3A_261 = arith.constant 112 : index
        %get3A_262 = tpu.vector_load %arg10[%get3A_260, %get3A_261] {strides = array<i32>} : memref<64x256xf32, #tpu.memory_space<vmem>>, vector<1x16xf32>,
        %get3A_263 = vector.shape_cast %get3A_262 : vector<1x16xf32> to vector<16xf32>
        %add3A_264 = arith.addf %get3A_259, %get3A_263 : vector<16xf32>
        %swap3A_265 = arith.index_cast %scan3A_159 : i32 to index
        %swap3A_266 = arith.constant 112 : index
        %swap3A_267 = tpu.vector_load %arg9[%swap3A_265, %swap3A_266] {strides = array<i32>} : memref<64x256xf32, #tpu.memory_space<vmem>>, vector<1x16xf32>,
        %swap3A_268 = vector.shape_cast %swap3A_267 : vector<1x16xf32> to vector<16xf32>
        %swap3A_269 = vector.shape_cast %add3A_264 : vector<16xf32> to vector<1x16xf32>
        tpu.vector_store %arg9[%swap3A_265, %swap3A_266], %swap3A_269 {strides = array<i32>} : memref<64x256xf32, #tpu.memory_space<vmem>>, vector<1x16xf32>,
        %get3A_270 = arith.index_cast %scan3A_159 : i32 to index
        %get3A_271 = arith.constant 128 : index
        %get3A_272 = tpu.vector_load %arg9[%get3A_270, %get3A_271] {strides = array<i32>} : memref<64x256xf32, #tpu.memory_space<vmem>>, vector<1x16xf32>,
        %get3A_273 = vector.shape_cast %get3A_272 : vector<1x16xf32> to vector<16xf32>
        %get3A_274 = arith.index_cast %scan3A_159 : i32 to index
        %get3A_275 = arith.constant 128 : index
        %get3A_276 = tpu.vector_load %arg10[%get3A_274, %get3A_275] {strides = array<i32>} : memref<64x256xf32, #tpu.memory_space<vmem>>, vector<1x16xf32>,
        %get3A_277 = vector.shape_cast %get3A_276 : vector<1x16xf32> to vector<16xf32>
        %add3A_278 = arith.addf %get3A_273, %get3A_277 : vector<16xf32>
        %swap3A_279 = arith.index_cast %scan3A_159 : i32 to index
        %swap3A_280 = arith.constant 128 : index
        %swap3A_281 = tpu.vector_load %arg9[%swap3A_279, %swap3A_280] {strides = array<i32>} : memref<64x256xf32, #tpu.memory_space<vmem>>, vector<1x16xf32>,
        %swap3A_282 = vector.shape_cast %swap3A_281 : vector<1x16xf32> to vector<16xf32>
        %swap3A_283 = vector.shape_cast %add3A_278 : vector<16xf32> to vector<1x16xf32>
        tpu.vector_store %arg9[%swap3A_279, %swap3A_280], %swap3A_283 {strides = array<i32>} : memref<64x256xf32, #tpu.memory_space<vmem>>, vector<1x16xf32>,
        %get3A_284 = arith.index_cast %scan3A_159 : i32 to index
        %get3A_285 = arith.constant 144 : index
        %get3A_286 = tpu.vector_load %arg9[%get3A_284, %get3A_285] {strides = array<i32>} : memref<64x256xf32, #tpu.memory_space<vmem>>, vector<1x16xf32>,
        %get3A_287 = vector.shape_cast %get3A_286 : vector<1x16xf32> to vector<16xf32>
        %get3A_288 = arith.index_cast %scan3A_159 : i32 to index
        %get3A_289 = arith.constant 144 : index
        %get3A_290 = tpu.vector_load %arg10[%get3A_288, %get3A_289] {strides = array<i32>} : memref<64x256xf32, #tpu.memory_space<vmem>>, vector<1x16xf32>,
        %get3A_291 = vector.shape_cast %get3A_290 : vector<1x16xf32> to vector<16xf32>
        %add3A_292 = arith.addf %get3A_287, %get3A_291 : vector<16xf32>
        %swap3A_293 = arith.index_cast %scan3A_159 : i32 to index
        %swap3A_294 = arith.constant 144 : index
        %swap3A_295 = tpu.vector_load %arg9[%swap3A_293, %swap3A_294] {strides = array<i32>} : memref<64x256xf32, #tpu.memory_space<vmem>>, vector<1x16xf32>,
        %swap3A_296 = vector.shape_cast %swap3A_295 : vector<1x16xf32> to vector<16xf32>
        %swap3A_297 = vector.shape_cast %add3A_292 : vector<16xf32> to vector<1x16xf32>
        tpu.vector_store %arg9[%swap3A_293, %swap3A_294], %swap3A_297 {strides = array<i32>} : memref<64x256xf32, #tpu.memory_space<vmem>>, vector<1x16xf32>,
        %get3A_298 = arith.index_cast %scan3A_159 : i32 to index
        %get3A_299 = arith.constant 160 : index
        %get3A_300 = tpu.vector_load %arg9[%get3A_298, %get3A_299] {strides = array<i32>} : memref<64x256xf32, #tpu.memory_space<vmem>>, vector<1x16xf32>,
        %get3A_301 = vector.shape_cast %get3A_300 : vector<1x16xf32> to vector<16xf32>
        %get3A_302 = arith.index_cast %scan3A_159 : i32 to index
        %get3A_303 = arith.constant 160 : index
        %get3A_304 = tpu.vector_load %arg10[%get3A_302, %get3A_303] {strides = array<i32>} : memref<64x256xf32, #tpu.memory_space<vmem>>, vector<1x16xf32>,
        %get3A_305 = vector.shape_cast %get3A_304 : vector<1x16xf32> to vector<16xf32>
        %add3A_306 = arith.addf %get3A_301, %get3A_305 : vector<16xf32>
        %swap3A_307 = arith.index_cast %scan3A_159 : i32 to index
        %swap3A_308 = arith.constant 160 : index
        %swap3A_309 = tpu.vector_load %arg9[%swap3A_307, %swap3A_308] {strides = array<i32>} : memref<64x256xf32, #tpu.memory_space<vmem>>, vector<1x16xf32>,
        %swap3A_310 = vector.shape_cast %swap3A_309 : vector<1x16xf32> to vector<16xf32>
        %swap3A_311 = vector.shape_cast %add3A_306 : vector<16xf32> to vector<1x16xf32>
        tpu.vector_store %arg9[%swap3A_307, %swap3A_308], %swap3A_311 {strides = array<i32>} : memref<64x256xf32, #tpu.memory_space<vmem>>, vector<1x16xf32>,
        %get3A_312 = arith.index_cast %scan3A_159 : i32 to index
        %get3A_313 = arith.constant 176 : index
        %get3A_314 = tpu.vector_load %arg9[%get3A_312, %get3A_313] {strides = array<i32>} : memref<64x256xf32, #tpu.memory_space<vmem>>, vector<1x16xf32>,
        %get3A_315 = vector.shape_cast %get3A_314 : vector<1x16xf32> to vector<16xf32>
        %get3A_316 = arith.index_cast %scan3A_159 : i32 to index
        %get3A_317 = arith.constant 176 : index
        %get3A_318 = tpu.vector_load %arg10[%get3A_316, %get3A_317] {strides = array<i32>} : memref<64x256xf32, #tpu.memory_space<vmem>>, vector<1x16xf32>,
        %get3A_319 = vector.shape_cast %get3A_318 : vector<1x16xf32> to vector<16xf32>
        %add3A_320 = arith.addf %get3A_315, %get3A_319 : vector<16xf32>
        %swap3A_321 = arith.index_cast %scan3A_159 : i32 to index
        %swap3A_322 = arith.constant 176 : index
        %swap3A_323 = tpu.vector_load %arg9[%swap3A_321, %swap3A_322] {strides = array<i32>} : memref<64x256xf32, #tpu.memory_space<vmem>>, vector<1x16xf32>,
        %swap3A_324 = vector.shape_cast %swap3A_323 : vector<1x16xf32> to vector<16xf32>
        %swap3A_325 = vector.shape_cast %add3A_320 : vector<16xf32> to vector<1x16xf32>
        tpu.vector_store %arg9[%swap3A_321, %swap3A_322], %swap3A_325 {strides = array<i32>} : memref<64x256xf32, #tpu.memory_space<vmem>>, vector<1x16xf32>,
        %get3A_326 = arith.index_cast %scan3A_159 : i32 to index
        %get3A_327 = arith.constant 192 : index
        %get3A_328 = tpu.vector_load %arg9[%get3A_326, %get3A_327] {strides = array<i32>} : memref<64x256xf32, #tpu.memory_space<vmem>>, vector<1x16xf32>,
        %get3A_329 = vector.shape_cast %get3A_328 : vector<1x16xf32> to vector<16xf32>
        %get3A_330 = arith.index_cast %scan3A_159 : i32 to index
        %get3A_331 = arith.constant 192 : index
        %get3A_332 = tpu.vector_load %arg10[%get3A_330, %get3A_331] {strides = array<i32>} : memref<64x256xf32, #tpu.memory_space<vmem>>, vector<1x16xf32>,
        %get3A_333 = vector.shape_cast %get3A_332 : vector<1x16xf32> to vector<16xf32>
        %add3A_334 = arith.addf %get3A_329, %get3A_333 : vector<16xf32>
        %swap3A_335 = arith.index_cast %scan3A_159 : i32 to index
        %swap3A_336 = arith.constant 192 : index
        %swap3A_337 = tpu.vector_load %arg9[%swap3A_335, %swap3A_336] {strides = array<i32>} : memref<64x256xf32, #tpu.memory_space<vmem>>, vector<1x16xf32>,
        %swap3A_338 = vector.shape_cast %swap3A_337 : vector<1x16xf32> to vector<16xf32>
        %swap3A_339 = vector.shape_cast %add3A_334 : vector<16xf32> to vector<1x16xf32>
        tpu.vector_store %arg9[%swap3A_335, %swap3A_336], %swap3A_339 {strides = array<i32>} : memref<64x256xf32, #tpu.memory_space<vmem>>, vector<1x16xf32>,
        %get3A_340 = arith.index_cast %scan3A_159 : i32 to index
        %get3A_341 = arith.constant 208 : index
        %get3A_342 = tpu.vector_load %arg9[%get3A_340, %get3A_341] {strides = array<i32>} : memref<64x256xf32, #tpu.memory_space<vmem>>, vector<1x16xf32>,
        %get3A_343 = vector.shape_cast %get3A_342 : vector<1x16xf32> to vector<16xf32>
        %get3A_344 = arith.index_cast %scan3A_159 : i32 to index
        %get3A_345 = arith.constant 208 : index
        %get3A_346 = tpu.vector_load %arg10[%get3A_344, %get3A_345] {strides = array<i32>} : memref<64x256xf32, #tpu.memory_space<vmem>>, vector<1x16xf32>,
        %get3A_347 = vector.shape_cast %get3A_346 : vector<1x16xf32> to vector<16xf32>
        %add3A_348 = arith.addf %get3A_343, %get3A_347 : vector<16xf32>
        %swap3A_349 = arith.index_cast %scan3A_159 : i32 to index
        %swap3A_350 = arith.constant 208 : index
        %swap3A_351 = tpu.vector_load %arg9[%swap3A_349, %swap3A_350] {strides = array<i32>} : memref<64x256xf32, #tpu.memory_space<vmem>>, vector<1x16xf32>,
        %swap3A_352 = vector.shape_cast %swap3A_351 : vector<1x16xf32> to vector<16xf32>
        %swap3A_353 = vector.shape_cast %add3A_348 : vector<16xf32> to vector<1x16xf32>
        tpu.vector_store %arg9[%swap3A_349, %swap3A_350], %swap3A_353 {strides = array<i32>} : memref<64x256xf32, #tpu.memory_space<vmem>>, vector<1x16xf32>,
        %get3A_354 = arith.index_cast %scan3A_159 : i32 to index
        %get3A_355 = arith.constant 224 : index
        %get3A_356 = tpu.vector_load %arg9[%get3A_354, %get3A_355] {strides = array<i32>} : memref<64x256xf32, #tpu.memory_space<vmem>>, vector<1x16xf32>,
        %get3A_357 = vector.shape_cast %get3A_356 : vector<1x16xf32> to vector<16xf32>
        %get3A_358 = arith.index_cast %scan3A_159 : i32 to index
        %get3A_359 = arith.constant 224 : index
        %get3A_360 = tpu.vector_load %arg10[%get3A_358, %get3A_359] {strides = array<i32>} : memref<64x256xf32, #tpu.memory_space<vmem>>, vector<1x16xf32>,
        %get3A_361 = vector.shape_cast %get3A_360 : vector<1x16xf32> to vector<16xf32>
        %add3A_362 = arith.addf %get3A_357, %get3A_361 : vector<16xf32>
        %swap3A_363 = arith.index_cast %scan3A_159 : i32 to index
        %swap3A_364 = arith.constant 224 : index
        %swap3A_365 = tpu.vector_load %arg9[%swap3A_363, %swap3A_364] {strides = array<i32>} : memref<64x256xf32, #tpu.memory_space<vmem>>, vector<1x16xf32>,
        %swap3A_366 = vector.shape_cast %swap3A_365 : vector<1x16xf32> to vector<16xf32>
        %swap3A_367 = vector.shape_cast %add3A_362 : vector<16xf32> to vector<1x16xf32>
        tpu.vector_store %arg9[%swap3A_363, %swap3A_364], %swap3A_367 {strides = array<i32>} : memref<64x256xf32, #tpu.memory_space<vmem>>, vector<1x16xf32>,
        %get3A_368 = arith.index_cast %scan3A_159 : i32 to index
        %get3A_369 = arith.constant 240 : index
        %get3A_370 = tpu.vector_load %arg9[%get3A_368, %get3A_369] {strides = array<i32>} : memref<64x256xf32, #tpu.memory_space<vmem>>, vector<1x16xf32>,
        %get3A_371 = vector.shape_cast %get3A_370 : vector<1x16xf32> to vector<16xf32>
        %get3A_372 = arith.index_cast %scan3A_159 : i32 to index
        %get3A_373 = arith.constant 240 : index
        %get3A_374 = tpu.vector_load %arg10[%get3A_372, %get3A_373] {strides = array<i32>} : memref<64x256xf32, #tpu.memory_space<vmem>>, vector<1x16xf32>,
        %get3A_375 = vector.shape_cast %get3A_374 : vector<1x16xf32> to vector<16xf32>
        %add3A_376 = arith.addf %get3A_371, %get3A_375 : vector<16xf32>
        %swap3A_377 = arith.index_cast %scan3A_159 : i32 to index
        %swap3A_378 = arith.constant 240 : index
        %swap3A_379 = tpu.vector_load %arg9[%swap3A_377, %swap3A_378] {strides = array<i32>} : memref<64x256xf32, #tpu.memory_space<vmem>>, vector<1x16xf32>,
        %swap3A_380 = vector.shape_cast %swap3A_379 : vector<1x16xf32> to vector<16xf32>
        %swap3A_381 = vector.shape_cast %add3A_376 : vector<16xf32> to vector<1x16xf32>
        tpu.vector_store %arg9[%swap3A_377, %swap3A_378], %swap3A_381 {strides = array<i32>} : memref<64x256xf32, #tpu.memory_space<vmem>>, vector<1x16xf32>,
      }
      %scan3A_99 = arith.constant 64 : i32
      %mul3A_100 = arith.constant 64 : i32
      %mul3A_101 = arith.muli %mul3A_82, %mul3A_100 : i32
      %add3A_102 = arith.addi %mul3A_10, %mul3A_101 : i32
      "tpu.region"() ({
        %run_scoped3A = tpu.sem_alloc : memref<!tpu.dma_semaphore, #tpu.memory_space<semaphore_mem>>
        %dma_start3A_159 = arith.constant 0 : i32
        %dma_start3A_160 = tpu.memref_slice %arg6[%add3A_102, %dma_start3A_159] : memref<102400x256xf32, #tpu.memory_space<hbm>> -> memref<64x256xf32, #tpu.memory_space<hbm>>
        %dma_start3A_161 = arith.constant 0 : i32
        %dma_start3A_162 = tpu.memref_slice %arg6[%add3A_102, %dma_start3A_161] : memref<102400x256xf32, #tpu.memory_space<hbm>> -> memref<64x256xf32, #tpu.memory_space<hbm>>
        tpu.enqueue_dma source(%arg9 : memref<64x256xf32, #tpu.memory_space<vmem>>) target(%dma_start3A_162 : memref<64x256xf32, #tpu.memory_space<hbm>>) target_semaphore(%run_scoped3A : memref<!tpu.dma_semaphore, #tpu.memory_space<semaphore_mem>>)
        %dma_wait3A_163 = arith.constant 0 : i32
        %dma_wait3A_164 = tpu.memref_slice %arg6[%add3A_102, %dma_wait3A_163] : memref<102400x256xf32, #tpu.memory_space<hbm>> -> memref<64x256xf32, #tpu.memory_space<hbm>>
        %dma_wait3A_165 = arith.constant 0 : i32
        %dma_wait3A_166 = tpu.memref_slice %arg6[%add3A_102, %dma_wait3A_165] : memref<102400x256xf32, #tpu.memory_space<hbm>> -> memref<64x256xf32, #tpu.memory_space<hbm>>
        tpu.wait_dma2 semaphore(%run_scoped3A : memref<!tpu.dma_semaphore, #tpu.memory_space<semaphore_mem>>) src(%arg9 : memref<64x256xf32, #tpu.memory_space<vmem>>) dst(%dma_wait3A_166 : memref<64x256xf32, #tpu.memory_space<hbm>>)
        tpu.yield
      }) : () -> ()
      %add3A_103 = arith.constant 2 : i32
      %add3A_104 = arith.addi %mul3A_82, %add3A_103 : i32
      %sub3A_105 = arith.constant 1 : i32
      %sub3A_106 = arith.subi %select_n3A, %sub3A_105 : i32
      %min3A = arith.minsi %add3A_104, %sub3A_106 : i32
      %mul3A_107 = arith.constant 64 : i32
      %mul3A_108 = arith.muli %min3A, %mul3A_107 : i32
      %dma_start3A_109 = tpu.memref_slice %arg7[%mul3A_108] : memref<4864xi32, #tpu.memory_space<vmem>> -> memref<64xi32, #tpu.memory_space<vmem>>
      %dma_start3A_110 = arith.constant 0 : i32
      %dma_start3A_111 = arith.constant 0 : i32
      %dma_start3A_112 = tpu.memref_slice %arg2[%dma_start3A_110, %dma_start3A_111] : memref<10000x256xf32, #tpu.memory_space<hbm>> -> memref<10000x256xf32, #tpu.memory_space<hbm>>
      tpu.enqueue_indirect_dma source(%dma_start3A_112 : memref<10000x256xf32, #tpu.memory_space<hbm>>) target(%arg9 : memref<64x256xf32, #tpu.memory_space<vmem>>) offsets(%dma_start3A_109 : memref<64xi32, #tpu.memory_space<vmem>>) semaphore(%arg13 : memref<!tpu.dma_semaphore, #tpu.memory_space<semaphore_mem>>)
      %mul3A_113 = arith.constant 64 : i32
      %mul3A_114 = arith.muli %min3A, %mul3A_113 : i32
      %dma_start3A_115 = tpu.memref_slice %arg8[%mul3A_114] : memref<4864xi32, #tpu.memory_space<vmem>> -> memref<64xi32, #tpu.memory_space<vmem>>
      %dma_start3A_116 = arith.constant 0 : i32
      %dma_start3A_117 = arith.constant 0 : i32
      %dma_start3A_118 = tpu.memref_slice %arg3[%dma_start3A_116, %dma_start3A_117] : memref<10000x256xf32, #tpu.memory_space<hbm>> -> memref<10000x256xf32, #tpu.memory_space<hbm>>
      tpu.enqueue_indirect_dma source(%dma_start3A_118 : memref<10000x256xf32, #tpu.memory_space<hbm>>) target(%arg10 : memref<64x256xf32, #tpu.memory_space<vmem>>) offsets(%dma_start3A_115 : memref<64xi32, #tpu.memory_space<vmem>>) semaphore(%arg14 : memref<!tpu.dma_semaphore, #tpu.memory_space<semaphore_mem>>)
      %dma_wait3A_119 = arith.constant 0 : i32
      %dma_wait3A_120 = arith.constant 0 : i32
      %dma_wait3A_121 = tpu.memref_slice %arg2[%dma_wait3A_119, %dma_wait3A_120] : memref<10000x256xf32, #tpu.memory_space<hbm>> -> memref<64x256xf32, #tpu.memory_space<hbm>>
      %dma_wait3A_122 = arith.constant 0 : i32
      %dma_wait3A_123 = arith.constant 0 : i32
      %dma_wait3A_124 = tpu.memref_slice %arg2[%dma_wait3A_122, %dma_wait3A_123] : memref<10000x256xf32, #tpu.memory_space<hbm>> -> memref<64x256xf32, #tpu.memory_space<hbm>>
      tpu.wait_dma2 semaphore(%arg15 : memref<!tpu.dma_semaphore, #tpu.memory_space<semaphore_mem>>) src(%dma_wait3A_124 : memref<64x256xf32, #tpu.memory_space<hbm>>) dst(%arg11 : memref<64x256xf32, #tpu.memory_space<vmem>>)
      %dma_wait3A_125 = arith.constant 0 : i32
      %dma_wait3A_126 = arith.constant 0 : i32
      %dma_wait3A_127 = tpu.memref_slice %arg3[%dma_wait3A_125, %dma_wait3A_126] : memref<10000x256xf32, #tpu.memory_space<hbm>> -> memref<64x256xf32, #tpu.memory_space<hbm>>
      %dma_wait3A_128 = arith.constant 0 : i32
      %dma_wait3A_129 = arith.constant 0 : i32
      %dma_wait3A_130 = tpu.memref_slice %arg3[%dma_wait3A_128, %dma_wait3A_129] : memref<10000x256xf32, #tpu.memory_space<hbm>> -> memref<64x256xf32, #tpu.memory_space<hbm>>
      tpu.wait_dma2 semaphore(%arg16 : memref<!tpu.dma_semaphore, #tpu.memory_space<semaphore_mem>>) src(%dma_wait3A_130 : memref<64x256xf32, #tpu.memory_space<hbm>>) dst(%arg12 : memref<64x256xf32, #tpu.memory_space<vmem>>)
      %add3A_131 = arith.constant 1 : i32
      %add3A_132 = arith.addi %mul3A_82, %add3A_131 : i32
      %scan3A_133 = arith.constant 0 : i32
      %scan3A_134 = arith.constant 0 : i32
      %scan3A_135 = arith.constant 64 : i32
      %scan3A_136 = arith.addi %scan3A_134, %scan3A_135 : i32
      %scan3A_137 = arith.constant 1 : i32
      scf.for %scan3A_159 = %scan3A_134 to %scan3A_136 step %scan3A_137  : i32 {
        %get3A = arith.index_cast %scan3A_159 : i32 to index
        %get3A_160 = arith.constant 0 : index
        %get3A_161 = tpu.vector_load %arg11[%get3A, %get3A_160] {strides = array<i32>} : memref<64x256xf32, #tpu.memory_space<vmem>>, vector<1x16xf32>,
        %get3A_162 = vector.shape_cast %get3A_161 : vector<1x16xf32> to vector<16xf32>
        %get3A_163 = arith.index_cast %scan3A_159 : i32 to index
        %get3A_164 = arith.constant 0 : index
        %get3A_165 = tpu.vector_load %arg12[%get3A_163, %get3A_164] {strides = array<i32>} : memref<64x256xf32, #tpu.memory_space<vmem>>, vector<1x16xf32>,
        %get3A_166 = vector.shape_cast %get3A_165 : vector<1x16xf32> to vector<16xf32>
        %add3A_167 = arith.addf %get3A_162, %get3A_166 : vector<16xf32>
        %swap3A = arith.index_cast %scan3A_159 : i32 to index
        %swap3A_168 = arith.constant 0 : index
        %swap3A_169 = tpu.vector_load %arg11[%swap3A, %swap3A_168] {strides = array<i32>} : memref<64x256xf32, #tpu.memory_space<vmem>>, vector<1x16xf32>,
        %swap3A_170 = vector.shape_cast %swap3A_169 : vector<1x16xf32> to vector<16xf32>
        %swap3A_171 = vector.shape_cast %add3A_167 : vector<16xf32> to vector<1x16xf32>
        tpu.vector_store %arg11[%swap3A, %swap3A_168], %swap3A_171 {strides = array<i32>} : memref<64x256xf32, #tpu.memory_space<vmem>>, vector<1x16xf32>,
        %get3A_172 = arith.index_cast %scan3A_159 : i32 to index
        %get3A_173 = arith.constant 16 : index
        %get3A_174 = tpu.vector_load %arg11[%get3A_172, %get3A_173] {strides = array<i32>} : memref<64x256xf32, #tpu.memory_space<vmem>>, vector<1x16xf32>,
        %get3A_175 = vector.shape_cast %get3A_174 : vector<1x16xf32> to vector<16xf32>
        %get3A_176 = arith.index_cast %scan3A_159 : i32 to index
        %get3A_177 = arith.constant 16 : index
        %get3A_178 = tpu.vector_load %arg12[%get3A_176, %get3A_177] {strides = array<i32>} : memref<64x256xf32, #tpu.memory_space<vmem>>, vector<1x16xf32>,
        %get3A_179 = vector.shape_cast %get3A_178 : vector<1x16xf32> to vector<16xf32>
        %add3A_180 = arith.addf %get3A_175, %get3A_179 : vector<16xf32>
        %swap3A_181 = arith.index_cast %scan3A_159 : i32 to index
        %swap3A_182 = arith.constant 16 : index
        %swap3A_183 = tpu.vector_load %arg11[%swap3A_181, %swap3A_182] {strides = array<i32>} : memref<64x256xf32, #tpu.memory_space<vmem>>, vector<1x16xf32>,
        %swap3A_184 = vector.shape_cast %swap3A_183 : vector<1x16xf32> to vector<16xf32>
        %swap3A_185 = vector.shape_cast %add3A_180 : vector<16xf32> to vector<1x16xf32>
        tpu.vector_store %arg11[%swap3A_181, %swap3A_182], %swap3A_185 {strides = array<i32>} : memref<64x256xf32, #tpu.memory_space<vmem>>, vector<1x16xf32>,
        %get3A_186 = arith.index_cast %scan3A_159 : i32 to index
        %get3A_187 = arith.constant 32 : index
        %get3A_188 = tpu.vector_load %arg11[%get3A_186, %get3A_187] {strides = array<i32>} : memref<64x256xf32, #tpu.memory_space<vmem>>, vector<1x16xf32>,
        %get3A_189 = vector.shape_cast %get3A_188 : vector<1x16xf32> to vector<16xf32>
        %get3A_190 = arith.index_cast %scan3A_159 : i32 to index
        %get3A_191 = arith.constant 32 : index
        %get3A_192 = tpu.vector_load %arg12[%get3A_190, %get3A_191] {strides = array<i32>} : memref<64x256xf32, #tpu.memory_space<vmem>>, vector<1x16xf32>,
        %get3A_193 = vector.shape_cast %get3A_192 : vector<1x16xf32> to vector<16xf32>
        %add3A_194 = arith.addf %get3A_189, %get3A_193 : vector<16xf32>
        %swap3A_195 = arith.index_cast %scan3A_159 : i32 to index
        %swap3A_196 = arith.constant 32 : index
        %swap3A_197 = tpu.vector_load %arg11[%swap3A_195, %swap3A_196] {strides = array<i32>} : memref<64x256xf32, #tpu.memory_space<vmem>>, vector<1x16xf32>,
        %swap3A_198 = vector.shape_cast %swap3A_197 : vector<1x16xf32> to vector<16xf32>
        %swap3A_199 = vector.shape_cast %add3A_194 : vector<16xf32> to vector<1x16xf32>
        tpu.vector_store %arg11[%swap3A_195, %swap3A_196], %swap3A_199 {strides = array<i32>} : memref<64x256xf32, #tpu.memory_space<vmem>>, vector<1x16xf32>,
        %get3A_200 = arith.index_cast %scan3A_159 : i32 to index
        %get3A_201 = arith.constant 48 : index
        %get3A_202 = tpu.vector_load %arg11[%get3A_200, %get3A_201] {strides = array<i32>} : memref<64x256xf32, #tpu.memory_space<vmem>>, vector<1x16xf32>,
        %get3A_203 = vector.shape_cast %get3A_202 : vector<1x16xf32> to vector<16xf32>
        %get3A_204 = arith.index_cast %scan3A_159 : i32 to index
        %get3A_205 = arith.constant 48 : index
        %get3A_206 = tpu.vector_load %arg12[%get3A_204, %get3A_205] {strides = array<i32>} : memref<64x256xf32, #tpu.memory_space<vmem>>, vector<1x16xf32>,
        %get3A_207 = vector.shape_cast %get3A_206 : vector<1x16xf32> to vector<16xf32>
        %add3A_208 = arith.addf %get3A_203, %get3A_207 : vector<16xf32>
        %swap3A_209 = arith.index_cast %scan3A_159 : i32 to index
        %swap3A_210 = arith.constant 48 : index
        %swap3A_211 = tpu.vector_load %arg11[%swap3A_209, %swap3A_210] {strides = array<i32>} : memref<64x256xf32, #tpu.memory_space<vmem>>, vector<1x16xf32>,
        %swap3A_212 = vector.shape_cast %swap3A_211 : vector<1x16xf32> to vector<16xf32>
        %swap3A_213 = vector.shape_cast %add3A_208 : vector<16xf32> to vector<1x16xf32>
        tpu.vector_store %arg11[%swap3A_209, %swap3A_210], %swap3A_213 {strides = array<i32>} : memref<64x256xf32, #tpu.memory_space<vmem>>, vector<1x16xf32>,
        %get3A_214 = arith.index_cast %scan3A_159 : i32 to index
        %get3A_215 = arith.constant 64 : index
        %get3A_216 = tpu.vector_load %arg11[%get3A_214, %get3A_215] {strides = array<i32>} : memref<64x256xf32, #tpu.memory_space<vmem>>, vector<1x16xf32>,
        %get3A_217 = vector.shape_cast %get3A_216 : vector<1x16xf32> to vector<16xf32>
        %get3A_218 = arith.index_cast %scan3A_159 : i32 to index
        %get3A_219 = arith.constant 64 : index
        %get3A_220 = tpu.vector_load %arg12[%get3A_218, %get3A_219] {strides = array<i32>} : memref<64x256xf32, #tpu.memory_space<vmem>>, vector<1x16xf32>,
        %get3A_221 = vector.shape_cast %get3A_220 : vector<1x16xf32> to vector<16xf32>
        %add3A_222 = arith.addf %get3A_217, %get3A_221 : vector<16xf32>
        %swap3A_223 = arith.index_cast %scan3A_159 : i32 to index
        %swap3A_224 = arith.constant 64 : index
        %swap3A_225 = tpu.vector_load %arg11[%swap3A_223, %swap3A_224] {strides = array<i32>} : memref<64x256xf32, #tpu.memory_space<vmem>>, vector<1x16xf32>,
        %swap3A_226 = vector.shape_cast %swap3A_225 : vector<1x16xf32> to vector<16xf32>
        %swap3A_227 = vector.shape_cast %add3A_222 : vector<16xf32> to vector<1x16xf32>
        tpu.vector_store %arg11[%swap3A_223, %swap3A_224], %swap3A_227 {strides = array<i32>} : memref<64x256xf32, #tpu.memory_space<vmem>>, vector<1x16xf32>,
        %get3A_228 = arith.index_cast %scan3A_159 : i32 to index
        %get3A_229 = arith.constant 80 : index
        %get3A_230 = tpu.vector_load %arg11[%get3A_228, %get3A_229] {strides = array<i32>} : memref<64x256xf32, #tpu.memory_space<vmem>>, vector<1x16xf32>,
        %get3A_231 = vector.shape_cast %get3A_230 : vector<1x16xf32> to vector<16xf32>
        %get3A_232 = arith.index_cast %scan3A_159 : i32 to index
        %get3A_233 = arith.constant 80 : index
        %get3A_234 = tpu.vector_load %arg12[%get3A_232, %get3A_233] {strides = array<i32>} : memref<64x256xf32, #tpu.memory_space<vmem>>, vector<1x16xf32>,
        %get3A_235 = vector.shape_cast %get3A_234 : vector<1x16xf32> to vector<16xf32>
        %add3A_236 = arith.addf %get3A_231, %get3A_235 : vector<16xf32>
        %swap3A_237 = arith.index_cast %scan3A_159 : i32 to index
        %swap3A_238 = arith.constant 80 : index
        %swap3A_239 = tpu.vector_load %arg11[%swap3A_237, %swap3A_238] {strides = array<i32>} : memref<64x256xf32, #tpu.memory_space<vmem>>, vector<1x16xf32>,
        %swap3A_240 = vector.shape_cast %swap3A_239 : vector<1x16xf32> to vector<16xf32>
        %swap3A_241 = vector.shape_cast %add3A_236 : vector<16xf32> to vector<1x16xf32>
        tpu.vector_store %arg11[%swap3A_237, %swap3A_238], %swap3A_241 {strides = array<i32>} : memref<64x256xf32, #tpu.memory_space<vmem>>, vector<1x16xf32>,
        %get3A_242 = arith.index_cast %scan3A_159 : i32 to index
        %get3A_243 = arith.constant 96 : index
        %get3A_244 = tpu.vector_load %arg11[%get3A_242, %get3A_243] {strides = array<i32>} : memref<64x256xf32, #tpu.memory_space<vmem>>, vector<1x16xf32>,
        %get3A_245 = vector.shape_cast %get3A_244 : vector<1x16xf32> to vector<16xf32>
        %get3A_246 = arith.index_cast %scan3A_159 : i32 to index
        %get3A_247 = arith.constant 96 : index
        %get3A_248 = tpu.vector_load %arg12[%get3A_246, %get3A_247] {strides = array<i32>} : memref<64x256xf32, #tpu.memory_space<vmem>>, vector<1x16xf32>,
        %get3A_249 = vector.shape_cast %get3A_248 : vector<1x16xf32> to vector<16xf32>
        %add3A_250 = arith.addf %get3A_245, %get3A_249 : vector<16xf32>
        %swap3A_251 = arith.index_cast %scan3A_159 : i32 to index
        %swap3A_252 = arith.constant 96 : index
        %swap3A_253 = tpu.vector_load %arg11[%swap3A_251, %swap3A_252] {strides = array<i32>} : memref<64x256xf32, #tpu.memory_space<vmem>>, vector<1x16xf32>,
        %swap3A_254 = vector.shape_cast %swap3A_253 : vector<1x16xf32> to vector<16xf32>
        %swap3A_255 = vector.shape_cast %add3A_250 : vector<16xf32> to vector<1x16xf32>
        tpu.vector_store %arg11[%swap3A_251, %swap3A_252], %swap3A_255 {strides = array<i32>} : memref<64x256xf32, #tpu.memory_space<vmem>>, vector<1x16xf32>,
        %get3A_256 = arith.index_cast %scan3A_159 : i32 to index
        %get3A_257 = arith.constant 112 : index
        %get3A_258 = tpu.vector_load %arg11[%get3A_256, %get3A_257] {strides = array<i32>} : memref<64x256xf32, #tpu.memory_space<vmem>>, vector<1x16xf32>,
        %get3A_259 = vector.shape_cast %get3A_258 : vector<1x16xf32> to vector<16xf32>
        %get3A_260 = arith.index_cast %scan3A_159 : i32 to index
        %get3A_261 = arith.constant 112 : index
        %get3A_262 = tpu.vector_load %arg12[%get3A_260, %get3A_261] {strides = array<i32>} : memref<64x256xf32, #tpu.memory_space<vmem>>, vector<1x16xf32>,
        %get3A_263 = vector.shape_cast %get3A_262 : vector<1x16xf32> to vector<16xf32>
        %add3A_264 = arith.addf %get3A_259, %get3A_263 : vector<16xf32>
        %swap3A_265 = arith.index_cast %scan3A_159 : i32 to index
        %swap3A_266 = arith.constant 112 : index
        %swap3A_267 = tpu.vector_load %arg11[%swap3A_265, %swap3A_266] {strides = array<i32>} : memref<64x256xf32, #tpu.memory_space<vmem>>, vector<1x16xf32>,
        %swap3A_268 = vector.shape_cast %swap3A_267 : vector<1x16xf32> to vector<16xf32>
        %swap3A_269 = vector.shape_cast %add3A_264 : vector<16xf32> to vector<1x16xf32>
        tpu.vector_store %arg11[%swap3A_265, %swap3A_266], %swap3A_269 {strides = array<i32>} : memref<64x256xf32, #tpu.memory_space<vmem>>, vector<1x16xf32>,
        %get3A_270 = arith.index_cast %scan3A_159 : i32 to index
        %get3A_271 = arith.constant 128 : index
        %get3A_272 = tpu.vector_load %arg11[%get3A_270, %get3A_271] {strides = array<i32>} : memref<64x256xf32, #tpu.memory_space<vmem>>, vector<1x16xf32>,
        %get3A_273 = vector.shape_cast %get3A_272 : vector<1x16xf32> to vector<16xf32>
        %get3A_274 = arith.index_cast %scan3A_159 : i32 to index
        %get3A_275 = arith.constant 128 : index
        %get3A_276 = tpu.vector_load %arg12[%get3A_274, %get3A_275] {strides = array<i32>} : memref<64x256xf32, #tpu.memory_space<vmem>>, vector<1x16xf32>,
        %get3A_277 = vector.shape_cast %get3A_276 : vector<1x16xf32> to vector<16xf32>
        %add3A_278 = arith.addf %get3A_273, %get3A_277 : vector<16xf32>
        %swap3A_279 = arith.index_cast %scan3A_159 : i32 to index
        %swap3A_280 = arith.constant 128 : index
        %swap3A_281 = tpu.vector_load %arg11[%swap3A_279, %swap3A_280] {strides = array<i32>} : memref<64x256xf32, #tpu.memory_space<vmem>>, vector<1x16xf32>,
        %swap3A_282 = vector.shape_cast %swap3A_281 : vector<1x16xf32> to vector<16xf32>
        %swap3A_283 = vector.shape_cast %add3A_278 : vector<16xf32> to vector<1x16xf32>
        tpu.vector_store %arg11[%swap3A_279, %swap3A_280], %swap3A_283 {strides = array<i32>} : memref<64x256xf32, #tpu.memory_space<vmem>>, vector<1x16xf32>,
        %get3A_284 = arith.index_cast %scan3A_159 : i32 to index
        %get3A_285 = arith.constant 144 : index
        %get3A_286 = tpu.vector_load %arg11[%get3A_284, %get3A_285] {strides = array<i32>} : memref<64x256xf32, #tpu.memory_space<vmem>>, vector<1x16xf32>,
        %get3A_287 = vector.shape_cast %get3A_286 : vector<1x16xf32> to vector<16xf32>
        %get3A_288 = arith.index_cast %scan3A_159 : i32 to index
        %get3A_289 = arith.constant 144 : index
        %get3A_290 = tpu.vector_load %arg12[%get3A_288, %get3A_289] {strides = array<i32>} : memref<64x256xf32, #tpu.memory_space<vmem>>, vector<1x16xf32>,
        %get3A_291 = vector.shape_cast %get3A_290 : vector<1x16xf32> to vector<16xf32>
        %add3A_292 = arith.addf %get3A_287, %get3A_291 : vector<16xf32>
        %swap3A_293 = arith.index_cast %scan3A_159 : i32 to index
        %swap3A_294 = arith.constant 144 : index
        %swap3A_295 = tpu.vector_load %arg11[%swap3A_293, %swap3A_294] {strides = array<i32>} : memref<64x256xf32, #tpu.memory_space<vmem>>, vector<1x16xf32>,
        %swap3A_296 = vector.shape_cast %swap3A_295 : vector<1x16xf32> to vector<16xf32>
        %swap3A_297 = vector.shape_cast %add3A_292 : vector<16xf32> to vector<1x16xf32>
        tpu.vector_store %arg11[%swap3A_293, %swap3A_294], %swap3A_297 {strides = array<i32>} : memref<64x256xf32, #tpu.memory_space<vmem>>, vector<1x16xf32>,
        %get3A_298 = arith.index_cast %scan3A_159 : i32 to index
        %get3A_299 = arith.constant 160 : index
        %get3A_300 = tpu.vector_load %arg11[%get3A_298, %get3A_299] {strides = array<i32>} : memref<64x256xf32, #tpu.memory_space<vmem>>, vector<1x16xf32>,
        %get3A_301 = vector.shape_cast %get3A_300 : vector<1x16xf32> to vector<16xf32>
        %get3A_302 = arith.index_cast %scan3A_159 : i32 to index
        %get3A_303 = arith.constant 160 : index
        %get3A_304 = tpu.vector_load %arg12[%get3A_302, %get3A_303] {strides = array<i32>} : memref<64x256xf32, #tpu.memory_space<vmem>>, vector<1x16xf32>,
        %get3A_305 = vector.shape_cast %get3A_304 : vector<1x16xf32> to vector<16xf32>
        %add3A_306 = arith.addf %get3A_301, %get3A_305 : vector<16xf32>
        %swap3A_307 = arith.index_cast %scan3A_159 : i32 to index
        %swap3A_308 = arith.constant 160 : index
        %swap3A_309 = tpu.vector_load %arg11[%swap3A_307, %swap3A_308] {strides = array<i32>} : memref<64x256xf32, #tpu.memory_space<vmem>>, vector<1x16xf32>,
        %swap3A_310 = vector.shape_cast %swap3A_309 : vector<1x16xf32> to vector<16xf32>
        %swap3A_311 = vector.shape_cast %add3A_306 : vector<16xf32> to vector<1x16xf32>
        tpu.vector_store %arg11[%swap3A_307, %swap3A_308], %swap3A_311 {strides = array<i32>} : memref<64x256xf32, #tpu.memory_space<vmem>>, vector<1x16xf32>,
        %get3A_312 = arith.index_cast %scan3A_159 : i32 to index
        %get3A_313 = arith.constant 176 : index
        %get3A_314 = tpu.vector_load %arg11[%get3A_312, %get3A_313] {strides = array<i32>} : memref<64x256xf32, #tpu.memory_space<vmem>>, vector<1x16xf32>,
        %get3A_315 = vector.shape_cast %get3A_314 : vector<1x16xf32> to vector<16xf32>
        %get3A_316 = arith.index_cast %scan3A_159 : i32 to index
        %get3A_317 = arith.constant 176 : index
        %get3A_318 = tpu.vector_load %arg12[%get3A_316, %get3A_317] {strides = array<i32>} : memref<64x256xf32, #tpu.memory_space<vmem>>, vector<1x16xf32>,
        %get3A_319 = vector.shape_cast %get3A_318 : vector<1x16xf32> to vector<16xf32>
        %add3A_320 = arith.addf %get3A_315, %get3A_319 : vector<16xf32>
        %swap3A_321 = arith.index_cast %scan3A_159 : i32 to index
        %swap3A_322 = arith.constant 176 : index
        %swap3A_323 = tpu.vector_load %arg11[%swap3A_321, %swap3A_322] {strides = array<i32>} : memref<64x256xf32, #tpu.memory_space<vmem>>, vector<1x16xf32>,
        %swap3A_324 = vector.shape_cast %swap3A_323 : vector<1x16xf32> to vector<16xf32>
        %swap3A_325 = vector.shape_cast %add3A_320 : vector<16xf32> to vector<1x16xf32>
        tpu.vector_store %arg11[%swap3A_321, %swap3A_322], %swap3A_325 {strides = array<i32>} : memref<64x256xf32, #tpu.memory_space<vmem>>, vector<1x16xf32>,
        %get3A_326 = arith.index_cast %scan3A_159 : i32 to index
        %get3A_327 = arith.constant 192 : index
        %get3A_328 = tpu.vector_load %arg11[%get3A_326, %get3A_327] {strides = array<i32>} : memref<64x256xf32, #tpu.memory_space<vmem>>, vector<1x16xf32>,
        %get3A_329 = vector.shape_cast %get3A_328 : vector<1x16xf32> to vector<16xf32>
        %get3A_330 = arith.index_cast %scan3A_159 : i32 to index
        %get3A_331 = arith.constant 192 : index
        %get3A_332 = tpu.vector_load %arg12[%get3A_330, %get3A_331] {strides = array<i32>} : memref<64x256xf32, #tpu.memory_space<vmem>>, vector<1x16xf32>,
        %get3A_333 = vector.shape_cast %get3A_332 : vector<1x16xf32> to vector<16xf32>
        %add3A_334 = arith.addf %get3A_329, %get3A_333 : vector<16xf32>
        %swap3A_335 = arith.index_cast %scan3A_159 : i32 to index
        %swap3A_336 = arith.constant 192 : index
        %swap3A_337 = tpu.vector_load %arg11[%swap3A_335, %swap3A_336] {strides = array<i32>} : memref<64x256xf32, #tpu.memory_space<vmem>>, vector<1x16xf32>,
        %swap3A_338 = vector.shape_cast %swap3A_337 : vector<1x16xf32> to vector<16xf32>
        %swap3A_339 = vector.shape_cast %add3A_334 : vector<16xf32> to vector<1x16xf32>
        tpu.vector_store %arg11[%swap3A_335, %swap3A_336], %swap3A_339 {strides = array<i32>} : memref<64x256xf32, #tpu.memory_space<vmem>>, vector<1x16xf32>,
        %get3A_340 = arith.index_cast %scan3A_159 : i32 to index
        %get3A_341 = arith.constant 208 : index
        %get3A_342 = tpu.vector_load %arg11[%get3A_340, %get3A_341] {strides = array<i32>} : memref<64x256xf32, #tpu.memory_space<vmem>>, vector<1x16xf32>,
        %get3A_343 = vector.shape_cast %get3A_342 : vector<1x16xf32> to vector<16xf32>
        %get3A_344 = arith.index_cast %scan3A_159 : i32 to index
        %get3A_345 = arith.constant 208 : index
        %get3A_346 = tpu.vector_load %arg12[%get3A_344, %get3A_345] {strides = array<i32>} : memref<64x256xf32, #tpu.memory_space<vmem>>, vector<1x16xf32>,
        %get3A_347 = vector.shape_cast %get3A_346 : vector<1x16xf32> to vector<16xf32>
        %add3A_348 = arith.addf %get3A_343, %get3A_347 : vector<16xf32>
        %swap3A_349 = arith.index_cast %scan3A_159 : i32 to index
        %swap3A_350 = arith.constant 208 : index
        %swap3A_351 = tpu.vector_load %arg11[%swap3A_349, %swap3A_350] {strides = array<i32>} : memref<64x256xf32, #tpu.memory_space<vmem>>, vector<1x16xf32>,
        %swap3A_352 = vector.shape_cast %swap3A_351 : vector<1x16xf32> to vector<16xf32>
        %swap3A_353 = vector.shape_cast %add3A_348 : vector<16xf32> to vector<1x16xf32>
        tpu.vector_store %arg11[%swap3A_349, %swap3A_350], %swap3A_353 {strides = array<i32>} : memref<64x256xf32, #tpu.memory_space<vmem>>, vector<1x16xf32>,
        %get3A_354 = arith.index_cast %scan3A_159 : i32 to index
        %get3A_355 = arith.constant 224 : index
        %get3A_356 = tpu.vector_load %arg11[%get3A_354, %get3A_355] {strides = array<i32>} : memref<64x256xf32, #tpu.memory_space<vmem>>, vector<1x16xf32>,
        %get3A_357 = vector.shape_cast %get3A_356 : vector<1x16xf32> to vector<16xf32>
        %get3A_358 = arith.index_cast %scan3A_159 : i32 to index
        %get3A_359 = arith.constant 224 : index
        %get3A_360 = tpu.vector_load %arg12[%get3A_358, %get3A_359] {strides = array<i32>} : memref<64x256xf32, #tpu.memory_space<vmem>>, vector<1x16xf32>,
        %get3A_361 = vector.shape_cast %get3A_360 : vector<1x16xf32> to vector<16xf32>
        %add3A_362 = arith.addf %get3A_357, %get3A_361 : vector<16xf32>
        %swap3A_363 = arith.index_cast %scan3A_159 : i32 to index
        %swap3A_364 = arith.constant 224 : index
        %swap3A_365 = tpu.vector_load %arg11[%swap3A_363, %swap3A_364] {strides = array<i32>} : memref<64x256xf32, #tpu.memory_space<vmem>>, vector<1x16xf32>,
        %swap3A_366 = vector.shape_cast %swap3A_365 : vector<1x16xf32> to vector<16xf32>
        %swap3A_367 = vector.shape_cast %add3A_362 : vector<16xf32> to vector<1x16xf32>
        tpu.vector_store %arg11[%swap3A_363, %swap3A_364], %swap3A_367 {strides = array<i32>} : memref<64x256xf32, #tpu.memory_space<vmem>>, vector<1x16xf32>,
        %get3A_368 = arith.index_cast %scan3A_159 : i32 to index
        %get3A_369 = arith.constant 240 : index
        %get3A_370 = tpu.vector_load %arg11[%get3A_368, %get3A_369] {strides = array<i32>} : memref<64x256xf32, #tpu.memory_space<vmem>>, vector<1x16xf32>,
        %get3A_371 = vector.shape_cast %get3A_370 : vector<1x16xf32> to vector<16xf32>
        %get3A_372 = arith.index_cast %scan3A_159 : i32 to index
        %get3A_373 = arith.constant 240 : index
        %get3A_374 = tpu.vector_load %arg12[%get3A_372, %get3A_373] {strides = array<i32>} : memref<64x256xf32, #tpu.memory_space<vmem>>, vector<1x16xf32>,
        %get3A_375 = vector.shape_cast %get3A_374 : vector<1x16xf32> to vector<16xf32>
        %add3A_376 = arith.addf %get3A_371, %get3A_375 : vector<16xf32>
        %swap3A_377 = arith.index_cast %scan3A_159 : i32 to index
        %swap3A_378 = arith.constant 240 : index
        %swap3A_379 = tpu.vector_load %arg11[%swap3A_377, %swap3A_378] {strides = array<i32>} : memref<64x256xf32, #tpu.memory_space<vmem>>, vector<1x16xf32>,
        %swap3A_380 = vector.shape_cast %swap3A_379 : vector<1x16xf32> to vector<16xf32>
        %swap3A_381 = vector.shape_cast %add3A_376 : vector<16xf32> to vector<1x16xf32>
        tpu.vector_store %arg11[%swap3A_377, %swap3A_378], %swap3A_381 {strides = array<i32>} : memref<64x256xf32, #tpu.memory_space<vmem>>, vector<1x16xf32>,
      }
      %scan3A_138 = arith.constant 64 : i32
      %mul3A_139 = arith.constant 64 : i32
      %mul3A_140 = arith.muli %add3A_132, %mul3A_139 : i32
      %add3A_141 = arith.addi %mul3A_10, %mul3A_140 : i32
      "tpu.region"() ({
        %run_scoped3A = tpu.sem_alloc : memref<!tpu.dma_semaphore, #tpu.memory_space<semaphore_mem>>
        %dma_start3A_159 = arith.constant 0 : i32
        %dma_start3A_160 = tpu.memref_slice %arg6[%add3A_141, %dma_start3A_159] : memref<102400x256xf32, #tpu.memory_space<hbm>> -> memref<64x256xf32, #tpu.memory_space<hbm>>
        %dma_start3A_161 = arith.constant 0 : i32
        %dma_start3A_162 = tpu.memref_slice %arg6[%add3A_141, %dma_start3A_161] : memref<102400x256xf32, #tpu.memory_space<hbm>> -> memref<64x256xf32, #tpu.memory_space<hbm>>
        tpu.enqueue_dma source(%arg11 : memref<64x256xf32, #tpu.memory_space<vmem>>) target(%dma_start3A_162 : memref<64x256xf32, #tpu.memory_space<hbm>>) target_semaphore(%run_scoped3A : memref<!tpu.dma_semaphore, #tpu.memory_space<semaphore_mem>>)
        %dma_wait3A_163 = arith.constant 0 : i32
        %dma_wait3A_164 = tpu.memref_slice %arg6[%add3A_141, %dma_wait3A_163] : memref<102400x256xf32, #tpu.memory_space<hbm>> -> memref<64x256xf32, #tpu.memory_space<hbm>>
        %dma_wait3A_165 = arith.constant 0 : i32
        %dma_wait3A_166 = tpu.memref_slice %arg6[%add3A_141, %dma_wait3A_165] : memref<102400x256xf32, #tpu.memory_space<hbm>> -> memref<64x256xf32, #tpu.memory_space<hbm>>
        tpu.wait_dma2 semaphore(%run_scoped3A : memref<!tpu.dma_semaphore, #tpu.memory_space<semaphore_mem>>) src(%arg11 : memref<64x256xf32, #tpu.memory_space<vmem>>) dst(%dma_wait3A_166 : memref<64x256xf32, #tpu.memory_space<hbm>>)
        tpu.yield
      }) : () -> ()
      %add3A_142 = arith.constant 3 : i32
      %add3A_143 = arith.addi %mul3A_82, %add3A_142 : i32
      %sub3A_144 = arith.constant 1 : i32
      %sub3A_145 = arith.subi %select_n3A, %sub3A_144 : i32
      %min3A_146 = arith.minsi %add3A_143, %sub3A_145 : i32
      %mul3A_147 = arith.constant 64 : i32
      %mul3A_148 = arith.muli %min3A_146, %mul3A_147 : i32
      %dma_start3A_149 = tpu.memref_slice %arg7[%mul3A_148] : memref<4864xi32, #tpu.memory_space<vmem>> -> memref<64xi32, #tpu.memory_space<vmem>>
      %dma_start3A_150 = arith.constant 0 : i32
      %dma_start3A_151 = arith.constant 0 : i32
      %dma_start3A_152 = tpu.memref_slice %arg2[%dma_start3A_150, %dma_start3A_151] : memref<10000x256xf32, #tpu.memory_space<hbm>> -> memref<10000x256xf32, #tpu.memory_space<hbm>>
      tpu.enqueue_indirect_dma source(%dma_start3A_152 : memref<10000x256xf32, #tpu.memory_space<hbm>>) target(%arg11 : memref<64x256xf32, #tpu.memory_space<vmem>>) offsets(%dma_start3A_149 : memref<64xi32, #tpu.memory_space<vmem>>) semaphore(%arg15 : memref<!tpu.dma_semaphore, #tpu.memory_space<semaphore_mem>>)
      %mul3A_153 = arith.constant 64 : i32
      %mul3A_154 = arith.muli %min3A_146, %mul3A_153 : i32
      %dma_start3A_155 = tpu.memref_slice %arg8[%mul3A_154] : memref<4864xi32, #tpu.memory_space<vmem>> -> memref<64xi32, #tpu.memory_space<vmem>>
      %dma_start3A_156 = arith.constant 0 : i32
      %dma_start3A_157 = arith.constant 0 : i32
      %dma_start3A_158 = tpu.memref_slice %arg3[%dma_start3A_156, %dma_start3A_157] : memref<10000x256xf32, #tpu.memory_space<hbm>> -> memref<10000x256xf32, #tpu.memory_space<hbm>>
      tpu.enqueue_indirect_dma source(%dma_start3A_158 : memref<10000x256xf32, #tpu.memory_space<hbm>>) target(%arg12 : memref<64x256xf32, #tpu.memory_space<vmem>>) offsets(%dma_start3A_155 : memref<64xi32, #tpu.memory_space<vmem>>) semaphore(%arg16 : memref<!tpu.dma_semaphore, #tpu.memory_space<semaphore_mem>>)
    }
    %while3A_56 = arith.constant 1 : i32
    scf.for %while3A_80 = %while3A_54 to %while3A_50 step %while3A_56  : i32 {
      %mul3A_81 = arith.constant 2 : i32
      %mul3A_82 = arith.muli %while3A_80, %mul3A_81 : i32
      %dma_wait3A_83 = arith.constant 0 : i32
      %dma_wait3A_84 = arith.constant 0 : i32
      %dma_wait3A_85 = tpu.memref_slice %arg2[%dma_wait3A_83, %dma_wait3A_84] : memref<10000x256xf32, #tpu.memory_space<hbm>> -> memref<64x256xf32, #tpu.memory_space<hbm>>
      %dma_wait3A_86 = arith.constant 0 : i32
      %dma_wait3A_87 = arith.constant 0 : i32
      %dma_wait3A_88 = tpu.memref_slice %arg2[%dma_wait3A_86, %dma_wait3A_87] : memref<10000x256xf32, #tpu.memory_space<hbm>> -> memref<64x256xf32, #tpu.memory_space<hbm>>
      tpu.wait_dma2 semaphore(%arg13 : memref<!tpu.dma_semaphore, #tpu.memory_space<semaphore_mem>>) src(%dma_wait3A_88 : memref<64x256xf32, #tpu.memory_space<hbm>>) dst(%arg9 : memref<64x256xf32, #tpu.memory_space<vmem>>)
      %dma_wait3A_89 = arith.constant 0 : i32
      %dma_wait3A_90 = arith.constant 0 : i32
      %dma_wait3A_91 = tpu.memref_slice %arg3[%dma_wait3A_89, %dma_wait3A_90] : memref<10000x256xf32, #tpu.memory_space<hbm>> -> memref<64x256xf32, #tpu.memory_space<hbm>>
      %dma_wait3A_92 = arith.constant 0 : i32
      %dma_wait3A_93 = arith.constant 0 : i32
      %dma_wait3A_94 = tpu.memref_slice %arg3[%dma_wait3A_92, %dma_wait3A_93] : memref<10000x256xf32, #tpu.memory_space<hbm>> -> memref<64x256xf32, #tpu.memory_space<hbm>>
      tpu.wait_dma2 semaphore(%arg14 : memref<!tpu.dma_semaphore, #tpu.memory_space<semaphore_mem>>) src(%dma_wait3A_94 : memref<64x256xf32, #tpu.memory_space<hbm>>) dst(%arg10 : memref<64x256xf32, #tpu.memory_space<vmem>>)
      %scan3A = arith.constant 0 : i32
      %scan3A_95 = arith.constant 0 : i32
      %scan3A_96 = arith.constant 64 : i32
      %scan3A_97 = arith.addi %scan3A_95, %scan3A_96 : i32
      %scan3A_98 = arith.constant 1 : i32
      scf.for %scan3A_159 = %scan3A_95 to %scan3A_97 step %scan3A_98  : i32 {
        %get3A = arith.index_cast %scan3A_159 : i32 to index
        %get3A_160 = arith.constant 0 : index
        %get3A_161 = tpu.vector_load %arg9[%get3A, %get3A_160] {strides = array<i32>} : memref<64x256xf32, #tpu.memory_space<vmem>>, vector<1x16xf32>,
        %get3A_162 = vector.shape_cast %get3A_161 : vector<1x16xf32> to vector<16xf32>
        %get3A_163 = arith.index_cast %scan3A_159 : i32 to index
        %get3A_164 = arith.constant 0 : index
        %get3A_165 = tpu.vector_load %arg10[%get3A_163, %get3A_164] {strides = array<i32>} : memref<64x256xf32, #tpu.memory_space<vmem>>, vector<1x16xf32>,
        %get3A_166 = vector.shape_cast %get3A_165 : vector<1x16xf32> to vector<16xf32>
        %add3A_167 = arith.addf %get3A_162, %get3A_166 : vector<16xf32>
        %swap3A = arith.index_cast %scan3A_159 : i32 to index
        %swap3A_168 = arith.constant 0 : index
        %swap3A_169 = tpu.vector_load %arg9[%swap3A, %swap3A_168] {strides = array<i32>} : memref<64x256xf32, #tpu.memory_space<vmem>>, vector<1x16xf32>,
        %swap3A_170 = vector.shape_cast %swap3A_169 : vector<1x16xf32> to vector<16xf32>
        %swap3A_171 = vector.shape_cast %add3A_167 : vector<16xf32> to vector<1x16xf32>
        tpu.vector_store %arg9[%swap3A, %swap3A_168], %swap3A_171 {strides = array<i32>} : memref<64x256xf32, #tpu.memory_space<vmem>>, vector<1x16xf32>,
        %get3A_172 = arith.index_cast %scan3A_159 : i32 to index
        %get3A_173 = arith.constant 16 : index
        %get3A_174 = tpu.vector_load %arg9[%get3A_172, %get3A_173] {strides = array<i32>} : memref<64x256xf32, #tpu.memory_space<vmem>>, vector<1x16xf32>,
        %get3A_175 = vector.shape_cast %get3A_174 : vector<1x16xf32> to vector<16xf32>
        %get3A_176 = arith.index_cast %scan3A_159 : i32 to index
        %get3A_177 = arith.constant 16 : index
        %get3A_178 = tpu.vector_load %arg10[%get3A_176, %get3A_177] {strides = array<i32>} : memref<64x256xf32, #tpu.memory_space<vmem>>, vector<1x16xf32>,
        %get3A_179 = vector.shape_cast %get3A_178 : vector<1x16xf32> to vector<16xf32>
        %add3A_180 = arith.addf %get3A_175, %get3A_179 : vector<16xf32>
        %swap3A_181 = arith.index_cast %scan3A_159 : i32 to index
        %swap3A_182 = arith.constant 16 : index
        %swap3A_183 = tpu.vector_load %arg9[%swap3A_181, %swap3A_182] {strides = array<i32>} : memref<64x256xf32, #tpu.memory_space<vmem>>, vector<1x16xf32>,
        %swap3A_184 = vector.shape_cast %swap3A_183 : vector<1x16xf32> to vector<16xf32>
        %swap3A_185 = vector.shape_cast %add3A_180 : vector<16xf32> to vector<1x16xf32>
        tpu.vector_store %arg9[%swap3A_181, %swap3A_182], %swap3A_185 {strides = array<i32>} : memref<64x256xf32, #tpu.memory_space<vmem>>, vector<1x16xf32>,
        %get3A_186 = arith.index_cast %scan3A_159 : i32 to index
        %get3A_187 = arith.constant 32 : index
        %get3A_188 = tpu.vector_load %arg9[%get3A_186, %get3A_187] {strides = array<i32>} : memref<64x256xf32, #tpu.memory_space<vmem>>, vector<1x16xf32>,
        %get3A_189 = vector.shape_cast %get3A_188 : vector<1x16xf32> to vector<16xf32>
        %get3A_190 = arith.index_cast %scan3A_159 : i32 to index
        %get3A_191 = arith.constant 32 : index
        %get3A_192 = tpu.vector_load %arg10[%get3A_190, %get3A_191] {strides = array<i32>} : memref<64x256xf32, #tpu.memory_space<vmem>>, vector<1x16xf32>,
        %get3A_193 = vector.shape_cast %get3A_192 : vector<1x16xf32> to vector<16xf32>
        %add3A_194 = arith.addf %get3A_189, %get3A_193 : vector<16xf32>
        %swap3A_195 = arith.index_cast %scan3A_159 : i32 to index
        %swap3A_196 = arith.constant 32 : index
        %swap3A_197 = tpu.vector_load %arg9[%swap3A_195, %swap3A_196] {strides = array<i32>} : memref<64x256xf32, #tpu.memory_space<vmem>>, vector<1x16xf32>,
        %swap3A_198 = vector.shape_cast %swap3A_197 : vector<1x16xf32> to vector<16xf32>
        %swap3A_199 = vector.shape_cast %add3A_194 : vector<16xf32> to vector<1x16xf32>
        tpu.vector_store %arg9[%swap3A_195, %swap3A_196], %swap3A_199 {strides = array<i32>} : memref<64x256xf32, #tpu.memory_space<vmem>>, vector<1x16xf32>,
        %get3A_200 = arith.index_cast %scan3A_159 : i32 to index
        %get3A_201 = arith.constant 48 : index
        %get3A_202 = tpu.vector_load %arg9[%get3A_200, %get3A_201] {strides = array<i32>} : memref<64x256xf32, #tpu.memory_space<vmem>>, vector<1x16xf32>,
        %get3A_203 = vector.shape_cast %get3A_202 : vector<1x16xf32> to vector<16xf32>
        %get3A_204 = arith.index_cast %scan3A_159 : i32 to index
        %get3A_205 = arith.constant 48 : index
        %get3A_206 = tpu.vector_load %arg10[%get3A_204, %get3A_205] {strides = array<i32>} : memref<64x256xf32, #tpu.memory_space<vmem>>, vector<1x16xf32>,
        %get3A_207 = vector.shape_cast %get3A_206 : vector<1x16xf32> to vector<16xf32>
        %add3A_208 = arith.addf %get3A_203, %get3A_207 : vector<16xf32>
        %swap3A_209 = arith.index_cast %scan3A_159 : i32 to index
        %swap3A_210 = arith.constant 48 : index
        %swap3A_211 = tpu.vector_load %arg9[%swap3A_209, %swap3A_210] {strides = array<i32>} : memref<64x256xf32, #tpu.memory_space<vmem>>, vector<1x16xf32>,
        %swap3A_212 = vector.shape_cast %swap3A_211 : vector<1x16xf32> to vector<16xf32>
        %swap3A_213 = vector.shape_cast %add3A_208 : vector<16xf32> to vector<1x16xf32>
        tpu.vector_store %arg9[%swap3A_209, %swap3A_210], %swap3A_213 {strides = array<i32>} : memref<64x256xf32, #tpu.memory_space<vmem>>, vector<1x16xf32>,
        %get3A_214 = arith.index_cast %scan3A_159 : i32 to index
        %get3A_215 = arith.constant 64 : index
        %get3A_216 = tpu.vector_load %arg9[%get3A_214, %get3A_215] {strides = array<i32>} : memref<64x256xf32, #tpu.memory_space<vmem>>, vector<1x16xf32>,
        %get3A_217 = vector.shape_cast %get3A_216 : vector<1x16xf32> to vector<16xf32>
        %get3A_218 = arith.index_cast %scan3A_159 : i32 to index
        %get3A_219 = arith.constant 64 : index
        %get3A_220 = tpu.vector_load %arg10[%get3A_218, %get3A_219] {strides = array<i32>} : memref<64x256xf32, #tpu.memory_space<vmem>>, vector<1x16xf32>,
        %get3A_221 = vector.shape_cast %get3A_220 : vector<1x16xf32> to vector<16xf32>
        %add3A_222 = arith.addf %get3A_217, %get3A_221 : vector<16xf32>
        %swap3A_223 = arith.index_cast %scan3A_159 : i32 to index
        %swap3A_224 = arith.constant 64 : index
        %swap3A_225 = tpu.vector_load %arg9[%swap3A_223, %swap3A_224] {strides = array<i32>} : memref<64x256xf32, #tpu.memory_space<vmem>>, vector<1x16xf32>,
        %swap3A_226 = vector.shape_cast %swap3A_225 : vector<1x16xf32> to vector<16xf32>
        %swap3A_227 = vector.shape_cast %add3A_222 : vector<16xf32> to vector<1x16xf32>
        tpu.vector_store %arg9[%swap3A_223, %swap3A_224], %swap3A_227 {strides = array<i32>} : memref<64x256xf32, #tpu.memory_space<vmem>>, vector<1x16xf32>,
        %get3A_228 = arith.index_cast %scan3A_159 : i32 to index
        %get3A_229 = arith.constant 80 : index
        %get3A_230 = tpu.vector_load %arg9[%get3A_228, %get3A_229] {strides = array<i32>} : memref<64x256xf32, #tpu.memory_space<vmem>>, vector<1x16xf32>,
        %get3A_231 = vector.shape_cast %get3A_230 : vector<1x16xf32> to vector<16xf32>
        %get3A_232 = arith.index_cast %scan3A_159 : i32 to index
        %get3A_233 = arith.constant 80 : index
        %get3A_234 = tpu.vector_load %arg10[%get3A_232, %get3A_233] {strides = array<i32>} : memref<64x256xf32, #tpu.memory_space<vmem>>, vector<1x16xf32>,
        %get3A_235 = vector.shape_cast %get3A_234 : vector<1x16xf32> to vector<16xf32>
        %add3A_236 = arith.addf %get3A_231, %get3A_235 : vector<16xf32>
        %swap3A_237 = arith.index_cast %scan3A_159 : i32 to index
        %swap3A_238 = arith.constant 80 : index
        %swap3A_239 = tpu.vector_load %arg9[%swap3A_237, %swap3A_238] {strides = array<i32>} : memref<64x256xf32, #tpu.memory_space<vmem>>, vector<1x16xf32>,
        %swap3A_240 = vector.shape_cast %swap3A_239 : vector<1x16xf32> to vector<16xf32>
        %swap3A_241 = vector.shape_cast %add3A_236 : vector<16xf32> to vector<1x16xf32>
        tpu.vector_store %arg9[%swap3A_237, %swap3A_238], %swap3A_241 {strides = array<i32>} : memref<64x256xf32, #tpu.memory_space<vmem>>, vector<1x16xf32>,
        %get3A_242 = arith.index_cast %scan3A_159 : i32 to index
        %get3A_243 = arith.constant 96 : index
        %get3A_244 = tpu.vector_load %arg9[%get3A_242, %get3A_243] {strides = array<i32>} : memref<64x256xf32, #tpu.memory_space<vmem>>, vector<1x16xf32>,
        %get3A_245 = vector.shape_cast %get3A_244 : vector<1x16xf32> to vector<16xf32>
        %get3A_246 = arith.index_cast %scan3A_159 : i32 to index
        %get3A_247 = arith.constant 96 : index
        %get3A_248 = tpu.vector_load %arg10[%get3A_246, %get3A_247] {strides = array<i32>} : memref<64x256xf32, #tpu.memory_space<vmem>>, vector<1x16xf32>,
        %get3A_249 = vector.shape_cast %get3A_248 : vector<1x16xf32> to vector<16xf32>
        %add3A_250 = arith.addf %get3A_245, %get3A_249 : vector<16xf32>
        %swap3A_251 = arith.index_cast %scan3A_159 : i32 to index
        %swap3A_252 = arith.constant 96 : index
        %swap3A_253 = tpu.vector_load %arg9[%swap3A_251, %swap3A_252] {strides = array<i32>} : memref<64x256xf32, #tpu.memory_space<vmem>>, vector<1x16xf32>,
        %swap3A_254 = vector.shape_cast %swap3A_253 : vector<1x16xf32> to vector<16xf32>
        %swap3A_255 = vector.shape_cast %add3A_250 : vector<16xf32> to vector<1x16xf32>
        tpu.vector_store %arg9[%swap3A_251, %swap3A_252], %swap3A_255 {strides = array<i32>} : memref<64x256xf32, #tpu.memory_space<vmem>>, vector<1x16xf32>,
        %get3A_256 = arith.index_cast %scan3A_159 : i32 to index
        %get3A_257 = arith.constant 112 : index
        %get3A_258 = tpu.vector_load %arg9[%get3A_256, %get3A_257] {strides = array<i32>} : memref<64x256xf32, #tpu.memory_space<vmem>>, vector<1x16xf32>,
        %get3A_259 = vector.shape_cast %get3A_258 : vector<1x16xf32> to vector<16xf32>
        %get3A_260 = arith.index_cast %scan3A_159 : i32 to index
        %get3A_261 = arith.constant 112 : index
        %get3A_262 = tpu.vector_load %arg10[%get3A_260, %get3A_261] {strides = array<i32>} : memref<64x256xf32, #tpu.memory_space<vmem>>, vector<1x16xf32>,
        %get3A_263 = vector.shape_cast %get3A_262 : vector<1x16xf32> to vector<16xf32>
        %add3A_264 = arith.addf %get3A_259, %get3A_263 : vector<16xf32>
        %swap3A_265 = arith.index_cast %scan3A_159 : i32 to index
        %swap3A_266 = arith.constant 112 : index
        %swap3A_267 = tpu.vector_load %arg9[%swap3A_265, %swap3A_266] {strides = array<i32>} : memref<64x256xf32, #tpu.memory_space<vmem>>, vector<1x16xf32>,
        %swap3A_268 = vector.shape_cast %swap3A_267 : vector<1x16xf32> to vector<16xf32>
        %swap3A_269 = vector.shape_cast %add3A_264 : vector<16xf32> to vector<1x16xf32>
        tpu.vector_store %arg9[%swap3A_265, %swap3A_266], %swap3A_269 {strides = array<i32>} : memref<64x256xf32, #tpu.memory_space<vmem>>, vector<1x16xf32>,
        %get3A_270 = arith.index_cast %scan3A_159 : i32 to index
        %get3A_271 = arith.constant 128 : index
        %get3A_272 = tpu.vector_load %arg9[%get3A_270, %get3A_271] {strides = array<i32>} : memref<64x256xf32, #tpu.memory_space<vmem>>, vector<1x16xf32>,
        %get3A_273 = vector.shape_cast %get3A_272 : vector<1x16xf32> to vector<16xf32>
        %get3A_274 = arith.index_cast %scan3A_159 : i32 to index
        %get3A_275 = arith.constant 128 : index
        %get3A_276 = tpu.vector_load %arg10[%get3A_274, %get3A_275] {strides = array<i32>} : memref<64x256xf32, #tpu.memory_space<vmem>>, vector<1x16xf32>,
        %get3A_277 = vector.shape_cast %get3A_276 : vector<1x16xf32> to vector<16xf32>
        %add3A_278 = arith.addf %get3A_273, %get3A_277 : vector<16xf32>
        %swap3A_279 = arith.index_cast %scan3A_159 : i32 to index
        %swap3A_280 = arith.constant 128 : index
        %swap3A_281 = tpu.vector_load %arg9[%swap3A_279, %swap3A_280] {strides = array<i32>} : memref<64x256xf32, #tpu.memory_space<vmem>>, vector<1x16xf32>,
        %swap3A_282 = vector.shape_cast %swap3A_281 : vector<1x16xf32> to vector<16xf32>
        %swap3A_283 = vector.shape_cast %add3A_278 : vector<16xf32> to vector<1x16xf32>
        tpu.vector_store %arg9[%swap3A_279, %swap3A_280], %swap3A_283 {strides = array<i32>} : memref<64x256xf32, #tpu.memory_space<vmem>>, vector<1x16xf32>,
        %get3A_284 = arith.index_cast %scan3A_159 : i32 to index
        %get3A_285 = arith.constant 144 : index
        %get3A_286 = tpu.vector_load %arg9[%get3A_284, %get3A_285] {strides = array<i32>} : memref<64x256xf32, #tpu.memory_space<vmem>>, vector<1x16xf32>,
        %get3A_287 = vector.shape_cast %get3A_286 : vector<1x16xf32> to vector<16xf32>
        %get3A_288 = arith.index_cast %scan3A_159 : i32 to index
        %get3A_289 = arith.constant 144 : index
        %get3A_290 = tpu.vector_load %arg10[%get3A_288, %get3A_289] {strides = array<i32>} : memref<64x256xf32, #tpu.memory_space<vmem>>, vector<1x16xf32>,
        %get3A_291 = vector.shape_cast %get3A_290 : vector<1x16xf32> to vector<16xf32>
        %add3A_292 = arith.addf %get3A_287, %get3A_291 : vector<16xf32>
        %swap3A_293 = arith.index_cast %scan3A_159 : i32 to index
        %swap3A_294 = arith.constant 144 : index
        %swap3A_295 = tpu.vector_load %arg9[%swap3A_293, %swap3A_294] {strides = array<i32>} : memref<64x256xf32, #tpu.memory_space<vmem>>, vector<1x16xf32>,
        %swap3A_296 = vector.shape_cast %swap3A_295 : vector<1x16xf32> to vector<16xf32>
        %swap3A_297 = vector.shape_cast %add3A_292 : vector<16xf32> to vector<1x16xf32>
        tpu.vector_store %arg9[%swap3A_293, %swap3A_294], %swap3A_297 {strides = array<i32>} : memref<64x256xf32, #tpu.memory_space<vmem>>, vector<1x16xf32>,
        %get3A_298 = arith.index_cast %scan3A_159 : i32 to index
        %get3A_299 = arith.constant 160 : index
        %get3A_300 = tpu.vector_load %arg9[%get3A_298, %get3A_299] {strides = array<i32>} : memref<64x256xf32, #tpu.memory_space<vmem>>, vector<1x16xf32>,
        %get3A_301 = vector.shape_cast %get3A_300 : vector<1x16xf32> to vector<16xf32>
        %get3A_302 = arith.index_cast %scan3A_159 : i32 to index
        %get3A_303 = arith.constant 160 : index
        %get3A_304 = tpu.vector_load %arg10[%get3A_302, %get3A_303] {strides = array<i32>} : memref<64x256xf32, #tpu.memory_space<vmem>>, vector<1x16xf32>,
        %get3A_305 = vector.shape_cast %get3A_304 : vector<1x16xf32> to vector<16xf32>
        %add3A_306 = arith.addf %get3A_301, %get3A_305 : vector<16xf32>
        %swap3A_307 = arith.index_cast %scan3A_159 : i32 to index
        %swap3A_308 = arith.constant 160 : index
        %swap3A_309 = tpu.vector_load %arg9[%swap3A_307, %swap3A_308] {strides = array<i32>} : memref<64x256xf32, #tpu.memory_space<vmem>>, vector<1x16xf32>,
        %swap3A_310 = vector.shape_cast %swap3A_309 : vector<1x16xf32> to vector<16xf32>
        %swap3A_311 = vector.shape_cast %add3A_306 : vector<16xf32> to vector<1x16xf32>
        tpu.vector_store %arg9[%swap3A_307, %swap3A_308], %swap3A_311 {strides = array<i32>} : memref<64x256xf32, #tpu.memory_space<vmem>>, vector<1x16xf32>,
        %get3A_312 = arith.index_cast %scan3A_159 : i32 to index
        %get3A_313 = arith.constant 176 : index
        %get3A_314 = tpu.vector_load %arg9[%get3A_312, %get3A_313] {strides = array<i32>} : memref<64x256xf32, #tpu.memory_space<vmem>>, vector<1x16xf32>,
        %get3A_315 = vector.shape_cast %get3A_314 : vector<1x16xf32> to vector<16xf32>
        %get3A_316 = arith.index_cast %scan3A_159 : i32 to index
        %get3A_317 = arith.constant 176 : index
        %get3A_318 = tpu.vector_load %arg10[%get3A_316, %get3A_317] {strides = array<i32>} : memref<64x256xf32, #tpu.memory_space<vmem>>, vector<1x16xf32>,
        %get3A_319 = vector.shape_cast %get3A_318 : vector<1x16xf32> to vector<16xf32>
        %add3A_320 = arith.addf %get3A_315, %get3A_319 : vector<16xf32>
        %swap3A_321 = arith.index_cast %scan3A_159 : i32 to index
        %swap3A_322 = arith.constant 176 : index
        %swap3A_323 = tpu.vector_load %arg9[%swap3A_321, %swap3A_322] {strides = array<i32>} : memref<64x256xf32, #tpu.memory_space<vmem>>, vector<1x16xf32>,
        %swap3A_324 = vector.shape_cast %swap3A_323 : vector<1x16xf32> to vector<16xf32>
        %swap3A_325 = vector.shape_cast %add3A_320 : vector<16xf32> to vector<1x16xf32>
        tpu.vector_store %arg9[%swap3A_321, %swap3A_322], %swap3A_325 {strides = array<i32>} : memref<64x256xf32, #tpu.memory_space<vmem>>, vector<1x16xf32>,
        %get3A_326 = arith.index_cast %scan3A_159 : i32 to index
        %get3A_327 = arith.constant 192 : index
        %get3A_328 = tpu.vector_load %arg9[%get3A_326, %get3A_327] {strides = array<i32>} : memref<64x256xf32, #tpu.memory_space<vmem>>, vector<1x16xf32>,
        %get3A_329 = vector.shape_cast %get3A_328 : vector<1x16xf32> to vector<16xf32>
        %get3A_330 = arith.index_cast %scan3A_159 : i32 to index
        %get3A_331 = arith.constant 192 : index
        %get3A_332 = tpu.vector_load %arg10[%get3A_330, %get3A_331] {strides = array<i32>} : memref<64x256xf32, #tpu.memory_space<vmem>>, vector<1x16xf32>,
        %get3A_333 = vector.shape_cast %get3A_332 : vector<1x16xf32> to vector<16xf32>
        %add3A_334 = arith.addf %get3A_329, %get3A_333 : vector<16xf32>
        %swap3A_335 = arith.index_cast %scan3A_159 : i32 to index
        %swap3A_336 = arith.constant 192 : index
        %swap3A_337 = tpu.vector_load %arg9[%swap3A_335, %swap3A_336] {strides = array<i32>} : memref<64x256xf32, #tpu.memory_space<vmem>>, vector<1x16xf32>,
        %swap3A_338 = vector.shape_cast %swap3A_337 : vector<1x16xf32> to vector<16xf32>
        %swap3A_339 = vector.shape_cast %add3A_334 : vector<16xf32> to vector<1x16xf32>
        tpu.vector_store %arg9[%swap3A_335, %swap3A_336], %swap3A_339 {strides = array<i32>} : memref<64x256xf32, #tpu.memory_space<vmem>>, vector<1x16xf32>,
        %get3A_340 = arith.index_cast %scan3A_159 : i32 to index
        %get3A_341 = arith.constant 208 : index
        %get3A_342 = tpu.vector_load %arg9[%get3A_340, %get3A_341] {strides = array<i32>} : memref<64x256xf32, #tpu.memory_space<vmem>>, vector<1x16xf32>,
        %get3A_343 = vector.shape_cast %get3A_342 : vector<1x16xf32> to vector<16xf32>
        %get3A_344 = arith.index_cast %scan3A_159 : i32 to index
        %get3A_345 = arith.constant 208 : index
        %get3A_346 = tpu.vector_load %arg10[%get3A_344, %get3A_345] {strides = array<i32>} : memref<64x256xf32, #tpu.memory_space<vmem>>, vector<1x16xf32>,
        %get3A_347 = vector.shape_cast %get3A_346 : vector<1x16xf32> to vector<16xf32>
        %add3A_348 = arith.addf %get3A_343, %get3A_347 : vector<16xf32>
        %swap3A_349 = arith.index_cast %scan3A_159 : i32 to index
        %swap3A_350 = arith.constant 208 : index
        %swap3A_351 = tpu.vector_load %arg9[%swap3A_349, %swap3A_350] {strides = array<i32>} : memref<64x256xf32, #tpu.memory_space<vmem>>, vector<1x16xf32>,
        %swap3A_352 = vector.shape_cast %swap3A_351 : vector<1x16xf32> to vector<16xf32>
        %swap3A_353 = vector.shape_cast %add3A_348 : vector<16xf32> to vector<1x16xf32>
        tpu.vector_store %arg9[%swap3A_349, %swap3A_350], %swap3A_353 {strides = array<i32>} : memref<64x256xf32, #tpu.memory_space<vmem>>, vector<1x16xf32>,
        %get3A_354 = arith.index_cast %scan3A_159 : i32 to index
        %get3A_355 = arith.constant 224 : index
        %get3A_356 = tpu.vector_load %arg9[%get3A_354, %get3A_355] {strides = array<i32>} : memref<64x256xf32, #tpu.memory_space<vmem>>, vector<1x16xf32>,
        %get3A_357 = vector.shape_cast %get3A_356 : vector<1x16xf32> to vector<16xf32>
        %get3A_358 = arith.index_cast %scan3A_159 : i32 to index
        %get3A_359 = arith.constant 224 : index
        %get3A_360 = tpu.vector_load %arg10[%get3A_358, %get3A_359] {strides = array<i32>} : memref<64x256xf32, #tpu.memory_space<vmem>>, vector<1x16xf32>,
        %get3A_361 = vector.shape_cast %get3A_360 : vector<1x16xf32> to vector<16xf32>
        %add3A_362 = arith.addf %get3A_357, %get3A_361 : vector<16xf32>
        %swap3A_363 = arith.index_cast %scan3A_159 : i32 to index
        %swap3A_364 = arith.constant 224 : index
        %swap3A_365 = tpu.vector_load %arg9[%swap3A_363, %swap3A_364] {strides = array<i32>} : memref<64x256xf32, #tpu.memory_space<vmem>>, vector<1x16xf32>,
        %swap3A_366 = vector.shape_cast %swap3A_365 : vector<1x16xf32> to vector<16xf32>
        %swap3A_367 = vector.shape_cast %add3A_362 : vector<16xf32> to vector<1x16xf32>
        tpu.vector_store %arg9[%swap3A_363, %swap3A_364], %swap3A_367 {strides = array<i32>} : memref<64x256xf32, #tpu.memory_space<vmem>>, vector<1x16xf32>,
        %get3A_368 = arith.index_cast %scan3A_159 : i32 to index
        %get3A_369 = arith.constant 240 : index
        %get3A_370 = tpu.vector_load %arg9[%get3A_368, %get3A_369] {strides = array<i32>} : memref<64x256xf32, #tpu.memory_space<vmem>>, vector<1x16xf32>,
        %get3A_371 = vector.shape_cast %get3A_370 : vector<1x16xf32> to vector<16xf32>
        %get3A_372 = arith.index_cast %scan3A_159 : i32 to index
        %get3A_373 = arith.constant 240 : index
        %get3A_374 = tpu.vector_load %arg10[%get3A_372, %get3A_373] {strides = array<i32>} : memref<64x256xf32, #tpu.memory_space<vmem>>, vector<1x16xf32>,
        %get3A_375 = vector.shape_cast %get3A_374 : vector<1x16xf32> to vector<16xf32>
        %add3A_376 = arith.addf %get3A_371, %get3A_375 : vector<16xf32>
        %swap3A_377 = arith.index_cast %scan3A_159 : i32 to index
        %swap3A_378 = arith.constant 240 : index
        %swap3A_379 = tpu.vector_load %arg9[%swap3A_377, %swap3A_378] {strides = array<i32>} : memref<64x256xf32, #tpu.memory_space<vmem>>, vector<1x16xf32>,
        %swap3A_380 = vector.shape_cast %swap3A_379 : vector<1x16xf32> to vector<16xf32>
        %swap3A_381 = vector.shape_cast %add3A_376 : vector<16xf32> to vector<1x16xf32>
        tpu.vector_store %arg9[%swap3A_377, %swap3A_378], %swap3A_381 {strides = array<i32>} : memref<64x256xf32, #tpu.memory_space<vmem>>, vector<1x16xf32>,
      }
      %scan3A_99 = arith.constant 64 : i32
      %mul3A_100 = arith.constant 64 : i32
      %mul3A_101 = arith.muli %mul3A_82, %mul3A_100 : i32
      %add3A_102 = arith.addi %mul3A_10, %mul3A_101 : i32
      "tpu.region"() ({
        %run_scoped3A = tpu.sem_alloc : memref<!tpu.dma_semaphore, #tpu.memory_space<semaphore_mem>>
        %dma_start3A_159 = arith.constant 0 : i32
        %dma_start3A_160 = tpu.memref_slice %arg6[%add3A_102, %dma_start3A_159] : memref<102400x256xf32, #tpu.memory_space<hbm>> -> memref<64x256xf32, #tpu.memory_space<hbm>>
        %dma_start3A_161 = arith.constant 0 : i32
        %dma_start3A_162 = tpu.memref_slice %arg6[%add3A_102, %dma_start3A_161] : memref<102400x256xf32, #tpu.memory_space<hbm>> -> memref<64x256xf32, #tpu.memory_space<hbm>>
        tpu.enqueue_dma source(%arg9 : memref<64x256xf32, #tpu.memory_space<vmem>>) target(%dma_start3A_162 : memref<64x256xf32, #tpu.memory_space<hbm>>) target_semaphore(%run_scoped3A : memref<!tpu.dma_semaphore, #tpu.memory_space<semaphore_mem>>)
        %dma_wait3A_163 = arith.constant 0 : i32
        %dma_wait3A_164 = tpu.memref_slice %arg6[%add3A_102, %dma_wait3A_163] : memref<102400x256xf32, #tpu.memory_space<hbm>> -> memref<64x256xf32, #tpu.memory_space<hbm>>
        %dma_wait3A_165 = arith.constant 0 : i32
        %dma_wait3A_166 = tpu.memref_slice %arg6[%add3A_102, %dma_wait3A_165] : memref<102400x256xf32, #tpu.memory_space<hbm>> -> memref<64x256xf32, #tpu.memory_space<hbm>>
        tpu.wait_dma2 semaphore(%run_scoped3A : memref<!tpu.dma_semaphore, #tpu.memory_space<semaphore_mem>>) src(%arg9 : memref<64x256xf32, #tpu.memory_space<vmem>>) dst(%dma_wait3A_166 : memref<64x256xf32, #tpu.memory_space<hbm>>)
        tpu.yield
      }) : () -> ()
      %add3A_103 = arith.constant 2 : i32
      %add3A_104 = arith.addi %mul3A_82, %add3A_103 : i32
      %sub3A_105 = arith.constant 1 : i32
      %sub3A_106 = arith.subi %select_n3A, %sub3A_105 : i32
      %min3A = arith.minsi %add3A_104, %sub3A_106 : i32
      %mul3A_107 = arith.constant 64 : i32
      %mul3A_108 = arith.muli %min3A, %mul3A_107 : i32
      %dma_start3A_109 = tpu.memref_slice %arg7[%mul3A_108] : memref<4864xi32, #tpu.memory_space<vmem>> -> memref<64xi32, #tpu.memory_space<vmem>>
      %dma_start3A_110 = arith.constant 0 : i32
      %dma_start3A_111 = arith.constant 0 : i32
      %dma_start3A_112 = tpu.memref_slice %arg2[%dma_start3A_110, %dma_start3A_111] : memref<10000x256xf32, #tpu.memory_space<hbm>> -> memref<10000x256xf32, #tpu.memory_space<hbm>>
      tpu.enqueue_indirect_dma source(%dma_start3A_112 : memref<10000x256xf32, #tpu.memory_space<hbm>>) target(%arg9 : memref<64x256xf32, #tpu.memory_space<vmem>>) offsets(%dma_start3A_109 : memref<64xi32, #tpu.memory_space<vmem>>) semaphore(%arg13 : memref<!tpu.dma_semaphore, #tpu.memory_space<semaphore_mem>>)
      %mul3A_113 = arith.constant 64 : i32
      %mul3A_114 = arith.muli %min3A, %mul3A_113 : i32
      %dma_start3A_115 = tpu.memref_slice %arg8[%mul3A_114] : memref<4864xi32, #tpu.memory_space<vmem>> -> memref<64xi32, #tpu.memory_space<vmem>>
      %dma_start3A_116 = arith.constant 0 : i32
      %dma_start3A_117 = arith.constant 0 : i32
      %dma_start3A_118 = tpu.memref_slice %arg3[%dma_start3A_116, %dma_start3A_117] : memref<10000x256xf32, #tpu.memory_space<hbm>> -> memref<10000x256xf32, #tpu.memory_space<hbm>>
      tpu.enqueue_indirect_dma source(%dma_start3A_118 : memref<10000x256xf32, #tpu.memory_space<hbm>>) target(%arg10 : memref<64x256xf32, #tpu.memory_space<vmem>>) offsets(%dma_start3A_115 : memref<64xi32, #tpu.memory_space<vmem>>) semaphore(%arg14 : memref<!tpu.dma_semaphore, #tpu.memory_space<semaphore_mem>>)
      %dma_wait3A_119 = arith.constant 0 : i32
      %dma_wait3A_120 = arith.constant 0 : i32
      %dma_wait3A_121 = tpu.memref_slice %arg2[%dma_wait3A_119, %dma_wait3A_120] : memref<10000x256xf32, #tpu.memory_space<hbm>> -> memref<64x256xf32, #tpu.memory_space<hbm>>
      %dma_wait3A_122 = arith.constant 0 : i32
      %dma_wait3A_123 = arith.constant 0 : i32
      %dma_wait3A_124 = tpu.memref_slice %arg2[%dma_wait3A_122, %dma_wait3A_123] : memref<10000x256xf32, #tpu.memory_space<hbm>> -> memref<64x256xf32, #tpu.memory_space<hbm>>
      tpu.wait_dma2 semaphore(%arg15 : memref<!tpu.dma_semaphore, #tpu.memory_space<semaphore_mem>>) src(%dma_wait3A_124 : memref<64x256xf32, #tpu.memory_space<hbm>>) dst(%arg11 : memref<64x256xf32, #tpu.memory_space<vmem>>)
      %dma_wait3A_125 = arith.constant 0 : i32
      %dma_wait3A_126 = arith.constant 0 : i32
      %dma_wait3A_127 = tpu.memref_slice %arg3[%dma_wait3A_125, %dma_wait3A_126] : memref<10000x256xf32, #tpu.memory_space<hbm>> -> memref<64x256xf32, #tpu.memory_space<hbm>>
      %dma_wait3A_128 = arith.constant 0 : i32
      %dma_wait3A_129 = arith.constant 0 : i32
      %dma_wait3A_130 = tpu.memref_slice %arg3[%dma_wait3A_128, %dma_wait3A_129] : memref<10000x256xf32, #tpu.memory_space<hbm>> -> memref<64x256xf32, #tpu.memory_space<hbm>>
      tpu.wait_dma2 semaphore(%arg16 : memref<!tpu.dma_semaphore, #tpu.memory_space<semaphore_mem>>) src(%dma_wait3A_130 : memref<64x256xf32, #tpu.memory_space<hbm>>) dst(%arg12 : memref<64x256xf32, #tpu.memory_space<vmem>>)
      %add3A_131 = arith.constant 1 : i32
      %add3A_132 = arith.addi %mul3A_82, %add3A_131 : i32
      %scan3A_133 = arith.constant 0 : i32
      %scan3A_134 = arith.constant 0 : i32
      %scan3A_135 = arith.constant 64 : i32
      %scan3A_136 = arith.addi %scan3A_134, %scan3A_135 : i32
      %scan3A_137 = arith.constant 1 : i32
      scf.for %scan3A_159 = %scan3A_134 to %scan3A_136 step %scan3A_137  : i32 {
        %get3A = arith.index_cast %scan3A_159 : i32 to index
        %get3A_160 = arith.constant 0 : index
        %get3A_161 = tpu.vector_load %arg11[%get3A, %get3A_160] {strides = array<i32>} : memref<64x256xf32, #tpu.memory_space<vmem>>, vector<1x16xf32>,
        %get3A_162 = vector.shape_cast %get3A_161 : vector<1x16xf32> to vector<16xf32>
        %get3A_163 = arith.index_cast %scan3A_159 : i32 to index
        %get3A_164 = arith.constant 0 : index
        %get3A_165 = tpu.vector_load %arg12[%get3A_163, %get3A_164] {strides = array<i32>} : memref<64x256xf32, #tpu.memory_space<vmem>>, vector<1x16xf32>,
        %get3A_166 = vector.shape_cast %get3A_165 : vector<1x16xf32> to vector<16xf32>
        %add3A_167 = arith.addf %get3A_162, %get3A_166 : vector<16xf32>
        %swap3A = arith.index_cast %scan3A_159 : i32 to index
        %swap3A_168 = arith.constant 0 : index
        %swap3A_169 = tpu.vector_load %arg11[%swap3A, %swap3A_168] {strides = array<i32>} : memref<64x256xf32, #tpu.memory_space<vmem>>, vector<1x16xf32>,
        %swap3A_170 = vector.shape_cast %swap3A_169 : vector<1x16xf32> to vector<16xf32>
        %swap3A_171 = vector.shape_cast %add3A_167 : vector<16xf32> to vector<1x16xf32>
        tpu.vector_store %arg11[%swap3A, %swap3A_168], %swap3A_171 {strides = array<i32>} : memref<64x256xf32, #tpu.memory_space<vmem>>, vector<1x16xf32>,
        %get3A_172 = arith.index_cast %scan3A_159 : i32 to index
        %get3A_173 = arith.constant 16 : index
        %get3A_174 = tpu.vector_load %arg11[%get3A_172, %get3A_173] {strides = array<i32>} : memref<64x256xf32, #tpu.memory_space<vmem>>, vector<1x16xf32>,
        %get3A_175 = vector.shape_cast %get3A_174 : vector<1x16xf32> to vector<16xf32>
        %get3A_176 = arith.index_cast %scan3A_159 : i32 to index
        %get3A_177 = arith.constant 16 : index
        %get3A_178 = tpu.vector_load %arg12[%get3A_176, %get3A_177] {strides = array<i32>} : memref<64x256xf32, #tpu.memory_space<vmem>>, vector<1x16xf32>,
        %get3A_179 = vector.shape_cast %get3A_178 : vector<1x16xf32> to vector<16xf32>
        %add3A_180 = arith.addf %get3A_175, %get3A_179 : vector<16xf32>
        %swap3A_181 = arith.index_cast %scan3A_159 : i32 to index
        %swap3A_182 = arith.constant 16 : index
        %swap3A_183 = tpu.vector_load %arg11[%swap3A_181, %swap3A_182] {strides = array<i32>} : memref<64x256xf32, #tpu.memory_space<vmem>>, vector<1x16xf32>,
        %swap3A_184 = vector.shape_cast %swap3A_183 : vector<1x16xf32> to vector<16xf32>
        %swap3A_185 = vector.shape_cast %add3A_180 : vector<16xf32> to vector<1x16xf32>
        tpu.vector_store %arg11[%swap3A_181, %swap3A_182], %swap3A_185 {strides = array<i32>} : memref<64x256xf32, #tpu.memory_space<vmem>>, vector<1x16xf32>,
        %get3A_186 = arith.index_cast %scan3A_159 : i32 to index
        %get3A_187 = arith.constant 32 : index
        %get3A_188 = tpu.vector_load %arg11[%get3A_186, %get3A_187] {strides = array<i32>} : memref<64x256xf32, #tpu.memory_space<vmem>>, vector<1x16xf32>,
        %get3A_189 = vector.shape_cast %get3A_188 : vector<1x16xf32> to vector<16xf32>
        %get3A_190 = arith.index_cast %scan3A_159 : i32 to index
        %get3A_191 = arith.constant 32 : index
        %get3A_192 = tpu.vector_load %arg12[%get3A_190, %get3A_191] {strides = array<i32>} : memref<64x256xf32, #tpu.memory_space<vmem>>, vector<1x16xf32>,
        %get3A_193 = vector.shape_cast %get3A_192 : vector<1x16xf32> to vector<16xf32>
        %add3A_194 = arith.addf %get3A_189, %get3A_193 : vector<16xf32>
        %swap3A_195 = arith.index_cast %scan3A_159 : i32 to index
        %swap3A_196 = arith.constant 32 : index
        %swap3A_197 = tpu.vector_load %arg11[%swap3A_195, %swap3A_196] {strides = array<i32>} : memref<64x256xf32, #tpu.memory_space<vmem>>, vector<1x16xf32>,
        %swap3A_198 = vector.shape_cast %swap3A_197 : vector<1x16xf32> to vector<16xf32>
        %swap3A_199 = vector.shape_cast %add3A_194 : vector<16xf32> to vector<1x16xf32>
        tpu.vector_store %arg11[%swap3A_195, %swap3A_196], %swap3A_199 {strides = array<i32>} : memref<64x256xf32, #tpu.memory_space<vmem>>, vector<1x16xf32>,
        %get3A_200 = arith.index_cast %scan3A_159 : i32 to index
        %get3A_201 = arith.constant 48 : index
        %get3A_202 = tpu.vector_load %arg11[%get3A_200, %get3A_201] {strides = array<i32>} : memref<64x256xf32, #tpu.memory_space<vmem>>, vector<1x16xf32>,
        %get3A_203 = vector.shape_cast %get3A_202 : vector<1x16xf32> to vector<16xf32>
        %get3A_204 = arith.index_cast %scan3A_159 : i32 to index
        %get3A_205 = arith.constant 48 : index
        %get3A_206 = tpu.vector_load %arg12[%get3A_204, %get3A_205] {strides = array<i32>} : memref<64x256xf32, #tpu.memory_space<vmem>>, vector<1x16xf32>,
        %get3A_207 = vector.shape_cast %get3A_206 : vector<1x16xf32> to vector<16xf32>
        %add3A_208 = arith.addf %get3A_203, %get3A_207 : vector<16xf32>
        %swap3A_209 = arith.index_cast %scan3A_159 : i32 to index
        %swap3A_210 = arith.constant 48 : index
        %swap3A_211 = tpu.vector_load %arg11[%swap3A_209, %swap3A_210] {strides = array<i32>} : memref<64x256xf32, #tpu.memory_space<vmem>>, vector<1x16xf32>,
        %swap3A_212 = vector.shape_cast %swap3A_211 : vector<1x16xf32> to vector<16xf32>
        %swap3A_213 = vector.shape_cast %add3A_208 : vector<16xf32> to vector<1x16xf32>
        tpu.vector_store %arg11[%swap3A_209, %swap3A_210], %swap3A_213 {strides = array<i32>} : memref<64x256xf32, #tpu.memory_space<vmem>>, vector<1x16xf32>,
        %get3A_214 = arith.index_cast %scan3A_159 : i32 to index
        %get3A_215 = arith.constant 64 : index
        %get3A_216 = tpu.vector_load %arg11[%get3A_214, %get3A_215] {strides = array<i32>} : memref<64x256xf32, #tpu.memory_space<vmem>>, vector<1x16xf32>,
        %get3A_217 = vector.shape_cast %get3A_216 : vector<1x16xf32> to vector<16xf32>
        %get3A_218 = arith.index_cast %scan3A_159 : i32 to index
        %get3A_219 = arith.constant 64 : index
        %get3A_220 = tpu.vector_load %arg12[%get3A_218, %get3A_219] {strides = array<i32>} : memref<64x256xf32, #tpu.memory_space<vmem>>, vector<1x16xf32>,
        %get3A_221 = vector.shape_cast %get3A_220 : vector<1x16xf32> to vector<16xf32>
        %add3A_222 = arith.addf %get3A_217, %get3A_221 : vector<16xf32>
        %swap3A_223 = arith.index_cast %scan3A_159 : i32 to index
        %swap3A_224 = arith.constant 64 : index
        %swap3A_225 = tpu.vector_load %arg11[%swap3A_223, %swap3A_224] {strides = array<i32>} : memref<64x256xf32, #tpu.memory_space<vmem>>, vector<1x16xf32>,
        %swap3A_226 = vector.shape_cast %swap3A_225 : vector<1x16xf32> to vector<16xf32>
        %swap3A_227 = vector.shape_cast %add3A_222 : vector<16xf32> to vector<1x16xf32>
        tpu.vector_store %arg11[%swap3A_223, %swap3A_224], %swap3A_227 {strides = array<i32>} : memref<64x256xf32, #tpu.memory_space<vmem>>, vector<1x16xf32>,
        %get3A_228 = arith.index_cast %scan3A_159 : i32 to index
        %get3A_229 = arith.constant 80 : index
        %get3A_230 = tpu.vector_load %arg11[%get3A_228, %get3A_229] {strides = array<i32>} : memref<64x256xf32, #tpu.memory_space<vmem>>, vector<1x16xf32>,
        %get3A_231 = vector.shape_cast %get3A_230 : vector<1x16xf32> to vector<16xf32>
        %get3A_232 = arith.index_cast %scan3A_159 : i32 to index
        %get3A_233 = arith.constant 80 : index
        %get3A_234 = tpu.vector_load %arg12[%get3A_232, %get3A_233] {strides = array<i32>} : memref<64x256xf32, #tpu.memory_space<vmem>>, vector<1x16xf32>,
        %get3A_235 = vector.shape_cast %get3A_234 : vector<1x16xf32> to vector<16xf32>
        %add3A_236 = arith.addf %get3A_231, %get3A_235 : vector<16xf32>
        %swap3A_237 = arith.index_cast %scan3A_159 : i32 to index
        %swap3A_238 = arith.constant 80 : index
        %swap3A_239 = tpu.vector_load %arg11[%swap3A_237, %swap3A_238] {strides = array<i32>} : memref<64x256xf32, #tpu.memory_space<vmem>>, vector<1x16xf32>,
        %swap3A_240 = vector.shape_cast %swap3A_239 : vector<1x16xf32> to vector<16xf32>
        %swap3A_241 = vector.shape_cast %add3A_236 : vector<16xf32> to vector<1x16xf32>
        tpu.vector_store %arg11[%swap3A_237, %swap3A_238], %swap3A_241 {strides = array<i32>} : memref<64x256xf32, #tpu.memory_space<vmem>>, vector<1x16xf32>,
        %get3A_242 = arith.index_cast %scan3A_159 : i32 to index
        %get3A_243 = arith.constant 96 : index
        %get3A_244 = tpu.vector_load %arg11[%get3A_242, %get3A_243] {strides = array<i32>} : memref<64x256xf32, #tpu.memory_space<vmem>>, vector<1x16xf32>,
        %get3A_245 = vector.shape_cast %get3A_244 : vector<1x16xf32> to vector<16xf32>
        %get3A_246 = arith.index_cast %scan3A_159 : i32 to index
        %get3A_247 = arith.constant 96 : index
        %get3A_248 = tpu.vector_load %arg12[%get3A_246, %get3A_247] {strides = array<i32>} : memref<64x256xf32, #tpu.memory_space<vmem>>, vector<1x16xf32>,
        %get3A_249 = vector.shape_cast %get3A_248 : vector<1x16xf32> to vector<16xf32>
        %add3A_250 = arith.addf %get3A_245, %get3A_249 : vector<16xf32>
        %swap3A_251 = arith.index_cast %scan3A_159 : i32 to index
        %swap3A_252 = arith.constant 96 : index
        %swap3A_253 = tpu.vector_load %arg11[%swap3A_251, %swap3A_252] {strides = array<i32>} : memref<64x256xf32, #tpu.memory_space<vmem>>, vector<1x16xf32>,
        %swap3A_254 = vector.shape_cast %swap3A_253 : vector<1x16xf32> to vector<16xf32>
        %swap3A_255 = vector.shape_cast %add3A_250 : vector<16xf32> to vector<1x16xf32>
        tpu.vector_store %arg11[%swap3A_251, %swap3A_252], %swap3A_255 {strides = array<i32>} : memref<64x256xf32, #tpu.memory_space<vmem>>, vector<1x16xf32>,
        %get3A_256 = arith.index_cast %scan3A_159 : i32 to index
        %get3A_257 = arith.constant 112 : index
        %get3A_258 = tpu.vector_load %arg11[%get3A_256, %get3A_257] {strides = array<i32>} : memref<64x256xf32, #tpu.memory_space<vmem>>, vector<1x16xf32>,
        %get3A_259 = vector.shape_cast %get3A_258 : vector<1x16xf32> to vector<16xf32>
        %get3A_260 = arith.index_cast %scan3A_159 : i32 to index
        %get3A_261 = arith.constant 112 : index
        %get3A_262 = tpu.vector_load %arg12[%get3A_260, %get3A_261] {strides = array<i32>} : memref<64x256xf32, #tpu.memory_space<vmem>>, vector<1x16xf32>,
        %get3A_263 = vector.shape_cast %get3A_262 : vector<1x16xf32> to vector<16xf32>
        %add3A_264 = arith.addf %get3A_259, %get3A_263 : vector<16xf32>
        %swap3A_265 = arith.index_cast %scan3A_159 : i32 to index
        %swap3A_266 = arith.constant 112 : index
        %swap3A_267 = tpu.vector_load %arg11[%swap3A_265, %swap3A_266] {strides = array<i32>} : memref<64x256xf32, #tpu.memory_space<vmem>>, vector<1x16xf32>,
        %swap3A_268 = vector.shape_cast %swap3A_267 : vector<1x16xf32> to vector<16xf32>
        %swap3A_269 = vector.shape_cast %add3A_264 : vector<16xf32> to vector<1x16xf32>
        tpu.vector_store %arg11[%swap3A_265, %swap3A_266], %swap3A_269 {strides = array<i32>} : memref<64x256xf32, #tpu.memory_space<vmem>>, vector<1x16xf32>,
        %get3A_270 = arith.index_cast %scan3A_159 : i32 to index
        %get3A_271 = arith.constant 128 : index
        %get3A_272 = tpu.vector_load %arg11[%get3A_270, %get3A_271] {strides = array<i32>} : memref<64x256xf32, #tpu.memory_space<vmem>>, vector<1x16xf32>,
        %get3A_273 = vector.shape_cast %get3A_272 : vector<1x16xf32> to vector<16xf32>
        %get3A_274 = arith.index_cast %scan3A_159 : i32 to index
        %get3A_275 = arith.constant 128 : index
        %get3A_276 = tpu.vector_load %arg12[%get3A_274, %get3A_275] {strides = array<i32>} : memref<64x256xf32, #tpu.memory_space<vmem>>, vector<1x16xf32>,
        %get3A_277 = vector.shape_cast %get3A_276 : vector<1x16xf32> to vector<16xf32>
        %add3A_278 = arith.addf %get3A_273, %get3A_277 : vector<16xf32>
        %swap3A_279 = arith.index_cast %scan3A_159 : i32 to index
        %swap3A_280 = arith.constant 128 : index
        %swap3A_281 = tpu.vector_load %arg11[%swap3A_279, %swap3A_280] {strides = array<i32>} : memref<64x256xf32, #tpu.memory_space<vmem>>, vector<1x16xf32>,
        %swap3A_282 = vector.shape_cast %swap3A_281 : vector<1x16xf32> to vector<16xf32>
        %swap3A_283 = vector.shape_cast %add3A_278 : vector<16xf32> to vector<1x16xf32>
        tpu.vector_store %arg11[%swap3A_279, %swap3A_280], %swap3A_283 {strides = array<i32>} : memref<64x256xf32, #tpu.memory_space<vmem>>, vector<1x16xf32>,
        %get3A_284 = arith.index_cast %scan3A_159 : i32 to index
        %get3A_285 = arith.constant 144 : index
        %get3A_286 = tpu.vector_load %arg11[%get3A_284, %get3A_285] {strides = array<i32>} : memref<64x256xf32, #tpu.memory_space<vmem>>, vector<1x16xf32>,
        %get3A_287 = vector.shape_cast %get3A_286 : vector<1x16xf32> to vector<16xf32>
        %get3A_288 = arith.index_cast %scan3A_159 : i32 to index
        %get3A_289 = arith.constant 144 : index
        %get3A_290 = tpu.vector_load %arg12[%get3A_288, %get3A_289] {strides = array<i32>} : memref<64x256xf32, #tpu.memory_space<vmem>>, vector<1x16xf32>,
        %get3A_291 = vector.shape_cast %get3A_290 : vector<1x16xf32> to vector<16xf32>
        %add3A_292 = arith.addf %get3A_287, %get3A_291 : vector<16xf32>
        %swap3A_293 = arith.index_cast %scan3A_159 : i32 to index
        %swap3A_294 = arith.constant 144 : index
        %swap3A_295 = tpu.vector_load %arg11[%swap3A_293, %swap3A_294] {strides = array<i32>} : memref<64x256xf32, #tpu.memory_space<vmem>>, vector<1x16xf32>,
        %swap3A_296 = vector.shape_cast %swap3A_295 : vector<1x16xf32> to vector<16xf32>
        %swap3A_297 = vector.shape_cast %add3A_292 : vector<16xf32> to vector<1x16xf32>
        tpu.vector_store %arg11[%swap3A_293, %swap3A_294], %swap3A_297 {strides = array<i32>} : memref<64x256xf32, #tpu.memory_space<vmem>>, vector<1x16xf32>,
        %get3A_298 = arith.index_cast %scan3A_159 : i32 to index
        %get3A_299 = arith.constant 160 : index
        %get3A_300 = tpu.vector_load %arg11[%get3A_298, %get3A_299] {strides = array<i32>} : memref<64x256xf32, #tpu.memory_space<vmem>>, vector<1x16xf32>,
        %get3A_301 = vector.shape_cast %get3A_300 : vector<1x16xf32> to vector<16xf32>
        %get3A_302 = arith.index_cast %scan3A_159 : i32 to index
        %get3A_303 = arith.constant 160 : index
        %get3A_304 = tpu.vector_load %arg12[%get3A_302, %get3A_303] {strides = array<i32>} : memref<64x256xf32, #tpu.memory_space<vmem>>, vector<1x16xf32>,
        %get3A_305 = vector.shape_cast %get3A_304 : vector<1x16xf32> to vector<16xf32>
        %add3A_306 = arith.addf %get3A_301, %get3A_305 : vector<16xf32>
        %swap3A_307 = arith.index_cast %scan3A_159 : i32 to index
        %swap3A_308 = arith.constant 160 : index
        %swap3A_309 = tpu.vector_load %arg11[%swap3A_307, %swap3A_308] {strides = array<i32>} : memref<64x256xf32, #tpu.memory_space<vmem>>, vector<1x16xf32>,
        %swap3A_310 = vector.shape_cast %swap3A_309 : vector<1x16xf32> to vector<16xf32>
        %swap3A_311 = vector.shape_cast %add3A_306 : vector<16xf32> to vector<1x16xf32>
        tpu.vector_store %arg11[%swap3A_307, %swap3A_308], %swap3A_311 {strides = array<i32>} : memref<64x256xf32, #tpu.memory_space<vmem>>, vector<1x16xf32>,
        %get3A_312 = arith.index_cast %scan3A_159 : i32 to index
        %get3A_313 = arith.constant 176 : index
        %get3A_314 = tpu.vector_load %arg11[%get3A_312, %get3A_313] {strides = array<i32>} : memref<64x256xf32, #tpu.memory_space<vmem>>, vector<1x16xf32>,
        %get3A_315 = vector.shape_cast %get3A_314 : vector<1x16xf32> to vector<16xf32>
        %get3A_316 = arith.index_cast %scan3A_159 : i32 to index
        %get3A_317 = arith.constant 176 : index
        %get3A_318 = tpu.vector_load %arg12[%get3A_316, %get3A_317] {strides = array<i32>} : memref<64x256xf32, #tpu.memory_space<vmem>>, vector<1x16xf32>,
        %get3A_319 = vector.shape_cast %get3A_318 : vector<1x16xf32> to vector<16xf32>
        %add3A_320 = arith.addf %get3A_315, %get3A_319 : vector<16xf32>
        %swap3A_321 = arith.index_cast %scan3A_159 : i32 to index
        %swap3A_322 = arith.constant 176 : index
        %swap3A_323 = tpu.vector_load %arg11[%swap3A_321, %swap3A_322] {strides = array<i32>} : memref<64x256xf32, #tpu.memory_space<vmem>>, vector<1x16xf32>,
        %swap3A_324 = vector.shape_cast %swap3A_323 : vector<1x16xf32> to vector<16xf32>
        %swap3A_325 = vector.shape_cast %add3A_320 : vector<16xf32> to vector<1x16xf32>
        tpu.vector_store %arg11[%swap3A_321, %swap3A_322], %swap3A_325 {strides = array<i32>} : memref<64x256xf32, #tpu.memory_space<vmem>>, vector<1x16xf32>,
        %get3A_326 = arith.index_cast %scan3A_159 : i32 to index
        %get3A_327 = arith.constant 192 : index
        %get3A_328 = tpu.vector_load %arg11[%get3A_326, %get3A_327] {strides = array<i32>} : memref<64x256xf32, #tpu.memory_space<vmem>>, vector<1x16xf32>,
        %get3A_329 = vector.shape_cast %get3A_328 : vector<1x16xf32> to vector<16xf32>
        %get3A_330 = arith.index_cast %scan3A_159 : i32 to index
        %get3A_331 = arith.constant 192 : index
        %get3A_332 = tpu.vector_load %arg12[%get3A_330, %get3A_331] {strides = array<i32>} : memref<64x256xf32, #tpu.memory_space<vmem>>, vector<1x16xf32>,
        %get3A_333 = vector.shape_cast %get3A_332 : vector<1x16xf32> to vector<16xf32>
        %add3A_334 = arith.addf %get3A_329, %get3A_333 : vector<16xf32>
        %swap3A_335 = arith.index_cast %scan3A_159 : i32 to index
        %swap3A_336 = arith.constant 192 : index
        %swap3A_337 = tpu.vector_load %arg11[%swap3A_335, %swap3A_336] {strides = array<i32>} : memref<64x256xf32, #tpu.memory_space<vmem>>, vector<1x16xf32>,
        %swap3A_338 = vector.shape_cast %swap3A_337 : vector<1x16xf32> to vector<16xf32>
        %swap3A_339 = vector.shape_cast %add3A_334 : vector<16xf32> to vector<1x16xf32>
        tpu.vector_store %arg11[%swap3A_335, %swap3A_336], %swap3A_339 {strides = array<i32>} : memref<64x256xf32, #tpu.memory_space<vmem>>, vector<1x16xf32>,
        %get3A_340 = arith.index_cast %scan3A_159 : i32 to index
        %get3A_341 = arith.constant 208 : index
        %get3A_342 = tpu.vector_load %arg11[%get3A_340, %get3A_341] {strides = array<i32>} : memref<64x256xf32, #tpu.memory_space<vmem>>, vector<1x16xf32>,
        %get3A_343 = vector.shape_cast %get3A_342 : vector<1x16xf32> to vector<16xf32>
        %get3A_344 = arith.index_cast %scan3A_159 : i32 to index
        %get3A_345 = arith.constant 208 : index
        %get3A_346 = tpu.vector_load %arg12[%get3A_344, %get3A_345] {strides = array<i32>} : memref<64x256xf32, #tpu.memory_space<vmem>>, vector<1x16xf32>,
        %get3A_347 = vector.shape_cast %get3A_346 : vector<1x16xf32> to vector<16xf32>
        %add3A_348 = arith.addf %get3A_343, %get3A_347 : vector<16xf32>
        %swap3A_349 = arith.index_cast %scan3A_159 : i32 to index
        %swap3A_350 = arith.constant 208 : index
        %swap3A_351 = tpu.vector_load %arg11[%swap3A_349, %swap3A_350] {strides = array<i32>} : memref<64x256xf32, #tpu.memory_space<vmem>>, vector<1x16xf32>,
        %swap3A_352 = vector.shape_cast %swap3A_351 : vector<1x16xf32> to vector<16xf32>
        %swap3A_353 = vector.shape_cast %add3A_348 : vector<16xf32> to vector<1x16xf32>
        tpu.vector_store %arg11[%swap3A_349, %swap3A_350], %swap3A_353 {strides = array<i32>} : memref<64x256xf32, #tpu.memory_space<vmem>>, vector<1x16xf32>,
        %get3A_354 = arith.index_cast %scan3A_159 : i32 to index
        %get3A_355 = arith.constant 224 : index
        %get3A_356 = tpu.vector_load %arg11[%get3A_354, %get3A_355] {strides = array<i32>} : memref<64x256xf32, #tpu.memory_space<vmem>>, vector<1x16xf32>,
        %get3A_357 = vector.shape_cast %get3A_356 : vector<1x16xf32> to vector<16xf32>
        %get3A_358 = arith.index_cast %scan3A_159 : i32 to index
        %get3A_359 = arith.constant 224 : index
        %get3A_360 = tpu.vector_load %arg12[%get3A_358, %get3A_359] {strides = array<i32>} : memref<64x256xf32, #tpu.memory_space<vmem>>, vector<1x16xf32>,
        %get3A_361 = vector.shape_cast %get3A_360 : vector<1x16xf32> to vector<16xf32>
        %add3A_362 = arith.addf %get3A_357, %get3A_361 : vector<16xf32>
        %swap3A_363 = arith.index_cast %scan3A_159 : i32 to index
        %swap3A_364 = arith.constant 224 : index
        %swap3A_365 = tpu.vector_load %arg11[%swap3A_363, %swap3A_364] {strides = array<i32>} : memref<64x256xf32, #tpu.memory_space<vmem>>, vector<1x16xf32>,
        %swap3A_366 = vector.shape_cast %swap3A_365 : vector<1x16xf32> to vector<16xf32>
        %swap3A_367 = vector.shape_cast %add3A_362 : vector<16xf32> to vector<1x16xf32>
        tpu.vector_store %arg11[%swap3A_363, %swap3A_364], %swap3A_367 {strides = array<i32>} : memref<64x256xf32, #tpu.memory_space<vmem>>, vector<1x16xf32>,
        %get3A_368 = arith.index_cast %scan3A_159 : i32 to index
        %get3A_369 = arith.constant 240 : index
        %get3A_370 = tpu.vector_load %arg11[%get3A_368, %get3A_369] {strides = array<i32>} : memref<64x256xf32, #tpu.memory_space<vmem>>, vector<1x16xf32>,
        %get3A_371 = vector.shape_cast %get3A_370 : vector<1x16xf32> to vector<16xf32>
        %get3A_372 = arith.index_cast %scan3A_159 : i32 to index
        %get3A_373 = arith.constant 240 : index
        %get3A_374 = tpu.vector_load %arg12[%get3A_372, %get3A_373] {strides = array<i32>} : memref<64x256xf32, #tpu.memory_space<vmem>>, vector<1x16xf32>,
        %get3A_375 = vector.shape_cast %get3A_374 : vector<1x16xf32> to vector<16xf32>
        %add3A_376 = arith.addf %get3A_371, %get3A_375 : vector<16xf32>
        %swap3A_377 = arith.index_cast %scan3A_159 : i32 to index
        %swap3A_378 = arith.constant 240 : index
        %swap3A_379 = tpu.vector_load %arg11[%swap3A_377, %swap3A_378] {strides = array<i32>} : memref<64x256xf32, #tpu.memory_space<vmem>>, vector<1x16xf32>,
        %swap3A_380 = vector.shape_cast %swap3A_379 : vector<1x16xf32> to vector<16xf32>
        %swap3A_381 = vector.shape_cast %add3A_376 : vector<16xf32> to vector<1x16xf32>
        tpu.vector_store %arg11[%swap3A_377, %swap3A_378], %swap3A_381 {strides = array<i32>} : memref<64x256xf32, #tpu.memory_space<vmem>>, vector<1x16xf32>,
      }
      %scan3A_138 = arith.constant 64 : i32
      %mul3A_139 = arith.constant 64 : i32
      %mul3A_140 = arith.muli %add3A_132, %mul3A_139 : i32
      %add3A_141 = arith.addi %mul3A_10, %mul3A_140 : i32
      "tpu.region"() ({
        %run_scoped3A = tpu.sem_alloc : memref<!tpu.dma_semaphore, #tpu.memory_space<semaphore_mem>>
        %dma_start3A_159 = arith.constant 0 : i32
        %dma_start3A_160 = tpu.memref_slice %arg6[%add3A_141, %dma_start3A_159] : memref<102400x256xf32, #tpu.memory_space<hbm>> -> memref<64x256xf32, #tpu.memory_space<hbm>>
        %dma_start3A_161 = arith.constant 0 : i32
        %dma_start3A_162 = tpu.memref_slice %arg6[%add3A_141, %dma_start3A_161] : memref<102400x256xf32, #tpu.memory_space<hbm>> -> memref<64x256xf32, #tpu.memory_space<hbm>>
        tpu.enqueue_dma source(%arg11 : memref<64x256xf32, #tpu.memory_space<vmem>>) target(%dma_start3A_162 : memref<64x256xf32, #tpu.memory_space<hbm>>) target_semaphore(%run_scoped3A : memref<!tpu.dma_semaphore, #tpu.memory_space<semaphore_mem>>)
        %dma_wait3A_163 = arith.constant 0 : i32
        %dma_wait3A_164 = tpu.memref_slice %arg6[%add3A_141, %dma_wait3A_163] : memref<102400x256xf32, #tpu.memory_space<hbm>> -> memref<64x256xf32, #tpu.memory_space<hbm>>
        %dma_wait3A_165 = arith.constant 0 : i32
        %dma_wait3A_166 = tpu.memref_slice %arg6[%add3A_141, %dma_wait3A_165] : memref<102400x256xf32, #tpu.memory_space<hbm>> -> memref<64x256xf32, #tpu.memory_space<hbm>>
        tpu.wait_dma2 semaphore(%run_scoped3A : memref<!tpu.dma_semaphore, #tpu.memory_space<semaphore_mem>>) src(%arg11 : memref<64x256xf32, #tpu.memory_space<vmem>>) dst(%dma_wait3A_166 : memref<64x256xf32, #tpu.memory_space<hbm>>)
        tpu.yield
      }) : () -> ()
      %add3A_142 = arith.constant 3 : i32
      %add3A_143 = arith.addi %mul3A_82, %add3A_142 : i32
      %sub3A_144 = arith.constant 1 : i32
      %sub3A_145 = arith.subi %select_n3A, %sub3A_144 : i32
      %min3A_146 = arith.minsi %add3A_143, %sub3A_145 : i32
      %mul3A_147 = arith.constant 64 : i32
      %mul3A_148 = arith.muli %min3A_146, %mul3A_147 : i32
      %dma_start3A_149 = tpu.memref_slice %arg7[%mul3A_148] : memref<4864xi32, #tpu.memory_space<vmem>> -> memref<64xi32, #tpu.memory_space<vmem>>
      %dma_start3A_150 = arith.constant 0 : i32
      %dma_start3A_151 = arith.constant 0 : i32
      %dma_start3A_152 = tpu.memref_slice %arg2[%dma_start3A_150, %dma_start3A_151] : memref<10000x256xf32, #tpu.memory_space<hbm>> -> memref<10000x256xf32, #tpu.memory_space<hbm>>
      tpu.enqueue_indirect_dma source(%dma_start3A_152 : memref<10000x256xf32, #tpu.memory_space<hbm>>) target(%arg11 : memref<64x256xf32, #tpu.memory_space<vmem>>) offsets(%dma_start3A_149 : memref<64xi32, #tpu.memory_space<vmem>>) semaphore(%arg15 : memref<!tpu.dma_semaphore, #tpu.memory_space<semaphore_mem>>)
      %mul3A_153 = arith.constant 64 : i32
      %mul3A_154 = arith.muli %min3A_146, %mul3A_153 : i32
      %dma_start3A_155 = tpu.memref_slice %arg8[%mul3A_154] : memref<4864xi32, #tpu.memory_space<vmem>> -> memref<64xi32, #tpu.memory_space<vmem>>
      %dma_start3A_156 = arith.constant 0 : i32
      %dma_start3A_157 = arith.constant 0 : i32
      %dma_start3A_158 = tpu.memref_slice %arg3[%dma_start3A_156, %dma_start3A_157] : memref<10000x256xf32, #tpu.memory_space<hbm>> -> memref<10000x256xf32, #tpu.memory_space<hbm>>
      tpu.enqueue_indirect_dma source(%dma_start3A_158 : memref<10000x256xf32, #tpu.memory_space<hbm>>) target(%arg12 : memref<64x256xf32, #tpu.memory_space<vmem>>) offsets(%dma_start3A_155 : memref<64xi32, #tpu.memory_space<vmem>>) semaphore(%arg16 : memref<!tpu.dma_semaphore, #tpu.memory_space<semaphore_mem>>)
    }
    %dma_wait3A = arith.constant 0 : i32
    %dma_wait3A_57 = arith.constant 0 : i32
    %dma_wait3A_58 = tpu.memref_slice %arg2[%dma_wait3A, %dma_wait3A_57] : memref<10000x256xf32, #tpu.memory_space<hbm>> -> memref<64x256xf32, #tpu.memory_space<hbm>>
    %dma_wait3A_59 = arith.constant 0 : i32
    %dma_wait3A_60 = arith.constant 0 : i32
    %dma_wait3A_61 = tpu.memref_slice %arg2[%dma_wait3A_59, %dma_wait3A_60] : memref<10000x256xf32, #tpu.memory_space<hbm>> -> memref<64x256xf32, #tpu.memory_space<hbm>>
    tpu.wait_dma2 semaphore(%arg13 : memref<!tpu.dma_semaphore, #tpu.memory_space<semaphore_mem>>) src(%dma_wait3A_61 : memref<64x256xf32, #tpu.memory_space<hbm>>) dst(%arg9 : memref<64x256xf32, #tpu.memory_space<vmem>>)
    %dma_wait3A_62 = arith.constant 0 : i32
    %dma_wait3A_63 = arith.constant 0 : i32
    %dma_wait3A_64 = tpu.memref_slice %arg3[%dma_wait3A_62, %dma_wait3A_63] : memref<10000x256xf32, #tpu.memory_space<hbm>> -> memref<64x256xf32, #tpu.memory_space<hbm>>
    %dma_wait3A_65 = arith.constant 0 : i32
    %dma_wait3A_66 = arith.constant 0 : i32
    %dma_wait3A_67 = tpu.memref_slice %arg3[%dma_wait3A_65, %dma_wait3A_66] : memref<10000x256xf32, #tpu.memory_space<hbm>> -> memref<64x256xf32, #tpu.memory_space<hbm>>
    tpu.wait_dma2 semaphore(%arg14 : memref<!tpu.dma_semaphore, #tpu.memory_space<semaphore_mem>>) src(%dma_wait3A_67 : memref<64x256xf32, #tpu.memory_space<hbm>>) dst(%arg10 : memref<64x256xf32, #tpu.memory_space<vmem>>)
    %dma_wait3A_68 = arith.constant 0 : i32
    %dma_wait3A_69 = arith.constant 0 : i32
    %dma_wait3A_70 = tpu.memref_slice %arg2[%dma_wait3A_68, %dma_wait3A_69] : memref<10000x256xf32, #tpu.memory_space<hbm>> -> memref<64x256xf32, #tpu.memory_space<hbm>>
    %dma_wait3A_71 = arith.constant 0 : i32
    %dma_wait3A_72 = arith.constant 0 : i32
    %dma_wait3A_73 = tpu.memref_slice %arg2[%dma_wait3A_71, %dma_wait3A_72] : memref<10000x256xf32, #tpu.memory_space<hbm>> -> memref<64x256xf32, #tpu.memory_space<hbm>>
    tpu.wait_dma2 semaphore(%arg15 : memref<!tpu.dma_semaphore, #tpu.memory_space<semaphore_mem>>) src(%dma_wait3A_73 : memref<64x256xf32, #tpu.memory_space<hbm>>) dst(%arg11 : memref<64x256xf32, #tpu.memory_space<vmem>>)
    %dma_wait3A_74 = arith.constant 0 : i32
    %dma_wait3A_75 = arith.constant 0 : i32
    %dma_wait3A_76 = tpu.memref_slice %arg3[%dma_wait3A_74, %dma_wait3A_75] : memref<10000x256xf32, #tpu.memory_space<hbm>> -> memref<64x256xf32, #tpu.memory_space<hbm>>
    %dma_wait3A_77 = arith.constant 0 : i32
    %dma_wait3A_78 = arith.constant 0 : i32
    %dma_wait3A_79 = tpu.memref_slice %arg3[%dma_wait3A_77, %dma_wait3A_78] : memref<10000x256xf32, #tpu.memory_space<hbm>> -> memref<64x256xf32, #tpu.memory_space<hbm>>
    tpu.wait_dma2 semaphore(%arg16 : memref<!tpu.dma_semaphore, #tpu.memory_space<semaphore_mem>>) src(%dma_wait3A_79 : memref<64x256xf32, #tpu.memory_space<hbm>>) dst(%arg12 : memref<64x256xf32, #tpu.memory_space<vmem>>)
    return
  }
}

module attributes {stable_mosaic.version = 14 : i64} {
  func.func @_k1_body(%arg0: i32, %arg1: memref<1000x128xf32, #tpu.memory_space<vmem>>, %arg2: memref<2x128x64xf32, #tpu.memory_space<vmem>>, %arg3: memref<2x1000x64xf32, #tpu.memory_space<vmem>>) attributes {dimension_semantics = [#tpu.dimension_semantics<arbitrary>], iteration_bounds = array<i64: 10>, scalar_prefetch = 0 : i64, scratch_operands = 0 : i64, tpu.core_type = #tpu.core_type<tc>, window_params = [{transform_indices = @transform_0, window_bounds = array<i64: 1000, 128>}, {pipeline_mode = #tpu.pipeline_mode<synchronous>, transform_indices = @transform_1, window_bounds = array<i64: 2, 128, 64>}, {transform_indices = @transform_2, window_bounds = array<i64: 2, 1000, 64>}]} {
    %get3A = arith.constant 0 : index
    %get3A_0 = arith.constant 0 : index
    %get3A_1 = vector.load %arg1[%get3A, %get3A_0] : memref<1000x128xf32, #tpu.memory_space<vmem>>, vector<1000x128xf32>
    %get3A_2 = arith.constant 0 : index
    %get3A_3 = arith.constant 0 : index
    %get3A_4 = arith.constant 0 : index
    %get3A_5 = vector.load %arg2[%get3A_2, %get3A_3, %get3A_4] : memref<2x128x64xf32, #tpu.memory_space<vmem>>, vector<1x128x64xf32>
    %get3A_6 = vector.shape_cast %get3A_5 : vector<1x128x64xf32> to vector<128x64xf32>
    %dot_general3A = arith.constant dense<0.000000e+00> : vector<1000x64xf32>
    %dot_general3A_7 = tpu.matmul %get3A_1, %get3A_6, %dot_general3A {dimension_numbers = #tpu.dot_dimension_numbers<[1], [0], [0], [1], [0, 0, 1, 1], [], []>, transpose_lhs_hint = false} : vector<1000x128xf32>, vector<128x64xf32>, vector<1000x64xf32> -> vector<1000x64xf32>
    %swap3A = arith.constant 0 : index
    %swap3A_8 = arith.constant 0 : index
    %swap3A_9 = arith.constant 0 : index
    %swap3A_10 = vector.load %arg3[%swap3A, %swap3A_8, %swap3A_9] : memref<2x1000x64xf32, #tpu.memory_space<vmem>>, vector<1x1000x64xf32>
    %swap3A_11 = vector.shape_cast %swap3A_10 : vector<1x1000x64xf32> to vector<1000x64xf32>
    %swap3A_12 = vector.shape_cast %dot_general3A_7 : vector<1000x64xf32> to vector<1x1000x64xf32>
    tpu.vector_store %arg3[%swap3A, %swap3A_8, %swap3A_9], %swap3A_12 {strides = array<i32>} : memref<2x1000x64xf32, #tpu.memory_space<vmem>>, vector<1x1000x64xf32>,
    %get3A_13 = arith.constant 1 : index
    %get3A_14 = arith.constant 0 : index
    %get3A_15 = arith.constant 0 : index
    %get3A_16 = vector.load %arg2[%get3A_13, %get3A_14, %get3A_15] : memref<2x128x64xf32, #tpu.memory_space<vmem>>, vector<1x128x64xf32>
    %get3A_17 = vector.shape_cast %get3A_16 : vector<1x128x64xf32> to vector<128x64xf32>
    %dot_general3A_18 = arith.constant dense<0.000000e+00> : vector<1000x64xf32>
    %dot_general3A_19 = tpu.matmul %get3A_1, %get3A_17, %dot_general3A_18 {dimension_numbers = #tpu.dot_dimension_numbers<[1], [0], [0], [1], [0, 0, 1, 1], [], []>, transpose_lhs_hint = false} : vector<1000x128xf32>, vector<128x64xf32>, vector<1000x64xf32> -> vector<1000x64xf32>
    %swap3A_20 = arith.constant 1 : index
    %swap3A_21 = arith.constant 0 : index
    %swap3A_22 = arith.constant 0 : index
    %swap3A_23 = vector.load %arg3[%swap3A_20, %swap3A_21, %swap3A_22] : memref<2x1000x64xf32, #tpu.memory_space<vmem>>, vector<1x1000x64xf32>
    %swap3A_24 = vector.shape_cast %swap3A_23 : vector<1x1000x64xf32> to vector<1000x64xf32>
    %swap3A_25 = vector.shape_cast %dot_general3A_19 : vector<1000x64xf32> to vector<1x1000x64xf32>
    tpu.vector_store %arg3[%swap3A_20, %swap3A_21, %swap3A_22], %swap3A_25 {strides = array<i32>} : memref<2x1000x64xf32, #tpu.memory_space<vmem>>, vector<1x1000x64xf32>,
    return
  }
  func.func @transform_0(%arg0: i32) -> (i32, i32) {
    %c0_i32 = arith.constant 0 : i32
    %c0_i32_0 = arith.constant 0 : i32
    return %arg0, %c0_i32 : i32, i32
  }
  func.func @transform_1(%arg0: i32) -> (i32, i32, i32) {
    %c0_i32 = arith.constant 0 : i32
    %c0_i32_0 = arith.constant 0 : i32
    %c0_i32_1 = arith.constant 0 : i32
    %c0_i32_2 = arith.constant 0 : i32
    return %c0_i32, %c0_i32_0, %c0_i32_1 : i32, i32, i32
  }
  func.func @transform_2(%arg0: i32) -> (i32, i32, i32) {
    %c0_i32 = arith.constant 0 : i32
    %c0_i32_0 = arith.constant 0 : i32
    %c0_i32_1 = arith.constant 0 : i32
    return %c0_i32, %arg0, %c0_i32_0 : i32, i32, i32
  }
}

module attributes {stable_mosaic.version = 14 : i64} {
  func.func @_k2_body(%arg0: i32, %arg1: memref<1000x128xf32, #tpu.memory_space<vmem>>, %arg2: memref<2x2x1000x64xf32, #tpu.memory_space<vmem>>, %arg3: memref<2x2x1000x16xf32, #tpu.memory_space<vmem>>, %arg4: memref<128x64xf32, #tpu.memory_space<vmem>>, %arg5: memref<1x64xf32, #tpu.memory_space<vmem>>, %arg6: memref<128x64xf32, #tpu.memory_space<vmem>>, %arg7: memref<2x64x32xf32, #tpu.memory_space<vmem>>, %arg8: memref<1000x64xf32, #tpu.memory_space<vmem>>, %arg9: memref<1000x64xf32, #tpu.memory_space<vmem>>, %arg10: memref<2x1000x32xf32, #tpu.memory_space<vmem>>, %arg11: memref<1000x8xf32, #tpu.memory_space<vmem>>) attributes {dimension_semantics = [#tpu.dimension_semantics<arbitrary>], iteration_bounds = array<i64: 10>, scalar_prefetch = 0 : i64, scratch_operands = 0 : i64, tpu.core_type = #tpu.core_type<tc>, window_params = [{transform_indices = @transform_0, window_bounds = array<i64: 1000, 128>}, {transform_indices = @transform_1, window_bounds = array<i64: 2, 2, 1000, 64>}, {transform_indices = @transform_2, window_bounds = array<i64: 2, 2, 1000, 16>}, {pipeline_mode = #tpu.pipeline_mode<synchronous>, transform_indices = @transform_3, window_bounds = array<i64: 128, 64>}, {pipeline_mode = #tpu.pipeline_mode<synchronous>, transform_indices = @transform_4, window_bounds = array<i64: 1, 64>}, {pipeline_mode = #tpu.pipeline_mode<synchronous>, transform_indices = @transform_5, window_bounds = array<i64: 128, 64>}, {pipeline_mode = #tpu.pipeline_mode<synchronous>, transform_indices = @transform_6, window_bounds = array<i64: 2, 64, 32>}, {transform_indices = @transform_7, window_bounds = array<i64: 1000, 64>}, {transform_indices = @transform_8, window_bounds = array<i64: 1000, 64>}, {transform_indices = @transform_9, window_bounds = array<i64: 2, 1000, 32>}, {transform_indices = @transform_10, window_bounds = array<i64: 1000, 8>}]} {
    %get3A = arith.constant 0 : index
    %get3A_0 = arith.constant 0 : index
    %get3A_1 = arith.constant 0 : index
    %get3A_2 = arith.constant 0 : index
    %get3A_3 = vector.load %arg2[%get3A, %get3A_0, %get3A_1, %get3A_2] : memref<2x2x1000x64xf32, #tpu.memory_space<vmem>>, vector<1x1x1000x64xf32>
    %get3A_4 = vector.shape_cast %get3A_3 : vector<1x1x1000x64xf32> to vector<1000x64xf32>
    %get3A_5 = arith.constant 1 : index
    %get3A_6 = arith.constant 0 : index
    %get3A_7 = arith.constant 0 : index
    %get3A_8 = arith.constant 0 : index
    %get3A_9 = vector.load %arg2[%get3A_5, %get3A_6, %get3A_7, %get3A_8] : memref<2x2x1000x64xf32, #tpu.memory_space<vmem>>, vector<1x1x1000x64xf32>
    %get3A_10 = vector.shape_cast %get3A_9 : vector<1x1x1000x64xf32> to vector<1000x64xf32>
    %add3A = arith.addf %get3A_4, %get3A_10 : vector<1000x64xf32>
    %get3A_11 = arith.constant 0 : index
    %get3A_12 = arith.constant 1 : index
    %get3A_13 = arith.constant 0 : index
    %get3A_14 = arith.constant 0 : index
    %get3A_15 = vector.load %arg2[%get3A_11, %get3A_12, %get3A_13, %get3A_14] : memref<2x2x1000x64xf32, #tpu.memory_space<vmem>>, vector<1x1x1000x64xf32>
    %get3A_16 = vector.shape_cast %get3A_15 : vector<1x1x1000x64xf32> to vector<1000x64xf32>
    %get3A_17 = arith.constant 1 : index
    %get3A_18 = arith.constant 1 : index
    %get3A_19 = arith.constant 0 : index
    %get3A_20 = arith.constant 0 : index
    %get3A_21 = vector.load %arg2[%get3A_17, %get3A_18, %get3A_19, %get3A_20] : memref<2x2x1000x64xf32, #tpu.memory_space<vmem>>, vector<1x1x1000x64xf32>
    %get3A_22 = vector.shape_cast %get3A_21 : vector<1x1x1000x64xf32> to vector<1000x64xf32>
    %add3A_23 = arith.addf %get3A_16, %get3A_22 : vector<1000x64xf32>
    %get3A_24 = arith.constant 0 : index
    %get3A_25 = arith.constant 0 : index
    %get3A_26 = arith.constant 0 : index
    %get3A_27 = arith.constant 0 : index
    %get3A_28 = vector.load %arg3[%get3A_24, %get3A_25, %get3A_26, %get3A_27] : memref<2x2x1000x16xf32, #tpu.memory_space<vmem>>, vector<1x1x1000x1xf32>
    %get3A_29 = vector.shape_cast %get3A_28 : vector<1x1x1000x1xf32> to vector<1000xf32>
    %get3A_30 = arith.constant 1 : index
    %get3A_31 = arith.constant 0 : index
    %get3A_32 = arith.constant 0 : index
    %get3A_33 = arith.constant 0 : index
    %get3A_34 = vector.load %arg3[%get3A_30, %get3A_31, %get3A_32, %get3A_33] : memref<2x2x1000x16xf32, #tpu.memory_space<vmem>>, vector<1x1x1000x1xf32>
    %get3A_35 = vector.shape_cast %get3A_34 : vector<1x1x1000x1xf32> to vector<1000xf32>
    %add3A_36 = arith.addf %get3A_29, %get3A_35 : vector<1000xf32>
    %get3A_37 = arith.constant 0 : index
    %get3A_38 = arith.constant 1 : index
    %get3A_39 = arith.constant 0 : index
    %get3A_40 = arith.constant 0 : index
    %get3A_41 = vector.load %arg3[%get3A_37, %get3A_38, %get3A_39, %get3A_40] : memref<2x2x1000x16xf32, #tpu.memory_space<vmem>>, vector<1x1x1000x1xf32>
    %get3A_42 = vector.shape_cast %get3A_41 : vector<1x1x1000x1xf32> to vector<1000xf32>
    %get3A_43 = arith.constant 1 : index
    %get3A_44 = arith.constant 1 : index
    %get3A_45 = arith.constant 0 : index
    %get3A_46 = arith.constant 0 : index
    %get3A_47 = vector.load %arg3[%get3A_43, %get3A_44, %get3A_45, %get3A_46] : memref<2x2x1000x16xf32, #tpu.memory_space<vmem>>, vector<1x1x1000x1xf32>
    %get3A_48 = vector.shape_cast %get3A_47 : vector<1x1x1000x1xf32> to vector<1000xf32>
    %add3A_49 = arith.addf %get3A_42, %get3A_48 : vector<1000xf32>
    %add3A_50 = arith.addf %add3A_36, %add3A_49 : vector<1000xf32>
    %add3A_51 = arith.constant 1.000000e+00 : f32
    %add3A_52 = vector.broadcast %add3A_51 : f32 to vector<1000xf32>
    %add3A_53 = arith.addf %add3A_50, %add3A_52 : vector<1000xf32>
    %rsqrt3A = math.rsqrt %add3A_53 : vector<1000xf32>
    %max3A = arith.constant 1.000000e+00 : f32
    %max3A_54 = vector.broadcast %max3A : f32 to vector<1000xf32>
    %max3A_55 = arith.maximumf %add3A_36, %max3A_54 : vector<1000xf32>
    %div3A = arith.constant 1.000000e+00 : f32
    %div3A_56 = vector.broadcast %div3A : f32 to vector<1000xf32>
    %div3A_57 = arith.divf %div3A_56, %max3A_55 : vector<1000xf32>
    %max3A_58 = arith.constant 1.000000e+00 : f32
    %max3A_59 = vector.broadcast %max3A_58 : f32 to vector<1000xf32>
    %max3A_60 = arith.maximumf %add3A_49, %max3A_59 : vector<1000xf32>
    %div3A_61 = arith.constant 1.000000e+00 : f32
    %div3A_62 = vector.broadcast %div3A_61 : f32 to vector<1000xf32>
    %div3A_63 = arith.divf %div3A_62, %max3A_60 : vector<1000xf32>
    %get3A_64 = arith.constant 0 : index
    %get3A_65 = arith.constant 0 : index
    %get3A_66 = vector.load %arg1[%get3A_64, %get3A_65] : memref<1000x128xf32, #tpu.memory_space<vmem>>, vector<1000x128xf32>
    %get3A_67 = arith.constant 0 : index
    %get3A_68 = arith.constant 0 : index
    %get3A_69 = vector.load %arg4[%get3A_67, %get3A_68] : memref<128x64xf32, #tpu.memory_space<vmem>>, vector<128x64xf32>
    %dot_general3A = arith.constant dense<0.000000e+00> : vector<1000x64xf32>
    %dot_general3A_70 = tpu.matmul %get3A_66, %get3A_69, %dot_general3A {dimension_numbers = #tpu.dot_dimension_numbers<[1], [0], [0], [1], [0, 0, 1, 1], [], []>, transpose_lhs_hint = false} : vector<1000x128xf32>, vector<128x64xf32>, vector<1000x64xf32> -> vector<1000x64xf32>
    %get3A_71 = arith.constant 0 : index
    %get3A_72 = arith.constant 0 : index
    %get3A_73 = vector.load %arg5[%get3A_71, %get3A_72] : memref<1x64xf32, #tpu.memory_space<vmem>>, vector<1x64xf32>
    %add3A_74 = vector.broadcast %get3A_73 : vector<1x64xf32> to vector<1000x64xf32>
    %add3A_75 = arith.addf %dot_general3A_70, %add3A_74 : vector<1000x64xf32>
    %broadcast_in_dim3A = vector.shape_cast %div3A_57 : vector<1000xf32> to vector<1000x1xf32>
    %mul3A = vector.broadcast %broadcast_in_dim3A : vector<1000x1xf32> to vector<1000x64xf32>
    %mul3A_76 = arith.mulf %add3A, %mul3A : vector<1000x64xf32>
    %add3A_77 = arith.addf %add3A_75, %mul3A_76 : vector<1000x64xf32>
    %broadcast_in_dim3A_78 = vector.shape_cast %div3A_63 : vector<1000xf32> to vector<1000x1xf32>
    %mul3A_79 = vector.broadcast %broadcast_in_dim3A_78 : vector<1000x1xf32> to vector<1000x64xf32>
    %mul3A_80 = arith.mulf %add3A_23, %mul3A_79 : vector<1000x64xf32>
    %add3A_81 = arith.addf %add3A_77, %mul3A_80 : vector<1000x64xf32>
    %max3A_82 = arith.constant 0.000000e+00 : f32
    %max3A_83 = vector.broadcast %max3A_82 : f32 to vector<1000x64xf32>
    %max3A_84 = arith.maximumf %add3A_81, %max3A_83 : vector<1000x64xf32>
    %swap3A = arith.constant 0 : index
    %swap3A_85 = arith.constant 0 : index
    %swap3A_86 = vector.load %arg8[%swap3A, %swap3A_85] : memref<1000x64xf32, #tpu.memory_space<vmem>>, vector<1000x64xf32>
    tpu.vector_store %arg8[%swap3A, %swap3A_85], %max3A_84 {strides = array<i32>} : memref<1000x64xf32, #tpu.memory_space<vmem>>, vector<1000x64xf32>,
    %broadcast_in_dim3A_87 = vector.shape_cast %rsqrt3A : vector<1000xf32> to vector<1000x1xf32>
    %get3A_88 = arith.constant 0 : index
    %get3A_89 = arith.constant 0 : index
    %get3A_90 = vector.load %arg6[%get3A_88, %get3A_89] : memref<128x64xf32, #tpu.memory_space<vmem>>, vector<128x64xf32>
    %dot_general3A_91 = arith.constant dense<0.000000e+00> : vector<1000x64xf32>
    %dot_general3A_92 = tpu.matmul %get3A_66, %get3A_90, %dot_general3A_91 {dimension_numbers = #tpu.dot_dimension_numbers<[1], [0], [0], [1], [0, 0, 1, 1], [], []>, transpose_lhs_hint = false} : vector<1000x128xf32>, vector<128x64xf32>, vector<1000x64xf32> -> vector<1000x64xf32>
    %mul3A_93 = vector.broadcast %broadcast_in_dim3A_87 : vector<1000x1xf32> to vector<1000x64xf32>
    %mul3A_94 = arith.mulf %mul3A_93, %dot_general3A_92 : vector<1000x64xf32>
    %swap3A_95 = arith.constant 0 : index
    %swap3A_96 = arith.constant 0 : index
    %swap3A_97 = vector.load %arg9[%swap3A_95, %swap3A_96] : memref<1000x64xf32, #tpu.memory_space<vmem>>, vector<1000x64xf32>
    tpu.vector_store %arg9[%swap3A_95, %swap3A_96], %mul3A_94 {strides = array<i32>} : memref<1000x64xf32, #tpu.memory_space<vmem>>, vector<1000x64xf32>,
    %get3A_98 = arith.constant 0 : index
    %get3A_99 = arith.constant 0 : index
    %get3A_100 = arith.constant 0 : index
    %get3A_101 = vector.load %arg7[%get3A_98, %get3A_99, %get3A_100] : memref<2x64x32xf32, #tpu.memory_space<vmem>>, vector<1x64x32xf32>
    %get3A_102 = vector.shape_cast %get3A_101 : vector<1x64x32xf32> to vector<64x32xf32>
    %dot_general3A_103 = arith.constant dense<0.000000e+00> : vector<1000x32xf32>
    %dot_general3A_104 = tpu.matmul %max3A_84, %get3A_102, %dot_general3A_103 {dimension_numbers = #tpu.dot_dimension_numbers<[1], [0], [0], [1], [0, 0, 1, 1], [], []>, transpose_lhs_hint = false} : vector<1000x64xf32>, vector<64x32xf32>, vector<1000x32xf32> -> vector<1000x32xf32>
    %swap3A_105 = arith.constant 0 : index
    %swap3A_106 = arith.constant 0 : index
    %swap3A_107 = arith.constant 0 : index
    %swap3A_108 = vector.load %arg10[%swap3A_105, %swap3A_106, %swap3A_107] : memref<2x1000x32xf32, #tpu.memory_space<vmem>>, vector<1x1000x32xf32>
    %swap3A_109 = vector.shape_cast %swap3A_108 : vector<1x1000x32xf32> to vector<1000x32xf32>
    %swap3A_110 = vector.shape_cast %dot_general3A_104 : vector<1000x32xf32> to vector<1x1000x32xf32>
    tpu.vector_store %arg10[%swap3A_105, %swap3A_106, %swap3A_107], %swap3A_110 {strides = array<i32>} : memref<2x1000x32xf32, #tpu.memory_space<vmem>>, vector<1x1000x32xf32>,
    %get3A_111 = arith.constant 1 : index
    %get3A_112 = arith.constant 0 : index
    %get3A_113 = arith.constant 0 : index
    %get3A_114 = vector.load %arg7[%get3A_111, %get3A_112, %get3A_113] : memref<2x64x32xf32, #tpu.memory_space<vmem>>, vector<1x64x32xf32>
    %get3A_115 = vector.shape_cast %get3A_114 : vector<1x64x32xf32> to vector<64x32xf32>
    %dot_general3A_116 = arith.constant dense<0.000000e+00> : vector<1000x32xf32>
    %dot_general3A_117 = tpu.matmul %max3A_84, %get3A_115, %dot_general3A_116 {dimension_numbers = #tpu.dot_dimension_numbers<[1], [0], [0], [1], [0, 0, 1, 1], [], []>, transpose_lhs_hint = false} : vector<1000x64xf32>, vector<64x32xf32>, vector<1000x32xf32> -> vector<1000x32xf32>
    %swap3A_118 = arith.constant 1 : index
    %swap3A_119 = arith.constant 0 : index
    %swap3A_120 = arith.constant 0 : index
    %swap3A_121 = vector.load %arg10[%swap3A_118, %swap3A_119, %swap3A_120] : memref<2x1000x32xf32, #tpu.memory_space<vmem>>, vector<1x1000x32xf32>
    %swap3A_122 = vector.shape_cast %swap3A_121 : vector<1x1000x32xf32> to vector<1000x32xf32>
    %swap3A_123 = vector.shape_cast %dot_general3A_117 : vector<1000x32xf32> to vector<1x1000x32xf32>
    tpu.vector_store %arg10[%swap3A_118, %swap3A_119, %swap3A_120], %swap3A_123 {strides = array<i32>} : memref<2x1000x32xf32, #tpu.memory_space<vmem>>, vector<1x1000x32xf32>,
    %broadcast_in_dim3A_124 = vector.shape_cast %rsqrt3A : vector<1000xf32> to vector<1000x1xf32>
    %broadcast_in_dim3A_125 = vector.shape_cast %div3A_57 : vector<1000xf32> to vector<1000x1xf32>
    %broadcast_in_dim3A_126 = vector.shape_cast %div3A_63 : vector<1000xf32> to vector<1000x1xf32>
    %broadcast_in_dim3A_127 = arith.constant 0.000000e+00 : f32
    %broadcast_in_dim3A_128 = vector.broadcast %broadcast_in_dim3A_127 : f32 to vector<1000x5xf32>
    %concatenate3A = tpu.concatenate %broadcast_in_dim3A_124, %broadcast_in_dim3A_125, %broadcast_in_dim3A_126, %broadcast_in_dim3A_128 in 1 : vector<1000x1xf32>, vector<1000x1xf32>, vector<1000x1xf32>, vector<1000x5xf32> -> vector<1000x8xf32>
    %swap3A_129 = arith.constant 0 : index
    %swap3A_130 = arith.constant 0 : index
    %swap3A_131 = vector.load %arg11[%swap3A_129, %swap3A_130] : memref<1000x8xf32, #tpu.memory_space<vmem>>, vector<1000x8xf32>
    tpu.vector_store %arg11[%swap3A_129, %swap3A_130], %concatenate3A {strides = array<i32>} : memref<1000x8xf32, #tpu.memory_space<vmem>>, vector<1000x8xf32>,
    return
  }
  func.func @transform_0(%arg0: i32) -> (i32, i32) {
    %c0_i32 = arith.constant 0 : i32
    %c0_i32_0 = arith.constant 0 : i32
    return %arg0, %c0_i32 : i32, i32
  }
  func.func @transform_1(%arg0: i32) -> (i32, i32, i32, i32) {
    %c0_i32 = arith.constant 0 : i32
    %c0_i32_0 = arith.constant 0 : i32
    %c0_i32_1 = arith.constant 0 : i32
    %c0_i32_2 = arith.constant 0 : i32
    return %c0_i32, %c0_i32_0, %arg0, %c0_i32_1 : i32, i32, i32, i32
  }
  func.func @transform_2(%arg0: i32) -> (i32, i32, i32, i32) {
    %c0_i32 = arith.constant 0 : i32
    %c0_i32_0 = arith.constant 0 : i32
    %c0_i32_1 = arith.constant 0 : i32
    %c0_i32_2 = arith.constant 0 : i32
    return %c0_i32, %c0_i32_0, %arg0, %c0_i32_1 : i32, i32, i32, i32
  }
  func.func @transform_3(%arg0: i32) -> (i32, i32) {
    %c0_i32 = arith.constant 0 : i32
    %c0_i32_0 = arith.constant 0 : i32
    %c0_i32_1 = arith.constant 0 : i32
    return %c0_i32, %c0_i32_0 : i32, i32
  }
  func.func @transform_4(%arg0: i32) -> (i32, i32) {
    %c0_i32 = arith.constant 0 : i32
    %c0_i32_0 = arith.constant 0 : i32
    %c0_i32_1 = arith.constant 0 : i32
    return %c0_i32, %c0_i32_0 : i32, i32
  }
  func.func @transform_5(%arg0: i32) -> (i32, i32) {
    %c0_i32 = arith.constant 0 : i32
    %c0_i32_0 = arith.constant 0 : i32
    %c0_i32_1 = arith.constant 0 : i32
    return %c0_i32, %c0_i32_0 : i32, i32
  }
  func.func @transform_6(%arg0: i32) -> (i32, i32, i32) {
    %c0_i32 = arith.constant 0 : i32
    %c0_i32_0 = arith.constant 0 : i32
    %c0_i32_1 = arith.constant 0 : i32
    %c0_i32_2 = arith.constant 0 : i32
    return %c0_i32, %c0_i32_0, %c0_i32_1 : i32, i32, i32
  }
  func.func @transform_7(%arg0: i32) -> (i32, i32) {
    %c0_i32 = arith.constant 0 : i32
    %c0_i32_0 = arith.constant 0 : i32
    return %arg0, %c0_i32 : i32, i32
  }
  func.func @transform_8(%arg0: i32) -> (i32, i32) {
    %c0_i32 = arith.constant 0 : i32
    %c0_i32_0 = arith.constant 0 : i32
    return %arg0, %c0_i32 : i32, i32
  }
  func.func @transform_9(%arg0: i32) -> (i32, i32, i32) {
    %c0_i32 = arith.constant 0 : i32
    %c0_i32_0 = arith.constant 0 : i32
    %c0_i32_1 = arith.constant 0 : i32
    return %c0_i32, %arg0, %c0_i32_0 : i32, i32, i32
  }
  func.func @transform_10(%arg0: i32) -> (i32, i32) {
    %c0_i32 = arith.constant 0 : i32
    %c0_i32_0 = arith.constant 0 : i32
    return %arg0, %c0_i32 : i32, i32
  }
}

module attributes {stable_mosaic.version = 14 : i64} {
  func.func @_k3_body(%arg0: i32, %arg1: memref<2x1000x64xf32, #tpu.memory_space<vmem>>, %arg2: memref<1000x64xf32, #tpu.memory_space<vmem>>, %arg3: memref<1000x8xf32, #tpu.memory_space<vmem>>, %arg4: memref<1x64xf32, #tpu.memory_space<vmem>>, %arg5: memref<64x32xf32, #tpu.memory_space<vmem>>, %arg6: memref<1000x64xf32, #tpu.memory_space<vmem>>, %arg7: memref<1000x32xf32, #tpu.memory_space<vmem>>) attributes {dimension_semantics = [#tpu.dimension_semantics<arbitrary>], iteration_bounds = array<i64: 10>, scalar_prefetch = 0 : i64, scratch_operands = 0 : i64, tpu.core_type = #tpu.core_type<tc>, window_params = [{transform_indices = @transform_0, window_bounds = array<i64: 2, 1000, 64>}, {transform_indices = @transform_1, window_bounds = array<i64: 1000, 64>}, {transform_indices = @transform_2, window_bounds = array<i64: 1000, 8>}, {pipeline_mode = #tpu.pipeline_mode<synchronous>, transform_indices = @transform_3, window_bounds = array<i64: 1, 64>}, {pipeline_mode = #tpu.pipeline_mode<synchronous>, transform_indices = @transform_4, window_bounds = array<i64: 64, 32>}, {transform_indices = @transform_5, window_bounds = array<i64: 1000, 64>}, {transform_indices = @transform_6, window_bounds = array<i64: 1000, 32>}]} {
    %get3A = arith.constant 0 : index
    %get3A_0 = arith.constant 0 : index
    %get3A_1 = vector.load %arg3[%get3A, %get3A_0] : memref<1000x8xf32, #tpu.memory_space<vmem>>, vector<1000x8xf32>
    %slice3A = vector.extract_strided_slice %get3A_1 {offsets = [0, 0], sizes = [1000, 1], strides = [1, 1]} : vector<1000x8xf32> to vector<1000x1xf32>
    %squeeze3A = vector.shape_cast %slice3A : vector<1000x1xf32> to vector<1000xf32>
    %get3A_2 = arith.constant 0 : index
    %get3A_3 = arith.constant 0 : index
    %get3A_4 = arith.constant 0 : index
    %get3A_5 = vector.load %arg1[%get3A_2, %get3A_3, %get3A_4] : memref<2x1000x64xf32, #tpu.memory_space<vmem>>, vector<1x1000x64xf32>
    %get3A_6 = vector.shape_cast %get3A_5 : vector<1x1000x64xf32> to vector<1000x64xf32>
    %get3A_7 = arith.constant 1 : index
    %get3A_8 = arith.constant 0 : index
    %get3A_9 = arith.constant 0 : index
    %get3A_10 = vector.load %arg1[%get3A_7, %get3A_8, %get3A_9] : memref<2x1000x64xf32, #tpu.memory_space<vmem>>, vector<1x1000x64xf32>
    %get3A_11 = vector.shape_cast %get3A_10 : vector<1x1000x64xf32> to vector<1000x64xf32>
    %add3A = arith.addf %get3A_6, %get3A_11 : vector<1000x64xf32>
    %broadcast_in_dim3A = vector.shape_cast %squeeze3A : vector<1000xf32> to vector<1000x1xf32>
    %get3A_12 = arith.constant 0 : index
    %get3A_13 = arith.constant 0 : index
    %get3A_14 = vector.load %arg2[%get3A_12, %get3A_13] : memref<1000x64xf32, #tpu.memory_space<vmem>>, vector<1000x64xf32>
    %add3A_15 = arith.addf %add3A, %get3A_14 : vector<1000x64xf32>
    %mul3A = vector.broadcast %broadcast_in_dim3A : vector<1000x1xf32> to vector<1000x64xf32>
    %mul3A_16 = arith.mulf %mul3A, %add3A_15 : vector<1000x64xf32>
    %get3A_17 = arith.constant 0 : index
    %get3A_18 = arith.constant 0 : index
    %get3A_19 = vector.load %arg4[%get3A_17, %get3A_18] : memref<1x64xf32, #tpu.memory_space<vmem>>, vector<1x64xf32>
    %add3A_20 = vector.broadcast %get3A_19 : vector<1x64xf32> to vector<1000x64xf32>
    %add3A_21 = arith.addf %mul3A_16, %add3A_20 : vector<1000x64xf32>
    %max3A = arith.constant 0.000000e+00 : f32
    %max3A_22 = vector.broadcast %max3A : f32 to vector<1000x64xf32>
    %max3A_23 = arith.maximumf %add3A_21, %max3A_22 : vector<1000x64xf32>
    %swap3A = arith.constant 0 : index
    %swap3A_24 = arith.constant 0 : index
    %swap3A_25 = vector.load %arg6[%swap3A, %swap3A_24] : memref<1000x64xf32, #tpu.memory_space<vmem>>, vector<1000x64xf32>
    tpu.vector_store %arg6[%swap3A, %swap3A_24], %max3A_23 {strides = array<i32>} : memref<1000x64xf32, #tpu.memory_space<vmem>>, vector<1000x64xf32>,
    %broadcast_in_dim3A_26 = vector.shape_cast %squeeze3A : vector<1000xf32> to vector<1000x1xf32>
    %get3A_27 = arith.constant 0 : index
    %get3A_28 = arith.constant 0 : index
    %get3A_29 = vector.load %arg5[%get3A_27, %get3A_28] : memref<64x32xf32, #tpu.memory_space<vmem>>, vector<64x32xf32>
    %dot_general3A = arith.constant dense<0.000000e+00> : vector<1000x32xf32>
    %dot_general3A_30 = tpu.matmul %max3A_23, %get3A_29, %dot_general3A {dimension_numbers = #tpu.dot_dimension_numbers<[1], [0], [0], [1], [0, 0, 1, 1], [], []>, transpose_lhs_hint = false} : vector<1000x64xf32>, vector<64x32xf32>, vector<1000x32xf32> -> vector<1000x32xf32>
    %mul3A_31 = vector.broadcast %broadcast_in_dim3A_26 : vector<1000x1xf32> to vector<1000x32xf32>
    %mul3A_32 = arith.mulf %mul3A_31, %dot_general3A_30 : vector<1000x32xf32>
    %swap3A_33 = arith.constant 0 : index
    %swap3A_34 = arith.constant 0 : index
    %swap3A_35 = vector.load %arg7[%swap3A_33, %swap3A_34] : memref<1000x32xf32, #tpu.memory_space<vmem>>, vector<1000x32xf32>
    tpu.vector_store %arg7[%swap3A_33, %swap3A_34], %mul3A_32 {strides = array<i32>} : memref<1000x32xf32, #tpu.memory_space<vmem>>, vector<1000x32xf32>,
    return
  }
  func.func @transform_0(%arg0: i32) -> (i32, i32, i32) {
    %c0_i32 = arith.constant 0 : i32
    %c0_i32_0 = arith.constant 0 : i32
    %c0_i32_1 = arith.constant 0 : i32
    return %c0_i32, %arg0, %c0_i32_0 : i32, i32, i32
  }
  func.func @transform_1(%arg0: i32) -> (i32, i32) {
    %c0_i32 = arith.constant 0 : i32
    %c0_i32_0 = arith.constant 0 : i32
    return %arg0, %c0_i32 : i32, i32
  }
  func.func @transform_2(%arg0: i32) -> (i32, i32) {
    %c0_i32 = arith.constant 0 : i32
    %c0_i32_0 = arith.constant 0 : i32
    return %arg0, %c0_i32 : i32, i32
  }
  func.func @transform_3(%arg0: i32) -> (i32, i32) {
    %c0_i32 = arith.constant 0 : i32
    %c0_i32_0 = arith.constant 0 : i32
    %c0_i32_1 = arith.constant 0 : i32
    return %c0_i32, %c0_i32_0 : i32, i32
  }
  func.func @transform_4(%arg0: i32) -> (i32, i32) {
    %c0_i32 = arith.constant 0 : i32
    %c0_i32_0 = arith.constant 0 : i32
    %c0_i32_1 = arith.constant 0 : i32
    return %c0_i32, %c0_i32_0 : i32, i32
  }
  func.func @transform_5(%arg0: i32) -> (i32, i32) {
    %c0_i32 = arith.constant 0 : i32
    %c0_i32_0 = arith.constant 0 : i32
    return %arg0, %c0_i32 : i32, i32
  }
  func.func @transform_6(%arg0: i32) -> (i32, i32) {
    %c0_i32 = arith.constant 0 : i32
    %c0_i32_0 = arith.constant 0 : i32
    return %arg0, %c0_i32 : i32, i32
  }
}

module attributes {stable_mosaic.version = 14 : i64} {
  func.func @_k4_body(%arg0: i32, %arg1: memref<2x2x1000x32xf32, #tpu.memory_space<vmem>>, %arg2: memref<1000x64xf32, #tpu.memory_space<vmem>>, %arg3: memref<64x32xf32, #tpu.memory_space<vmem>>, %arg4: memref<1x32xf32, #tpu.memory_space<vmem>>, %arg5: memref<1000x8xf32, #tpu.memory_space<vmem>>, %arg6: memref<2x1000x32xf32, #tpu.memory_space<vmem>>, %arg7: memref<1000x32xf32, #tpu.memory_space<vmem>>, %arg8: memref<1x32xf32, #tpu.memory_space<vmem>>, %arg9: memref<1000x64xf32, #tpu.memory_space<vmem>>, %arg10: memref<1000x512xf32, #tpu.memory_space<vmem>>, %arg11: memref<2x704x256xf32, #tpu.memory_space<vmem>>, %arg12: memref<1000x32xf32, #tpu.memory_space<vmem>>, %arg13: memref<1000x256xf32, #tpu.memory_space<vmem>>, %arg14: memref<1000x256xf32, #tpu.memory_space<vmem>>) attributes {dimension_semantics = [#tpu.dimension_semantics<arbitrary>], iteration_bounds = array<i64: 10>, scalar_prefetch = 0 : i64, scratch_operands = 0 : i64, tpu.core_type = #tpu.core_type<tc>, window_params = [{transform_indices = @transform_0, window_bounds = array<i64: 2, 2, 1000, 32>}, {transform_indices = @transform_1, window_bounds = array<i64: 1000, 64>}, {pipeline_mode = #tpu.pipeline_mode<synchronous>, transform_indices = @transform_2, window_bounds = array<i64: 64, 32>}, {pipeline_mode = #tpu.pipeline_mode<synchronous>, transform_indices = @transform_3, window_bounds = array<i64: 1, 32>}, {transform_indices = @transform_4, window_bounds = array<i64: 1000, 8>}, {transform_indices = @transform_5, window_bounds = array<i64: 2, 1000, 32>}, {transform_indices = @transform_6, window_bounds = array<i64: 1000, 32>}, {pipeline_mode = #tpu.pipeline_mode<synchronous>, transform_indices = @transform_7, window_bounds = array<i64: 1, 32>}, {transform_indices = @transform_8, window_bounds = array<i64: 1000, 64>}, {transform_indices = @transform_9, window_bounds = array<i64: 1000, 512>}, {pipeline_mode = #tpu.pipeline_mode<synchronous>, transform_indices = @transform_10, window_bounds = array<i64: 2, 704, 256>}, {transform_indices = @transform_11, window_bounds = array<i64: 1000, 32>}, {transform_indices = @transform_12, window_bounds = array<i64: 1000, 256>}, {transform_indices = @transform_13, window_bounds = array<i64: 1000, 256>}]} {
    %get3A = arith.constant 0 : index
    %get3A_0 = arith.constant 0 : index
    %get3A_1 = vector.load %arg5[%get3A, %get3A_0] : memref<1000x8xf32, #tpu.memory_space<vmem>>, vector<1000x8xf32>
    %slice3A = vector.extract_strided_slice %get3A_1 {offsets = [0, 0], sizes = [1000, 1], strides = [1, 1]} : vector<1000x8xf32> to vector<1000x1xf32>
    %squeeze3A = vector.shape_cast %slice3A : vector<1000x1xf32> to vector<1000xf32>
    %slice3A_2 = vector.extract_strided_slice %get3A_1 {offsets = [0, 1], sizes = [1000, 1], strides = [1, 1]} : vector<1000x8xf32> to vector<1000x1xf32>
    %squeeze3A_3 = vector.shape_cast %slice3A_2 : vector<1000x1xf32> to vector<1000xf32>
    %slice3A_4 = vector.extract_strided_slice %get3A_1 {offsets = [0, 2], sizes = [1000, 1], strides = [1, 1]} : vector<1000x8xf32> to vector<1000x1xf32>
    %squeeze3A_5 = vector.shape_cast %slice3A_4 : vector<1000x1xf32> to vector<1000xf32>
    %get3A_6 = arith.constant 0 : index
    %get3A_7 = arith.constant 0 : index
    %get3A_8 = arith.constant 0 : index
    %get3A_9 = arith.constant 0 : index
    %get3A_10 = vector.load %arg1[%get3A_6, %get3A_7, %get3A_8, %get3A_9] : memref<2x2x1000x32xf32, #tpu.memory_space<vmem>>, vector<1x1x1000x32xf32>
    %get3A_11 = vector.shape_cast %get3A_10 : vector<1x1x1000x32xf32> to vector<1000x32xf32>
    %get3A_12 = arith.constant 1 : index
    %get3A_13 = arith.constant 0 : index
    %get3A_14 = arith.constant 0 : index
    %get3A_15 = arith.constant 0 : index
    %get3A_16 = vector.load %arg1[%get3A_12, %get3A_13, %get3A_14, %get3A_15] : memref<2x2x1000x32xf32, #tpu.memory_space<vmem>>, vector<1x1x1000x32xf32>
    %get3A_17 = vector.shape_cast %get3A_16 : vector<1x1x1000x32xf32> to vector<1000x32xf32>
    %add3A = arith.addf %get3A_11, %get3A_17 : vector<1000x32xf32>
    %get3A_18 = arith.constant 0 : index
    %get3A_19 = arith.constant 1 : index
    %get3A_20 = arith.constant 0 : index
    %get3A_21 = arith.constant 0 : index
    %get3A_22 = vector.load %arg1[%get3A_18, %get3A_19, %get3A_20, %get3A_21] : memref<2x2x1000x32xf32, #tpu.memory_space<vmem>>, vector<1x1x1000x32xf32>
    %get3A_23 = vector.shape_cast %get3A_22 : vector<1x1x1000x32xf32> to vector<1000x32xf32>
    %get3A_24 = arith.constant 1 : index
    %get3A_25 = arith.constant 1 : index
    %get3A_26 = arith.constant 0 : index
    %get3A_27 = arith.constant 0 : index
    %get3A_28 = vector.load %arg1[%get3A_24, %get3A_25, %get3A_26, %get3A_27] : memref<2x2x1000x32xf32, #tpu.memory_space<vmem>>, vector<1x1x1000x32xf32>
    %get3A_29 = vector.shape_cast %get3A_28 : vector<1x1x1000x32xf32> to vector<1000x32xf32>
    %add3A_30 = arith.addf %get3A_23, %get3A_29 : vector<1000x32xf32>
    %get3A_31 = arith.constant 0 : index
    %get3A_32 = arith.constant 0 : index
    %get3A_33 = vector.load %arg2[%get3A_31, %get3A_32] : memref<1000x64xf32, #tpu.memory_space<vmem>>, vector<1000x64xf32>
    %get3A_34 = arith.constant 0 : index
    %get3A_35 = arith.constant 0 : index
    %get3A_36 = vector.load %arg3[%get3A_34, %get3A_35] : memref<64x32xf32, #tpu.memory_space<vmem>>, vector<64x32xf32>
    %dot_general3A = arith.constant dense<0.000000e+00> : vector<1000x32xf32>
    %dot_general3A_37 = tpu.matmul %get3A_33, %get3A_36, %dot_general3A {dimension_numbers = #tpu.dot_dimension_numbers<[1], [0], [0], [1], [0, 0, 1, 1], [], []>, transpose_lhs_hint = false} : vector<1000x64xf32>, vector<64x32xf32>, vector<1000x32xf32> -> vector<1000x32xf32>
    %get3A_38 = arith.constant 0 : index
    %get3A_39 = arith.constant 0 : index
    %get3A_40 = vector.load %arg4[%get3A_38, %get3A_39] : memref<1x32xf32, #tpu.memory_space<vmem>>, vector<1x32xf32>
    %add3A_41 = vector.broadcast %get3A_40 : vector<1x32xf32> to vector<1000x32xf32>
    %add3A_42 = arith.addf %dot_general3A_37, %add3A_41 : vector<1000x32xf32>
    %broadcast_in_dim3A = vector.shape_cast %squeeze3A_3 : vector<1000xf32> to vector<1000x1xf32>
    %mul3A = vector.broadcast %broadcast_in_dim3A : vector<1000x1xf32> to vector<1000x32xf32>
    %mul3A_43 = arith.mulf %add3A, %mul3A : vector<1000x32xf32>
    %add3A_44 = arith.addf %add3A_42, %mul3A_43 : vector<1000x32xf32>
    %broadcast_in_dim3A_45 = vector.shape_cast %squeeze3A_5 : vector<1000xf32> to vector<1000x1xf32>
    %mul3A_46 = vector.broadcast %broadcast_in_dim3A_45 : vector<1000x1xf32> to vector<1000x32xf32>
    %mul3A_47 = arith.mulf %add3A_30, %mul3A_46 : vector<1000x32xf32>
    %add3A_48 = arith.addf %add3A_44, %mul3A_47 : vector<1000x32xf32>
    %swap3A = arith.constant 0 : index
    %swap3A_49 = arith.constant 0 : index
    %swap3A_50 = vector.load %arg12[%swap3A, %swap3A_49] : memref<1000x32xf32, #tpu.memory_space<vmem>>, vector<1000x32xf32>
    tpu.vector_store %arg12[%swap3A, %swap3A_49], %add3A_48 {strides = array<i32>} : memref<1000x32xf32, #tpu.memory_space<vmem>>, vector<1000x32xf32>,
    %get3A_51 = arith.constant 0 : index
    %get3A_52 = arith.constant 0 : index
    %get3A_53 = arith.constant 0 : index
    %get3A_54 = vector.load %arg6[%get3A_51, %get3A_52, %get3A_53] : memref<2x1000x32xf32, #tpu.memory_space<vmem>>, vector<1x1000x32xf32>
    %get3A_55 = vector.shape_cast %get3A_54 : vector<1x1000x32xf32> to vector<1000x32xf32>
    %get3A_56 = arith.constant 1 : index
    %get3A_57 = arith.constant 0 : index
    %get3A_58 = arith.constant 0 : index
    %get3A_59 = vector.load %arg6[%get3A_56, %get3A_57, %get3A_58] : memref<2x1000x32xf32, #tpu.memory_space<vmem>>, vector<1x1000x32xf32>
    %get3A_60 = vector.shape_cast %get3A_59 : vector<1x1000x32xf32> to vector<1000x32xf32>
    %add3A_61 = arith.addf %get3A_55, %get3A_60 : vector<1000x32xf32>
    %broadcast_in_dim3A_62 = vector.shape_cast %squeeze3A : vector<1000xf32> to vector<1000x1xf32>
    %get3A_63 = arith.constant 0 : index
    %get3A_64 = arith.constant 0 : index
    %get3A_65 = vector.load %arg7[%get3A_63, %get3A_64] : memref<1000x32xf32, #tpu.memory_space<vmem>>, vector<1000x32xf32>
    %add3A_66 = arith.addf %add3A_61, %get3A_65 : vector<1000x32xf32>
    %mul3A_67 = vector.broadcast %broadcast_in_dim3A_62 : vector<1000x1xf32> to vector<1000x32xf32>
    %mul3A_68 = arith.mulf %mul3A_67, %add3A_66 : vector<1000x32xf32>
    %get3A_69 = arith.constant 0 : index
    %get3A_70 = arith.constant 0 : index
    %get3A_71 = vector.load %arg8[%get3A_69, %get3A_70] : memref<1x32xf32, #tpu.memory_space<vmem>>, vector<1x32xf32>
    %add3A_72 = vector.broadcast %get3A_71 : vector<1x32xf32> to vector<1000x32xf32>
    %add3A_73 = arith.addf %mul3A_68, %add3A_72 : vector<1000x32xf32>
    %get3A_74 = arith.constant 0 : index
    %get3A_75 = arith.constant 0 : index
    %get3A_76 = vector.load %arg9[%get3A_74, %get3A_75] : memref<1000x64xf32, #tpu.memory_space<vmem>>, vector<1000x64xf32>
    %get3A_77 = arith.constant 0 : index
    %get3A_78 = arith.constant 0 : index
    %get3A_79 = vector.load %arg10[%get3A_77, %get3A_78] : memref<1000x512xf32, #tpu.memory_space<vmem>>, vector<1000x512xf32>
    %concatenate3A = tpu.concatenate %get3A_76, %add3A_73, %get3A_33, %add3A_48, %get3A_79 in 1 : vector<1000x64xf32>, vector<1000x32xf32>, vector<1000x64xf32>, vector<1000x32xf32>, vector<1000x512xf32> -> vector<1000x704xf32>
    %get3A_80 = arith.constant 0 : index
    %get3A_81 = arith.constant 0 : index
    %get3A_82 = arith.constant 0 : index
    %get3A_83 = vector.load %arg11[%get3A_80, %get3A_81, %get3A_82] : memref<2x704x256xf32, #tpu.memory_space<vmem>>, vector<1x704x256xf32>
    %get3A_84 = vector.shape_cast %get3A_83 : vector<1x704x256xf32> to vector<704x256xf32>
    %dot_general3A_85 = arith.constant dense<0.000000e+00> : vector<1000x256xf32>
    %dot_general3A_86 = tpu.matmul %concatenate3A, %get3A_84, %dot_general3A_85 {dimension_numbers = #tpu.dot_dimension_numbers<[1], [0], [0], [1], [0, 0, 1, 1], [], []>, transpose_lhs_hint = false} : vector<1000x704xf32>, vector<704x256xf32>, vector<1000x256xf32> -> vector<1000x256xf32>
    %swap3A_87 = arith.constant 0 : index
    %swap3A_88 = arith.constant 0 : index
    %swap3A_89 = vector.load %arg13[%swap3A_87, %swap3A_88] : memref<1000x256xf32, #tpu.memory_space<vmem>>, vector<1000x256xf32>
    tpu.vector_store %arg13[%swap3A_87, %swap3A_88], %dot_general3A_86 {strides = array<i32>} : memref<1000x256xf32, #tpu.memory_space<vmem>>, vector<1000x256xf32>,
    %get3A_90 = arith.constant 1 : index
    %get3A_91 = arith.constant 0 : index
    %get3A_92 = arith.constant 0 : index
    %get3A_93 = vector.load %arg11[%get3A_90, %get3A_91, %get3A_92] : memref<2x704x256xf32, #tpu.memory_space<vmem>>, vector<1x704x256xf32>
    %get3A_94 = vector.shape_cast %get3A_93 : vector<1x704x256xf32> to vector<704x256xf32>
    %dot_general3A_95 = arith.constant dense<0.000000e+00> : vector<1000x256xf32>
    %dot_general3A_96 = tpu.matmul %concatenate3A, %get3A_94, %dot_general3A_95 {dimension_numbers = #tpu.dot_dimension_numbers<[1], [0], [0], [1], [0, 0, 1, 1], [], []>, transpose_lhs_hint = false} : vector<1000x704xf32>, vector<704x256xf32>, vector<1000x256xf32> -> vector<1000x256xf32>
    %swap3A_97 = arith.constant 0 : index
    %swap3A_98 = arith.constant 0 : index
    %swap3A_99 = vector.load %arg14[%swap3A_97, %swap3A_98] : memref<1000x256xf32, #tpu.memory_space<vmem>>, vector<1000x256xf32>
    tpu.vector_store %arg14[%swap3A_97, %swap3A_98], %dot_general3A_96 {strides = array<i32>} : memref<1000x256xf32, #tpu.memory_space<vmem>>, vector<1000x256xf32>,
    return
  }
  func.func @transform_0(%arg0: i32) -> (i32, i32, i32, i32) {
    %c0_i32 = arith.constant 0 : i32
    %c0_i32_0 = arith.constant 0 : i32
    %c0_i32_1 = arith.constant 0 : i32
    %c0_i32_2 = arith.constant 0 : i32
    return %c0_i32, %c0_i32_0, %arg0, %c0_i32_1 : i32, i32, i32, i32
  }
  func.func @transform_1(%arg0: i32) -> (i32, i32) {
    %c0_i32 = arith.constant 0 : i32
    %c0_i32_0 = arith.constant 0 : i32
    return %arg0, %c0_i32 : i32, i32
  }
  func.func @transform_2(%arg0: i32) -> (i32, i32) {
    %c0_i32 = arith.constant 0 : i32
    %c0_i32_0 = arith.constant 0 : i32
    %c0_i32_1 = arith.constant 0 : i32
    return %c0_i32, %c0_i32_0 : i32, i32
  }
  func.func @transform_3(%arg0: i32) -> (i32, i32) {
    %c0_i32 = arith.constant 0 : i32
    %c0_i32_0 = arith.constant 0 : i32
    %c0_i32_1 = arith.constant 0 : i32
    return %c0_i32, %c0_i32_0 : i32, i32
  }
  func.func @transform_4(%arg0: i32) -> (i32, i32) {
    %c0_i32 = arith.constant 0 : i32
    %c0_i32_0 = arith.constant 0 : i32
    return %arg0, %c0_i32 : i32, i32
  }
  func.func @transform_5(%arg0: i32) -> (i32, i32, i32) {
    %c0_i32 = arith.constant 0 : i32
    %c0_i32_0 = arith.constant 0 : i32
    %c0_i32_1 = arith.constant 0 : i32
    return %c0_i32, %arg0, %c0_i32_0 : i32, i32, i32
  }
  func.func @transform_6(%arg0: i32) -> (i32, i32) {
    %c0_i32 = arith.constant 0 : i32
    %c0_i32_0 = arith.constant 0 : i32
    return %arg0, %c0_i32 : i32, i32
  }
  func.func @transform_7(%arg0: i32) -> (i32, i32) {
    %c0_i32 = arith.constant 0 : i32
    %c0_i32_0 = arith.constant 0 : i32
    %c0_i32_1 = arith.constant 0 : i32
    return %c0_i32, %c0_i32_0 : i32, i32
  }
  func.func @transform_8(%arg0: i32) -> (i32, i32) {
    %c0_i32 = arith.constant 0 : i32
    %c0_i32_0 = arith.constant 0 : i32
    return %arg0, %c0_i32 : i32, i32
  }
  func.func @transform_9(%arg0: i32) -> (i32, i32) {
    %c0_i32 = arith.constant 0 : i32
    %c0_i32_0 = arith.constant 0 : i32
    return %arg0, %c0_i32 : i32, i32
  }
  func.func @transform_10(%arg0: i32) -> (i32, i32, i32) {
    %c0_i32 = arith.constant 0 : i32
    %c0_i32_0 = arith.constant 0 : i32
    %c0_i32_1 = arith.constant 0 : i32
    %c0_i32_2 = arith.constant 0 : i32
    return %c0_i32, %c0_i32_0, %c0_i32_1 : i32, i32, i32
  }
  func.func @transform_11(%arg0: i32) -> (i32, i32) {
    %c0_i32 = arith.constant 0 : i32
    %c0_i32_0 = arith.constant 0 : i32
    return %arg0, %c0_i32 : i32, i32
  }
  func.func @transform_12(%arg0: i32) -> (i32, i32) {
    %c0_i32 = arith.constant 0 : i32
    %c0_i32_0 = arith.constant 0 : i32
    return %arg0, %c0_i32 : i32, i32
  }
  func.func @transform_13(%arg0: i32) -> (i32, i32) {
    %c0_i32 = arith.constant 0 : i32
    %c0_i32_0 = arith.constant 0 : i32
    return %arg0, %c0_i32 : i32, i32
  }
}

module attributes {stable_mosaic.version = 14 : i64} {
  func.func @_k5_body(%arg0: i32, %arg1: memref<1000x256xf32, #tpu.memory_space<vmem>>, %arg2: memref<1x256xf32, #tpu.memory_space<vmem>>, %arg3: memref<256x128xf32, #tpu.memory_space<vmem>>, %arg4: memref<1x128xf32, #tpu.memory_space<vmem>>, %arg5: memref<128x65xf32, #tpu.memory_space<vmem>>, %arg6: memref<1x65xf32, #tpu.memory_space<vmem>>, %arg7: memref<65x2xf32, #tpu.memory_space<vmem>>, %arg8: memref<1x2xf32, #tpu.memory_space<vmem>>, %arg9: memref<1000x2xf32, #tpu.memory_space<vmem>>) attributes {dimension_semantics = [#tpu.dimension_semantics<arbitrary>], iteration_bounds = array<i64: 100>, scalar_prefetch = 0 : i64, scratch_operands = 0 : i64, tpu.core_type = #tpu.core_type<tc>, window_params = [{transform_indices = @transform_0, window_bounds = array<i64: 1000, 256>}, {pipeline_mode = #tpu.pipeline_mode<synchronous>, transform_indices = @transform_1, window_bounds = array<i64: 1, 256>}, {pipeline_mode = #tpu.pipeline_mode<synchronous>, transform_indices = @transform_2, window_bounds = array<i64: 256, 128>}, {pipeline_mode = #tpu.pipeline_mode<synchronous>, transform_indices = @transform_3, window_bounds = array<i64: 1, 128>}, {pipeline_mode = #tpu.pipeline_mode<synchronous>, transform_indices = @transform_4, window_bounds = array<i64: 128, 65>}, {pipeline_mode = #tpu.pipeline_mode<synchronous>, transform_indices = @transform_5, window_bounds = array<i64: 1, 65>}, {pipeline_mode = #tpu.pipeline_mode<synchronous>, transform_indices = @transform_6, window_bounds = array<i64: 65, 2>}, {pipeline_mode = #tpu.pipeline_mode<synchronous>, transform_indices = @transform_7, window_bounds = array<i64: 1, 2>}, {transform_indices = @transform_8, window_bounds = array<i64: 1000, 2>}]} {
    %get3A = arith.constant 0 : index
    %get3A_0 = arith.constant 0 : index
    %get3A_1 = vector.load %arg1[%get3A, %get3A_0] : memref<1000x256xf32, #tpu.memory_space<vmem>>, vector<1000x256xf32>
    %get3A_2 = arith.constant 0 : index
    %get3A_3 = arith.constant 0 : index
    %get3A_4 = vector.load %arg2[%get3A_2, %get3A_3] : memref<1x256xf32, #tpu.memory_space<vmem>>, vector<1x256xf32>
    %add3A = vector.broadcast %get3A_4 : vector<1x256xf32> to vector<1000x256xf32>
    %add3A_5 = arith.addf %get3A_1, %add3A : vector<1000x256xf32>
    %gt3A = arith.constant 0.000000e+00 : f32
    %gt3A_6 = vector.broadcast %gt3A : f32 to vector<1000x256xf32>
    %gt3A_7 = arith.cmpf ogt, %add3A_5, %gt3A_6 : vector<1000x256xf32>
    %exp3A = math.exp %add3A_5 : vector<1000x256xf32>
    %sub3A = arith.constant 1.000000e+00 : f32
    %sub3A_8 = vector.broadcast %sub3A : f32 to vector<1000x256xf32>
    %sub3A_9 = arith.subf %exp3A, %sub3A_8 : vector<1000x256xf32>
    %select_n3A = arith.select %gt3A_7, %add3A_5, %sub3A_9 : vector<1000x256xi1>, vector<1000x256xf32>
    %get3A_10 = arith.constant 0 : index
    %get3A_11 = arith.constant 0 : index
    %get3A_12 = vector.load %arg3[%get3A_10, %get3A_11] : memref<256x128xf32, #tpu.memory_space<vmem>>, vector<256x128xf32>
    %dot_general3A = arith.constant dense<0.000000e+00> : vector<1000x128xf32>
    %dot_general3A_13 = tpu.matmul %select_n3A, %get3A_12, %dot_general3A {dimension_numbers = #tpu.dot_dimension_numbers<[1], [0], [0], [1], [0, 0, 1, 1], [], []>, transpose_lhs_hint = false} : vector<1000x256xf32>, vector<256x128xf32>, vector<1000x128xf32> -> vector<1000x128xf32>
    %get3A_14 = arith.constant 0 : index
    %get3A_15 = arith.constant 0 : index
    %get3A_16 = vector.load %arg4[%get3A_14, %get3A_15] : memref<1x128xf32, #tpu.memory_space<vmem>>, vector<1x128xf32>
    %add3A_17 = vector.broadcast %get3A_16 : vector<1x128xf32> to vector<1000x128xf32>
    %add3A_18 = arith.addf %dot_general3A_13, %add3A_17 : vector<1000x128xf32>
    %gt3A_19 = arith.constant 0.000000e+00 : f32
    %gt3A_20 = vector.broadcast %gt3A_19 : f32 to vector<1000x128xf32>
    %gt3A_21 = arith.cmpf ogt, %add3A_18, %gt3A_20 : vector<1000x128xf32>
    %exp3A_22 = math.exp %add3A_18 : vector<1000x128xf32>
    %sub3A_23 = arith.constant 1.000000e+00 : f32
    %sub3A_24 = vector.broadcast %sub3A_23 : f32 to vector<1000x128xf32>
    %sub3A_25 = arith.subf %exp3A_22, %sub3A_24 : vector<1000x128xf32>
    %select_n3A_26 = arith.select %gt3A_21, %add3A_18, %sub3A_25 : vector<1000x128xi1>, vector<1000x128xf32>
    %get3A_27 = arith.constant 0 : index
    %get3A_28 = arith.constant 0 : index
    %get3A_29 = vector.load %arg5[%get3A_27, %get3A_28] : memref<128x65xf32, #tpu.memory_space<vmem>>, vector<128x65xf32>
    %get3A_30 = arith.constant 0 : index
    %get3A_31 = arith.constant 0 : index
    %get3A_32 = vector.load %arg7[%get3A_30, %get3A_31] : memref<65x2xf32, #tpu.memory_space<vmem>>, vector<65x2xf32>
    %dot_general3A_33 = arith.constant dense<0.000000e+00> : vector<128x2xf32>
    %dot_general3A_34 = tpu.matmul %get3A_29, %get3A_32, %dot_general3A_33 {dimension_numbers = #tpu.dot_dimension_numbers<[1], [0], [0], [1], [0, 0, 1, 1], [], []>, transpose_lhs_hint = false} : vector<128x65xf32>, vector<65x2xf32>, vector<128x2xf32> -> vector<128x2xf32>
    %get3A_35 = arith.constant 0 : index
    %get3A_36 = arith.constant 0 : index
    %get3A_37 = vector.load %arg6[%get3A_35, %get3A_36] : memref<1x65xf32, #tpu.memory_space<vmem>>, vector<1x65xf32>
    %get3A_38 = arith.constant 0 : index
    %get3A_39 = arith.constant 0 : index
    %get3A_40 = vector.load %arg7[%get3A_38, %get3A_39] : memref<65x2xf32, #tpu.memory_space<vmem>>, vector<65x2xf32>
    %dot_general3A_41 = arith.constant dense<0.000000e+00> : vector<1x2xf32>
    %dot_general3A_42 = tpu.matmul %get3A_37, %get3A_40, %dot_general3A_41 {dimension_numbers = #tpu.dot_dimension_numbers<[1], [0], [0], [1], [0, 0, 1, 1], [], []>, transpose_lhs_hint = false} : vector<1x65xf32>, vector<65x2xf32>, vector<1x2xf32> -> vector<1x2xf32>
    %get3A_43 = arith.constant 0 : index
    %get3A_44 = arith.constant 0 : index
    %get3A_45 = vector.load %arg8[%get3A_43, %get3A_44] : memref<1x2xf32, #tpu.memory_space<vmem>>, vector<1x2xf32>
    %add3A_46 = arith.addf %dot_general3A_42, %get3A_45 : vector<1x2xf32>
    %dot_general3A_47 = arith.constant dense<0.000000e+00> : vector<1000x2xf32>
    %dot_general3A_48 = tpu.matmul %select_n3A_26, %dot_general3A_34, %dot_general3A_47 {dimension_numbers = #tpu.dot_dimension_numbers<[1], [0], [0], [1], [0, 0, 1, 1], [], []>, transpose_lhs_hint = false} : vector<1000x128xf32>, vector<128x2xf32>, vector<1000x2xf32> -> vector<1000x2xf32>
    %add3A_49 = vector.broadcast %add3A_46 : vector<1x2xf32> to vector<1000x2xf32>
    %add3A_50 = arith.addf %dot_general3A_48, %add3A_49 : vector<1000x2xf32>
    %swap3A = arith.constant 0 : index
    %swap3A_51 = arith.constant 0 : index
    %swap3A_52 = vector.load %arg9[%swap3A, %swap3A_51] : memref<1000x2xf32, #tpu.memory_space<vmem>>, vector<1000x2xf32>
    tpu.vector_store %arg9[%swap3A, %swap3A_51], %add3A_50 {strides = array<i32>} : memref<1000x2xf32, #tpu.memory_space<vmem>>, vector<1000x2xf32>,
    return
  }
  func.func @transform_0(%arg0: i32) -> (i32, i32) {
    %c0_i32 = arith.constant 0 : i32
    %c0_i32_0 = arith.constant 0 : i32
    return %arg0, %c0_i32 : i32, i32
  }
  func.func @transform_1(%arg0: i32) -> (i32, i32) {
    %c0_i32 = arith.constant 0 : i32
    %c0_i32_0 = arith.constant 0 : i32
    %c0_i32_1 = arith.constant 0 : i32
    return %c0_i32, %c0_i32_0 : i32, i32
  }
  func.func @transform_2(%arg0: i32) -> (i32, i32) {
    %c0_i32 = arith.constant 0 : i32
    %c0_i32_0 = arith.constant 0 : i32
    %c0_i32_1 = arith.constant 0 : i32
    return %c0_i32, %c0_i32_0 : i32, i32
  }
  func.func @transform_3(%arg0: i32) -> (i32, i32) {
    %c0_i32 = arith.constant 0 : i32
    %c0_i32_0 = arith.constant 0 : i32
    %c0_i32_1 = arith.constant 0 : i32
    return %c0_i32, %c0_i32_0 : i32, i32
  }
  func.func @transform_4(%arg0: i32) -> (i32, i32) {
    %c0_i32 = arith.constant 0 : i32
    %c0_i32_0 = arith.constant 0 : i32
    %c0_i32_1 = arith.constant 0 : i32
    return %c0_i32, %c0_i32_0 : i32, i32
  }
  func.func @transform_5(%arg0: i32) -> (i32, i32) {
    %c0_i32 = arith.constant 0 : i32
    %c0_i32_0 = arith.constant 0 : i32
    %c0_i32_1 = arith.constant 0 : i32
    return %c0_i32, %c0_i32_0 : i32, i32
  }
  func.func @transform_6(%arg0: i32) -> (i32, i32) {
    %c0_i32 = arith.constant 0 : i32
    %c0_i32_0 = arith.constant 0 : i32
    %c0_i32_1 = arith.constant 0 : i32
    return %c0_i32, %c0_i32_0 : i32, i32
  }
  func.func @transform_7(%arg0: i32) -> (i32, i32) {
    %c0_i32 = arith.constant 0 : i32
    %c0_i32_0 = arith.constant 0 : i32
    %c0_i32_1 = arith.constant 0 : i32
    return %c0_i32, %c0_i32_0 : i32, i32
  }
  func.func @transform_8(%arg0: i32) -> (i32, i32) {
    %c0_i32 = arith.constant 0 : i32
    %c0_i32_0 = arith.constant 0 : i32
    return %arg0, %c0_i32 : i32, i32
  }
}

</mosaic_0001>

<sc_bundles>
// kernel: kernel.13.cloned.1.call-start
scs
__scs_entry_jumppad:
0x0: {  	(pc) =	sbr.rel $0x88, $3  }
0x1: {  	(tag) =	ssettag $0x0;
	lr =	simm.s32 $0x1  }
0x2: {  	[smem:$0x3F89] =	sst lr;
	_ =	strace $0xD0000000  }
0x3: {  	_ = 	snop  }
0x4: {  	_ = 	snop  }
0x5: {  	_ = 	snop  }
0x6: {  	_ = 	snop  }
0x7: {  	_ = 	snop  }
__scs_overlays_trampoline_lowered:
0x8: {  	[smem:$0x3F98] =	sst s0  }
0x9: {  	[smem:$0x3F99] =	sst s1  }
0xa: {  	[smem:$0x3F9A] =	sst s2  }
0xb: {  	[smem:$0x3F9B] =	sst s3  }
0xc: {  	[smem:$0x3F9C] =	sst s4  }
0xd: {  	[smem:$0x3F9D] =	sst s5  }
0xe: {  	[smem:$0x3F9E] =	sst s6  }
0xf: {  	[smem:$0x3F9F] =	sst s7  }
0x10: {  	[smem:$0x3FA0] =	sst s8  }
0x11: {  	[smem:$0x3FA1] =	sst s9;
	s0 =	simm.s32 @!p0 $0x0  }
0x12: {  	s1 =	sld [smem:$0x3F87];
	s0 =	simm.s32 @p0 $0x1  }
0x13: {  	[smem:$0x3FA2] =	sst s0;
	s0 =	simm.s32 @!p1 $0x0  }
0x14: {  	s2 =	sld [smem:$0x3F86];
	s0 =	simm.s32 @p1 $0x1  }
0x15: {  	[smem:$0x3FA3] =	sst s0;
	s0 =	simm.s32 @!p2 $0x0  }
0x16: {  	s3 =	sld [smem:$0x3FDB];
	s0 =	simm.s32 @p2 $0x1  }
0x17: {  	s4 =	simm.s32 $0x1BF5;
	[smem:$0x3FA5] =	sst s0  }
0x18: {  	s0 =	sld [smem:$0x3F88];
	_ =	swait.ge [sflag:s4], $0x0  }
0x19: {  	s7 =	sld [smem:$0x3F89]  }
0x1a: {  	s8 =	sadd.s32 $0xFFFFE003, lr  }
0x1b: {  	s9 =	sadd.s32 $0xFFFFFEF7, lr;
	s5 =	simm.s32 $0xFFFFFFFF;
	p2 =	slt.u32 s8, $0xFFFFF086  }
0x1c: {  	p1 =	slt.u32 s9, $0xF7A;
	s5 =	simm.s32 @!p2 $0x0  }
0x1d: {  	s5 =	simm.s32 @p1 $0x1;
	p0 =	seq.s32 s7, s2  }
0x1e: {  	s7 =	smul.u32 @!p0 $0xF7A, s2;
	p2 =	seq.s32 @!p0 s5, $0x0  }
0x1f: {  	s9 =	smul.u32 $0xF7A, s1;
	s8 =	simm.s32 @!p0 $0x1BF5;
	p2 =	por !p2, p0  }
0x20: {  	[sflag:s8] =	ssyncset.s32 @!p0 $0xFFFFF086;
	s6 =	sadd.s32 @!p0 s3, s7;
	s7 =	simm.s32 @!p0 $0x108  }
0x21: {  	s3 =	sadd.s32 s3, s9;
	s6 =	sadd.s32 @!p0 $0x88, s6;
	s7 =	simm.s32 @p2 $0x1082  }
0x22: {  	[simem:s7], [sflag:s8] =	dma.local @!p0 [hbm:s6], $0xF7A  }
0x23: {  	s9 =	sor.u32 $0xD0000000, s2;
	s6 =	simm.s32 $0x108;
	_ =	swait.ge @!p0 [sflag:s8], $0x0  }
0x24: {  	s3 =	sadd.s32 $0x88, s3;
	s6 =	simm.s32 @!p1 $0x1082;
	[sflag:s4] =	ssyncset.s32 $0xFFFFF086  }
0x25: {  	[simem:s6], [sflag:s4] =	dma.local [hbm:s3], $0xF7A  }
0x26: {  	[smem:$0x3F89] =	sst s1;
	(tag) =	ssettag s2;
	_ =	strace s9  }
0x27: {  	s1 =	sld [smem:$0x3F99]  }
0x28: {  	s2 =	sld [smem:$0x3F9A]  }
0x29: {  	s4 =	sld [smem:$0x3F9C]  }
0x2a: {  	p0 =	seq.s32 s5, $0x0;
	s5 =	sld [smem:$0x3F9D]  }
0x2b: {  	s6 =	sld [smem:$0x3F9E]  }
0x2c: {  	s7 =	sld [smem:$0x3F9F]  }
0x2d: {  	s3 =	simm.s32 $0x108;
	s8 =	sld [smem:$0x3FA0]  }
0x2e: {  	s3 =	simm.s32 @!p0 $0x1082;
	s9 =	sld [smem:$0x3FA1]  }
0x2f: {  	lr =	sadd.s32 s0, s3;
	s0 =	sld [smem:$0x3F98]  }
0x30: {  	s3 =	sld [smem:$0x3F9B]  }
0x31: {  	[smem:$0x3FA4] =	sst s10  }
0x32: {  	s10 =	sld [smem:$0x3FA2];
	_ =	sdelay $0x3  }
0x33: {  	p0 =	seq.s32 s10, $0x1;
	s10 =	sld [smem:$0x3FA4];
	_ =	sdelay $0x3  }
0x34: {  	[smem:$0x3FA4] =	sst s10  }
0x35: {  	s10 =	sld [smem:$0x3FA3];
	_ =	sdelay $0x3  }
0x36: {  	p1 =	seq.s32 s10, $0x1;
	s10 =	sld [smem:$0x3FA4];
	_ =	sdelay $0x3  }
0x37: {  	[smem:$0x3FA4] =	sst s10  }
0x38: {  	s10 =	sld [smem:$0x3FA5]  }
0x39: {  	_ = 	snop;
	(pc) =	sbr.ind lr, $3  }
0x3a: {  	_ = 	snop  }
0x3b: {  	_ = 	snop  }
0x3c: {  	p2 =	seq.s32 s10, $0x1;
	s10 =	sld [smem:$0x3FA4]  }
0x3d: {  	_ =	shalt  }
0x3e: {  	_ =	shalt  }
0x3f: {  	_ =	shalt  }
0x40: {  	_ =	shalt  }
0x41: {  	_ =	shalt  }
0x42: {  	_ =	shalt  }
0x43: {  	_ =	shalt  }
0x44: {  	_ =	shalt  }
0x45: {  	_ =	shalt  }
0x46: {  	_ =	shalt  }
0x47: {  	_ =	shalt  }
0x48: {  	_ =	shalt  }
0x49: {  	_ =	shalt  }
0x4a: {  	_ =	shalt  }
0x4b: {  	_ =	shalt  }
0x4c: {  	_ =	shalt  }
0x4d: {  	_ =	shalt  }
0x4e: {  	_ =	shalt  }
0x4f: {  	_ =	shalt  }
0x50: {  	_ =	shalt  }
0x51: {  	_ =	shalt  }
0x52: {  	_ =	shalt  }
0x53: {  	_ =	shalt  }
0x54: {  	_ =	shalt  }
0x55: {  	_ =	shalt  }
0x56: {  	_ =	shalt  }
0x57: {  	_ =	shalt  }
0x58: {  	_ =	shalt  }
0x59: {  	_ =	shalt  }
0x5a: {  	_ =	shalt  }
0x5b: {  	_ =	shalt  }
0x5c: {  	_ =	shalt  }
0x5d: {  	_ =	shalt  }
0x5e: {  	_ =	shalt  }
0x5f: {  	_ =	shalt  }
0x60: {  	_ =	shalt  }
0x61: {  	_ =	shalt  }
0x62: {  	_ =	shalt  }
0x63: {  	_ =	shalt  }
0x64: {  	_ =	shalt  }
0x65: {  	_ =	shalt  }
0x66: {  	_ =	shalt  }
0x67: {  	_ =	shalt  }
0x68: {  	_ =	shalt  }
0x69: {  	_ =	shalt  }
0x6a: {  	_ =	shalt  }
0x6b: {  	_ =	shalt  }
0x6c: {  	_ =	shalt  }
0x6d: {  	_ =	shalt  }
0x6e: {  	_ =	shalt  }
0x6f: {  	_ =	shalt  }
0x70: {  	_ =	shalt  }
0x71: {  	_ =	shalt  }
0x72: {  	_ =	shalt  }
0x73: {  	_ =	shalt  }
0x74: {  	_ =	shalt  }
0x75: {  	_ =	shalt  }
0x76: {  	_ =	shalt  }
0x77: {  	_ =	shalt  }
0x78: {  	_ =	shalt  }
0x79: {  	_ =	shalt  }
0x7a: {  	_ =	shalt  }
0x7b: {  	_ =	shalt  }
0x7c: {  	_ =	shalt  }
0x7d: {  	_ =	shalt  }
0x7e: {  	_ =	shalt  }
0x7f: {  	_ =	shalt  }
0x80: {  	_ =	shalt  }
0x81: {  	_ =	shalt  }
0x82: {  	_ =	shalt  }
0x83: {  	_ =	shalt  }
0x84: {  	_ =	shalt  }
0x85: {  	_ =	shalt  }
0x86: {  	_ =	shalt  }
0x87: {  	_ =	shalt  }
.Lfunc_end0:
.L_simem_size_0:
called_computation_lowered:
.L_overlay_start_0:
0x88: {  	s2 =	sld [smem:$0x3FD9]  }
0x89: {  	s3 =	sld [smem:$0x3FFE];
	_ =	sdelay $0x1  }
0x8a: {  	s1 =	srdreg.scid  }
0x8b: {  	s0 =	sand.u32 $0x1, s1  }
0x8c: {  	s15 =	sshll.u32 s0, $0xA;
	s2 =	sadd.s32 s3, s2  }
0x8d: {  	s2 =	sadd.s32 s2, s15  }
0x8e: {  	[smem:$0x3FB0] =	sst s2  }
0x8f: {  	_ = 	snop  }
0x90: {  	s2 =	sld [smem:$0x3FD0];
	_ =	sdelay $0x2  }
0x91: {  	s16 =	simm.s32 $0xB;
	s4 =	simm.s32 $0x10  }
0x92: {  	[smem:s4], [sflag:s16] =	dma.local [hbm:s2], $0x1  }
0x93: {  	_ =	swait.eq [sflag:s16], $0x1  }
0x94: {  	[sflag:s16] =	ssyncset.done $0x0  }
0x95: {  	[sflag:s16] =	ssyncadd.s32 $0xFFFFFFFF  }
0x96: {  	s17 =	sld [smem:$0x11];
	(tm) =	ssettm $0x1  }
0x97: {  	s18 =	sld [smem:$0x3FFB];
	_ =	sdelay $0x3  }
0x98: {  	_ =	strace s18  }
0x99: {  	s2 =	sld [smem:$0x3FFC];
	_ =	sdelay $0x3  }
0x9a: {  	_ =	strace s2  }
0x9b: {  	s2 =	sld [smem:$0x3FFD];
	_ =	sdelay $0x3  }
0x9c: {  	_ =	strace s2  }
0x9d: {  	_ =	strace $0x8FFFFFFF  }
0x9e: {  	s19 =	sld [smem:$0x3FDB];
	_ =	sdelay $0x1  }
0x9f: {  	s20 =	simm.s32 $_scs_section_size  }
0xa0: {  	s5 =	simm.s32 $_size__tile_overlayer_lowered;
	s6 =	simm.s32 $_tile_overlayer_lowered  }
0xa1: {  	s7 =	simm.s32 $0x1BFF;
	s21 =	sshll.u32 s6, $0x1;
	s4 =	sadd.s32 s20, s19  }
0xa2: {  	s22 =	simm.s32 $0x0;
	s5 =	sshll.u32 s5, $0x1;
	s6 =	sadd.s32 s21, s4  }
0xa3: {  	[timem:s22], [sflag:s7] =	dma.local [hbm:s6], s5  }
0xa4: {  	_ =	swait.ge [sflag:s7], s5  }
0xa5: {  	s5 =	ssub.s32 $0x0, s5;
	[sflag:s7] =	ssyncset.done $0x0  }
0xa6: {  	[sflag:s7] =	ssyncadd.s32 s5;
	_ =	sdelay $0x1  }
0xa7: {  	s23 =	simm.s32 $0x1B8B  }
0xa8: {  	_ =	swait.ge [sflag:s23], $0x1  }
0xa9: {  	[sflag:s23] =	ssyncset.done $0x0  }
0xaa: {  	[sflag:s23] =	ssyncadd.s32 $0xFFFFFFFF  }
0xab: {  	s5 =	sld [smem:$0x0]  }
0xac: {  	s6 =	sand.u32 $0xFFFFFFFE, s1  }
0xad: {  	p0 =	sne.s32 s1, s6  }
0xae: {  	s6 =	sshll.u32 @p0 s6, $0xE  }
0xaf: {  	s6 =	sadd.s32 @p0 $0x11B8D, s6;
	s7 =	sshll.u32 @p0 s5, $0x11  }
0xb0: {  	s6 =	sor.u32 @p0 s7, s6  }
0xb1: {  	[sflag:s6] =	ssyncadd.remote.s32 @p0 $0x1;
	_ =	sdelay $0x1  }
0xb2: {  	s6 =	simm.s32 @p0 $0x1B8D  }
0xb3: {  	_ =	swait.eq @p0 [sflag:s6], $0x1  }
0xb4: {  	[sflag:s6] =	ssyncadd.s32 @p0 $0xFFFFFFFF  }
0xb5: {  	s7 =	sshll.u32 @!p0 s1, $0xE  }
0xb6: {  	s7 =	sor.u32 @!p0 $0x4000, s7;
	s6 =	simm.s32 @!p0 $0x1B8D  }
0xb7: {  	s5 =	sshll.u32 @!p0 s5, $0x11;
	s7 =	sadd.s32 @!p0 $0x11B8D, s7;
	_ =	swait.eq @!p0 [sflag:s6], $0x1  }
0xb8: {  	s5 =	sor.u32 @!p0 s5, s7;
	[sflag:s6] =	ssyncadd.s32 @!p0 $0xFFFFFFFF  }
0xb9: {  	s25 =	simm.s32 $0x1B8E;
	s24 =	sld [smem:$0x3FFE];
	[sflag:s5] =	ssyncadd.remote.s32 @!p0 $0x1  }
0xba: {  	s26 =	simm.s32 $execute0_lowered;
	[smem:$0x3FD2] =	sst s25  }
0xbb: {  	s6 =	sshll.u32 s26, $0x1;
	_ =	strace $0x80000049;
	[dreg:$0x1] =	wrdreg $0xFFFFFFFF  }
0xbc: {  	s28 =	simm.s32 $_size_execute0_lowered;
	s4 =	sadd.s32 s4, s6;
	[dreg:$0x0] =	wrdreg $0x0  }
0xbd: {  	s6 =	sshll.u32 s28, $0x1;
	[dreg:$0x2] =	wrdreg s4  }
0xbe: {  	[dreg:$0x3] =	wrdreg s6  }
0xbf: {  	[dreg:$0x4] =	wrdreg $0xC0  }
0xc0: {  	_ =	task [dreg:s22], $0x5FFFF  }
0xc1: {  	[dreg:$0x1] =	wrdreg $0xFFFFFFFF  }
0xc2: {  	[dreg:$0x0] =	wrdreg $0x60  }
0xc3: {  	[dreg:$0x2] =	wrdreg s24  }
0xc4: {  	[dreg:$0x3] =	wrdreg s17  }
0xc5: {  	[dreg:$0x4] =	wrdreg $0x3C000  }
0xc6: {  	[dreg:$0x5] =	wrdreg $0x9  }
0xc7: {  	_ =	task.clear_ibuf [dreg:s22], $0x6FFFF;
	_ =	strace $0x90000049  }
0xc8: {  	s29 =	simm.s32 $0x9;
	_ =	strace $0x8000004B  }
0xc9: {  	_ =	swait.ge [sflag:s29], $0x1  }
0xca: {  	[sflag:s29] =	ssyncadd.s32 $0xFFFFFFFF  }
0xcb: {  	_ =	strace $0x9000004B  }
0xcc: {  	_ =	sfence  }
0xcd: {  	s30 =	sld [smem:$0x0];
	_ =	sdelay $0x2  }
0xce: {  	s31 =	sshll.u32 s1, $0xD;
	s1 =	sshrl.u32 s1, $0x2  }
0xcf: {  	s4 =	sand.u32 $0x4000, s31;
	s1 =	sadd.s32 s1, s30  }
0xd0: {  	s0 =	sor.u32 s4, s0;
	s1 =	sshll.u32 s1, $0x11  }
0xd1: {  	s0 =	sor.u32 s1, s0  }
0xd2: {  	s0 =	sadd.s32 $0x8F2B, s0  }
0xd3: {  	[sflag:s0] =	ssyncadd.remote.s32 $0x1  }
0xd4: {  	_ =	sfence.sel $0xFFFF  }
0xd5: {  	[dreg:$0x0] =	wrdreg $0xFFFFFFFF;
	(pc) =	sbr.abs _section_cstart, $3  }
0xd6: {  	[dreg:$0x1] =	wrdreg $0xFFFFFFFF  }
0xd7: {  	_ =	task.clear_ibuf [dreg:s22], $0x2FFFF;
	_ =	strace $0x9FFFFFFF  }
0xd8: {  	(tm) =	ssettm $0x7FFFFFFF  }
0xd9: {  	_ =	shalt  }
tec
execute0_lowered:
.L_overlay_start_1:
0x0: {  	(tag) =	ssettag $0x1  }
0x1: {  	s6 =	rddreg [dreg:$0x0]  }
0x2: {  	s2 =	rddreg [dreg:$0x1]  }
0x3: {  	s3 =	rddreg [dreg:$0x2]  }
0x4: {  	s1 =	stileid.u32;
	s0 =	rddreg [dreg:$0x3]  }
0x5: {  	s4 =	simm.s32 $0x0;
	s7 =	srdreg.scid;
	s14 =	simm.s32 $0x3400  }
0x6: {  	s15 =	simm.s32 $0x1A00;
	s16 =	simm.s32 $0x80;
	s5 =	smul.u32 $0x68, s1  }
0x7: {  	s17 =	simm.s32 $0x0;
	s8 =	smul.u32 $0x38, s1;
	[smem:$0x7FF] =	sst s4  }
0x8: {  	s7 =	sand.u32 $0x1, s7;
	s9 =	smul.u32 $0x4E80, s1;
	s31 =	sshll.u32 s1, $0x6  }
0x9: {  	p0 =	seq.s32 s7, $0x0;
	s10 =	smul.u32 $0x4E800, s7;
	s7 =	ssub.s32 $0x2, s7  }
0xa: {  	_ =	strace $0x8000004A;
	s8 =	sadd.s32 $0x680, s8;
	s11 =	sshrl.u32 s7, $0x1  }
0xb: {  	s13 =	sadd.s32 s9, s3;
	s8 =	smov.u32 @p0 s5;
	s29 =	sadd.s32 s9, s10  }
0xc: {  	s11 =	ssub.s32 s7, s11;
	s7 =	sor.u32 $0x1C01, s31;
	s5 =	sshll.u32 s8, $0x4  }
0xd: {  	s8 =	sshrl.u32 s29, $0x3;
	s11 =	smax.u32 s11, $0x1;
	s30 =	sadd.s32 s5, s6  }
0xe: {  	s5 =	sadd.s32 $0x91A00, s6;
	s12 =	sadd.s32 s8, s6;
	s6 =	simm.s32 $0x68  }
0xf: {  	s6 =	simm.s32 @!p0 $0x38;
	s8 =	sadd.s32 $0x2E200, s30;
	s9 =	sadd.s32 $0x2E540, s30  }
0x10: {  	s10 =	sadd.s32 $0x91C00, s12;
	s12 =	sshrl.u32 s13, $0x3;
	s13 =	simm.s32 $0x1  }
.LBB2_1:
0x11: {  	[spmem:s12], [sflag:s7] =	dma.local [hbm:s2], $0x9D0  }
0x12: {  	_ =	swait.ge [sflag:s13], $0x9D0  }
0x13: {  	[sflag:s13] =	ssyncset.done $0x0  }
0x14: {  	[sflag:s13] =	ssyncadd.s32 $0xFFFFF630  }
0x15: {  	[tilespmem:s14], [sflag:$0x1] =	stream.linear.gather [hbm4b:s5+s4], $0x800, $0x38;
	[tilespmem:$0x8A80] =	vst v63  }
0x16: {  	_ =	swait.ge [sflag:s13], $0x800  }
0x17: {  	[sflag:s13] =	ssyncset.done $0x0  }
0x18: {  	[sflag:s13] =	ssyncadd.s32 $0xFFFFF800  }
0x19: {  	[tilespmem:s4], [sflag:$0x1] =	stream.linear.gather [hbm4b:s8+s4], $0x1A00, $0x38;
	[tilespmem:$0x8A80] =	vst v63  }
0x1a: {  	_ =	swait.ge [sflag:s13], $0x1A00  }
0x1b: {  	[sflag:s13] =	ssyncset.done $0x0  }
0x1c: {  	[sflag:s13] =	ssyncadd.s32 $0xFFFFE600  }
0x1d: {  	[tilespmem:s15], [sflag:$0x1] =	stream.linear.gather [hbm4b:s9+s4], $0x1A00, $0x38;
	[tilespmem:$0x8A80] =	vst v63  }
0x1e: {  	_ =	swait.ge [sflag:s13], $0x1A00  }
0x1f: {  	p0 =	sne.s32 s6, $0x1;
	[sflag:s13] =	ssyncset.done $0x0  }
.Ltmp0:
0x20: {  	[sflag:s13] =	ssyncadd.s32 $0xFFFFE600;
	(pc) =	sbr.rel @!p0 .LBB2_3-.Ltmp0, $4  }
0x21: {  	[bflag:$0x0] =	sbarrier.arrive $0xFFFF  }
0x22: {  	[spmem:s3] =	stream.indirect.scatter.add.f32 [tilespmem:s14], [sflag:$0x1], $0x10, s4, s16, $0xb8;
	[tilespmem:$0x8A80] =	vst v63  }
0x23: {  	_ =	swait.ge [sflag:s13], $0x800  }
0x24: {  	s18 =	sadd.s32 $0xFFFFFFFF, s6;
	s19 =	simm.s32 $0x0;
	[sflag:s13] =	ssyncset.done $0x0  }
.LBB2_2:
0x25: {  	p0 =	sne.s32 s18, $0x1;
	[sflag:s13] =	ssyncadd.s32 $0xFFFFF800;
	s19 =	sadd.s32 $0x80, s19  }
.Ltmp1:
0x26: {  	s18 =	sadd.s32 $0xFFFFFFFF, s18;
	(pc) =	sbr.rel @p0 .LBB2_2-.Ltmp1, $4  }
0x27: {  	_ = 	snop  }
0x28: {  	[spmem:s3] =	stream.indirect.scatter.add.f32 [tilespmem:s14], [sflag:$0x1], $0x10, s19, s16, $0xb8;
	[tilespmem:$0x8A80] =	vst v63  }
0x29: {  	_ =	swait.ge [sflag:s13], $0x800  }
0x2a: {  	[sflag:s13] =	ssyncset.done $0x0  }
.LBB2_3:
0x2b: {  	s17 =	sadd.s32 $0x1, s17  }
0x2c: {  	[sflag:s13] =	ssyncadd.s32 $0xFFFFF800;
	p0 =	sne.s32 s17, s11  }
.Ltmp2:
0x2d: {  	[bflag:$0x0] =	sbarrier.arrive $0xFFFF;
	(pc) =	sbr.rel @p0 .LBB2_1-.Ltmp2, $4  }
0x2e: {  	[hbm:s10], [sflag:s7] =	dma.local [spmem:s12], $0x9D0  }
0x2f: {  	_ =	swait.ge [sflag:s13], $0x9D0  }
0x30: {  	[sflag:s13] =	ssyncset.done $0x0  }
0x31: {  	[sflag:s13] =	ssyncadd.s32 $0xFFFFF630  }
0x32: {  	_ =	sfence.sel $0x180000  }
0x33: {  	[bflag:$0x0] =	sbarrier.arrive $0xFFFF  }
0x34: {  	p0 =	sne.s32 s1, $0x0;
	_ =	strace $0x9000004A  }
0x35: {  	s0 =	sadd.s32 @!p0 $0x100000, s0;
	[bflag:$0x2] =	sbarrier.arrive $0xFFFF  }
0x36: {  	[sflag:s0] =	ssyncadd.tile.s32 @!p0 $0x1;
	_ =	shalt  }
.Lfunc_end2:
_tile_overlayer_lowered:
.L_overlay_start_2:
0x37: {  	(tag) =	ssettag $0x2  }
0x38: {  	s0 =	rddreg [dreg:$0x0];
	s2 =	stileid.u32  }
0x39: {  	s1 =	rddreg [dreg:$0x1];
	p0 =	sne.s32 s2, $0x0  }
0x3a: {  	s3 =	rddreg [dreg:$0x2];
	[bflag:$0x3] =	sbarrier.arrive $0xFFFF;
	s2 =	simm.s32 @!p0 $0x1C01  }
0x3b: {  	[timem:s3], [sflag:s2] =	dma.local @!p0 [hbm:s0], s1  }
0x3c: {  	s0 =	simm.s32 @!p0 $0x1  }
0x3d: {  	_ =	swait.ge @!p0 [sflag:s0], s1  }
0x3e: {  	s1 =	ssub.s32 @!p0 $0x0, s1;
	[sflag:s0] =	ssyncset.done @!p0 $0x0  }
0x3f: {  	[sflag:s0] =	ssyncadd.s32 @!p0 s1  }
0x40: {  	[bflag:$0x3] =	sbarrier.arrive $0xFFFF  }
0x41: {  	_ =	shalt  }

// kernel: kernel.16.cloned.1.call-start
scs
__scs_entry_jumppad:
0x0: {  	(pc) =	sbr.rel $0x88, $3  }
0x1: {  	(tag) =	ssettag $0x0;
	lr =	simm.s32 $0x1  }
0x2: {  	[smem:$0x3F89] =	sst lr;
	_ =	strace $0xD0000000  }
0x3: {  	_ = 	snop  }
0x4: {  	_ = 	snop  }
0x5: {  	_ = 	snop  }
0x6: {  	_ = 	snop  }
0x7: {  	_ = 	snop  }
__scs_overlays_trampoline_lowered:
0x8: {  	[smem:$0x3F98] =	sst s0  }
0x9: {  	[smem:$0x3F99] =	sst s1  }
0xa: {  	[smem:$0x3F9A] =	sst s2  }
0xb: {  	[smem:$0x3F9B] =	sst s3  }
0xc: {  	[smem:$0x3F9C] =	sst s4  }
0xd: {  	[smem:$0x3F9D] =	sst s5  }
0xe: {  	[smem:$0x3F9E] =	sst s6  }
0xf: {  	[smem:$0x3F9F] =	sst s7  }
0x10: {  	[smem:$0x3FA0] =	sst s8  }
0x11: {  	[smem:$0x3FA1] =	sst s9;
	s0 =	simm.s32 @!p0 $0x0  }
0x12: {  	s1 =	sld [smem:$0x3F87];
	s0 =	simm.s32 @p0 $0x1  }
0x13: {  	[smem:$0x3FA2] =	sst s0;
	s0 =	simm.s32 @!p1 $0x0  }
0x14: {  	s2 =	sld [smem:$0x3F86];
	s0 =	simm.s32 @p1 $0x1  }
0x15: {  	[smem:$0x3FA3] =	sst s0;
	s0 =	simm.s32 @!p2 $0x0  }
0x16: {  	s3 =	sld [smem:$0x3FDB];
	s0 =	simm.s32 @p2 $0x1  }
0x17: {  	s4 =	simm.s32 $0x1BF5;
	[smem:$0x3FA5] =	sst s0  }
0x18: {  	s0 =	sld [smem:$0x3F88];
	_ =	swait.ge [sflag:s4], $0x0  }
0x19: {  	s7 =	sld [smem:$0x3F89]  }
0x1a: {  	s8 =	sadd.s32 $0xFFFFE003, lr  }
0x1b: {  	s9 =	sadd.s32 $0xFFFFFEF7, lr;
	s5 =	simm.s32 $0xFFFFFFFF;
	p2 =	slt.u32 s8, $0xFFFFF086  }
0x1c: {  	p1 =	slt.u32 s9, $0xF7A;
	s5 =	simm.s32 @!p2 $0x0  }
0x1d: {  	s5 =	simm.s32 @p1 $0x1;
	p0 =	seq.s32 s7, s2  }
0x1e: {  	s7 =	smul.u32 @!p0 $0xF7A, s2;
	p2 =	seq.s32 @!p0 s5, $0x0  }
0x1f: {  	s9 =	smul.u32 $0xF7A, s1;
	s8 =	simm.s32 @!p0 $0x1BF5;
	p2 =	por !p2, p0  }
0x20: {  	[sflag:s8] =	ssyncset.s32 @!p0 $0xFFFFF086;
	s6 =	sadd.s32 @!p0 s3, s7;
	s7 =	simm.s32 @!p0 $0x108  }
0x21: {  	s3 =	sadd.s32 s3, s9;
	s6 =	sadd.s32 @!p0 $0x88, s6;
	s7 =	simm.s32 @p2 $0x1082  }
0x22: {  	[simem:s7], [sflag:s8] =	dma.local @!p0 [hbm:s6], $0xF7A  }
0x23: {  	s9 =	sor.u32 $0xD0000000, s2;
	s6 =	simm.s32 $0x108;
	_ =	swait.ge @!p0 [sflag:s8], $0x0  }
0x24: {  	s3 =	sadd.s32 $0x88, s3;
	s6 =	simm.s32 @!p1 $0x1082;
	[sflag:s4] =	ssyncset.s32 $0xFFFFF086  }
0x25: {  	[simem:s6], [sflag:s4] =	dma.local [hbm:s3], $0xF7A  }
0x26: {  	[smem:$0x3F89] =	sst s1;
	(tag) =	ssettag s2;
	_ =	strace s9  }
0x27: {  	s1 =	sld [smem:$0x3F99]  }
0x28: {  	s2 =	sld [smem:$0x3F9A]  }
0x29: {  	s4 =	sld [smem:$0x3F9C]  }
0x2a: {  	p0 =	seq.s32 s5, $0x0;
	s5 =	sld [smem:$0x3F9D]  }
0x2b: {  	s6 =	sld [smem:$0x3F9E]  }
0x2c: {  	s7 =	sld [smem:$0x3F9F]  }
0x2d: {  	s3 =	simm.s32 $0x108;
	s8 =	sld [smem:$0x3FA0]  }
0x2e: {  	s3 =	simm.s32 @!p0 $0x1082;
	s9 =	sld [smem:$0x3FA1]  }
0x2f: {  	lr =	sadd.s32 s0, s3;
	s0 =	sld [smem:$0x3F98]  }
0x30: {  	s3 =	sld [smem:$0x3F9B]  }
0x31: {  	[smem:$0x3FA4] =	sst s10  }
0x32: {  	s10 =	sld [smem:$0x3FA2];
	_ =	sdelay $0x3  }
0x33: {  	p0 =	seq.s32 s10, $0x1;
	s10 =	sld [smem:$0x3FA4];
	_ =	sdelay $0x3  }
0x34: {  	[smem:$0x3FA4] =	sst s10  }
0x35: {  	s10 =	sld [smem:$0x3FA3];
	_ =	sdelay $0x3  }
0x36: {  	p1 =	seq.s32 s10, $0x1;
	s10 =	sld [smem:$0x3FA4];
	_ =	sdelay $0x3  }
0x37: {  	[smem:$0x3FA4] =	sst s10  }
0x38: {  	s10 =	sld [smem:$0x3FA5]  }
0x39: {  	_ = 	snop;
	(pc) =	sbr.ind lr, $3  }
0x3a: {  	_ = 	snop  }
0x3b: {  	_ = 	snop  }
0x3c: {  	p2 =	seq.s32 s10, $0x1;
	s10 =	sld [smem:$0x3FA4]  }
0x3d: {  	_ =	shalt  }
0x3e: {  	_ =	shalt  }
0x3f: {  	_ =	shalt  }
0x40: {  	_ =	shalt  }
0x41: {  	_ =	shalt  }
0x42: {  	_ =	shalt  }
0x43: {  	_ =	shalt  }
0x44: {  	_ =	shalt  }
0x45: {  	_ =	shalt  }
0x46: {  	_ =	shalt  }
0x47: {  	_ =	shalt  }
0x48: {  	_ =	shalt  }
0x49: {  	_ =	shalt  }
0x4a: {  	_ =	shalt  }
0x4b: {  	_ =	shalt  }
0x4c: {  	_ =	shalt  }
0x4d: {  	_ =	shalt  }
0x4e: {  	_ =	shalt  }
0x4f: {  	_ =	shalt  }
0x50: {  	_ =	shalt  }
0x51: {  	_ =	shalt  }
0x52: {  	_ =	shalt  }
0x53: {  	_ =	shalt  }
0x54: {  	_ =	shalt  }
0x55: {  	_ =	shalt  }
0x56: {  	_ =	shalt  }
0x57: {  	_ =	shalt  }
0x58: {  	_ =	shalt  }
0x59: {  	_ =	shalt  }
0x5a: {  	_ =	shalt  }
0x5b: {  	_ =	shalt  }
0x5c: {  	_ =	shalt  }
0x5d: {  	_ =	shalt  }
0x5e: {  	_ =	shalt  }
0x5f: {  	_ =	shalt  }
0x60: {  	_ =	shalt  }
0x61: {  	_ =	shalt  }
0x62: {  	_ =	shalt  }
0x63: {  	_ =	shalt  }
0x64: {  	_ =	shalt  }
0x65: {  	_ =	shalt  }
0x66: {  	_ =	shalt  }
0x67: {  	_ =	shalt  }
0x68: {  	_ =	shalt  }
0x69: {  	_ =	shalt  }
0x6a: {  	_ =	shalt  }
0x6b: {  	_ =	shalt  }
0x6c: {  	_ =	shalt  }
0x6d: {  	_ =	shalt  }
0x6e: {  	_ =	shalt  }
0x6f: {  	_ =	shalt  }
0x70: {  	_ =	shalt  }
0x71: {  	_ =	shalt  }
0x72: {  	_ =	shalt  }
0x73: {  	_ =	shalt  }
0x74: {  	_ =	shalt  }
0x75: {  	_ =	shalt  }
0x76: {  	_ =	shalt  }
0x77: {  	_ =	shalt  }
0x78: {  	_ =	shalt  }
0x79: {  	_ =	shalt  }
0x7a: {  	_ =	shalt  }
0x7b: {  	_ =	shalt  }
0x7c: {  	_ =	shalt  }
0x7d: {  	_ =	shalt  }
0x7e: {  	_ =	shalt  }
0x7f: {  	_ =	shalt  }
0x80: {  	_ =	shalt  }
0x81: {  	_ =	shalt  }
0x82: {  	_ =	shalt  }
0x83: {  	_ =	shalt  }
0x84: {  	_ =	shalt  }
0x85: {  	_ =	shalt  }
0x86: {  	_ =	shalt  }
0x87: {  	_ =	shalt  }
.Lfunc_end0:
.L_simem_size_0:
called_computation.1_lowered:
.L_overlay_start_0:
0x88: {  	s2 =	sld [smem:$0x3FD9]  }
0x89: {  	s3 =	sld [smem:$0x3FFE];
	_ =	sdelay $0x1  }
0x8a: {  	s1 =	srdreg.scid  }
0x8b: {  	s0 =	sand.u32 $0x1, s1  }
0x8c: {  	s14 =	sshll.u32 s0, $0xA;
	s2 =	sadd.s32 s3, s2  }
0x8d: {  	s2 =	sadd.s32 s2, s14  }
0x8e: {  	[smem:$0x3FB0] =	sst s2  }
0x8f: {  	_ = 	snop  }
0x90: {  	s2 =	sld [smem:$0x3FD0];
	_ =	sdelay $0x2  }
0x91: {  	s15 =	simm.s32 $0xB;
	s4 =	simm.s32 $0x10  }
0x92: {  	[smem:s4], [sflag:s15] =	dma.local [hbm:s2], $0x1  }
0x93: {  	_ =	swait.eq [sflag:s15], $0x1  }
0x94: {  	[sflag:s15] =	ssyncset.done $0x0  }
0x95: {  	[sflag:s15] =	ssyncadd.s32 $0xFFFFFFFF  }
0x96: {  	s16 =	sld [smem:$0x10];
	(tm) =	ssettm $0x1  }
0x97: {  	s17 =	sld [smem:$0x3FFB];
	_ =	sdelay $0x3  }
0x98: {  	_ =	strace s17  }
0x99: {  	s3 =	sld [smem:$0x3FFC];
	_ =	sdelay $0x3  }
0x9a: {  	_ =	strace s3  }
0x9b: {  	s3 =	sld [smem:$0x3FFD];
	_ =	sdelay $0x3  }
0x9c: {  	_ =	strace s3  }
0x9d: {  	_ =	strace $0x8FFFFFFF  }
0x9e: {  	s18 =	sld [smem:$0x3FDB];
	_ =	sdelay $0x1  }
0x9f: {  	s19 =	simm.s32 $_scs_section_size  }
0xa0: {  	s5 =	simm.s32 $_size__tile_overlayer_lowered;
	s6 =	simm.s32 $_tile_overlayer_lowered  }
0xa1: {  	s22 =	simm.s32 $0x1BFF;
	s21 =	sshll.u32 s6, $0x1;
	s3 =	sadd.s32 s19, s18  }
0xa2: {  	s7 =	simm.s32 $0x0;
	s20 =	sshll.u32 s5, $0x1;
	s5 =	sadd.s32 s21, s3  }
0xa3: {  	[timem:s7], [sflag:s22] =	dma.local [hbm:s5], s20  }
0xa4: {  	_ =	swait.ge [sflag:s22], s20  }
0xa5: {  	s4 =	ssub.s32 $0x0, s20;
	[sflag:s22] =	ssyncset.done $0x0  }
0xa6: {  	[sflag:s22] =	ssyncadd.s32 s4;
	_ =	sdelay $0x1  }
0xa7: {  	s23 =	simm.s32 $0x1B8B  }
0xa8: {  	_ =	swait.ge [sflag:s23], $0x1  }
0xa9: {  	[sflag:s23] =	ssyncset.done $0x0  }
0xaa: {  	s25 =	simm.s32 $0x1B8E;
	s24 =	sld [smem:$0x3FFE];
	[sflag:s23] =	ssyncadd.s32 $0xFFFFFFFF  }
0xab: {  	s26 =	simm.s32 $execute0_lowered;
	[smem:$0x3FD2] =	sst s25  }
0xac: {  	s5 =	sshll.u32 s26, $0x1;
	_ =	strace $0x80000046;
	[dreg:$0x1] =	wrdreg $0xFFFFFFFF  }
0xad: {  	s28 =	simm.s32 $_size_execute0_lowered;
	s3 =	sadd.s32 s3, s5;
	[dreg:$0x0] =	wrdreg $0x0  }
0xae: {  	s5 =	sshll.u32 s28, $0x1;
	[dreg:$0x2] =	wrdreg s3  }
0xaf: {  	[dreg:$0x3] =	wrdreg s5  }
0xb0: {  	[dreg:$0x4] =	wrdreg $0xC0  }
0xb1: {  	_ =	task [dreg:s7], $0x5FFFF  }
0xb2: {  	[dreg:$0x1] =	wrdreg $0xFFFFFFFF  }
0xb3: {  	[dreg:$0x0] =	wrdreg $0x60  }
0xb4: {  	[dreg:$0x2] =	wrdreg s24  }
0xb5: {  	[dreg:$0x3] =	wrdreg s16  }
0xb6: {  	[dreg:$0x4] =	wrdreg $0xC0000  }
0xb7: {  	[dreg:$0x5] =	wrdreg $0xA  }
0xb8: {  	_ =	task.clear_ibuf [dreg:s7], $0x6FFFF;
	_ =	strace $0x90000046  }
0xb9: {  	s29 =	simm.s32 $0xA;
	_ =	strace $0x80000048  }
0xba: {  	_ =	swait.ge [sflag:s29], $0x1  }
0xbb: {  	[sflag:s29] =	ssyncadd.s32 $0xFFFFFFFF  }
0xbc: {  	_ =	strace $0x90000048  }
0xbd: {  	_ =	sfence  }
0xbe: {  	s30 =	sld [smem:$0x0];
	_ =	sdelay $0x2  }
0xbf: {  	s31 =	sshll.u32 s1, $0xD;
	s1 =	sshrl.u32 s1, $0x2  }
0xc0: {  	s3 =	sand.u32 $0x4000, s31;
	s1 =	sadd.s32 s1, s30  }
0xc1: {  	s0 =	sor.u32 s3, s0;
	s1 =	sshll.u32 s1, $0x11  }
0xc2: {  	s0 =	sor.u32 s1, s0  }
0xc3: {  	s0 =	sadd.s32 $0x8F2B, s0  }
0xc4: {  	[sflag:s0] =	ssyncadd.remote.s32 $0x1  }
0xc5: {  	_ =	sfence.sel $0xFFFF  }
0xc6: {  	[dreg:$0x0] =	wrdreg $0xFFFFFFFF;
	(pc) =	sbr.abs _section_cstart, $3  }
0xc7: {  	[dreg:$0x1] =	wrdreg $0xFFFFFFFF  }
0xc8: {  	_ =	task.clear_ibuf [dreg:s7], $0x2FFFF;
	_ =	strace $0x9FFFFFFF  }
0xc9: {  	(tm) =	ssettm $0x7FFFFFFF  }
tec
execute0_lowered:
.L_overlay_start_1:
0x0: {  	(tag) =	ssettag $0x1  }
0x1: {  	s6 =	rddreg [dreg:$0x0]  }
0x2: {  	s2 =	rddreg [dreg:$0x1]  }
0x3: {  	s3 =	rddreg [dreg:$0x2]  }
0x4: {  	s0 =	rddreg [dreg:$0x3]  }
0x5: {  	s5 =	srdreg.scid;
	s1 =	stileid.u32  }
0x6: {  	s4 =	simm.s32 $0x0;
	s17 =	simm.s32 $0x80;
	s18 =	simm.s32 $0x2000  }
0x7: {  	s19 =	simm.s32 $0x4000;
	s20 =	simm.s32 $0x6000;
	s21 =	simm.s32 $0x8000  }
0x8: {  	s22 =	simm.s32 $0xA000;
	s23 =	simm.s32 $0x1;
	s24 =	simm.s32 $0x2  }
0x9: {  	s25 =	simm.s32 $0x0;
	s7 =	sand.u32 $0x1, s5;
	s8 =	smul.u32 $0x13A00, s1  }
0xa: {  	[smem:$0x7FF] =	sst s4;
	s5 =	sadd.s32 $0x7000, s6;
	s11 =	sadd.s32 $0x38A00, s6  }
0xb: {  	s13 =	sadd.s32 $0x2E200, s6;
	s29 =	sshll.u32 s1, $0x6;
	s30 =	sshll.u32 s1, $0x9  }
0xc: {  	s9 =	smul.u32 $0x13A000, s7;
	_ =	strace $0x80000047;
	s10 =	ssub.s32 $0x2, s7  }
0xd: {  	p0 =	seq.s32 s7, $0x0;
	s7 =	sshll.u32 s1, $0xB;
	s12 =	sshrl.u32 s10, $0x1  }
0xe: {  	s16 =	sadd.s32 s8, s3;
	s17 =	simm.s32 @!p0 $0x20;
	s9 =	sadd.s32 s8, s9  }
0xf: {  	s15 =	ssub.s32 s10, s12;
	s10 =	sor.u32 $0x8000, s30;
	s12 =	sshrl.u32 s17, $0x1  }
0x10: {  	s16 =	sshrl.u32 s16, $0x3;
	s9 =	sshrl.u32 s9, $0x3;
	s10 =	smov.u32 @p0 s7  }
0x11: {  	s7 =	simm.s32 $0x80;
	s15 =	smax.u32 s15, $0x1;
	s14 =	sadd.s32 s9, s6  }
0x12: {  	s6 =	sor.u32 $0x1C03, s29;
	s31 =	sadd.s32 $0x400, s10;
	s8 =	sadd.s32 s11, s10  }
0x13: {  	s10 =	sadd.s32 s13, s10;
	s9 =	sadd.s32 s11, s31;
	s11 =	sadd.s32 s13, s31  }
0x14: {  	s13 =	sadd.s32 $0xFFFFFFFF, s17;
	s14 =	sadd.s32 $0x43200, s14;
	s17 =	simm.s32 $0x3  }
.LBB2_1:
0x15: {  	[spmem:s16], [sflag:s6] =	dma.local [hbm:s2], $0x2740  }
0x16: {  	_ =	swait.ge [sflag:s17], $0x2740  }
0x17: {  	[sflag:s17] =	ssyncset.done $0x0  }
0x18: {  	[sflag:s17] =	ssyncadd.s32 $0xFFFFD8C0  }
0x19: {  	[tilespmem:s4], [sflag:$0x3] =	stream.linear.gather [hbm4b:s8+s4], $0x2000, $0x38;
	[tilespmem:$0x1FA00] =	vst v63  }
0x1a: {  	_ =	swait.ge [sflag:s17], $0x2000  }
0x1b: {  	[sflag:s17] =	ssyncset.done $0x0  }
0x1c: {  	[sflag:s17] =	ssyncadd.s32 $0xFFFFE000  }
0x1d: {  	[tilespmem:s18], [sflag:$0x3] =	stream.linear.gather [hbm4b:s9+s4], $0x2000, $0x38;
	[tilespmem:$0x1FA00] =	vst v63  }
0x1e: {  	_ =	swait.ge [sflag:s17], $0x2000  }
0x1f: {  	[sflag:s17] =	ssyncset.done $0x0  }
0x20: {  	[sflag:s17] =	ssyncadd.s32 $0xFFFFE000  }
0x21: {  	[tilespmem:s19], [sflag:$0x3] =	stream.linear.gather [hbm4b:s10+s4], $0x2000, $0x38;
	[tilespmem:$0x1FA00] =	vst v63  }
0x22: {  	_ =	swait.ge [sflag:s17], $0x2000  }
0x23: {  	[sflag:s17] =	ssyncset.done $0x0  }
0x24: {  	[sflag:s17] =	ssyncadd.s32 $0xFFFFE000  }
0x25: {  	[tilespmem:s20], [sflag:$0x3] =	stream.linear.gather [hbm4b:s11+s4], $0x2000, $0x38;
	[tilespmem:$0x1FA00] =	vst v63  }
0x26: {  	_ =	swait.ge [sflag:s17], $0x2000  }
0x27: {  	[sflag:s17] =	ssyncset.done $0x0  }
0x28: {  	[sflag:s17] =	ssyncadd.s32 $0xFFFFE000  }
0x29: {  	[bflag:$0x0] =	sbarrier.arrive $0xFFFF  }
0x2a: {  	[tilespmem:s21], [sflag:$0x1] =	stream.indirect.gather [hbm4b:s5+s7], $0x40, s4, s7, $0xb8;
	[tilespmem:$0x1FA00] =	vst v63  }
0x2b: {  	_ = 	snop  }
0x2c: {  	[tilespmem:s22], [sflag:$0x2] =	stream.indirect.gather [hbm4b:s5+s7], $0x40, s7, s7, $0xb8;
	[tilespmem:$0x1FA00] =	vst v63  }
0x2d: {  	_ =	swait.ge [sflag:s23], $0x2000  }
0x2e: {  	s26 =	simm.s32 $0x4000;
	[sflag:s23] =	ssyncset.done $0x0  }
0x2f: {  	p0 =	sgt.s32 s13, $0x2;
	s28 =	smov.u32 s13;
	[sflag:s23] =	ssyncadd.s32 $0xFFFFE000  }
0x30: {  	[spmem:s3] =	stream.indirect.scatter.add.f32 [tilespmem:s21], [sflag:$0x3], $0x40, s26, s7, $0xb8;
	[tilespmem:$0x1FA00] =	vst v63  }
0x31: {  	s28 =	smov.u32 @p0 s24;
	_ =	swait.ge [sflag:s17], $0x2000  }
0x32: {  	s29 =	simm.s32 $0x3;
	s31 =	sshll.u32 s28, $0x9;
	[sflag:s17] =	ssyncset.done $0x0  }
0x33: {  	p1 =	sne.s32 s12, $0x1;
	s26 =	sshra.s32 s31, $0x2;
	[sflag:s17] =	ssyncadd.s32 $0xFFFFE000  }
0x34: {  	[tilespmem:s21], [sflag:$0x1] =	stream.indirect.gather [hbm4b:s5+s7], $0x40, s26, s7, $0xb8;
	[tilespmem:$0x1FA00] =	vst v63  }
.Ltmp0:
0x35: {  	s30 =	smov.u32 s13;
	_ =	swait.ge [sflag:s24], $0x2000;
	(pc) =	sbr.rel @!p1 .LBB2_3-.Ltmp0, $4  }
0x36: {  	p0 =	sgt.s32 s13, $0x3;
	s28 =	sadd.s32 $0xFFFFFFFF, s12;
	[sflag:s24] =	ssyncset.done $0x0  }
0x37: {  	s30 =	smov.u32 @p0 s29;
	s26 =	simm.s32 $0x4080;
	[sflag:s24] =	ssyncadd.s32 $0xFFFFE000  }
0x38: {  	[spmem:s3] =	stream.indirect.scatter.add.f32 [tilespmem:s22], [sflag:$0x3], $0x40, s26, s7, $0xb8;
	[tilespmem:$0x1FA00] =	vst v63  }
0x39: {  	s29 =	simm.s32 $0x4;
	s30 =	sshll.u32 s30, $0x9;
	_ =	swait.ge [sflag:s17], $0x2000  }
.LBB2_2:
0x3a: {  	[sflag:s17] =	ssyncset.done $0x0  }
0x3b: {  	s30 =	sshra.s32 s30, $0x2;
	s26 =	sadd.s32 $0x100, s26;
	p0 =	sne.s32 s28, $0x1  }
0x3c: {  	s28 =	sadd.s32 $0xFFFFFFFF, s28;
	p1 =	slt.s32 s29, s13;
	[sflag:s17] =	ssyncadd.s32 $0xFFFFE000  }
0x3d: {  	[tilespmem:s22], [sflag:$0x2] =	stream.indirect.gather [hbm4b:s5+s7], $0x40, s30, s7, $0xb8;
	[tilespmem:$0x1FA00] =	vst v63  }
0x3e: {  	s31 =	smov.u32 s13;
	s30 =	sadd.s32 $0xFFFFFF80, s26;
	_ =	swait.ge [sflag:s23], $0x2000  }
0x3f: {  	s31 =	smov.u32 @p1 s29;
	[sflag:s23] =	ssyncset.done $0x0  }
0x40: {  	s31 =	sshll.u32 s31, $0x9;
	[sflag:s23] =	ssyncadd.s32 $0xFFFFE000  }
0x41: {  	[spmem:s3] =	stream.indirect.scatter.add.f32 [tilespmem:s21], [sflag:$0x3], $0x40, s30, s7, $0xb8;
	[tilespmem:$0x1FA00] =	vst v63  }
0x42: {  	s30 =	sshra.s32 s31, $0x2;
	_ =	swait.ge [sflag:s17], $0x2000  }
0x43: {  	[sflag:s17] =	ssyncset.done $0x0  }
0x44: {  	[sflag:s17] =	ssyncadd.s32 $0xFFFFE000  }
0x45: {  	[tilespmem:s21], [sflag:$0x1] =	stream.indirect.gather [hbm4b:s5+s7], $0x40, s30, s7, $0xb8;
	[tilespmem:$0x1FA00] =	vst v63  }
.Ltmp1:
0x46: {  	s30 =	sadd.s32 $0x1, s29;
	_ =	swait.ge [sflag:s24], $0x2000;
	(pc) =	sbr.rel @p0 .LBB2_2-.Ltmp1, $4  }
0x47: {  	s31 =	smov.u32 s13;
	p1 =	slt.s32 s30, s13;
	[sflag:s24] =	ssyncset.done $0x0  }
0x48: {  	s31 =	smov.u32 @p1 s30;
	[sflag:s24] =	ssyncadd.s32 $0xFFFFE000  }
0x49: {  	[spmem:s3] =	stream.indirect.scatter.add.f32 [tilespmem:s22], [sflag:$0x3], $0x40, s26, s7, $0xb8;
	[tilespmem:$0x1FA00] =	vst v63  }
0x4a: {  	s29 =	sadd.s32 $0x2, s29;
	s30 =	sshll.u32 s31, $0x9;
	_ =	swait.ge [sflag:s17], $0x2000  }
.LBB2_3:
0x4b: {  	[sflag:s17] =	ssyncset.done $0x0  }
0x4c: {  	s26 =	sshra.s32 s30, $0x2;
	[sflag:s17] =	ssyncadd.s32 $0xFFFFE000  }
0x4d: {  	[tilespmem:s22], [sflag:$0x2] =	stream.indirect.gather [hbm4b:s5+s7], $0x40, s26, s7, $0xb8;
	[tilespmem:$0x1FA00] =	vst v63  }
0x4e: {  	_ =	swait.ge [sflag:s23], $0x2000  }
0x4f: {  	[sflag:s23] =	ssyncset.done $0x0  }
0x50: {  	[sflag:s23] =	ssyncadd.s32 $0xFFFFE000  }
0x51: {  	_ =	swait.ge [sflag:s24], $0x2000  }
0x52: {  	s25 =	sadd.s32 $0x1, s25;
	[sflag:s24] =	ssyncset.done $0x0  }
0x53: {  	p0 =	sne.s32 s25, s15;
	[sflag:s24] =	ssyncadd.s32 $0xFFFFE000  }
.Ltmp2:
0x54: {  	[bflag:$0x0] =	sbarrier.arrive $0xFFFF;
	(pc) =	sbr.rel @p0 .LBB2_1-.Ltmp2, $4  }
0x55: {  	[hbm:s14], [sflag:s6] =	dma.local [spmem:s16], $0x2740  }
0x56: {  	_ =	swait.ge [sflag:s17], $0x2740  }
0x57: {  	[sflag:s17] =	ssyncset.done $0x0  }
0x58: {  	[sflag:s17] =	ssyncadd.s32 $0xFFFFD8C0  }
0x59: {  	_ =	sfence.sel $0x180000  }
0x5a: {  	[bflag:$0x0] =	sbarrier.arrive $0xFFFF  }
0x5b: {  	p0 =	sne.s32 s1, $0x0;
	_ =	strace $0x90000047  }
0x5c: {  	s0 =	sadd.s32 @!p0 $0x100000, s0;
	[bflag:$0x2] =	sbarrier.arrive $0xFFFF  }
0x5d: {  	[sflag:s0] =	ssyncadd.tile.s32 @!p0 $0x1;
	_ =	shalt  }
.Lfunc_end2:
_tile_overlayer_lowered:
.L_overlay_start_2:
0x5e: {  	(tag) =	ssettag $0x2  }
0x5f: {  	s0 =	rddreg [dreg:$0x0];
	s2 =	stileid.u32  }
0x60: {  	s1 =	rddreg [dreg:$0x1];
	p0 =	sne.s32 s2, $0x0  }
0x61: {  	s3 =	rddreg [dreg:$0x2];
	[bflag:$0x3] =	sbarrier.arrive $0xFFFF;
	s2 =	simm.s32 @!p0 $0x1C03  }
0x62: {  	[timem:s3], [sflag:s2] =	dma.local @!p0 [hbm:s0], s1  }
0x63: {  	s0 =	simm.s32 @!p0 $0x3  }
0x64: {  	_ =	swait.ge @!p0 [sflag:s0], s1  }
0x65: {  	s1 =	ssub.s32 @!p0 $0x0, s1;
	[sflag:s0] =	ssyncset.done @!p0 $0x0  }
0x66: {  	[sflag:s0] =	ssyncadd.s32 @!p0 s1  }
0x67: {  	[bflag:$0x3] =	sbarrier.arrive $0xFFFF  }
0x68: {  	_ =	shalt  }

// kernel: kernel.19.cloned.1.call-start
scs
__scs_entry_jumppad:
0x0: {  	(pc) =	sbr.rel $0x88, $3  }
0x1: {  	(tag) =	ssettag $0x0;
	lr =	simm.s32 $0x1  }
0x2: {  	[smem:$0x3F89] =	sst lr;
	_ =	strace $0xD0000000  }
0x3: {  	_ = 	snop  }
0x4: {  	_ = 	snop  }
0x5: {  	_ = 	snop  }
0x6: {  	_ = 	snop  }
0x7: {  	_ = 	snop  }
__scs_overlays_trampoline_lowered:
0x8: {  	[smem:$0x3F98] =	sst s0  }
0x9: {  	[smem:$0x3F99] =	sst s1  }
0xa: {  	[smem:$0x3F9A] =	sst s2  }
0xb: {  	[smem:$0x3F9B] =	sst s3  }
0xc: {  	[smem:$0x3F9C] =	sst s4  }
0xd: {  	[smem:$0x3F9D] =	sst s5  }
0xe: {  	[smem:$0x3F9E] =	sst s6  }
0xf: {  	[smem:$0x3F9F] =	sst s7  }
0x10: {  	[smem:$0x3FA0] =	sst s8  }
0x11: {  	[smem:$0x3FA1] =	sst s9;
	s0 =	simm.s32 @!p0 $0x0  }
0x12: {  	s1 =	sld [smem:$0x3F87];
	s0 =	simm.s32 @p0 $0x1  }
0x13: {  	[smem:$0x3FA2] =	sst s0;
	s0 =	simm.s32 @!p1 $0x0  }
0x14: {  	s2 =	sld [smem:$0x3F86];
	s0 =	simm.s32 @p1 $0x1  }
0x15: {  	[smem:$0x3FA3] =	sst s0;
	s0 =	simm.s32 @!p2 $0x0  }
0x16: {  	s3 =	sld [smem:$0x3FDB];
	s0 =	simm.s32 @p2 $0x1  }
0x17: {  	s4 =	simm.s32 $0x1BF5;
	[smem:$0x3FA5] =	sst s0  }
0x18: {  	s0 =	sld [smem:$0x3F88];
	_ =	swait.ge [sflag:s4], $0x0  }
0x19: {  	s7 =	sld [smem:$0x3F89]  }
0x1a: {  	s8 =	sadd.s32 $0xFFFFE003, lr  }
0x1b: {  	s9 =	sadd.s32 $0xFFFFFEF7, lr;
	s5 =	simm.s32 $0xFFFFFFFF;
	p2 =	slt.u32 s8, $0xFFFFF086  }
0x1c: {  	p1 =	slt.u32 s9, $0xF7A;
	s5 =	simm.s32 @!p2 $0x0  }
0x1d: {  	s5 =	simm.s32 @p1 $0x1;
	p0 =	seq.s32 s7, s2  }
0x1e: {  	s7 =	smul.u32 @!p0 $0xF7A, s2;
	p2 =	seq.s32 @!p0 s5, $0x0  }
0x1f: {  	s9 =	smul.u32 $0xF7A, s1;
	s8 =	simm.s32 @!p0 $0x1BF5;
	p2 =	por !p2, p0  }
0x20: {  	[sflag:s8] =	ssyncset.s32 @!p0 $0xFFFFF086;
	s6 =	sadd.s32 @!p0 s3, s7;
	s7 =	simm.s32 @!p0 $0x108  }
0x21: {  	s3 =	sadd.s32 s3, s9;
	s6 =	sadd.s32 @!p0 $0x88, s6;
	s7 =	simm.s32 @p2 $0x1082  }
0x22: {  	[simem:s7], [sflag:s8] =	dma.local @!p0 [hbm:s6], $0xF7A  }
0x23: {  	s9 =	sor.u32 $0xD0000000, s2;
	s6 =	simm.s32 $0x108;
	_ =	swait.ge @!p0 [sflag:s8], $0x0  }
0x24: {  	s3 =	sadd.s32 $0x88, s3;
	s6 =	simm.s32 @!p1 $0x1082;
	[sflag:s4] =	ssyncset.s32 $0xFFFFF086  }
0x25: {  	[simem:s6], [sflag:s4] =	dma.local [hbm:s3], $0xF7A  }
0x26: {  	[smem:$0x3F89] =	sst s1;
	(tag) =	ssettag s2;
	_ =	strace s9  }
0x27: {  	s1 =	sld [smem:$0x3F99]  }
0x28: {  	s2 =	sld [smem:$0x3F9A]  }
0x29: {  	s4 =	sld [smem:$0x3F9C]  }
0x2a: {  	p0 =	seq.s32 s5, $0x0;
	s5 =	sld [smem:$0x3F9D]  }
0x2b: {  	s6 =	sld [smem:$0x3F9E]  }
0x2c: {  	s7 =	sld [smem:$0x3F9F]  }
0x2d: {  	s3 =	simm.s32 $0x108;
	s8 =	sld [smem:$0x3FA0]  }
0x2e: {  	s3 =	simm.s32 @!p0 $0x1082;
	s9 =	sld [smem:$0x3FA1]  }
0x2f: {  	lr =	sadd.s32 s0, s3;
	s0 =	sld [smem:$0x3F98]  }
0x30: {  	s3 =	sld [smem:$0x3F9B]  }
0x31: {  	[smem:$0x3FA4] =	sst s10  }
0x32: {  	s10 =	sld [smem:$0x3FA2];
	_ =	sdelay $0x3  }
0x33: {  	p0 =	seq.s32 s10, $0x1;
	s10 =	sld [smem:$0x3FA4];
	_ =	sdelay $0x3  }
0x34: {  	[smem:$0x3FA4] =	sst s10  }
0x35: {  	s10 =	sld [smem:$0x3FA3];
	_ =	sdelay $0x3  }
0x36: {  	p1 =	seq.s32 s10, $0x1;
	s10 =	sld [smem:$0x3FA4];
	_ =	sdelay $0x3  }
0x37: {  	[smem:$0x3FA4] =	sst s10  }
0x38: {  	s10 =	sld [smem:$0x3FA5]  }
0x39: {  	_ = 	snop;
	(pc) =	sbr.ind lr, $3  }
0x3a: {  	_ = 	snop  }
0x3b: {  	_ = 	snop  }
0x3c: {  	p2 =	seq.s32 s10, $0x1;
	s10 =	sld [smem:$0x3FA4]  }
0x3d: {  	_ =	shalt  }
0x3e: {  	_ =	shalt  }
0x3f: {  	_ =	shalt  }
0x40: {  	_ =	shalt  }
0x41: {  	_ =	shalt  }
0x42: {  	_ =	shalt  }
0x43: {  	_ =	shalt  }
0x44: {  	_ =	shalt  }
0x45: {  	_ =	shalt  }
0x46: {  	_ =	shalt  }
0x47: {  	_ =	shalt  }
0x48: {  	_ =	shalt  }
0x49: {  	_ =	shalt  }
0x4a: {  	_ =	shalt  }
0x4b: {  	_ =	shalt  }
0x4c: {  	_ =	shalt  }
0x4d: {  	_ =	shalt  }
0x4e: {  	_ =	shalt  }
0x4f: {  	_ =	shalt  }
0x50: {  	_ =	shalt  }
0x51: {  	_ =	shalt  }
0x52: {  	_ =	shalt  }
0x53: {  	_ =	shalt  }
0x54: {  	_ =	shalt  }
0x55: {  	_ =	shalt  }
0x56: {  	_ =	shalt  }
0x57: {  	_ =	shalt  }
0x58: {  	_ =	shalt  }
0x59: {  	_ =	shalt  }
0x5a: {  	_ =	shalt  }
0x5b: {  	_ =	shalt  }
0x5c: {  	_ =	shalt  }
0x5d: {  	_ =	shalt  }
0x5e: {  	_ =	shalt  }
0x5f: {  	_ =	shalt  }
0x60: {  	_ =	shalt  }
0x61: {  	_ =	shalt  }
0x62: {  	_ =	shalt  }
0x63: {  	_ =	shalt  }
0x64: {  	_ =	shalt  }
0x65: {  	_ =	shalt  }
0x66: {  	_ =	shalt  }
0x67: {  	_ =	shalt  }
0x68: {  	_ =	shalt  }
0x69: {  	_ =	shalt  }
0x6a: {  	_ =	shalt  }
0x6b: {  	_ =	shalt  }
0x6c: {  	_ =	shalt  }
0x6d: {  	_ =	shalt  }
0x6e: {  	_ =	shalt  }
0x6f: {  	_ =	shalt  }
0x70: {  	_ =	shalt  }
0x71: {  	_ =	shalt  }
0x72: {  	_ =	shalt  }
0x73: {  	_ =	shalt  }
0x74: {  	_ =	shalt  }
0x75: {  	_ =	shalt  }
0x76: {  	_ =	shalt  }
0x77: {  	_ =	shalt  }
0x78: {  	_ =	shalt  }
0x79: {  	_ =	shalt  }
0x7a: {  	_ =	shalt  }
0x7b: {  	_ =	shalt  }
0x7c: {  	_ =	shalt  }
0x7d: {  	_ =	shalt  }
0x7e: {  	_ =	shalt  }
0x7f: {  	_ =	shalt  }
0x80: {  	_ =	shalt  }
0x81: {  	_ =	shalt  }
0x82: {  	_ =	shalt  }
0x83: {  	_ =	shalt  }
0x84: {  	_ =	shalt  }
0x85: {  	_ =	shalt  }
0x86: {  	_ =	shalt  }
0x87: {  	_ =	shalt  }
.Lfunc_end0:
.L_simem_size_0:
called_computation.2_lowered:
.L_overlay_start_0:
0x88: {  	s2 =	sld [smem:$0x3FD9]  }
0x89: {  	s3 =	sld [smem:$0x3FFE];
	_ =	sdelay $0x1  }
0x8a: {  	s1 =	srdreg.scid  }
0x8b: {  	s0 =	sand.u32 $0x1, s1  }
0x8c: {  	s14 =	sshll.u32 s0, $0xA;
	s2 =	sadd.s32 s3, s2  }
0x8d: {  	s2 =	sadd.s32 s2, s14  }
0x8e: {  	[smem:$0x3FB0] =	sst s2  }
0x8f: {  	_ = 	snop  }
0x90: {  	s2 =	sld [smem:$0x3FD0];
	_ =	sdelay $0x2  }
0x91: {  	s15 =	simm.s32 $0xB;
	s4 =	simm.s32 $0x10  }
0x92: {  	[smem:s4], [sflag:s15] =	dma.local [hbm:s2], $0x1  }
0x93: {  	_ =	swait.eq [sflag:s15], $0x1  }
0x94: {  	[sflag:s15] =	ssyncset.done $0x0  }
0x95: {  	[sflag:s15] =	ssyncadd.s32 $0xFFFFFFFF  }
0x96: {  	s16 =	sld [smem:$0x10];
	(tm) =	ssettm $0x1  }
0x97: {  	s17 =	sld [smem:$0x3FFB];
	_ =	sdelay $0x3  }
0x98: {  	_ =	strace s17  }
0x99: {  	s3 =	sld [smem:$0x3FFC];
	_ =	sdelay $0x3  }
0x9a: {  	_ =	strace s3  }
0x9b: {  	s3 =	sld [smem:$0x3FFD];
	_ =	sdelay $0x3  }
0x9c: {  	_ =	strace s3  }
0x9d: {  	_ =	strace $0x8FFFFFFF  }
0x9e: {  	s18 =	sld [smem:$0x3FDB];
	_ =	sdelay $0x1  }
0x9f: {  	s19 =	simm.s32 $_scs_section_size  }
0xa0: {  	s5 =	simm.s32 $_size__tile_overlayer_lowered;
	s6 =	simm.s32 $_tile_overlayer_lowered  }
0xa1: {  	s22 =	simm.s32 $0x1BFF;
	s21 =	sshll.u32 s6, $0x1;
	s3 =	sadd.s32 s19, s18  }
0xa2: {  	s7 =	simm.s32 $0x0;
	s20 =	sshll.u32 s5, $0x1;
	s5 =	sadd.s32 s21, s3  }
0xa3: {  	[timem:s7], [sflag:s22] =	dma.local [hbm:s5], s20  }
0xa4: {  	_ =	swait.ge [sflag:s22], s20  }
0xa5: {  	s4 =	ssub.s32 $0x0, s20;
	[sflag:s22] =	ssyncset.done $0x0  }
0xa6: {  	[sflag:s22] =	ssyncadd.s32 s4;
	_ =	sdelay $0x1  }
0xa7: {  	s23 =	simm.s32 $0x1B8B  }
0xa8: {  	_ =	swait.ge [sflag:s23], $0x1  }
0xa9: {  	[sflag:s23] =	ssyncset.done $0x0  }
0xaa: {  	s25 =	simm.s32 $0x1B8E;
	s24 =	sld [smem:$0x3FFE];
	[sflag:s23] =	ssyncadd.s32 $0xFFFFFFFF  }
0xab: {  	s26 =	simm.s32 $execute0_lowered;
	[smem:$0x3FD2] =	sst s25  }
0xac: {  	s5 =	sshll.u32 s26, $0x1;
	_ =	strace $0x8000004C;
	[dreg:$0x1] =	wrdreg $0xFFFFFFFF  }
0xad: {  	s28 =	simm.s32 $_size_execute0_lowered;
	s3 =	sadd.s32 s3, s5;
	[dreg:$0x0] =	wrdreg $0x0  }
0xae: {  	s5 =	sshll.u32 s28, $0x1;
	[dreg:$0x2] =	wrdreg s3  }
0xaf: {  	[dreg:$0x3] =	wrdreg s5  }
0xb0: {  	[dreg:$0x4] =	wrdreg $0xC0  }
0xb1: {  	_ =	task [dreg:s7], $0x5FFFF  }
0xb2: {  	[dreg:$0x1] =	wrdreg $0xFFFFFFFF  }
0xb3: {  	[dreg:$0x0] =	wrdreg $0x60  }
0xb4: {  	[dreg:$0x2] =	wrdreg s24  }
0xb5: {  	[dreg:$0x3] =	wrdreg s16  }
0xb6: {  	[dreg:$0x4] =	wrdreg $0xC8000  }
0xb7: {  	[dreg:$0x5] =	wrdreg $0xA  }
0xb8: {  	_ =	task.clear_ibuf [dreg:s7], $0x6FFFF;
	_ =	strace $0x9000004C  }
0xb9: {  	s29 =	simm.s32 $0xA;
	_ =	strace $0x8000004E  }
0xba: {  	_ =	swait.ge [sflag:s29], $0x1  }
0xbb: {  	[sflag:s29] =	ssyncadd.s32 $0xFFFFFFFF  }
0xbc: {  	_ =	strace $0x9000004E  }
0xbd: {  	_ =	sfence  }
0xbe: {  	s30 =	sld [smem:$0x0];
	_ =	sdelay $0x2  }
0xbf: {  	s31 =	sshll.u32 s1, $0xD;
	s1 =	sshrl.u32 s1, $0x2  }
0xc0: {  	s3 =	sand.u32 $0x4000, s31;
	s1 =	sadd.s32 s1, s30  }
0xc1: {  	s0 =	sor.u32 s3, s0;
	s1 =	sshll.u32 s1, $0x11  }
0xc2: {  	s0 =	sor.u32 s1, s0  }
0xc3: {  	s0 =	sadd.s32 $0x8F2B, s0  }
0xc4: {  	[sflag:s0] =	ssyncadd.remote.s32 $0x1  }
0xc5: {  	_ =	sfence.sel $0xFFFF  }
0xc6: {  	[dreg:$0x0] =	wrdreg $0xFFFFFFFF;
	(pc) =	sbr.abs _section_cstart, $3  }
0xc7: {  	[dreg:$0x1] =	wrdreg $0xFFFFFFFF  }
0xc8: {  	_ =	task.clear_ibuf [dreg:s7], $0x2FFFF;
	_ =	strace $0x9FFFFFFF  }
0xc9: {  	(tm) =	ssettm $0x7FFFFFFF  }
tec
execute0_lowered:
.L_overlay_start_1:
0x0: {  	(tag) =	ssettag $0x1  }
0x1: {  	s6 =	rddreg [dreg:$0x0]  }
0x2: {  	s2 =	rddreg [dreg:$0x1]  }
0x3: {  	s3 =	rddreg [dreg:$0x2];
	s5 =	srdreg.scid  }
0x4: {  	s1 =	stileid.u32;
	s4 =	simm.s32 $0x0;
	s17 =	simm.s32 $0x2200  }
0x5: {  	s18 =	simm.s32 $0x4400;
	s19 =	simm.s32 $0x6600;
	s20 =	simm.s32 $0x80  }
0x6: {  	s21 =	simm.s32 $0x8800;
	s22 =	simm.s32 $0xA800;
	s23 =	simm.s32 $0x1  }
0x7: {  	s24 =	simm.s32 $0x2;
	s25 =	simm.s32 $0x0;
	s8 =	smul.u32 $0x9E00, s1  }
0x8: {  	s7 =	sand.u32 $0x1, s5;
	[smem:$0x7FF] =	sst s4;
	s12 =	smul.u32 $0x18, s1  }
0x9: {  	s5 =	sadd.s32 $0x91400, s6;
	s10 =	sadd.s32 $0xAFE00, s6;
	s14 =	smul.u32 $0x88, s1  }
0xa: {  	s11 =	sadd.s32 $0xA5600, s6;
	s30 =	sshll.u32 s1, $0x6;
	s9 =	smul.u32 $0x9E000, s7  }
0xb: {  	_ =	strace $0x8000004D;
	s13 =	ssub.s32 $0x2, s7;
	p0 =	seq.s32 s7, $0x0  }
0xc: {  	s15 =	sshrl.u32 s13, $0x1;
	s7 =	sadd.s32 $0x880, s12;
	s29 =	sadd.s32 s8, s3  }
0xd: {  	s9 =	sadd.s32 s8, s9;
	s13 =	ssub.s32 s13, s15;
	s7 =	smov.u32 @p0 s14  }
0xe: {  	s14 =	simm.s32 $0x88;
	s15 =	sshrl.u32 s29, $0x3;
	s9 =	sshrl.u32 s9, $0x3  }
0xf: {  	s31 =	sshll.u32 s7, $0x4;
	s14 =	simm.s32 @!p0 $0x18;
	s13 =	smax.u32 s13, $0x1  }
0x10: {  	s28 =	sadd.s32 s9, s6;
	s6 =	sor.u32 $0x1C03, s30;
	s16 =	sadd.s32 $0x440, s31  }
0x11: {  	s7 =	sadd.s32 s10, s31;
	s9 =	sadd.s32 s11, s31;
	s8 =	sadd.s32 s10, s16  }
0x12: {  	s10 =	sadd.s32 s11, s16;
	s11 =	sadd.s32 $0xFFFFFFFF, s14;
	s14 =	sshll.u32 s14, $0x9  }
0x13: {  	s12 =	sadd.s32 $0xE1800, s28;
	s16 =	simm.s32 $0x3;
	s14 =	sadd.s32 $0xFFFFF800, s14  }
.LBB2_1:
0x14: {  	[spmem:s15], [sflag:s6] =	dma.local [hbm:s2], $0x13C0  }
0x15: {  	_ =	swait.ge [sflag:s16], $0x13C0  }
0x16: {  	[sflag:s16] =	ssyncset.done $0x0  }
0x17: {  	[sflag:s16] =	ssyncadd.s32 $0xFFFFEC40  }
0x18: {  	[tilespmem:s4], [sflag:$0x3] =	stream.linear.gather [hbm4b:s7+s4], $0x2200, $0x38;
	[tilespmem:$0x16600] =	vst v63  }
0x19: {  	_ =	swait.ge [sflag:s16], $0x2200  }
0x1a: {  	[sflag:s16] =	ssyncset.done $0x0  }
0x1b: {  	[sflag:s16] =	ssyncadd.s32 $0xFFFFDE00  }
0x1c: {  	[tilespmem:s17], [sflag:$0x3] =	stream.linear.gather [hbm4b:s8+s4], $0x2200, $0x38;
	[tilespmem:$0x16600] =	vst v63  }
0x1d: {  	_ =	swait.ge [sflag:s16], $0x2200  }
0x1e: {  	[sflag:s16] =	ssyncset.done $0x0  }
0x1f: {  	[sflag:s16] =	ssyncadd.s32 $0xFFFFDE00  }
0x20: {  	[tilespmem:s18], [sflag:$0x3] =	stream.linear.gather [hbm4b:s9+s4], $0x2200, $0x38;
	[tilespmem:$0x16600] =	vst v63  }
0x21: {  	_ =	swait.ge [sflag:s16], $0x2200  }
0x22: {  	[sflag:s16] =	ssyncset.done $0x0  }
0x23: {  	[sflag:s16] =	ssyncadd.s32 $0xFFFFDE00  }
0x24: {  	[tilespmem:s19], [sflag:$0x3] =	stream.linear.gather [hbm4b:s10+s4], $0x2200, $0x38;
	[tilespmem:$0x16600] =	vst v63  }
0x25: {  	_ =	swait.ge [sflag:s16], $0x2200  }
0x26: {  	[sflag:s16] =	ssyncset.done $0x0  }
0x27: {  	[sflag:s16] =	ssyncadd.s32 $0xFFFFDE00  }
0x28: {  	[bflag:$0x0] =	sbarrier.arrive $0xFFFF  }
0x29: {  	[tilespmem:s21], [sflag:$0x1] =	stream.indirect.gather [hbm4b:s5+s20], $0x40, s4, s20, $0xb8;
	[tilespmem:$0x16600] =	vst v63  }
0x2a: {  	_ = 	snop  }
0x2b: {  	[tilespmem:s22], [sflag:$0x2] =	stream.indirect.gather [hbm4b:s5+s20], $0x40, s20, s20, $0xb8;
	[tilespmem:$0x16600] =	vst v63  }
0x2c: {  	_ =	swait.ge [sflag:s23], $0x2000  }
0x2d: {  	[sflag:s23] =	ssyncset.done $0x0  }
0x2e: {  	s26 =	simm.s32 $0x4400;
	[sflag:s23] =	ssyncadd.s32 $0xFFFFE000  }
0x2f: {  	[spmem:s3] =	stream.indirect.scatter.add.f32 [tilespmem:s21], [sflag:$0x3], $0x40, s26, s20, $0xb8;
	[tilespmem:$0x16600] =	vst v63  }
0x30: {  	p0 =	sgt.s32 s11, $0x2;
	s28 =	smov.u32 s11;
	s26 =	simm.s32 $0x2  }
0x31: {  	_ =	swait.ge [sflag:s16], $0x2000;
	s28 =	smov.u32 @p0 s26  }
0x32: {  	[sflag:s16] =	ssyncset.done $0x0;
	s26 =	sshll.u32 s28, $0x9  }
0x33: {  	s29 =	simm.s32 $0x400;
	[sflag:s16] =	ssyncadd.s32 $0xFFFFE000;
	s26 =	sshra.s32 s26, $0x2  }
0x34: {  	[tilespmem:s21], [sflag:$0x1] =	stream.indirect.gather [hbm4b:s5+s20], $0x40, s26, s20, $0xb8;
	[tilespmem:$0x16600] =	vst v63  }
0x35: {  	s31 =	simm.s32 $0x4480;
	p1 =	sne.s32 s14, $0x400;
	_ =	swait.ge [sflag:s24], $0x2000  }
.Ltmp0:
0x36: {  	s30 =	simm.s32 $0x3;
	[sflag:s24] =	ssyncset.done $0x0;
	(pc) =	sbr.rel @!p1 .LBB2_3-.Ltmp0, $4  }
0x37: {  	p0 =	sgt.s32 s11, $0x3;
	s26 =	smov.u32 s11;
	[sflag:s24] =	ssyncadd.s32 $0xFFFFE000  }
0x38: {  	[spmem:s3] =	stream.indirect.scatter.add.f32 [tilespmem:s22], [sflag:$0x3], $0x40, s31, s20, $0xb8;
	[tilespmem:$0x16600] =	vst v63  }
0x39: {  	s28 =	simm.s32 $0x5;
	s26 =	smov.u32 @p0 s30;
	_ =	swait.ge [sflag:s16], $0x2000  }
0x3a: {  	s30 =	sshll.u32 s26, $0x9;
	s26 =	simm.s32 $0x7;
	[sflag:s16] =	ssyncset.done $0x0  }
.LBB2_2:
0x3b: {  	s28 =	smov.u32 s26;
	s30 =	sshra.s32 s30, $0x2  }
0x3c: {  	s31 =	smov.u32 s29;
	s29 =	sadd.s32 $0x400, s29;
	[sflag:s16] =	ssyncadd.s32 $0xFFFFE000  }
0x3d: {  	[tilespmem:s22], [sflag:$0x2] =	stream.indirect.gather [hbm4b:s5+s20], $0x40, s30, s20, $0xb8;
	[tilespmem:$0x16600] =	vst v63  }
0x3e: {  	p0 =	sne.s32 s14, s29;
	_ =	swait.ge [sflag:s23], $0x2000  }
0x3f: {  	s30 =	sshra.s32 s31, $0x2;
	[sflag:s23] =	ssyncset.done $0x0  }
0x40: {  	s0 =	sadd.s32 $0xFFFFFFFD, s26;
	s31 =	sadd.s32 $0x4400, s30;
	[sflag:s23] =	ssyncadd.s32 $0xFFFFE000  }
0x41: {  	[spmem:s3] =	stream.indirect.scatter.add.f32 [tilespmem:s21], [sflag:$0x3], $0x40, s31, s20, $0xb8;
	[tilespmem:$0x16600] =	vst v63  }
0x42: {  	p1 =	slt.s32 s0, s11;
	s31 =	smov.u32 s11;
	_ =	swait.ge [sflag:s16], $0x2000  }
0x43: {  	s31 =	smov.u32 @p1 s0;
	[sflag:s16] =	ssyncset.done $0x0  }
0x44: {  	s0 =	sshll.u32 s31, $0x9;
	[sflag:s16] =	ssyncadd.s32 $0xFFFFE000  }
0x45: {  	s0 =	sshra.s32 s0, $0x2  }
0x46: {  	[tilespmem:s21], [sflag:$0x1] =	stream.indirect.gather [hbm4b:s5+s20], $0x40, s0, s20, $0xb8;
	[tilespmem:$0x16600] =	vst v63  }
0x47: {  	_ =	swait.ge [sflag:s24], $0x2000  }
0x48: {  	s0 =	sadd.s32 $0x4480, s30;
	s30 =	sadd.s32 $0xFFFFFFFE, s26;
	[sflag:s24] =	ssyncset.done $0x0  }
.Ltmp1:
0x49: {  	p1 =	slt.s32 s30, s11;
	[sflag:s24] =	ssyncadd.s32 $0xFFFFE000;
	(pc) =	sbr.rel @p0 .LBB2_2-.Ltmp1, $4  }
0x4a: {  	[spmem:s3] =	stream.indirect.scatter.add.f32 [tilespmem:s22], [sflag:$0x3], $0x40, s0, s20, $0xb8;
	[tilespmem:$0x16600] =	vst v63  }
0x4b: {  	s0 =	smov.u32 s11  }
0x4c: {  	_ =	swait.ge [sflag:s16], $0x2000;
	s0 =	smov.u32 @p1 s30  }
0x4d: {  	s26 =	sadd.s32 $0x2, s26;
	[sflag:s16] =	ssyncset.done $0x0;
	s30 =	sshll.u32 s0, $0x9  }
.LBB2_3:
0x4e: {  	[sflag:s16] =	ssyncadd.s32 $0xFFFFE000;
	s0 =	sshra.s32 s30, $0x2  }
0x4f: {  	[tilespmem:s22], [sflag:$0x2] =	stream.indirect.gather [hbm4b:s5+s20], $0x40, s0, s20, $0xb8;
	[tilespmem:$0x16600] =	vst v63  }
0x50: {  	_ =	swait.ge [sflag:s23], $0x2000  }
0x51: {  	s0 =	sshra.s32 s29, $0x2;
	[sflag:s23] =	ssyncset.done $0x0  }
0x52: {  	s29 =	sadd.s32 $0x4400, s0;
	[sflag:s23] =	ssyncadd.s32 $0xFFFFE000  }
0x53: {  	[spmem:s3] =	stream.indirect.scatter.add.f32 [tilespmem:s21], [sflag:$0x3], $0x40, s29, s20, $0xb8;
	[tilespmem:$0x16600] =	vst v63  }
0x54: {  	s29 =	sadd.s32 $0xFFFFFFFD, s26  }
0x55: {  	s30 =	smov.u32 s11;
	p0 =	slt.s32 s29, s11  }
0x56: {  	_ =	swait.ge [sflag:s16], $0x2000;
	s30 =	smov.u32 @p0 s29  }
0x57: {  	[sflag:s16] =	ssyncset.done $0x0;
	s29 =	sshll.u32 s30, $0x9  }
0x58: {  	[sflag:s16] =	ssyncadd.s32 $0xFFFFE000;
	s29 =	sshra.s32 s29, $0x2  }
0x59: {  	[tilespmem:s21], [sflag:$0x1] =	stream.indirect.gather [hbm4b:s5+s20], $0x40, s29, s20, $0xb8;
	[tilespmem:$0x16600] =	vst v63  }
0x5a: {  	_ =	swait.ge [sflag:s24], $0x2000  }
0x5b: {  	p0 =	slt.s32 s28, s11;
	[sflag:s24] =	ssyncset.done $0x0  }
0x5c: {  	s30 =	sadd.s32 $0x4480, s0;
	s29 =	smov.u32 s11;
	[sflag:s24] =	ssyncadd.s32 $0xFFFFE000  }
0x5d: {  	[spmem:s3] =	stream.indirect.scatter.add.f32 [tilespmem:s22], [sflag:$0x3], $0x40, s30, s20, $0xb8;
	[tilespmem:$0x16600] =	vst v63  }
0x5e: {  	s29 =	smov.u32 @p0 s28;
	_ =	swait.ge [sflag:s16], $0x2000  }
0x5f: {  	s28 =	sshll.u32 s29, $0x9;
	[sflag:s16] =	ssyncset.done $0x0  }
0x60: {  	s28 =	sshra.s32 s28, $0x2;
	[sflag:s16] =	ssyncadd.s32 $0xFFFFE000  }
0x61: {  	[tilespmem:s22], [sflag:$0x2] =	stream.indirect.gather [hbm4b:s5+s20], $0x40, s28, s20, $0xb8;
	[tilespmem:$0x16600] =	vst v63  }
0x62: {  	_ =	swait.ge [sflag:s23], $0x2000  }
0x63: {  	s31 =	sadd.s32 $0x4500, s0;
	s28 =	sadd.s32 $0xFFFFFFFF, s26;
	[sflag:s23] =	ssyncset.done $0x0  }
0x64: {  	s29 =	smov.u32 s11;
	p0 =	slt.s32 s28, s11;
	[sflag:s23] =	ssyncadd.s32 $0xFFFFE000  }
0x65: {  	[spmem:s3] =	stream.indirect.scatter.add.f32 [tilespmem:s21], [sflag:$0x3], $0x40, s31, s20, $0xb8;
	[tilespmem:$0x16600] =	vst v63  }
0x66: {  	s29 =	smov.u32 @p0 s28;
	_ =	swait.ge [sflag:s16], $0x2000  }
0x67: {  	s28 =	sshll.u32 s29, $0x7;
	[sflag:s16] =	ssyncset.done $0x0  }
0x68: {  	s28 =	sand.u32 $0x3FFFFF80, s28;
	[sflag:s16] =	ssyncadd.s32 $0xFFFFE000  }
0x69: {  	[tilespmem:s21], [sflag:$0x1] =	stream.indirect.gather [hbm4b:s5+s20], $0x40, s28, s20, $0xb8;
	[tilespmem:$0x16600] =	vst v63  }
0x6a: {  	_ =	swait.ge [sflag:s24], $0x2000  }
0x6b: {  	[sflag:s24] =	ssyncset.done $0x0  }
0x6c: {  	s0 =	sadd.s32 $0x4580, s0;
	[sflag:s24] =	ssyncadd.s32 $0xFFFFE000  }
0x6d: {  	[spmem:s3] =	stream.indirect.scatter.add.f32 [tilespmem:s22], [sflag:$0x3], $0x40, s0, s20, $0xb8;
	[tilespmem:$0x16600] =	vst v63  }
0x6e: {  	p0 =	slt.s32 s26, s11;
	s0 =	smov.u32 s11  }
0x6f: {  	_ =	swait.ge [sflag:s16], $0x2000;
	s0 =	smov.u32 @p0 s26  }
0x70: {  	[sflag:s16] =	ssyncset.done $0x0;
	s0 =	sshll.u32 s0, $0x7  }
0x71: {  	[sflag:s16] =	ssyncadd.s32 $0xFFFFE000;
	s0 =	sand.u32 $0x3FFFFF80, s0  }
0x72: {  	[tilespmem:s22], [sflag:$0x2] =	stream.indirect.gather [hbm4b:s5+s20], $0x40, s0, s20, $0xb8;
	[tilespmem:$0x16600] =	vst v63  }
0x73: {  	_ =	swait.ge [sflag:s23], $0x2000  }
0x74: {  	[sflag:s23] =	ssyncset.done $0x0  }
0x75: {  	[sflag:s23] =	ssyncadd.s32 $0xFFFFE000  }
0x76: {  	_ =	swait.ge [sflag:s24], $0x2000  }
0x77: {  	s25 =	sadd.s32 $0x1, s25;
	[sflag:s24] =	ssyncset.done $0x0  }
0x78: {  	p0 =	sne.s32 s25, s13;
	[sflag:s24] =	ssyncadd.s32 $0xFFFFE000  }
.Ltmp2:
0x79: {  	[bflag:$0x0] =	sbarrier.arrive $0xFFFF;
	(pc) =	sbr.rel @p0 .LBB2_1-.Ltmp2, $4  }
0x7a: {  	[hbm:s12], [sflag:s6] =	dma.local [spmem:s15], $0x13C0  }
0x7b: {  	_ =	swait.ge [sflag:s16], $0x13C0  }
0x7c: {  	[sflag:s16] =	ssyncset.done $0x0  }
0x7d: {  	[sflag:s16] =	ssyncadd.s32 $0xFFFFEC40  }
0x7e: {  	_ =	sfence.sel $0x180000  }
0x7f: {  	[bflag:$0x0] =	sbarrier.arrive $0xFFFF  }
0x80: {  	_ =	strace $0x9000004D  }
0x81: {  	[bflag:$0x2] =	sbarrier.arrive $0xFFFF  }
0x82: {  	p0 =	sne.s32 s1, $0x0;
	s0 =	rddreg [dreg:$0x3]  }
0x83: {  	s0 =	sadd.s32 @!p0 $0x100000, s0  }
0x84: {  	[sflag:s0] =	ssyncadd.tile.s32 @!p0 $0x1;
	_ =	shalt  }
.Lfunc_end2:
_tile_overlayer_lowered:
.L_overlay_start_2:
0x85: {  	(tag) =	ssettag $0x2  }
0x86: {  	s0 =	rddreg [dreg:$0x0];
	s2 =	stileid.u32  }
0x87: {  	s1 =	rddreg [dreg:$0x1];
	p0 =	sne.s32 s2, $0x0  }
0x88: {  	s3 =	rddreg [dreg:$0x2];
	[bflag:$0x3] =	sbarrier.arrive $0xFFFF;
	s2 =	simm.s32 @!p0 $0x1C03  }
0x89: {  	[timem:s3], [sflag:s2] =	dma.local @!p0 [hbm:s0], s1  }
0x8a: {  	s0 =	simm.s32 @!p0 $0x3  }
0x8b: {  	_ =	swait.ge @!p0 [sflag:s0], s1  }
0x8c: {  	s1 =	ssub.s32 @!p0 $0x0, s1;
	[sflag:s0] =	ssyncset.done @!p0 $0x0  }
0x8d: {  	[sflag:s0] =	ssyncadd.s32 @!p0 s1  }
0x8e: {  	[bflag:$0x3] =	sbarrier.arrive $0xFFFF  }
0x8f: {  	_ =	shalt  }

// kernel: kernel.22.cloned.1.call-start
scs
__scs_entry_jumppad:
0x0: {  	(pc) =	sbr.rel $0x88, $3  }
0x1: {  	(tag) =	ssettag $0x0;
	lr =	simm.s32 $0x1  }
0x2: {  	[smem:$0x3F89] =	sst lr;
	_ =	strace $0xD0000000  }
0x3: {  	_ = 	snop  }
0x4: {  	_ = 	snop  }
0x5: {  	_ = 	snop  }
0x6: {  	_ = 	snop  }
0x7: {  	_ = 	snop  }
__scs_overlays_trampoline_lowered:
0x8: {  	[smem:$0x3F98] =	sst s0  }
0x9: {  	[smem:$0x3F99] =	sst s1  }
0xa: {  	[smem:$0x3F9A] =	sst s2  }
0xb: {  	[smem:$0x3F9B] =	sst s3  }
0xc: {  	[smem:$0x3F9C] =	sst s4  }
0xd: {  	[smem:$0x3F9D] =	sst s5  }
0xe: {  	[smem:$0x3F9E] =	sst s6  }
0xf: {  	[smem:$0x3F9F] =	sst s7  }
0x10: {  	[smem:$0x3FA0] =	sst s8  }
0x11: {  	[smem:$0x3FA1] =	sst s9;
	s0 =	simm.s32 @!p0 $0x0  }
0x12: {  	s1 =	sld [smem:$0x3F87];
	s0 =	simm.s32 @p0 $0x1  }
0x13: {  	[smem:$0x3FA2] =	sst s0;
	s0 =	simm.s32 @!p1 $0x0  }
0x14: {  	s2 =	sld [smem:$0x3F86];
	s0 =	simm.s32 @p1 $0x1  }
0x15: {  	[smem:$0x3FA3] =	sst s0;
	s0 =	simm.s32 @!p2 $0x0  }
0x16: {  	s3 =	sld [smem:$0x3FDB];
	s0 =	simm.s32 @p2 $0x1  }
0x17: {  	s4 =	simm.s32 $0x1BF5;
	[smem:$0x3FA5] =	sst s0  }
0x18: {  	s0 =	sld [smem:$0x3F88];
	_ =	swait.ge [sflag:s4], $0x0  }
0x19: {  	s7 =	sld [smem:$0x3F89]  }
0x1a: {  	s8 =	sadd.s32 $0xFFFFE003, lr  }
0x1b: {  	s9 =	sadd.s32 $0xFFFFFEF7, lr;
	s5 =	simm.s32 $0xFFFFFFFF;
	p2 =	slt.u32 s8, $0xFFFFF086  }
0x1c: {  	p1 =	slt.u32 s9, $0xF7A;
	s5 =	simm.s32 @!p2 $0x0  }
0x1d: {  	s5 =	simm.s32 @p1 $0x1;
	p0 =	seq.s32 s7, s2  }
0x1e: {  	s7 =	smul.u32 @!p0 $0xF7A, s2;
	p2 =	seq.s32 @!p0 s5, $0x0  }
0x1f: {  	s9 =	smul.u32 $0xF7A, s1;
	s8 =	simm.s32 @!p0 $0x1BF5;
	p2 =	por !p2, p0  }
0x20: {  	[sflag:s8] =	ssyncset.s32 @!p0 $0xFFFFF086;
	s6 =	sadd.s32 @!p0 s3, s7;
	s7 =	simm.s32 @!p0 $0x108  }
0x21: {  	s3 =	sadd.s32 s3, s9;
	s6 =	sadd.s32 @!p0 $0x88, s6;
	s7 =	simm.s32 @p2 $0x1082  }
0x22: {  	[simem:s7], [sflag:s8] =	dma.local @!p0 [hbm:s6], $0xF7A  }
0x23: {  	s9 =	sor.u32 $0xD0000000, s2;
	s6 =	simm.s32 $0x108;
	_ =	swait.ge @!p0 [sflag:s8], $0x0  }
0x24: {  	s3 =	sadd.s32 $0x88, s3;
	s6 =	simm.s32 @!p1 $0x1082;
	[sflag:s4] =	ssyncset.s32 $0xFFFFF086  }
0x25: {  	[simem:s6], [sflag:s4] =	dma.local [hbm:s3], $0xF7A  }
0x26: {  	[smem:$0x3F89] =	sst s1;
	(tag) =	ssettag s2;
	_ =	strace s9  }
0x27: {  	s1 =	sld [smem:$0x3F99]  }
0x28: {  	s2 =	sld [smem:$0x3F9A]  }
0x29: {  	s4 =	sld [smem:$0x3F9C]  }
0x2a: {  	p0 =	seq.s32 s5, $0x0;
	s5 =	sld [smem:$0x3F9D]  }
0x2b: {  	s6 =	sld [smem:$0x3F9E]  }
0x2c: {  	s7 =	sld [smem:$0x3F9F]  }
0x2d: {  	s3 =	simm.s32 $0x108;
	s8 =	sld [smem:$0x3FA0]  }
0x2e: {  	s3 =	simm.s32 @!p0 $0x1082;
	s9 =	sld [smem:$0x3FA1]  }
0x2f: {  	lr =	sadd.s32 s0, s3;
	s0 =	sld [smem:$0x3F98]  }
0x30: {  	s3 =	sld [smem:$0x3F9B]  }
0x31: {  	[smem:$0x3FA4] =	sst s10  }
0x32: {  	s10 =	sld [smem:$0x3FA2];
	_ =	sdelay $0x3  }
0x33: {  	p0 =	seq.s32 s10, $0x1;
	s10 =	sld [smem:$0x3FA4];
	_ =	sdelay $0x3  }
0x34: {  	[smem:$0x3FA4] =	sst s10  }
0x35: {  	s10 =	sld [smem:$0x3FA3];
	_ =	sdelay $0x3  }
0x36: {  	p1 =	seq.s32 s10, $0x1;
	s10 =	sld [smem:$0x3FA4];
	_ =	sdelay $0x3  }
0x37: {  	[smem:$0x3FA4] =	sst s10  }
0x38: {  	s10 =	sld [smem:$0x3FA5]  }
0x39: {  	_ = 	snop;
	(pc) =	sbr.ind lr, $3  }
0x3a: {  	_ = 	snop  }
0x3b: {  	_ = 	snop  }
0x3c: {  	p2 =	seq.s32 s10, $0x1;
	s10 =	sld [smem:$0x3FA4]  }
0x3d: {  	_ =	shalt  }
0x3e: {  	_ =	shalt  }
0x3f: {  	_ =	shalt  }
0x40: {  	_ =	shalt  }
0x41: {  	_ =	shalt  }
0x42: {  	_ =	shalt  }
0x43: {  	_ =	shalt  }
0x44: {  	_ =	shalt  }
0x45: {  	_ =	shalt  }
0x46: {  	_ =	shalt  }
0x47: {  	_ =	shalt  }
0x48: {  	_ =	shalt  }
0x49: {  	_ =	shalt  }
0x4a: {  	_ =	shalt  }
0x4b: {  	_ =	shalt  }
0x4c: {  	_ =	shalt  }
0x4d: {  	_ =	shalt  }
0x4e: {  	_ =	shalt  }
0x4f: {  	_ =	shalt  }
0x50: {  	_ =	shalt  }
0x51: {  	_ =	shalt  }
0x52: {  	_ =	shalt  }
0x53: {  	_ =	shalt  }
0x54: {  	_ =	shalt  }
0x55: {  	_ =	shalt  }
0x56: {  	_ =	shalt  }
0x57: {  	_ =	shalt  }
0x58: {  	_ =	shalt  }
0x59: {  	_ =	shalt  }
0x5a: {  	_ =	shalt  }
0x5b: {  	_ =	shalt  }
0x5c: {  	_ =	shalt  }
0x5d: {  	_ =	shalt  }
0x5e: {  	_ =	shalt  }
0x5f: {  	_ =	shalt  }
0x60: {  	_ =	shalt  }
0x61: {  	_ =	shalt  }
0x62: {  	_ =	shalt  }
0x63: {  	_ =	shalt  }
0x64: {  	_ =	shalt  }
0x65: {  	_ =	shalt  }
0x66: {  	_ =	shalt  }
0x67: {  	_ =	shalt  }
0x68: {  	_ =	shalt  }
0x69: {  	_ =	shalt  }
0x6a: {  	_ =	shalt  }
0x6b: {  	_ =	shalt  }
0x6c: {  	_ =	shalt  }
0x6d: {  	_ =	shalt  }
0x6e: {  	_ =	shalt  }
0x6f: {  	_ =	shalt  }
0x70: {  	_ =	shalt  }
0x71: {  	_ =	shalt  }
0x72: {  	_ =	shalt  }
0x73: {  	_ =	shalt  }
0x74: {  	_ =	shalt  }
0x75: {  	_ =	shalt  }
0x76: {  	_ =	shalt  }
0x77: {  	_ =	shalt  }
0x78: {  	_ =	shalt  }
0x79: {  	_ =	shalt  }
0x7a: {  	_ =	shalt  }
0x7b: {  	_ =	shalt  }
0x7c: {  	_ =	shalt  }
0x7d: {  	_ =	shalt  }
0x7e: {  	_ =	shalt  }
0x7f: {  	_ =	shalt  }
0x80: {  	_ =	shalt  }
0x81: {  	_ =	shalt  }
0x82: {  	_ =	shalt  }
0x83: {  	_ =	shalt  }
0x84: {  	_ =	shalt  }
0x85: {  	_ =	shalt  }
0x86: {  	_ =	shalt  }
0x87: {  	_ =	shalt  }
.Lfunc_end0:
.L_simem_size_0:
called_computation.3_lowered:
.L_overlay_start_0:
0x88: {  	s2 =	sld [smem:$0x3FD9]  }
0x89: {  	s3 =	sld [smem:$0x3FFE];
	_ =	sdelay $0x1  }
0x8a: {  	s1 =	srdreg.scid  }
0x8b: {  	s0 =	sand.u32 $0x1, s1  }
0x8c: {  	s17 =	sshll.u32 s0, $0xA;
	s2 =	sadd.s32 s3, s2  }
0x8d: {  	s2 =	sadd.s32 s2, s17  }
0x8e: {  	[smem:$0x3FB0] =	sst s2  }
0x8f: {  	_ = 	snop  }
0x90: {  	(tm) =	ssettm $0x1  }
0x91: {  	s18 =	sld [smem:$0x3FFB];
	_ =	sdelay $0x3  }
0x92: {  	_ =	strace s18  }
0x93: {  	s2 =	sld [smem:$0x3FFC];
	_ =	sdelay $0x3  }
0x94: {  	_ =	strace s2  }
0x95: {  	s2 =	sld [smem:$0x3FFD];
	_ =	sdelay $0x3  }
0x96: {  	_ =	strace s2  }
0x97: {  	_ =	strace $0x8FFFFFFF  }
0x98: {  	s19 =	sld [smem:$0x3FDB];
	_ =	sdelay $0x1  }
0x99: {  	s20 =	simm.s32 $_scs_section_size  }
0x9a: {  	s4 =	simm.s32 $_size__tile_overlayer_lowered;
	s5 =	simm.s32 $_tile_overlayer_lowered  }
0x9b: {  	s6 =	simm.s32 $0x1BFF;
	s21 =	sshll.u32 s5, $0x1;
	s3 =	sadd.s32 s20, s19  }
0x9c: {  	s22 =	simm.s32 $0x0;
	s4 =	sshll.u32 s4, $0x1;
	s5 =	sadd.s32 s21, s3  }
0x9d: {  	[timem:s22], [sflag:s6] =	dma.local [hbm:s5], s4  }
0x9e: {  	_ =	swait.ge [sflag:s6], s4  }
0x9f: {  	s4 =	ssub.s32 $0x0, s4;
	[sflag:s6] =	ssyncset.done $0x0  }
0xa0: {  	[sflag:s6] =	ssyncadd.s32 s4;
	_ =	sdelay $0x1  }
0xa1: {  	s23 =	simm.s32 $0x1B8B  }
0xa2: {  	_ =	swait.ge [sflag:s23], $0x1  }
0xa3: {  	[sflag:s23] =	ssyncset.done $0x0  }
0xa4: {  	[sflag:s23] =	ssyncadd.s32 $0xFFFFFFFF  }
0xa5: {  	s4 =	sld [smem:$0x0]  }
0xa6: {  	s5 =	sand.u32 $0xFFFFFFFE, s1  }
0xa7: {  	p0 =	sne.s32 s1, s5  }
0xa8: {  	s5 =	sshll.u32 @p0 s5, $0xE  }
0xa9: {  	s5 =	sadd.s32 @p0 $0x11B8D, s5;
	s6 =	sshll.u32 @p0 s4, $0x11  }
0xaa: {  	s5 =	sor.u32 @p0 s6, s5  }
0xab: {  	[sflag:s5] =	ssyncadd.remote.s32 @p0 $0x1;
	_ =	sdelay $0x1  }
0xac: {  	s5 =	simm.s32 @p0 $0x1B8D  }
0xad: {  	_ =	swait.eq @p0 [sflag:s5], $0x1  }
0xae: {  	[sflag:s5] =	ssyncadd.s32 @p0 $0xFFFFFFFF  }
0xaf: {  	s6 =	sshll.u32 @!p0 s1, $0xE  }
0xb0: {  	s6 =	sor.u32 @!p0 $0x4000, s6;
	s5 =	simm.s32 @!p0 $0x1B8D  }
0xb1: {  	s4 =	sshll.u32 @!p0 s4, $0x11;
	s6 =	sadd.s32 @!p0 $0x11B8D, s6;
	_ =	swait.eq @!p0 [sflag:s5], $0x1  }
0xb2: {  	s4 =	sor.u32 @!p0 s4, s6;
	[sflag:s5] =	ssyncadd.s32 @!p0 $0xFFFFFFFF  }
0xb3: {  	s25 =	simm.s32 $0x1B8E;
	s24 =	sld [smem:$0x3FFE];
	[sflag:s4] =	ssyncadd.remote.s32 @!p0 $0x1  }
0xb4: {  	s26 =	simm.s32 $execute0_lowered;
	[smem:$0x3FD2] =	sst s25  }
0xb5: {  	s5 =	sshll.u32 s26, $0x1;
	_ =	strace $0x8000004F;
	[dreg:$0x1] =	wrdreg $0xFFFFFFFF  }
0xb6: {  	s28 =	simm.s32 $_size_execute0_lowered;
	s3 =	sadd.s32 s3, s5;
	[dreg:$0x0] =	wrdreg $0x0  }
0xb7: {  	s5 =	sshll.u32 s28, $0x1;
	[dreg:$0x2] =	wrdreg s3  }
0xb8: {  	[dreg:$0x3] =	wrdreg s5  }
0xb9: {  	[dreg:$0x4] =	wrdreg $0xC0  }
0xba: {  	_ =	task [dreg:s22], $0x5FFFF  }
0xbb: {  	[dreg:$0x1] =	wrdreg $0xFFFFFFFF  }
0xbc: {  	[dreg:$0x0] =	wrdreg $0x60  }
0xbd: {  	[dreg:$0x2] =	wrdreg s24  }
0xbe: {  	[dreg:$0x3] =	wrdreg $0xA0000  }
0xbf: {  	[dreg:$0x4] =	wrdreg $0x9  }
0xc0: {  	_ =	task.clear_ibuf [dreg:s22], $0x5FFFF;
	_ =	strace $0x9000004F  }
0xc1: {  	s29 =	simm.s32 $0x9;
	_ =	strace $0x80000051  }
0xc2: {  	_ =	swait.ge [sflag:s29], $0x1  }
0xc3: {  	[sflag:s29] =	ssyncadd.s32 $0xFFFFFFFF  }
0xc4: {  	_ =	strace $0x90000051  }
0xc5: {  	_ =	sfence  }
0xc6: {  	s30 =	sld [smem:$0x0];
	_ =	sdelay $0x2  }
0xc7: {  	s31 =	sshll.u32 s1, $0xD;
	s1 =	sshrl.u32 s1, $0x2  }
0xc8: {  	s4 =	sand.u32 $0x4000, s31;
	s1 =	sadd.s32 s1, s30  }
0xc9: {  	s0 =	sor.u32 s4, s0;
	s1 =	sshll.u32 s1, $0x11  }
0xca: {  	s0 =	sor.u32 s1, s0  }
0xcb: {  	s0 =	sadd.s32 $0x8F2B, s0  }
0xcc: {  	[sflag:s0] =	ssyncadd.remote.s32 $0x1  }
0xcd: {  	_ =	sfence.sel $0xFFFF  }
0xce: {  	[dreg:$0x0] =	wrdreg $0xFFFFFFFF;
	(pc) =	sbr.abs _section_cstart, $3  }
0xcf: {  	[dreg:$0x1] =	wrdreg $0xFFFFFFFF  }
0xd0: {  	_ =	task.clear_ibuf [dreg:s22], $0x2FFFF;
	_ =	strace $0x9FFFFFFF  }
0xd1: {  	(tm) =	ssettm $0x7FFFFFFF  }
tec
execute0_lowered:
.L_overlay_start_1:
0x0: {  	(tag) =	ssettag $0x1  }
0x1: {  	s6 =	rddreg [dreg:$0x0]  }
0x2: {  	s2 =	rddreg [dreg:$0x1]  }
0x3: {  	s0 =	rddreg [dreg:$0x2]  }
0x4: {  	s4 =	srdreg.scid;
	s1 =	stileid.u32;
	s3 =	simm.s32 $0x0  }
0x5: {  	s17 =	simm.s32 $0x3;
	s18 =	simm.s32 $0x2000;
	s19 =	simm.s32 $0x4000  }
0x6: {  	s20 =	simm.s32 $0x6000;
	s21 =	simm.s32 $0x8000;
	s22 =	simm.s32 $0x9000  }
0x7: {  	s23 =	simm.s32 $0x1;
	s24 =	simm.s32 $0x2;
	s25 =	simm.s32 $0x0  }
0x8: {  	s7 =	sand.u32 $0x1, s4;
	s8 =	smul.u32 $0x9D00, s1;
	[smem:$0x7FF] =	sst s3  }
0x9: {  	s4 =	sadd.s32 $0x43200, s6;
	s9 =	sadd.s32 $0x38A00, s6;
	s11 =	sadd.s32 $0x2E200, s6  }
0xa: {  	s29 =	sshll.u32 s1, $0x6;
	s30 =	sshll.u32 s1, $0x9;
	s5 =	smul.u32 $0x9D000, s7  }
0xb: {  	_ =	strace $0x80000050;
	s10 =	ssub.s32 $0x2, s7;
	p0 =	seq.s32 s7, $0x0  }
0xc: {  	s7 =	sshll.u32 s1, $0xB;
	s13 =	sshrl.u32 s10, $0x1;
	s16 =	sadd.s32 s8, s2  }
0xd: {  	s5 =	sadd.s32 s8, s5;
	s15 =	ssub.s32 s10, s13;
	s10 =	sor.u32 $0x8000, s30  }
0xe: {  	s13 =	simm.s32 $0x80;
	s16 =	sshrl.u32 s16, $0x3;
	s12 =	sshrl.u32 s5, $0x3  }
0xf: {  	s5 =	sadd.s32 $0x56C00, s6;
	s10 =	smov.u32 @p0 s7;
	s7 =	simm.s32 $0x80  }
0x10: {  	s13 =	simm.s32 @!p0 $0x20;
	s15 =	smax.u32 s15, $0x1;
	s14 =	sadd.s32 s12, s6  }
0x11: {  	s6 =	sor.u32 $0x1C03, s29;
	s31 =	sadd.s32 $0x400, s10;
	s8 =	sadd.s32 s9, s10  }
0x12: {  	s10 =	sadd.s32 s11, s10;
	s12 =	sshrl.u32 s13, $0x1;
	s13 =	sadd.s32 $0xFFFFFFFF, s13  }
0x13: {  	s9 =	sadd.s32 s9, s31;
	s11 =	sadd.s32 s11, s31;
	s14 =	sadd.s32 $0x58000, s14  }
.LBB2_1:
0x14: {  	[spmem:s16], [sflag:s6] =	dma.local [hbm:s5], $0x13A0  }
0x15: {  	_ =	swait.ge [sflag:s17], $0x13A0  }
0x16: {  	[sflag:s17] =	ssyncset.done $0x0  }
0x17: {  	[sflag:s17] =	ssyncadd.s32 $0xFFFFEC60  }
0x18: {  	[tilespmem:s3], [sflag:$0x3] =	stream.linear.gather [hbm4b:s8+s3], $0x2000, $0x38;
	[tilespmem:$0x13D00] =	vst v63  }
0x19: {  	_ =	swait.ge [sflag:s17], $0x2000  }
0x1a: {  	[sflag:s17] =	ssyncset.done $0x0  }
0x1b: {  	[sflag:s17] =	ssyncadd.s32 $0xFFFFE000  }
0x1c: {  	[tilespmem:s18], [sflag:$0x3] =	stream.linear.gather [hbm4b:s9+s3], $0x2000, $0x38;
	[tilespmem:$0x13D00] =	vst v63  }
0x1d: {  	_ =	swait.ge [sflag:s17], $0x2000  }
0x1e: {  	[sflag:s17] =	ssyncset.done $0x0  }
0x1f: {  	[sflag:s17] =	ssyncadd.s32 $0xFFFFE000  }
0x20: {  	[tilespmem:s19], [sflag:$0x3] =	stream.linear.gather [hbm4b:s10+s3], $0x2000, $0x38;
	[tilespmem:$0x13D00] =	vst v63  }
0x21: {  	_ =	swait.ge [sflag:s17], $0x2000  }
0x22: {  	[sflag:s17] =	ssyncset.done $0x0  }
0x23: {  	[sflag:s17] =	ssyncadd.s32 $0xFFFFE000  }
0x24: {  	[tilespmem:s20], [sflag:$0x3] =	stream.linear.gather [hbm4b:s11+s3], $0x2000, $0x38;
	[tilespmem:$0x13D00] =	vst v63  }
0x25: {  	_ =	swait.ge [sflag:s17], $0x2000  }
0x26: {  	[sflag:s17] =	ssyncset.done $0x0  }
0x27: {  	[sflag:s17] =	ssyncadd.s32 $0xFFFFE000  }
0x28: {  	[bflag:$0x0] =	sbarrier.arrive $0xFFFF  }
0x29: {  	[tilespmem:s21], [sflag:$0x1] =	stream.indirect.gather [hbm4b:s4+s7], $0x20, s3, s7, $0xb8;
	[tilespmem:$0x13D00] =	vst v63  }
0x2a: {  	_ = 	snop  }
0x2b: {  	[tilespmem:s22], [sflag:$0x2] =	stream.indirect.gather [hbm4b:s4+s7], $0x20, s7, s7, $0xb8;
	[tilespmem:$0x13D00] =	vst v63  }
0x2c: {  	_ =	swait.ge [sflag:s23], $0x1000  }
0x2d: {  	s26 =	simm.s32 $0x4000;
	[sflag:s23] =	ssyncset.done $0x0  }
0x2e: {  	p0 =	sgt.s32 s13, $0x2;
	s28 =	smov.u32 s13;
	[sflag:s23] =	ssyncadd.s32 $0xFFFFF000  }
0x2f: {  	[spmem:s2] =	stream.indirect.scatter.add.f32 [tilespmem:s21], [sflag:$0x3], $0x20, s26, s7, $0xb8;
	[tilespmem:$0x13D00] =	vst v63  }
0x30: {  	s28 =	smov.u32 @p0 s24;
	_ =	swait.ge [sflag:s17], $0x1000  }
0x31: {  	s29 =	simm.s32 $0x3;
	s31 =	sshll.u32 s28, $0x9;
	[sflag:s17] =	ssyncset.done $0x0  }
0x32: {  	p1 =	sne.s32 s12, $0x1;
	s26 =	sshra.s32 s31, $0x2;
	[sflag:s17] =	ssyncadd.s32 $0xFFFFF000  }
0x33: {  	[tilespmem:s21], [sflag:$0x1] =	stream.indirect.gather [hbm4b:s4+s7], $0x20, s26, s7, $0xb8;
	[tilespmem:$0x13D00] =	vst v63  }
.Ltmp0:
0x34: {  	s30 =	smov.u32 s13;
	_ =	swait.ge [sflag:s24], $0x1000;
	(pc) =	sbr.rel @!p1 .LBB2_3-.Ltmp0, $4  }
0x35: {  	p0 =	sgt.s32 s13, $0x3;
	s28 =	sadd.s32 $0xFFFFFFFF, s12;
	[sflag:s24] =	ssyncset.done $0x0  }
0x36: {  	s30 =	smov.u32 @p0 s29;
	s26 =	simm.s32 $0x4080;
	[sflag:s24] =	ssyncadd.s32 $0xFFFFF000  }
0x37: {  	[spmem:s2] =	stream.indirect.scatter.add.f32 [tilespmem:s22], [sflag:$0x3], $0x20, s26, s7, $0xb8;
	[tilespmem:$0x13D00] =	vst v63  }
0x38: {  	s29 =	simm.s32 $0x4;
	s30 =	sshll.u32 s30, $0x9;
	_ =	swait.ge [sflag:s17], $0x1000  }
.LBB2_2:
0x39: {  	[sflag:s17] =	ssyncset.done $0x0  }
0x3a: {  	s30 =	sshra.s32 s30, $0x2;
	s26 =	sadd.s32 $0x100, s26;
	p0 =	sne.s32 s28, $0x1  }
0x3b: {  	s28 =	sadd.s32 $0xFFFFFFFF, s28;
	p1 =	slt.s32 s29, s13;
	[sflag:s17] =	ssyncadd.s32 $0xFFFFF000  }
0x3c: {  	[tilespmem:s22], [sflag:$0x2] =	stream.indirect.gather [hbm4b:s4+s7], $0x20, s30, s7, $0xb8;
	[tilespmem:$0x13D00] =	vst v63  }
0x3d: {  	s31 =	smov.u32 s13;
	s30 =	sadd.s32 $0xFFFFFF80, s26;
	_ =	swait.ge [sflag:s23], $0x1000  }
0x3e: {  	s31 =	smov.u32 @p1 s29;
	[sflag:s23] =	ssyncset.done $0x0  }
0x3f: {  	s31 =	sshll.u32 s31, $0x9;
	[sflag:s23] =	ssyncadd.s32 $0xFFFFF000  }
0x40: {  	[spmem:s2] =	stream.indirect.scatter.add.f32 [tilespmem:s21], [sflag:$0x3], $0x20, s30, s7, $0xb8;
	[tilespmem:$0x13D00] =	vst v63  }
0x41: {  	s30 =	sshra.s32 s31, $0x2;
	_ =	swait.ge [sflag:s17], $0x1000  }
0x42: {  	[sflag:s17] =	ssyncset.done $0x0  }
0x43: {  	[sflag:s17] =	ssyncadd.s32 $0xFFFFF000  }
0x44: {  	[tilespmem:s21], [sflag:$0x1] =	stream.indirect.gather [hbm4b:s4+s7], $0x20, s30, s7, $0xb8;
	[tilespmem:$0x13D00] =	vst v63  }
.Ltmp1:
0x45: {  	s30 =	sadd.s32 $0x1, s29;
	_ =	swait.ge [sflag:s24], $0x1000;
	(pc) =	sbr.rel @p0 .LBB2_2-.Ltmp1, $4  }
0x46: {  	s31 =	smov.u32 s13;
	p1 =	slt.s32 s30, s13;
	[sflag:s24] =	ssyncset.done $0x0  }
0x47: {  	s31 =	smov.u32 @p1 s30;
	[sflag:s24] =	ssyncadd.s32 $0xFFFFF000  }
0x48: {  	[spmem:s2] =	stream.indirect.scatter.add.f32 [tilespmem:s22], [sflag:$0x3], $0x20, s26, s7, $0xb8;
	[tilespmem:$0x13D00] =	vst v63  }
0x49: {  	s29 =	sadd.s32 $0x2, s29;
	s30 =	sshll.u32 s31, $0x9;
	_ =	swait.ge [sflag:s17], $0x1000  }
.LBB2_3:
0x4a: {  	[sflag:s17] =	ssyncset.done $0x0  }
0x4b: {  	s26 =	sshra.s32 s30, $0x2;
	[sflag:s17] =	ssyncadd.s32 $0xFFFFF000  }
0x4c: {  	[tilespmem:s22], [sflag:$0x2] =	stream.indirect.gather [hbm4b:s4+s7], $0x20, s26, s7, $0xb8;
	[tilespmem:$0x13D00] =	vst v63  }
0x4d: {  	_ =	swait.ge [sflag:s23], $0x1000  }
0x4e: {  	[sflag:s23] =	ssyncset.done $0x0  }
0x4f: {  	[sflag:s23] =	ssyncadd.s32 $0xFFFFF000  }
0x50: {  	_ =	swait.ge [sflag:s24], $0x1000  }
0x51: {  	s25 =	sadd.s32 $0x1, s25;
	[sflag:s24] =	ssyncset.done $0x0  }
0x52: {  	p0 =	sne.s32 s25, s15;
	[sflag:s24] =	ssyncadd.s32 $0xFFFFF000  }
.Ltmp2:
0x53: {  	[bflag:$0x0] =	sbarrier.arrive $0xFFFF;
	(pc) =	sbr.rel @p0 .LBB2_1-.Ltmp2, $4  }
0x54: {  	[hbm:s14], [sflag:s6] =	dma.local [spmem:s16], $0x13A0  }
0x55: {  	_ =	swait.ge [sflag:s17], $0x13A0  }
0x56: {  	[sflag:s17] =	ssyncset.done $0x0  }
0x57: {  	[sflag:s17] =	ssyncadd.s32 $0xFFFFEC60  }
0x58: {  	_ =	sfence.sel $0x180000  }
0x59: {  	[bflag:$0x0] =	sbarrier.arrive $0xFFFF  }
0x5a: {  	p0 =	sne.s32 s1, $0x0;
	_ =	strace $0x90000050  }
0x5b: {  	s0 =	sadd.s32 @!p0 $0x100000, s0;
	[bflag:$0x2] =	sbarrier.arrive $0xFFFF  }
0x5c: {  	[sflag:s0] =	ssyncadd.tile.s32 @!p0 $0x1;
	_ =	shalt  }
.Lfunc_end2:
_tile_overlayer_lowered:
.L_overlay_start_2:
0x5d: {  	(tag) =	ssettag $0x2  }
0x5e: {  	s0 =	rddreg [dreg:$0x0];
	s2 =	stileid.u32  }
0x5f: {  	s1 =	rddreg [dreg:$0x1];
	p0 =	sne.s32 s2, $0x0  }
0x60: {  	s3 =	rddreg [dreg:$0x2];
	[bflag:$0x3] =	sbarrier.arrive $0xFFFF;
	s2 =	simm.s32 @!p0 $0x1C03  }
0x61: {  	[timem:s3], [sflag:s2] =	dma.local @!p0 [hbm:s0], s1  }
0x62: {  	s0 =	simm.s32 @!p0 $0x3  }
0x63: {  	_ =	swait.ge @!p0 [sflag:s0], s1  }
0x64: {  	s1 =	ssub.s32 @!p0 $0x0, s1;
	[sflag:s0] =	ssyncset.done @!p0 $0x0  }
0x65: {  	[sflag:s0] =	ssyncadd.s32 @!p0 s1  }
0x66: {  	[bflag:$0x3] =	sbarrier.arrive $0xFFFF  }
0x67: {  	_ =	shalt  }

// kernel: kernel.25.cloned.1.call-start
scs
__scs_entry_jumppad:
0x0: {  	(pc) =	sbr.rel $0x88, $3  }
0x1: {  	(tag) =	ssettag $0x0;
	lr =	simm.s32 $0x1  }
0x2: {  	[smem:$0x3F89] =	sst lr;
	_ =	strace $0xD0000000  }
0x3: {  	_ = 	snop  }
0x4: {  	_ = 	snop  }
0x5: {  	_ = 	snop  }
0x6: {  	_ = 	snop  }
0x7: {  	_ = 	snop  }
__scs_overlays_trampoline_lowered:
0x8: {  	[smem:$0x3F98] =	sst s0  }
0x9: {  	[smem:$0x3F99] =	sst s1  }
0xa: {  	[smem:$0x3F9A] =	sst s2  }
0xb: {  	[smem:$0x3F9B] =	sst s3  }
0xc: {  	[smem:$0x3F9C] =	sst s4  }
0xd: {  	[smem:$0x3F9D] =	sst s5  }
0xe: {  	[smem:$0x3F9E] =	sst s6  }
0xf: {  	[smem:$0x3F9F] =	sst s7  }
0x10: {  	[smem:$0x3FA0] =	sst s8  }
0x11: {  	[smem:$0x3FA1] =	sst s9;
	s0 =	simm.s32 @!p0 $0x0  }
0x12: {  	s1 =	sld [smem:$0x3F87];
	s0 =	simm.s32 @p0 $0x1  }
0x13: {  	[smem:$0x3FA2] =	sst s0;
	s0 =	simm.s32 @!p1 $0x0  }
0x14: {  	s2 =	sld [smem:$0x3F86];
	s0 =	simm.s32 @p1 $0x1  }
0x15: {  	[smem:$0x3FA3] =	sst s0;
	s0 =	simm.s32 @!p2 $0x0  }
0x16: {  	s3 =	sld [smem:$0x3FDB];
	s0 =	simm.s32 @p2 $0x1  }
0x17: {  	s4 =	simm.s32 $0x1BF5;
	[smem:$0x3FA5] =	sst s0  }
0x18: {  	s0 =	sld [smem:$0x3F88];
	_ =	swait.ge [sflag:s4], $0x0  }
0x19: {  	s7 =	sld [smem:$0x3F89]  }
0x1a: {  	s8 =	sadd.s32 $0xFFFFE003, lr  }
0x1b: {  	s9 =	sadd.s32 $0xFFFFFEF7, lr;
	s5 =	simm.s32 $0xFFFFFFFF;
	p2 =	slt.u32 s8, $0xFFFFF086  }
0x1c: {  	p1 =	slt.u32 s9, $0xF7A;
	s5 =	simm.s32 @!p2 $0x0  }
0x1d: {  	s5 =	simm.s32 @p1 $0x1;
	p0 =	seq.s32 s7, s2  }
0x1e: {  	s7 =	smul.u32 @!p0 $0xF7A, s2;
	p2 =	seq.s32 @!p0 s5, $0x0  }
0x1f: {  	s9 =	smul.u32 $0xF7A, s1;
	s8 =	simm.s32 @!p0 $0x1BF5;
	p2 =	por !p2, p0  }
0x20: {  	[sflag:s8] =	ssyncset.s32 @!p0 $0xFFFFF086;
	s6 =	sadd.s32 @!p0 s3, s7;
	s7 =	simm.s32 @!p0 $0x108  }
0x21: {  	s3 =	sadd.s32 s3, s9;
	s6 =	sadd.s32 @!p0 $0x88, s6;
	s7 =	simm.s32 @p2 $0x1082  }
0x22: {  	[simem:s7], [sflag:s8] =	dma.local @!p0 [hbm:s6], $0xF7A  }
0x23: {  	s9 =	sor.u32 $0xD0000000, s2;
	s6 =	simm.s32 $0x108;
	_ =	swait.ge @!p0 [sflag:s8], $0x0  }
0x24: {  	s3 =	sadd.s32 $0x88, s3;
	s6 =	simm.s32 @!p1 $0x1082;
	[sflag:s4] =	ssyncset.s32 $0xFFFFF086  }
0x25: {  	[simem:s6], [sflag:s4] =	dma.local [hbm:s3], $0xF7A  }
0x26: {  	[smem:$0x3F89] =	sst s1;
	(tag) =	ssettag s2;
	_ =	strace s9  }
0x27: {  	s1 =	sld [smem:$0x3F99]  }
0x28: {  	s2 =	sld [smem:$0x3F9A]  }
0x29: {  	s4 =	sld [smem:$0x3F9C]  }
0x2a: {  	p0 =	seq.s32 s5, $0x0;
	s5 =	sld [smem:$0x3F9D]  }
0x2b: {  	s6 =	sld [smem:$0x3F9E]  }
0x2c: {  	s7 =	sld [smem:$0x3F9F]  }
0x2d: {  	s3 =	simm.s32 $0x108;
	s8 =	sld [smem:$0x3FA0]  }
0x2e: {  	s3 =	simm.s32 @!p0 $0x1082;
	s9 =	sld [smem:$0x3FA1]  }
0x2f: {  	lr =	sadd.s32 s0, s3;
	s0 =	sld [smem:$0x3F98]  }
0x30: {  	s3 =	sld [smem:$0x3F9B]  }
0x31: {  	[smem:$0x3FA4] =	sst s10  }
0x32: {  	s10 =	sld [smem:$0x3FA2];
	_ =	sdelay $0x3  }
0x33: {  	p0 =	seq.s32 s10, $0x1;
	s10 =	sld [smem:$0x3FA4];
	_ =	sdelay $0x3  }
0x34: {  	[smem:$0x3FA4] =	sst s10  }
0x35: {  	s10 =	sld [smem:$0x3FA3];
	_ =	sdelay $0x3  }
0x36: {  	p1 =	seq.s32 s10, $0x1;
	s10 =	sld [smem:$0x3FA4];
	_ =	sdelay $0x3  }
0x37: {  	[smem:$0x3FA4] =	sst s10  }
0x38: {  	s10 =	sld [smem:$0x3FA5]  }
0x39: {  	_ = 	snop;
	(pc) =	sbr.ind lr, $3  }
0x3a: {  	_ = 	snop  }
0x3b: {  	_ = 	snop  }
0x3c: {  	p2 =	seq.s32 s10, $0x1;
	s10 =	sld [smem:$0x3FA4]  }
0x3d: {  	_ =	shalt  }
0x3e: {  	_ =	shalt  }
0x3f: {  	_ =	shalt  }
0x40: {  	_ =	shalt  }
0x41: {  	_ =	shalt  }
0x42: {  	_ =	shalt  }
0x43: {  	_ =	shalt  }
0x44: {  	_ =	shalt  }
0x45: {  	_ =	shalt  }
0x46: {  	_ =	shalt  }
0x47: {  	_ =	shalt  }
0x48: {  	_ =	shalt  }
0x49: {  	_ =	shalt  }
0x4a: {  	_ =	shalt  }
0x4b: {  	_ =	shalt  }
0x4c: {  	_ =	shalt  }
0x4d: {  	_ =	shalt  }
0x4e: {  	_ =	shalt  }
0x4f: {  	_ =	shalt  }
0x50: {  	_ =	shalt  }
0x51: {  	_ =	shalt  }
0x52: {  	_ =	shalt  }
0x53: {  	_ =	shalt  }
0x54: {  	_ =	shalt  }
0x55: {  	_ =	shalt  }
0x56: {  	_ =	shalt  }
0x57: {  	_ =	shalt  }
0x58: {  	_ =	shalt  }
0x59: {  	_ =	shalt  }
0x5a: {  	_ =	shalt  }
0x5b: {  	_ =	shalt  }
0x5c: {  	_ =	shalt  }
0x5d: {  	_ =	shalt  }
0x5e: {  	_ =	shalt  }
0x5f: {  	_ =	shalt  }
0x60: {  	_ =	shalt  }
0x61: {  	_ =	shalt  }
0x62: {  	_ =	shalt  }
0x63: {  	_ =	shalt  }
0x64: {  	_ =	shalt  }
0x65: {  	_ =	shalt  }
0x66: {  	_ =	shalt  }
0x67: {  	_ =	shalt  }
0x68: {  	_ =	shalt  }
0x69: {  	_ =	shalt  }
0x6a: {  	_ =	shalt  }
0x6b: {  	_ =	shalt  }
0x6c: {  	_ =	shalt  }
0x6d: {  	_ =	shalt  }
0x6e: {  	_ =	shalt  }
0x6f: {  	_ =	shalt  }
0x70: {  	_ =	shalt  }
0x71: {  	_ =	shalt  }
0x72: {  	_ =	shalt  }
0x73: {  	_ =	shalt  }
0x74: {  	_ =	shalt  }
0x75: {  	_ =	shalt  }
0x76: {  	_ =	shalt  }
0x77: {  	_ =	shalt  }
0x78: {  	_ =	shalt  }
0x79: {  	_ =	shalt  }
0x7a: {  	_ =	shalt  }
0x7b: {  	_ =	shalt  }
0x7c: {  	_ =	shalt  }
0x7d: {  	_ =	shalt  }
0x7e: {  	_ =	shalt  }
0x7f: {  	_ =	shalt  }
0x80: {  	_ =	shalt  }
0x81: {  	_ =	shalt  }
0x82: {  	_ =	shalt  }
0x83: {  	_ =	shalt  }
0x84: {  	_ =	shalt  }
0x85: {  	_ =	shalt  }
0x86: {  	_ =	shalt  }
0x87: {  	_ =	shalt  }
.Lfunc_end0:
.L_simem_size_0:
called_computation.4_lowered:
.L_overlay_start_0:
0x88: {  	s2 =	sld [smem:$0x3FD9]  }
0x89: {  	s3 =	sld [smem:$0x3FFE];
	_ =	sdelay $0x1  }
0x8a: {  	s1 =	srdreg.scid  }
0x8b: {  	s0 =	sand.u32 $0x1, s1  }
0x8c: {  	s15 =	sshll.u32 s0, $0xA;
	s2 =	sadd.s32 s3, s2  }
0x8d: {  	s2 =	sadd.s32 s2, s15  }
0x8e: {  	[smem:$0x3FB0] =	sst s2  }
0x8f: {  	_ = 	snop  }
0x90: {  	s2 =	sld [smem:$0x3FD0];
	_ =	sdelay $0x2  }
0x91: {  	s16 =	simm.s32 $0xB;
	s4 =	simm.s32 $0x10  }
0x92: {  	[smem:s4], [sflag:s16] =	dma.local [hbm:s2], $0x1  }
0x93: {  	_ =	swait.eq [sflag:s16], $0x1  }
0x94: {  	[sflag:s16] =	ssyncset.done $0x0  }
0x95: {  	[sflag:s16] =	ssyncadd.s32 $0xFFFFFFFF  }
0x96: {  	s17 =	sld [smem:$0x11];
	(tm) =	ssettm $0x1  }
0x97: {  	s18 =	sld [smem:$0x3FFB];
	_ =	sdelay $0x3  }
0x98: {  	_ =	strace s18  }
0x99: {  	s2 =	sld [smem:$0x3FFC];
	_ =	sdelay $0x3  }
0x9a: {  	_ =	strace s2  }
0x9b: {  	s2 =	sld [smem:$0x3FFD];
	_ =	sdelay $0x3  }
0x9c: {  	_ =	strace s2  }
0x9d: {  	_ =	strace $0x8FFFFFFF  }
0x9e: {  	s19 =	sld [smem:$0x3FDB];
	_ =	sdelay $0x1  }
0x9f: {  	s20 =	simm.s32 $_scs_section_size  }
0xa0: {  	s5 =	simm.s32 $_size__tile_overlayer_lowered;
	s6 =	simm.s32 $_tile_overlayer_lowered  }
0xa1: {  	s7 =	simm.s32 $0x1BFF;
	s21 =	sshll.u32 s6, $0x1;
	s4 =	sadd.s32 s20, s19  }
0xa2: {  	s22 =	simm.s32 $0x0;
	s5 =	sshll.u32 s5, $0x1;
	s6 =	sadd.s32 s21, s4  }
0xa3: {  	[timem:s22], [sflag:s7] =	dma.local [hbm:s6], s5  }
0xa4: {  	_ =	swait.ge [sflag:s7], s5  }
0xa5: {  	s5 =	ssub.s32 $0x0, s5;
	[sflag:s7] =	ssyncset.done $0x0  }
0xa6: {  	[sflag:s7] =	ssyncadd.s32 s5;
	_ =	sdelay $0x1  }
0xa7: {  	s23 =	simm.s32 $0x1B8B  }
0xa8: {  	_ =	swait.ge [sflag:s23], $0x1  }
0xa9: {  	[sflag:s23] =	ssyncset.done $0x0  }
0xaa: {  	[sflag:s23] =	ssyncadd.s32 $0xFFFFFFFF  }
0xab: {  	s5 =	sld [smem:$0x0]  }
0xac: {  	s6 =	sand.u32 $0xFFFFFFFE, s1  }
0xad: {  	p0 =	sne.s32 s1, s6  }
0xae: {  	s6 =	sshll.u32 @p0 s6, $0xE  }
0xaf: {  	s6 =	sadd.s32 @p0 $0x11B8D, s6;
	s7 =	sshll.u32 @p0 s5, $0x11  }
0xb0: {  	s6 =	sor.u32 @p0 s7, s6  }
0xb1: {  	[sflag:s6] =	ssyncadd.remote.s32 @p0 $0x1;
	_ =	sdelay $0x1  }
0xb2: {  	s6 =	simm.s32 @p0 $0x1B8D  }
0xb3: {  	_ =	swait.eq @p0 [sflag:s6], $0x1  }
0xb4: {  	[sflag:s6] =	ssyncadd.s32 @p0 $0xFFFFFFFF  }
0xb5: {  	s7 =	sshll.u32 @!p0 s1, $0xE  }
0xb6: {  	s7 =	sor.u32 @!p0 $0x4000, s7;
	s6 =	simm.s32 @!p0 $0x1B8D  }
0xb7: {  	s5 =	sshll.u32 @!p0 s5, $0x11;
	s7 =	sadd.s32 @!p0 $0x11B8D, s7;
	_ =	swait.eq @!p0 [sflag:s6], $0x1  }
0xb8: {  	s5 =	sor.u32 @!p0 s5, s7;
	[sflag:s6] =	ssyncadd.s32 @!p0 $0xFFFFFFFF  }
0xb9: {  	s25 =	simm.s32 $0x1B8E;
	s24 =	sld [smem:$0x3FFE];
	[sflag:s5] =	ssyncadd.remote.s32 @!p0 $0x1  }
0xba: {  	s26 =	simm.s32 $execute0_lowered;
	[smem:$0x3FD2] =	sst s25  }
0xbb: {  	s6 =	sshll.u32 s26, $0x1;
	_ =	strace $0x80000052;
	[dreg:$0x1] =	wrdreg $0xFFFFFFFF  }
0xbc: {  	s28 =	simm.s32 $_size_execute0_lowered;
	s4 =	sadd.s32 s4, s6;
	[dreg:$0x0] =	wrdreg $0x0  }
0xbd: {  	s6 =	sshll.u32 s28, $0x1;
	[dreg:$0x2] =	wrdreg s4  }
0xbe: {  	[dreg:$0x3] =	wrdreg s6  }
0xbf: {  	[dreg:$0x4] =	wrdreg $0xC0  }
0xc0: {  	_ =	task [dreg:s22], $0x5FFFF  }
0xc1: {  	[dreg:$0x1] =	wrdreg $0xFFFFFFFF  }
0xc2: {  	[dreg:$0x0] =	wrdreg $0x60  }
0xc3: {  	[dreg:$0x2] =	wrdreg s17  }
0xc4: {  	[dreg:$0x3] =	wrdreg s24  }
0xc5: {  	[dreg:$0x4] =	wrdreg $0x98000  }
0xc6: {  	[dreg:$0x5] =	wrdreg $0xA  }
0xc7: {  	_ =	task.clear_ibuf [dreg:s22], $0x6FFFF;
	_ =	strace $0x90000052  }
0xc8: {  	s29 =	simm.s32 $0xA;
	_ =	strace $0x80000054  }
0xc9: {  	_ =	swait.ge [sflag:s29], $0x1  }
0xca: {  	[sflag:s29] =	ssyncadd.s32 $0xFFFFFFFF  }
0xcb: {  	_ =	strace $0x90000054  }
0xcc: {  	_ =	sfence  }
0xcd: {  	s30 =	sld [smem:$0x0];
	_ =	sdelay $0x2  }
0xce: {  	s31 =	sshll.u32 s1, $0xD;
	s1 =	sshrl.u32 s1, $0x2  }
0xcf: {  	s4 =	sand.u32 $0x4000, s31;
	s1 =	sadd.s32 s1, s30  }
0xd0: {  	s0 =	sor.u32 s4, s0;
	s1 =	sshll.u32 s1, $0x11  }
0xd1: {  	s0 =	sor.u32 s1, s0  }
0xd2: {  	s0 =	sadd.s32 $0x8F2B, s0  }
0xd3: {  	[sflag:s0] =	ssyncadd.remote.s32 $0x1  }
0xd4: {  	_ =	sfence.sel $0xFFFF  }
0xd5: {  	[dreg:$0x0] =	wrdreg $0xFFFFFFFF;
	(pc) =	sbr.abs _section_cstart, $3  }
0xd6: {  	[dreg:$0x1] =	wrdreg $0xFFFFFFFF  }
0xd7: {  	_ =	task.clear_ibuf [dreg:s22], $0x2FFFF;
	_ =	strace $0x9FFFFFFF  }
0xd8: {  	(tm) =	ssettm $0x7FFFFFFF  }
0xd9: {  	_ =	shalt  }
tec
execute0_lowered:
.L_overlay_start_1:
0x0: {  	(tag) =	ssettag $0x1  }
0x1: {  	s1 =	rddreg [dreg:$0x0]  }
0x2: {  	s6 =	rddreg [dreg:$0x1]  }
0x3: {  	s3 =	rddreg [dreg:$0x2];
	s5 =	srdreg.scid  }
0x4: {  	s2 =	stileid.u32;
	s4 =	simm.s32 $0x0;
	s17 =	simm.s32 $0x1E00  }
0x5: {  	s18 =	simm.s32 $0x3C00;
	s19 =	simm.s32 $0x5A00;
	s20 =	simm.s32 $0x80  }
0x6: {  	s21 =	simm.s32 $0x7800;
	s22 =	simm.s32 $0x8800;
	s23 =	simm.s32 $0x1  }
0x7: {  	s24 =	simm.s32 $0x2;
	s25 =	simm.s32 $0x0;
	s8 =	smul.u32 $0x4F00, s2  }
0x8: {  	s7 =	sand.u32 $0x1, s5;
	[smem:$0x7FF] =	sst s4;
	s12 =	smul.u32 $0x28, s2  }
0x9: {  	s10 =	sadd.s32 $0xAFE00, s6;
	s11 =	sadd.s32 $0xA5600, s6;
	s14 =	smul.u32 $0x78, s2  }
0xa: {  	s5 =	sadd.s32 $0x7F400, s6;
	s30 =	sshll.u32 s2, $0x6;
	s9 =	smul.u32 $0x4F000, s7  }
0xb: {  	_ =	strace $0x80000053;
	s13 =	ssub.s32 $0x2, s7;
	p0 =	seq.s32 s7, $0x0  }
0xc: {  	s15 =	sshrl.u32 s13, $0x1;
	s7 =	sadd.s32 $0x780, s12;
	s29 =	sadd.s32 s8, s3  }
0xd: {  	s9 =	sadd.s32 s8, s9;
	s13 =	ssub.s32 s13, s15;
	s7 =	smov.u32 @p0 s14  }
0xe: {  	s14 =	simm.s32 $0x78;
	s15 =	sshrl.u32 s29, $0x3;
	s9 =	sshrl.u32 s9, $0x3  }
0xf: {  	s31 =	sshll.u32 s7, $0x4;
	s14 =	simm.s32 @!p0 $0x28;
	s13 =	smax.u32 s13, $0x1  }
0x10: {  	s28 =	sadd.s32 s9, s6;
	s6 =	sor.u32 $0x1C03, s30;
	s16 =	sadd.s32 $0x3C0, s31  }
0x11: {  	s7 =	sadd.s32 s10, s31;
	s9 =	sadd.s32 s11, s31;
	s8 =	sadd.s32 s10, s16  }
0x12: {  	s10 =	sadd.s32 s11, s16;
	s11 =	sadd.s32 $0xFFFFFFFF, s14;
	s14 =	sshll.u32 s14, $0x9  }
0x13: {  	s12 =	sadd.s32 $0x7FE00, s28;
	s16 =	simm.s32 $0x3;
	s14 =	sadd.s32 $0xFFFFF800, s14  }
.LBB2_1:
0x14: {  	[spmem:s15], [sflag:s6] =	dma.local [hbm:s5], $0x9E0  }
0x15: {  	_ =	swait.ge [sflag:s16], $0x9E0  }
0x16: {  	[sflag:s16] =	ssyncset.done $0x0  }
0x17: {  	[sflag:s16] =	ssyncadd.s32 $0xFFFFF620  }
0x18: {  	[tilespmem:s4], [sflag:$0x3] =	stream.linear.gather [hbm4b:s7+s4], $0x1E00, $0x38;
	[tilespmem:$0xE700] =	vst v63  }
0x19: {  	_ =	swait.ge [sflag:s16], $0x1E00  }
0x1a: {  	[sflag:s16] =	ssyncset.done $0x0  }
0x1b: {  	[sflag:s16] =	ssyncadd.s32 $0xFFFFE200  }
0x1c: {  	[tilespmem:s17], [sflag:$0x3] =	stream.linear.gather [hbm4b:s8+s4], $0x1E00, $0x38;
	[tilespmem:$0xE700] =	vst v63  }
0x1d: {  	_ =	swait.ge [sflag:s16], $0x1E00  }
0x1e: {  	[sflag:s16] =	ssyncset.done $0x0  }
0x1f: {  	[sflag:s16] =	ssyncadd.s32 $0xFFFFE200  }
0x20: {  	[tilespmem:s18], [sflag:$0x3] =	stream.linear.gather [hbm4b:s9+s4], $0x1E00, $0x38;
	[tilespmem:$0xE700] =	vst v63  }
0x21: {  	_ =	swait.ge [sflag:s16], $0x1E00  }
0x22: {  	[sflag:s16] =	ssyncset.done $0x0  }
0x23: {  	[sflag:s16] =	ssyncadd.s32 $0xFFFFE200  }
0x24: {  	[tilespmem:s19], [sflag:$0x3] =	stream.linear.gather [hbm4b:s10+s4], $0x1E00, $0x38;
	[tilespmem:$0xE700] =	vst v63  }
0x25: {  	_ =	swait.ge [sflag:s16], $0x1E00  }
0x26: {  	[sflag:s16] =	ssyncset.done $0x0  }
0x27: {  	[sflag:s16] =	ssyncadd.s32 $0xFFFFE200  }
0x28: {  	[bflag:$0x0] =	sbarrier.arrive $0xFFFF  }
0x29: {  	[tilespmem:s21], [sflag:$0x1] =	stream.indirect.gather [hbm4b:s1+s20], $0x20, s4, s20, $0xb8;
	[tilespmem:$0xE700] =	vst v63  }
0x2a: {  	_ = 	snop  }
0x2b: {  	[tilespmem:s22], [sflag:$0x2] =	stream.indirect.gather [hbm4b:s1+s20], $0x20, s20, s20, $0xb8;
	[tilespmem:$0xE700] =	vst v63  }
0x2c: {  	_ =	swait.ge [sflag:s23], $0x1000  }
0x2d: {  	[sflag:s23] =	ssyncset.done $0x0  }
0x2e: {  	s26 =	simm.s32 $0x3C00;
	[sflag:s23] =	ssyncadd.s32 $0xFFFFF000  }
0x2f: {  	[spmem:s3] =	stream.indirect.scatter.add.f32 [tilespmem:s21], [sflag:$0x3], $0x20, s26, s20, $0xb8;
	[tilespmem:$0xE700] =	vst v63  }
0x30: {  	p0 =	sgt.s32 s11, $0x2;
	s28 =	smov.u32 s11;
	s26 =	simm.s32 $0x2  }
0x31: {  	_ =	swait.ge [sflag:s16], $0x1000;
	s28 =	smov.u32 @p0 s26  }
0x32: {  	[sflag:s16] =	ssyncset.done $0x0;
	s26 =	sshll.u32 s28, $0x9  }
0x33: {  	s29 =	simm.s32 $0x400;
	[sflag:s16] =	ssyncadd.s32 $0xFFFFF000;
	s26 =	sshra.s32 s26, $0x2  }
0x34: {  	[tilespmem:s21], [sflag:$0x1] =	stream.indirect.gather [hbm4b:s1+s20], $0x20, s26, s20, $0xb8;
	[tilespmem:$0xE700] =	vst v63  }
0x35: {  	s31 =	simm.s32 $0x3C80;
	p1 =	sne.s32 s14, $0x400;
	_ =	swait.ge [sflag:s24], $0x1000  }
.Ltmp0:
0x36: {  	s30 =	simm.s32 $0x3;
	[sflag:s24] =	ssyncset.done $0x0;
	(pc) =	sbr.rel @!p1 .LBB2_3-.Ltmp0, $4  }
0x37: {  	p0 =	sgt.s32 s11, $0x3;
	s26 =	smov.u32 s11;
	[sflag:s24] =	ssyncadd.s32 $0xFFFFF000  }
0x38: {  	[spmem:s3] =	stream.indirect.scatter.add.f32 [tilespmem:s22], [sflag:$0x3], $0x20, s31, s20, $0xb8;
	[tilespmem:$0xE700] =	vst v63  }
0x39: {  	s28 =	simm.s32 $0x5;
	s26 =	smov.u32 @p0 s30;
	_ =	swait.ge [sflag:s16], $0x1000  }
0x3a: {  	s30 =	sshll.u32 s26, $0x9;
	s26 =	simm.s32 $0x7;
	[sflag:s16] =	ssyncset.done $0x0  }
.LBB2_2:
0x3b: {  	s28 =	smov.u32 s26;
	s30 =	sshra.s32 s30, $0x2  }
0x3c: {  	s31 =	smov.u32 s29;
	s29 =	sadd.s32 $0x400, s29;
	[sflag:s16] =	ssyncadd.s32 $0xFFFFF000  }
0x3d: {  	[tilespmem:s22], [sflag:$0x2] =	stream.indirect.gather [hbm4b:s1+s20], $0x20, s30, s20, $0xb8;
	[tilespmem:$0xE700] =	vst v63  }
0x3e: {  	p0 =	sne.s32 s14, s29;
	_ =	swait.ge [sflag:s23], $0x1000  }
0x3f: {  	s30 =	sshra.s32 s31, $0x2;
	[sflag:s23] =	ssyncset.done $0x0  }
0x40: {  	s0 =	sadd.s32 $0xFFFFFFFD, s26;
	s31 =	sadd.s32 $0x3C00, s30;
	[sflag:s23] =	ssyncadd.s32 $0xFFFFF000  }
0x41: {  	[spmem:s3] =	stream.indirect.scatter.add.f32 [tilespmem:s21], [sflag:$0x3], $0x20, s31, s20, $0xb8;
	[tilespmem:$0xE700] =	vst v63  }
0x42: {  	p1 =	slt.s32 s0, s11;
	s31 =	smov.u32 s11;
	_ =	swait.ge [sflag:s16], $0x1000  }
0x43: {  	s31 =	smov.u32 @p1 s0;
	[sflag:s16] =	ssyncset.done $0x0  }
0x44: {  	s0 =	sshll.u32 s31, $0x9;
	[sflag:s16] =	ssyncadd.s32 $0xFFFFF000  }
0x45: {  	s0 =	sshra.s32 s0, $0x2  }
0x46: {  	[tilespmem:s21], [sflag:$0x1] =	stream.indirect.gather [hbm4b:s1+s20], $0x20, s0, s20, $0xb8;
	[tilespmem:$0xE700] =	vst v63  }
0x47: {  	_ =	swait.ge [sflag:s24], $0x1000  }
0x48: {  	s0 =	sadd.s32 $0x3C80, s30;
	s30 =	sadd.s32 $0xFFFFFFFE, s26;
	[sflag:s24] =	ssyncset.done $0x0  }
.Ltmp1:
0x49: {  	p1 =	slt.s32 s30, s11;
	[sflag:s24] =	ssyncadd.s32 $0xFFFFF000;
	(pc) =	sbr.rel @p0 .LBB2_2-.Ltmp1, $4  }
0x4a: {  	[spmem:s3] =	stream.indirect.scatter.add.f32 [tilespmem:s22], [sflag:$0x3], $0x20, s0, s20, $0xb8;
	[tilespmem:$0xE700] =	vst v63  }
0x4b: {  	s0 =	smov.u32 s11  }
0x4c: {  	_ =	swait.ge [sflag:s16], $0x1000;
	s0 =	smov.u32 @p1 s30  }
0x4d: {  	s26 =	sadd.s32 $0x2, s26;
	[sflag:s16] =	ssyncset.done $0x0;
	s30 =	sshll.u32 s0, $0x9  }
.LBB2_3:
0x4e: {  	[sflag:s16] =	ssyncadd.s32 $0xFFFFF000;
	s0 =	sshra.s32 s30, $0x2  }
0x4f: {  	[tilespmem:s22], [sflag:$0x2] =	stream.indirect.gather [hbm4b:s1+s20], $0x20, s0, s20, $0xb8;
	[tilespmem:$0xE700] =	vst v63  }
0x50: {  	_ =	swait.ge [sflag:s23], $0x1000  }
0x51: {  	s0 =	sshra.s32 s29, $0x2;
	[sflag:s23] =	ssyncset.done $0x0  }
0x52: {  	s29 =	sadd.s32 $0x3C00, s0;
	[sflag:s23] =	ssyncadd.s32 $0xFFFFF000  }
0x53: {  	[spmem:s3] =	stream.indirect.scatter.add.f32 [tilespmem:s21], [sflag:$0x3], $0x20, s29, s20, $0xb8;
	[tilespmem:$0xE700] =	vst v63  }
0x54: {  	s29 =	sadd.s32 $0xFFFFFFFD, s26  }
0x55: {  	s30 =	smov.u32 s11;
	p0 =	slt.s32 s29, s11  }
0x56: {  	_ =	swait.ge [sflag:s16], $0x1000;
	s30 =	smov.u32 @p0 s29  }
0x57: {  	[sflag:s16] =	ssyncset.done $0x0;
	s29 =	sshll.u32 s30, $0x9  }
0x58: {  	[sflag:s16] =	ssyncadd.s32 $0xFFFFF000;
	s29 =	sshra.s32 s29, $0x2  }
0x59: {  	[tilespmem:s21], [sflag:$0x1] =	stream.indirect.gather [hbm4b:s1+s20], $0x20, s29, s20, $0xb8;
	[tilespmem:$0xE700] =	vst v63  }
0x5a: {  	_ =	swait.ge [sflag:s24], $0x1000  }
0x5b: {  	p0 =	slt.s32 s28, s11;
	[sflag:s24] =	ssyncset.done $0x0  }
0x5c: {  	s30 =	sadd.s32 $0x3C80, s0;
	s29 =	smov.u32 s11;
	[sflag:s24] =	ssyncadd.s32 $0xFFFFF000  }
0x5d: {  	[spmem:s3] =	stream.indirect.scatter.add.f32 [tilespmem:s22], [sflag:$0x3], $0x20, s30, s20, $0xb8;
	[tilespmem:$0xE700] =	vst v63  }
0x5e: {  	s29 =	smov.u32 @p0 s28;
	_ =	swait.ge [sflag:s16], $0x1000  }
0x5f: {  	s28 =	sshll.u32 s29, $0x9;
	[sflag:s16] =	ssyncset.done $0x0  }
0x60: {  	s28 =	sshra.s32 s28, $0x2;
	[sflag:s16] =	ssyncadd.s32 $0xFFFFF000  }
0x61: {  	[tilespmem:s22], [sflag:$0x2] =	stream.indirect.gather [hbm4b:s1+s20], $0x20, s28, s20, $0xb8;
	[tilespmem:$0xE700] =	vst v63  }
0x62: {  	_ =	swait.ge [sflag:s23], $0x1000  }
0x63: {  	s31 =	sadd.s32 $0x3D00, s0;
	s28 =	sadd.s32 $0xFFFFFFFF, s26;
	[sflag:s23] =	ssyncset.done $0x0  }
0x64: {  	s29 =	smov.u32 s11;
	p0 =	slt.s32 s28, s11;
	[sflag:s23] =	ssyncadd.s32 $0xFFFFF000  }
0x65: {  	[spmem:s3] =	stream.indirect.scatter.add.f32 [tilespmem:s21], [sflag:$0x3], $0x20, s31, s20, $0xb8;
	[tilespmem:$0xE700] =	vst v63  }
0x66: {  	s29 =	smov.u32 @p0 s28;
	_ =	swait.ge [sflag:s16], $0x1000  }
0x67: {  	s28 =	sshll.u32 s29, $0x7;
	[sflag:s16] =	ssyncset.done $0x0  }
0x68: {  	s28 =	sand.u32 $0x3FFFFF80, s28;
	[sflag:s16] =	ssyncadd.s32 $0xFFFFF000  }
0x69: {  	[tilespmem:s21], [sflag:$0x1] =	stream.indirect.gather [hbm4b:s1+s20], $0x20, s28, s20, $0xb8;
	[tilespmem:$0xE700] =	vst v63  }
0x6a: {  	_ =	swait.ge [sflag:s24], $0x1000  }
0x6b: {  	[sflag:s24] =	ssyncset.done $0x0  }
0x6c: {  	s0 =	sadd.s32 $0x3D80, s0;
	[sflag:s24] =	ssyncadd.s32 $0xFFFFF000  }
0x6d: {  	[spmem:s3] =	stream.indirect.scatter.add.f32 [tilespmem:s22], [sflag:$0x3], $0x20, s0, s20, $0xb8;
	[tilespmem:$0xE700] =	vst v63  }
0x6e: {  	p0 =	slt.s32 s26, s11;
	s0 =	smov.u32 s11  }
0x6f: {  	_ =	swait.ge [sflag:s16], $0x1000;
	s0 =	smov.u32 @p0 s26  }
0x70: {  	[sflag:s16] =	ssyncset.done $0x0;
	s0 =	sshll.u32 s0, $0x7  }
0x71: {  	[sflag:s16] =	ssyncadd.s32 $0xFFFFF000;
	s0 =	sand.u32 $0x3FFFFF80, s0  }
0x72: {  	[tilespmem:s22], [sflag:$0x2] =	stream.indirect.gather [hbm4b:s1+s20], $0x20, s0, s20, $0xb8;
	[tilespmem:$0xE700] =	vst v63  }
0x73: {  	_ =	swait.ge [sflag:s23], $0x1000  }
0x74: {  	[sflag:s23] =	ssyncset.done $0x0  }
0x75: {  	[sflag:s23] =	ssyncadd.s32 $0xFFFFF000  }
0x76: {  	_ =	swait.ge [sflag:s24], $0x1000  }
0x77: {  	s25 =	sadd.s32 $0x1, s25;
	[sflag:s24] =	ssyncset.done $0x0  }
0x78: {  	p0 =	sne.s32 s25, s13;
	[sflag:s24] =	ssyncadd.s32 $0xFFFFF000  }
.Ltmp2:
0x79: {  	[bflag:$0x0] =	sbarrier.arrive $0xFFFF;
	(pc) =	sbr.rel @p0 .LBB2_1-.Ltmp2, $4  }
0x7a: {  	[hbm:s12], [sflag:s6] =	dma.local [spmem:s15], $0x9E0  }
0x7b: {  	_ =	swait.ge [sflag:s16], $0x9E0  }
0x7c: {  	[sflag:s16] =	ssyncset.done $0x0  }
0x7d: {  	[sflag:s16] =	ssyncadd.s32 $0xFFFFF620  }
0x7e: {  	_ =	sfence.sel $0x180000  }
0x7f: {  	[bflag:$0x0] =	sbarrier.arrive $0xFFFF  }
0x80: {  	_ =	strace $0x90000053  }
0x81: {  	[bflag:$0x2] =	sbarrier.arrive $0xFFFF  }
0x82: {  	p0 =	sne.s32 s2, $0x0;
	s0 =	rddreg [dreg:$0x3]  }
0x83: {  	s0 =	sadd.s32 @!p0 $0x100000, s0  }
0x84: {  	[sflag:s0] =	ssyncadd.tile.s32 @!p0 $0x1;
	_ =	shalt  }
.Lfunc_end2:
_tile_overlayer_lowered:
.L_overlay_start_2:
0x85: {  	(tag) =	ssettag $0x2  }
0x86: {  	s0 =	rddreg [dreg:$0x0];
	s2 =	stileid.u32  }
0x87: {  	s1 =	rddreg [dreg:$0x1];
	p0 =	sne.s32 s2, $0x0  }
0x88: {  	s3 =	rddreg [dreg:$0x2];
	[bflag:$0x3] =	sbarrier.arrive $0xFFFF;
	s2 =	simm.s32 @!p0 $0x1C03  }
0x89: {  	[timem:s3], [sflag:s2] =	dma.local @!p0 [hbm:s0], s1  }
0x8a: {  	s0 =	simm.s32 @!p0 $0x3  }
0x8b: {  	_ =	swait.ge @!p0 [sflag:s0], s1  }
0x8c: {  	s1 =	ssub.s32 @!p0 $0x0, s1;
	[sflag:s0] =	ssyncset.done @!p0 $0x0  }
0x8d: {  	[sflag:s0] =	ssyncadd.s32 @!p0 s1  }
0x8e: {  	[bflag:$0x3] =	sbarrier.arrive $0xFFFF  }
0x8f: {  	_ =	shalt  }

// kernel: kernel.28.cloned.1.call-start
scs
__scs_entry_jumppad:
0x0: {  	(pc) =	sbr.rel $0x88, $3  }
0x1: {  	(tag) =	ssettag $0x0;
	lr =	simm.s32 $0x1  }
0x2: {  	[smem:$0x3F89] =	sst lr;
	_ =	strace $0xD0000000  }
0x3: {  	_ = 	snop  }
0x4: {  	_ = 	snop  }
0x5: {  	_ = 	snop  }
0x6: {  	_ = 	snop  }
0x7: {  	_ = 	snop  }
__scs_overlays_trampoline_lowered:
0x8: {  	[smem:$0x3F98] =	sst s0  }
0x9: {  	[smem:$0x3F99] =	sst s1  }
0xa: {  	[smem:$0x3F9A] =	sst s2  }
0xb: {  	[smem:$0x3F9B] =	sst s3  }
0xc: {  	[smem:$0x3F9C] =	sst s4  }
0xd: {  	[smem:$0x3F9D] =	sst s5  }
0xe: {  	[smem:$0x3F9E] =	sst s6  }
0xf: {  	[smem:$0x3F9F] =	sst s7  }
0x10: {  	[smem:$0x3FA0] =	sst s8  }
0x11: {  	[smem:$0x3FA1] =	sst s9;
	s0 =	simm.s32 @!p0 $0x0  }
0x12: {  	s1 =	sld [smem:$0x3F87];
	s0 =	simm.s32 @p0 $0x1  }
0x13: {  	[smem:$0x3FA2] =	sst s0;
	s0 =	simm.s32 @!p1 $0x0  }
0x14: {  	s2 =	sld [smem:$0x3F86];
	s0 =	simm.s32 @p1 $0x1  }
0x15: {  	[smem:$0x3FA3] =	sst s0;
	s0 =	simm.s32 @!p2 $0x0  }
0x16: {  	s3 =	sld [smem:$0x3FDB];
	s0 =	simm.s32 @p2 $0x1  }
0x17: {  	s4 =	simm.s32 $0x1BF5;
	[smem:$0x3FA5] =	sst s0  }
0x18: {  	s0 =	sld [smem:$0x3F88];
	_ =	swait.ge [sflag:s4], $0x0  }
0x19: {  	s7 =	sld [smem:$0x3F89]  }
0x1a: {  	s8 =	sadd.s32 $0xFFFFE003, lr  }
0x1b: {  	s9 =	sadd.s32 $0xFFFFFEF7, lr;
	s5 =	simm.s32 $0xFFFFFFFF;
	p2 =	slt.u32 s8, $0xFFFFF086  }
0x1c: {  	p1 =	slt.u32 s9, $0xF7A;
	s5 =	simm.s32 @!p2 $0x0  }
0x1d: {  	s5 =	simm.s32 @p1 $0x1;
	p0 =	seq.s32 s7, s2  }
0x1e: {  	s7 =	smul.u32 @!p0 $0xF7A, s2;
	p2 =	seq.s32 @!p0 s5, $0x0  }
0x1f: {  	s9 =	smul.u32 $0xF7A, s1;
	s8 =	simm.s32 @!p0 $0x1BF5;
	p2 =	por !p2, p0  }
0x20: {  	[sflag:s8] =	ssyncset.s32 @!p0 $0xFFFFF086;
	s6 =	sadd.s32 @!p0 s3, s7;
	s7 =	simm.s32 @!p0 $0x108  }
0x21: {  	s3 =	sadd.s32 s3, s9;
	s6 =	sadd.s32 @!p0 $0x88, s6;
	s7 =	simm.s32 @p2 $0x1082  }
0x22: {  	[simem:s7], [sflag:s8] =	dma.local @!p0 [hbm:s6], $0xF7A  }
0x23: {  	s9 =	sor.u32 $0xD0000000, s2;
	s6 =	simm.s32 $0x108;
	_ =	swait.ge @!p0 [sflag:s8], $0x0  }
0x24: {  	s3 =	sadd.s32 $0x88, s3;
	s6 =	simm.s32 @!p1 $0x1082;
	[sflag:s4] =	ssyncset.s32 $0xFFFFF086  }
0x25: {  	[simem:s6], [sflag:s4] =	dma.local [hbm:s3], $0xF7A  }
0x26: {  	[smem:$0x3F89] =	sst s1;
	(tag) =	ssettag s2;
	_ =	strace s9  }
0x27: {  	s1 =	sld [smem:$0x3F99]  }
0x28: {  	s2 =	sld [smem:$0x3F9A]  }
0x29: {  	s4 =	sld [smem:$0x3F9C]  }
0x2a: {  	p0 =	seq.s32 s5, $0x0;
	s5 =	sld [smem:$0x3F9D]  }
0x2b: {  	s6 =	sld [smem:$0x3F9E]  }
0x2c: {  	s7 =	sld [smem:$0x3F9F]  }
0x2d: {  	s3 =	simm.s32 $0x108;
	s8 =	sld [smem:$0x3FA0]  }
0x2e: {  	s3 =	simm.s32 @!p0 $0x1082;
	s9 =	sld [smem:$0x3FA1]  }
0x2f: {  	lr =	sadd.s32 s0, s3;
	s0 =	sld [smem:$0x3F98]  }
0x30: {  	s3 =	sld [smem:$0x3F9B]  }
0x31: {  	[smem:$0x3FA4] =	sst s10  }
0x32: {  	s10 =	sld [smem:$0x3FA2];
	_ =	sdelay $0x3  }
0x33: {  	p0 =	seq.s32 s10, $0x1;
	s10 =	sld [smem:$0x3FA4];
	_ =	sdelay $0x3  }
0x34: {  	[smem:$0x3FA4] =	sst s10  }
0x35: {  	s10 =	sld [smem:$0x3FA3];
	_ =	sdelay $0x3  }
0x36: {  	p1 =	seq.s32 s10, $0x1;
	s10 =	sld [smem:$0x3FA4];
	_ =	sdelay $0x3  }
0x37: {  	[smem:$0x3FA4] =	sst s10  }
0x38: {  	s10 =	sld [smem:$0x3FA5]  }
0x39: {  	_ = 	snop;
	(pc) =	sbr.ind lr, $3  }
0x3a: {  	_ = 	snop  }
0x3b: {  	_ = 	snop  }
0x3c: {  	p2 =	seq.s32 s10, $0x1;
	s10 =	sld [smem:$0x3FA4]  }
0x3d: {  	_ =	shalt  }
0x3e: {  	_ =	shalt  }
0x3f: {  	_ =	shalt  }
0x40: {  	_ =	shalt  }
0x41: {  	_ =	shalt  }
0x42: {  	_ =	shalt  }
0x43: {  	_ =	shalt  }
0x44: {  	_ =	shalt  }
0x45: {  	_ =	shalt  }
0x46: {  	_ =	shalt  }
0x47: {  	_ =	shalt  }
0x48: {  	_ =	shalt  }
0x49: {  	_ =	shalt  }
0x4a: {  	_ =	shalt  }
0x4b: {  	_ =	shalt  }
0x4c: {  	_ =	shalt  }
0x4d: {  	_ =	shalt  }
0x4e: {  	_ =	shalt  }
0x4f: {  	_ =	shalt  }
0x50: {  	_ =	shalt  }
0x51: {  	_ =	shalt  }
0x52: {  	_ =	shalt  }
0x53: {  	_ =	shalt  }
0x54: {  	_ =	shalt  }
0x55: {  	_ =	shalt  }
0x56: {  	_ =	shalt  }
0x57: {  	_ =	shalt  }
0x58: {  	_ =	shalt  }
0x59: {  	_ =	shalt  }
0x5a: {  	_ =	shalt  }
0x5b: {  	_ =	shalt  }
0x5c: {  	_ =	shalt  }
0x5d: {  	_ =	shalt  }
0x5e: {  	_ =	shalt  }
0x5f: {  	_ =	shalt  }
0x60: {  	_ =	shalt  }
0x61: {  	_ =	shalt  }
0x62: {  	_ =	shalt  }
0x63: {  	_ =	shalt  }
0x64: {  	_ =	shalt  }
0x65: {  	_ =	shalt  }
0x66: {  	_ =	shalt  }
0x67: {  	_ =	shalt  }
0x68: {  	_ =	shalt  }
0x69: {  	_ =	shalt  }
0x6a: {  	_ =	shalt  }
0x6b: {  	_ =	shalt  }
0x6c: {  	_ =	shalt  }
0x6d: {  	_ =	shalt  }
0x6e: {  	_ =	shalt  }
0x6f: {  	_ =	shalt  }
0x70: {  	_ =	shalt  }
0x71: {  	_ =	shalt  }
0x72: {  	_ =	shalt  }
0x73: {  	_ =	shalt  }
0x74: {  	_ =	shalt  }
0x75: {  	_ =	shalt  }
0x76: {  	_ =	shalt  }
0x77: {  	_ =	shalt  }
0x78: {  	_ =	shalt  }
0x79: {  	_ =	shalt  }
0x7a: {  	_ =	shalt  }
0x7b: {  	_ =	shalt  }
0x7c: {  	_ =	shalt  }
0x7d: {  	_ =	shalt  }
0x7e: {  	_ =	shalt  }
0x7f: {  	_ =	shalt  }
0x80: {  	_ =	shalt  }
0x81: {  	_ =	shalt  }
0x82: {  	_ =	shalt  }
0x83: {  	_ =	shalt  }
0x84: {  	_ =	shalt  }
0x85: {  	_ =	shalt  }
0x86: {  	_ =	shalt  }
0x87: {  	_ =	shalt  }
.Lfunc_end0:
.L_simem_size_0:
called_computation.5_lowered:
.L_overlay_start_0:
0x88: {  	s2 =	sld [smem:$0x3FD9]  }
0x89: {  	s3 =	sld [smem:$0x3FFE];
	_ =	sdelay $0x1  }
0x8a: {  	s1 =	srdreg.scid  }
0x8b: {  	s0 =	sand.u32 $0x1, s1  }
0x8c: {  	s14 =	sshll.u32 s0, $0xA;
	s2 =	sadd.s32 s3, s2  }
0x8d: {  	s2 =	sadd.s32 s2, s14  }
0x8e: {  	[smem:$0x3FB0] =	sst s2  }
0x8f: {  	_ = 	snop  }
0x90: {  	s2 =	sld [smem:$0x3FD0];
	_ =	sdelay $0x2  }
0x91: {  	s15 =	simm.s32 $0xB;
	s4 =	simm.s32 $0x10  }
0x92: {  	[smem:s4], [sflag:s15] =	dma.local [hbm:s2], $0x1  }
0x93: {  	_ =	swait.eq [sflag:s15], $0x1  }
0x94: {  	[sflag:s15] =	ssyncset.done $0x0  }
0x95: {  	[sflag:s15] =	ssyncadd.s32 $0xFFFFFFFF  }
0x96: {  	s16 =	sld [smem:$0x10];
	(tm) =	ssettm $0x1  }
0x97: {  	s17 =	sld [smem:$0x3FFB];
	_ =	sdelay $0x3  }
0x98: {  	_ =	strace s17  }
0x99: {  	s3 =	sld [smem:$0x3FFC];
	_ =	sdelay $0x3  }
0x9a: {  	_ =	strace s3  }
0x9b: {  	s3 =	sld [smem:$0x3FFD];
	_ =	sdelay $0x3  }
0x9c: {  	_ =	strace s3  }
0x9d: {  	_ =	strace $0x8FFFFFFF  }
0x9e: {  	s18 =	sld [smem:$0x3FDB];
	_ =	sdelay $0x1  }
0x9f: {  	s19 =	simm.s32 $_scs_section_size  }
0xa0: {  	s5 =	simm.s32 $_size__tile_overlayer_lowered;
	s6 =	simm.s32 $_tile_overlayer_lowered  }
0xa1: {  	s22 =	simm.s32 $0x1BFF;
	s21 =	sshll.u32 s6, $0x1;
	s3 =	sadd.s32 s19, s18  }
0xa2: {  	s7 =	simm.s32 $0x0;
	s20 =	sshll.u32 s5, $0x1;
	s5 =	sadd.s32 s21, s3  }
0xa3: {  	[timem:s7], [sflag:s22] =	dma.local [hbm:s5], s20  }
0xa4: {  	_ =	swait.ge [sflag:s22], s20  }
0xa5: {  	s4 =	ssub.s32 $0x0, s20;
	[sflag:s22] =	ssyncset.done $0x0  }
0xa6: {  	[sflag:s22] =	ssyncadd.s32 s4;
	_ =	sdelay $0x1  }
0xa7: {  	s23 =	simm.s32 $0x1B8B  }
0xa8: {  	_ =	swait.ge [sflag:s23], $0x1  }
0xa9: {  	[sflag:s23] =	ssyncset.done $0x0  }
0xaa: {  	s25 =	simm.s32 $0x1B8E;
	s24 =	sld [smem:$0x3FFE];
	[sflag:s23] =	ssyncadd.s32 $0xFFFFFFFF  }
0xab: {  	s26 =	simm.s32 $execute0_lowered;
	[smem:$0x3FD2] =	sst s25  }
0xac: {  	s5 =	sshll.u32 s26, $0x1;
	_ =	strace $0x80000055;
	[dreg:$0x1] =	wrdreg $0xFFFFFFFF  }
0xad: {  	s28 =	simm.s32 $_size_execute0_lowered;
	s3 =	sadd.s32 s3, s5;
	[dreg:$0x0] =	wrdreg $0x0  }
0xae: {  	s5 =	sshll.u32 s28, $0x1;
	[dreg:$0x2] =	wrdreg s3  }
0xaf: {  	[dreg:$0x3] =	wrdreg s5  }
0xb0: {  	[dreg:$0x4] =	wrdreg $0xC0  }
0xb1: {  	_ =	task [dreg:s7], $0x5FFFF  }
0xb2: {  	[dreg:$0x1] =	wrdreg $0xFFFFFFFF  }
0xb3: {  	[dreg:$0x0] =	wrdreg $0x60  }
0xb4: {  	[dreg:$0x2] =	wrdreg s24  }
0xb5: {  	[dreg:$0x3] =	wrdreg s16  }
0xb6: {  	[dreg:$0x4] =	wrdreg $0x9  }
0xb7: {  	_ =	task.clear_ibuf [dreg:s7], $0x5FFFF;
	_ =	strace $0x90000055  }
0xb8: {  	s29 =	simm.s32 $0x9;
	_ =	strace $0x80000057  }
0xb9: {  	_ =	swait.ge [sflag:s29], $0x1  }
0xba: {  	[sflag:s29] =	ssyncadd.s32 $0xFFFFFFFF  }
0xbb: {  	_ =	strace $0x90000057  }
0xbc: {  	_ =	sfence  }
0xbd: {  	s30 =	sld [smem:$0x0];
	_ =	sdelay $0x2  }
0xbe: {  	s31 =	sshll.u32 s1, $0xD;
	s1 =	sshrl.u32 s1, $0x2  }
0xbf: {  	s3 =	sand.u32 $0x4000, s31;
	s1 =	sadd.s32 s1, s30  }
0xc0: {  	s0 =	sor.u32 s3, s0;
	s1 =	sshll.u32 s1, $0x11  }
0xc1: {  	s0 =	sor.u32 s1, s0  }
0xc2: {  	s0 =	sadd.s32 $0x8F2B, s0  }
0xc3: {  	[sflag:s0] =	ssyncadd.remote.s32 $0x1  }
0xc4: {  	_ =	sfence.sel $0xFFFF  }
0xc5: {  	[dreg:$0x0] =	wrdreg $0xFFFFFFFF;
	(pc) =	sbr.abs _section_cstart, $3  }
0xc6: {  	[dreg:$0x1] =	wrdreg $0xFFFFFFFF  }
0xc7: {  	_ =	task.clear_ibuf [dreg:s7], $0x2FFFF;
	_ =	strace $0x9FFFFFFF  }
0xc8: {  	(tm) =	ssettm $0x7FFFFFFF  }
0xc9: {  	_ =	shalt  }
tec
execute0_lowered:
.L_overlay_start_1:
0x0: {  	(tag) =	ssettag $0x1  }
0x1: {  	s0 =	rddreg [dreg:$0x0]  }
0x2: {  	s1 =	rddreg [dreg:$0x1]  }
0x3: {  	s6 =	stileid.u32;
	s3 =	srdreg.scid  }
0x4: {  	s2 =	simm.s32 $0x0;
	s11 =	simm.s32 $0x4C;
	s13 =	simm.s32 $0x5  }
0x5: {  	s15 =	simm.s32 $0x2600;
	s17 =	simm.s32 $0xDE00;
	s18 =	simm.s32 $0xE600  }
0x6: {  	s19 =	simm.s32 $0xEE00;
	s20 =	simm.s32 $0xF600;
	s21 =	simm.s32 $0xFE00  }
0x7: {  	s22 =	simm.s32 $0x10600;
	s23 =	simm.s32 $0x10E00;
	s28 =	simm.s32 $0x2  }
0x8: {  	s29 =	simm.s32 $0x3;
	s30 =	simm.s32 $0x4;
	s4 =	smul.u32 $0x18, s6  }
0x9: {  	s5 =	sand.u32 $0x1, s3;
	s6 =	smul.u32 $0x4C, s6;
	[smem:$0x7FF] =	sst s2  }
0xa: {  	s3 =	sadd.s32 $0x1CCC00, s0;
	p0 =	seq.s32 s5, $0x0;
	_ =	strace $0x80000056  }
0xb: {  	s8 =	ssub.s32 $0x2, s5;
	s5 =	sadd.s32 $0x269000, s0;
	s7 =	sadd.s32 $0x4C0, s4  }
0xc: {  	s4 =	sadd.s32 $0x21AE00, s0;
	s10 =	sshrl.u32 s8, $0x1;
	s11 =	simm.s32 @!p0 $0x18  }
0xd: {  	s7 =	smov.u32 @p0 s6;
	s24 =	ssub.s32 s8, s10;
	s8 =	sshrl.u32 s11, $0x1  }
0xe: {  	s10 =	sadd.s32 $0xFFFFFFFF, s11;
	s6 =	sshll.u32 s7, $0x3;
	s25 =	sshll.u32 s7, $0xB  }
0xf: {  	s9 =	sadd.s32 s6, s0;
	s1 =	sadd.s32 s1, s6;
	s31 =	sadd.s32 s25, s5  }
0x10: {  	s0 =	smax.u32 s24, $0x1;
	s24 =	simm.s32 $0x11600;
	s25 =	simm.s32 $0x11E00  }
0x11: {  	v2 =	vlaneseq.u32;
	s6 =	simm.s32 $0x0;
	[dreg:$0x3] =	wrdreg s1;
	s26 =	sadd.s32 $0x93A00, s9  }
0x12: {  	vm0 =	vmmov $0xffff;
	v1 =	vshrl.u32 v2, $0x3;
	s9 =	sshll.u32 s7, $0xE;
	s11 =	sadd.s32 $0x800, s31;
	[dreg:$0x5] =	wrdreg s0  }
0x13: {  	v0 =	vand.u32 $0x7, v2;
	v2 =	vor.u32 $0x8, v2;
	v1 =	vmul.u32 $0x8, v1;
	s0 =	simm.s32 $0xA600;
	[dreg:$0x4] =	wrdreg s26;
	s26 =	simm.s32 $0x1  }
.LBB2_1:
0x14: {  	[dreg:$0x6] =	wrdreg s6  }
0x15: {  	s1 =	rddreg [dreg:$0x3]  }
0x16: {  	[tilespmem:s2], [sflag:$0x5] =	stream.linear.gather [hbm4b:s1+s2], $0x1300, $0x38;
	[tilespmem:$0x12600] =	vst v63  }
0x17: {  	_ =	swait.ge [sflag:s13], $0x1300  }
0x18: {  	[sflag:s13] =	ssyncset.done $0x0  }
0x19: {  	s14 =	simm.s32 $0x1300;
	s12 =	rddreg [dreg:$0x4];
	[sflag:s13] =	ssyncadd.s32 $0xFFFFED00  }
0x1a: {  	[tilespmem:s14], [sflag:$0x5] =	stream.linear.gather [hbm4b:s12+s2], $0x1300, $0x38;
	[tilespmem:$0x12600] =	vst v63  }
0x1b: {  	_ =	swait.ge [sflag:s13], $0x1300  }
0x1c: {  	[sflag:s13] =	ssyncset.done $0x0  }
0x1d: {  	[sflag:s13] =	ssyncadd.s32 $0xFFFFED00  }
0x1e: {  	v3 =	vld [tilespmem:$0x0];
	_ =	sdelay $0x4  }
0x1f: {  	v4 =	vshll.u32 v3, $0x1  }
0x20: {  	v3 =	vand.u32 $0x7, v3;
	v4 =	vand.u32 $0xFFFFFFF0, v4  }
0x21: {  	v3 =	vor.u32 v3, v4  }
0x22: {  	v4 =	vperm.xlane v3, v0;
	_ =	sdelay $0x1  }
0x23: {  	v3 =	vperm.xlane v3, v2;
	v4 =	vadd.s32 v1, v4;
	_ =	sdelay $0x1  }
0x24: {  	v3 =	vadd.s32 v1, v3;
	_ =	sdelay $0x2  }
0x25: {  	[tilespmem:s15], [sflag:$0x1] =	stream.indirect_vreg.gather [hbm4b:s3+s2], $0x80, v4, vm0, $0xb8;
	[tilespmem:$0x12600] =	vst v63  }
0x26: {  	s16 =	simm.s32 $0x2E00  }
0x27: {  	[tilespmem:s16], [sflag:$0x1] =	stream.indirect_vreg.gather [hbm4b:s3+s2], $0x80, v3, vm0, $0xb8;
	[tilespmem:$0x12600] =	vst v63  }
0x28: {  	v3 =	vld [tilespmem:$0x10];
	_ =	sdelay $0x4  }
0x29: {  	v49 =	vshll.u32 v3, $0x1  }
0x2a: {  	v3 =	vand.u32 $0x7, v3;
	v4 =	vand.u32 $0xFFFFFFF0, v49  }
0x2b: {  	v3 =	vor.u32 v3, v4  }
0x2c: {  	v4 =	vperm.xlane v3, v0;
	_ =	sdelay $0x1  }
0x2d: {  	v3 =	vperm.xlane v3, v2;
	v4 =	vadd.s32 v1, v4;
	_ =	sdelay $0x1  }
0x2e: {  	v3 =	vadd.s32 v1, v3;
	_ =	sdelay $0x1  }
0x2f: {  	s6 =	simm.s32 $0x3600  }
0x30: {  	[tilespmem:s6], [sflag:$0x1] =	stream.indirect_vreg.gather [hbm4b:s3+s2], $0x80, v4, vm0, $0xb8;
	[tilespmem:$0x12600] =	vst v63  }
0x31: {  	s7 =	simm.s32 $0x3E00  }
0x32: {  	[tilespmem:s7], [sflag:$0x1] =	stream.indirect_vreg.gather [hbm4b:s3+s2], $0x80, v3, vm0, $0xb8;
	[tilespmem:$0x12600] =	vst v63  }
0x33: {  	v3 =	vld [tilespmem:$0x20];
	_ =	sdelay $0x4  }
0x34: {  	v50 =	vshll.u32 v3, $0x1  }
0x35: {  	v3 =	vand.u32 $0x7, v3;
	v4 =	vand.u32 $0xFFFFFFF0, v50  }
0x36: {  	v3 =	vor.u32 v3, v4  }
0x37: {  	v4 =	vperm.xlane v3, v0;
	_ =	sdelay $0x1  }
0x38: {  	v3 =	vperm.xlane v3, v2;
	v4 =	vadd.s32 v1, v4;
	_ =	sdelay $0x1  }
0x39: {  	v3 =	vadd.s32 v1, v3;
	_ =	sdelay $0x1  }
0x3a: {  	s12 =	simm.s32 $0x4600  }
0x3b: {  	[tilespmem:s12], [sflag:$0x1] =	stream.indirect_vreg.gather [hbm4b:s3+s2], $0x80, v4, vm0, $0xb8;
	[tilespmem:$0x12600] =	vst v63  }
0x3c: {  	s14 =	simm.s32 $0x4E00  }
0x3d: {  	[tilespmem:s14], [sflag:$0x1] =	stream.indirect_vreg.gather [hbm4b:s3+s2], $0x80, v3, vm0, $0xb8;
	[tilespmem:$0x12600] =	vst v63  }
0x3e: {  	v3 =	vld [tilespmem:$0x30];
	_ =	sdelay $0x4  }
0x3f: {  	v51 =	vshll.u32 v3, $0x1  }
0x40: {  	v3 =	vand.u32 $0x7, v3;
	v4 =	vand.u32 $0xFFFFFFF0, v51  }
0x41: {  	v3 =	vor.u32 v3, v4  }
0x42: {  	v4 =	vperm.xlane v3, v0;
	_ =	sdelay $0x1  }
0x43: {  	v3 =	vperm.xlane v3, v2;
	v4 =	vadd.s32 v1, v4;
	_ =	sdelay $0x1  }
0x44: {  	v3 =	vadd.s32 v1, v3;
	_ =	sdelay $0x1  }
0x45: {  	s16 =	simm.s32 $0x5600  }
0x46: {  	[tilespmem:s16], [sflag:$0x1] =	stream.indirect_vreg.gather [hbm4b:s3+s2], $0x80, v4, vm0, $0xb8;
	[tilespmem:$0x12600] =	vst v63  }
0x47: {  	s6 =	simm.s32 $0x5E00  }
0x48: {  	[tilespmem:s6], [sflag:$0x1] =	stream.indirect_vreg.gather [hbm4b:s3+s2], $0x80, v3, vm0, $0xb8;
	[tilespmem:$0x12600] =	vst v63  }
0x49: {  	v3 =	vld [tilespmem:$0x1300];
	_ =	sdelay $0x4  }
0x4a: {  	v52 =	vshll.u32 v3, $0x1  }
0x4b: {  	v3 =	vand.u32 $0x7, v3;
	v4 =	vand.u32 $0xFFFFFFF0, v52  }
0x4c: {  	v3 =	vor.u32 v3, v4  }
0x4d: {  	v4 =	vperm.xlane v3, v0;
	_ =	sdelay $0x1  }
0x4e: {  	v3 =	vperm.xlane v3, v2;
	v4 =	vadd.s32 v1, v4;
	_ =	sdelay $0x1  }
0x4f: {  	v3 =	vadd.s32 v1, v3;
	_ =	sdelay $0x1  }
0x50: {  	s7 =	simm.s32 $0x6600  }
0x51: {  	[tilespmem:s7], [sflag:$0x2] =	stream.indirect_vreg.gather [hbm4b:s4+s2], $0x80, v4, vm0, $0xb8;
	[tilespmem:$0x12600] =	vst v63  }
0x52: {  	s12 =	simm.s32 $0x6E00  }
0x53: {  	[tilespmem:s12], [sflag:$0x2] =	stream.indirect_vreg.gather [hbm4b:s4+s2], $0x80, v3, vm0, $0xb8;
	[tilespmem:$0x12600] =	vst v63  }
0x54: {  	v3 =	vld [tilespmem:$0x1310];
	_ =	sdelay $0x4  }
0x55: {  	v53 =	vshll.u32 v3, $0x1  }
0x56: {  	v3 =	vand.u32 $0x7, v3;
	v4 =	vand.u32 $0xFFFFFFF0, v53  }
0x57: {  	v3 =	vor.u32 v3, v4  }
0x58: {  	v4 =	vperm.xlane v3, v0;
	_ =	sdelay $0x1  }
0x59: {  	v3 =	vperm.xlane v3, v2;
	v4 =	vadd.s32 v1, v4;
	_ =	sdelay $0x1  }
0x5a: {  	v3 =	vadd.s32 v1, v3;
	_ =	sdelay $0x1  }
0x5b: {  	s14 =	simm.s32 $0x7600  }
0x5c: {  	[tilespmem:s14], [sflag:$0x2] =	stream.indirect_vreg.gather [hbm4b:s4+s2], $0x80, v4, vm0, $0xb8;
	[tilespmem:$0x12600] =	vst v63  }
0x5d: {  	s16 =	simm.s32 $0x7E00  }
0x5e: {  	[tilespmem:s16], [sflag:$0x2] =	stream.indirect_vreg.gather [hbm4b:s4+s2], $0x80, v3, vm0, $0xb8;
	[tilespmem:$0x12600] =	vst v63  }
0x5f: {  	v3 =	vld [tilespmem:$0x1320];
	_ =	sdelay $0x4  }
0x60: {  	v54 =	vshll.u32 v3, $0x1  }
0x61: {  	v3 =	vand.u32 $0x7, v3;
	v4 =	vand.u32 $0xFFFFFFF0, v54  }
0x62: {  	v3 =	vor.u32 v3, v4  }
0x63: {  	v4 =	vperm.xlane v3, v0;
	_ =	sdelay $0x1  }
0x64: {  	v3 =	vperm.xlane v3, v2;
	v4 =	vadd.s32 v1, v4;
	_ =	sdelay $0x1  }
0x65: {  	v3 =	vadd.s32 v1, v3;
	_ =	sdelay $0x1  }
0x66: {  	s6 =	simm.s32 $0x8600  }
0x67: {  	[tilespmem:s6], [sflag:$0x2] =	stream.indirect_vreg.gather [hbm4b:s4+s2], $0x80, v4, vm0, $0xb8;
	[tilespmem:$0x12600] =	vst v63  }
0x68: {  	s7 =	simm.s32 $0x8E00  }
0x69: {  	[tilespmem:s7], [sflag:$0x2] =	stream.indirect_vreg.gather [hbm4b:s4+s2], $0x80, v3, vm0, $0xb8;
	[tilespmem:$0x12600] =	vst v63  }
0x6a: {  	v3 =	vld [tilespmem:$0x1330];
	_ =	sdelay $0x4  }
0x6b: {  	v55 =	vshll.u32 v3, $0x1  }
0x6c: {  	v3 =	vand.u32 $0x7, v3;
	v4 =	vand.u32 $0xFFFFFFF0, v55  }
0x6d: {  	v3 =	vor.u32 v3, v4  }
0x6e: {  	v4 =	vperm.xlane v3, v0;
	_ =	sdelay $0x1  }
0x6f: {  	v3 =	vperm.xlane v3, v2;
	v4 =	vadd.s32 v1, v4;
	_ =	sdelay $0x1  }
0x70: {  	v3 =	vadd.s32 v1, v3;
	_ =	sdelay $0x1  }
0x71: {  	s12 =	simm.s32 $0x9600  }
0x72: {  	[tilespmem:s12], [sflag:$0x2] =	stream.indirect_vreg.gather [hbm4b:s4+s2], $0x80, v4, vm0, $0xb8;
	[tilespmem:$0x12600] =	vst v63  }
0x73: {  	s14 =	simm.s32 $0x9E00  }
0x74: {  	[tilespmem:s14], [sflag:$0x2] =	stream.indirect_vreg.gather [hbm4b:s4+s2], $0x80, v3, vm0, $0xb8;
	[tilespmem:$0x12600] =	vst v63  }
0x75: {  	v3 =	vld [tilespmem:$0x40];
	_ =	sdelay $0x4  }
0x76: {  	v56 =	vshll.u32 v3, $0x1  }
0x77: {  	v3 =	vand.u32 $0x7, v3;
	v4 =	vand.u32 $0xFFFFFFF0, v56  }
0x78: {  	v3 =	vor.u32 v3, v4  }
0x79: {  	v4 =	vperm.xlane v3, v0;
	_ =	sdelay $0x1  }
0x7a: {  	v3 =	vperm.xlane v3, v2;
	v4 =	vadd.s32 v1, v4;
	_ =	sdelay $0x1  }
0x7b: {  	v3 =	vadd.s32 v1, v3;
	_ =	sdelay $0x2  }
0x7c: {  	[tilespmem:s0], [sflag:$0x3] =	stream.indirect_vreg.gather [hbm4b:s3+s2], $0x80, v4, vm0, $0xb8;
	[tilespmem:$0x12600] =	vst v63  }
0x7d: {  	s16 =	simm.s32 $0xAE00  }
0x7e: {  	[tilespmem:s16], [sflag:$0x3] =	stream.indirect_vreg.gather [hbm4b:s3+s2], $0x80, v3, vm0, $0xb8;
	[tilespmem:$0x12600] =	vst v63  }
0x7f: {  	v3 =	vld [tilespmem:$0x50];
	_ =	sdelay $0x4  }
0x80: {  	v57 =	vshll.u32 v3, $0x1  }
0x81: {  	v3 =	vand.u32 $0x7, v3;
	v4 =	vand.u32 $0xFFFFFFF0, v57  }
0x82: {  	v3 =	vor.u32 v3, v4  }
0x83: {  	v4 =	vperm.xlane v3, v0;
	_ =	sdelay $0x1  }
0x84: {  	v3 =	vperm.xlane v3, v2;
	v4 =	vadd.s32 v1, v4;
	_ =	sdelay $0x1  }
0x85: {  	v3 =	vadd.s32 v1, v3;
	_ =	sdelay $0x1  }
0x86: {  	s6 =	simm.s32 $0xB600  }
0x87: {  	[tilespmem:s6], [sflag:$0x3] =	stream.indirect_vreg.gather [hbm4b:s3+s2], $0x80, v4, vm0, $0xb8;
	[tilespmem:$0x12600] =	vst v63  }
0x88: {  	s7 =	simm.s32 $0xBE00  }
0x89: {  	[tilespmem:s7], [sflag:$0x3] =	stream.indirect_vreg.gather [hbm4b:s3+s2], $0x80, v3, vm0, $0xb8;
	[tilespmem:$0x12600] =	vst v63  }
0x8a: {  	v3 =	vld [tilespmem:$0x60];
	_ =	sdelay $0x4  }
0x8b: {  	v58 =	vshll.u32 v3, $0x1  }
0x8c: {  	v3 =	vand.u32 $0x7, v3;
	v4 =	vand.u32 $0xFFFFFFF0, v58  }
0x8d: {  	v3 =	vor.u32 v3, v4  }
0x8e: {  	v4 =	vperm.xlane v3, v0;
	_ =	sdelay $0x1  }
0x8f: {  	v3 =	vperm.xlane v3, v2;
	v4 =	vadd.s32 v1, v4;
	_ =	sdelay $0x1  }
0x90: {  	v3 =	vadd.s32 v1, v3;
	_ =	sdelay $0x1  }
0x91: {  	s12 =	simm.s32 $0xC600  }
0x92: {  	[tilespmem:s12], [sflag:$0x3] =	stream.indirect_vreg.gather [hbm4b:s3+s2], $0x80, v4, vm0, $0xb8;
	[tilespmem:$0x12600] =	vst v63  }
0x93: {  	s14 =	simm.s32 $0xCE00  }
0x94: {  	[tilespmem:s14], [sflag:$0x3] =	stream.indirect_vreg.gather [hbm4b:s3+s2], $0x80, v3, vm0, $0xb8;
	[tilespmem:$0x12600] =	vst v63  }
0x95: {  	v3 =	vld [tilespmem:$0x70];
	_ =	sdelay $0x4  }
0x96: {  	v59 =	vshll.u32 v3, $0x1  }
0x97: {  	v3 =	vand.u32 $0x7, v3;
	v4 =	vand.u32 $0xFFFFFFF0, v59  }
0x98: {  	v3 =	vor.u32 v3, v4  }
0x99: {  	v4 =	vperm.xlane v3, v0;
	_ =	sdelay $0x1  }
0x9a: {  	v3 =	vperm.xlane v3, v2;
	v4 =	vadd.s32 v1, v4;
	_ =	sdelay $0x1  }
0x9b: {  	v3 =	vadd.s32 v1, v3;
	_ =	sdelay $0x1  }
0x9c: {  	s16 =	simm.s32 $0xD600  }
0x9d: {  	[tilespmem:s16], [sflag:$0x3] =	stream.indirect_vreg.gather [hbm4b:s3+s2], $0x80, v4, vm0, $0xb8;
	[tilespmem:$0x12600] =	vst v63  }
0x9e: {  	_ = 	snop  }
0x9f: {  	[tilespmem:s17], [sflag:$0x3] =	stream.indirect_vreg.gather [hbm4b:s3+s2], $0x80, v3, vm0, $0xb8;
	[tilespmem:$0x12600] =	vst v63  }
0xa0: {  	v3 =	vld [tilespmem:$0x1340];
	_ =	sdelay $0x4  }
0xa1: {  	v60 =	vshll.u32 v3, $0x1  }
0xa2: {  	v3 =	vand.u32 $0x7, v3;
	v4 =	vand.u32 $0xFFFFFFF0, v60  }
0xa3: {  	v3 =	vor.u32 v3, v4  }
0xa4: {  	v4 =	vperm.xlane v3, v0;
	_ =	sdelay $0x1  }
0xa5: {  	v3 =	vperm.xlane v3, v2;
	v4 =	vadd.s32 v1, v4;
	_ =	sdelay $0x1  }
0xa6: {  	v3 =	vadd.s32 v1, v3;
	_ =	sdelay $0x2  }
0xa7: {  	[tilespmem:s18], [sflag:$0x4] =	stream.indirect_vreg.gather [hbm4b:s4+s2], $0x80, v4, vm0, $0xb8;
	[tilespmem:$0x12600] =	vst v63  }
0xa8: {  	_ = 	snop  }
0xa9: {  	[tilespmem:s19], [sflag:$0x4] =	stream.indirect_vreg.gather [hbm4b:s4+s2], $0x80, v3, vm0, $0xb8;
	[tilespmem:$0x12600] =	vst v63  }
0xaa: {  	v3 =	vld [tilespmem:$0x1350];
	_ =	sdelay $0x4  }
0xab: {  	v61 =	vshll.u32 v3, $0x1  }
0xac: {  	v3 =	vand.u32 $0x7, v3;
	v4 =	vand.u32 $0xFFFFFFF0, v61  }
0xad: {  	v3 =	vor.u32 v3, v4  }
0xae: {  	v4 =	vperm.xlane v3, v0;
	_ =	sdelay $0x1  }
0xaf: {  	v3 =	vperm.xlane v3, v2;
	v4 =	vadd.s32 v1, v4;
	_ =	sdelay $0x1  }
0xb0: {  	v3 =	vadd.s32 v1, v3;
	_ =	sdelay $0x2  }
0xb1: {  	[tilespmem:s20], [sflag:$0x4] =	stream.indirect_vreg.gather [hbm4b:s4+s2], $0x80, v4, vm0, $0xb8;
	[tilespmem:$0x12600] =	vst v63  }
0xb2: {  	_ = 	snop  }
0xb3: {  	[tilespmem:s21], [sflag:$0x4] =	stream.indirect_vreg.gather [hbm4b:s4+s2], $0x80, v3, vm0, $0xb8;
	[tilespmem:$0x12600] =	vst v63  }
0xb4: {  	v3 =	vld [tilespmem:$0x1360];
	_ =	sdelay $0x4  }
0xb5: {  	v62 =	vshll.u32 v3, $0x1  }
0xb6: {  	v3 =	vand.u32 $0x7, v3;
	v4 =	vand.u32 $0xFFFFFFF0, v62  }
0xb7: {  	v3 =	vor.u32 v3, v4  }
0xb8: {  	v4 =	vperm.xlane v3, v0;
	_ =	sdelay $0x1  }
0xb9: {  	v3 =	vperm.xlane v3, v2;
	v4 =	vadd.s32 v1, v4;
	_ =	sdelay $0x1  }
0xba: {  	v3 =	vadd.s32 v1, v3;
	_ =	sdelay $0x2  }
0xbb: {  	[tilespmem:s22], [sflag:$0x4] =	stream.indirect_vreg.gather [hbm4b:s4+s2], $0x80, v4, vm0, $0xb8;
	[tilespmem:$0x12600] =	vst v63  }
0xbc: {  	_ = 	snop  }
0xbd: {  	[tilespmem:s23], [sflag:$0x4] =	stream.indirect_vreg.gather [hbm4b:s4+s2], $0x80, v3, vm0, $0xb8;
	[tilespmem:$0x12600] =	vst v63  }
0xbe: {  	v3 =	vld [tilespmem:$0x1370];
	_ =	sdelay $0x4  }
0xbf: {  	v63 =	vshll.u32 v3, $0x1  }
0xc0: {  	v3 =	vand.u32 $0x7, v3;
	v4 =	vand.u32 $0xFFFFFFF0, v63  }
0xc1: {  	v3 =	vor.u32 v3, v4  }
0xc2: {  	v4 =	vperm.xlane v3, v0;
	_ =	sdelay $0x1  }
0xc3: {  	v3 =	vperm.xlane v3, v2;
	v4 =	vadd.s32 v1, v4;
	_ =	sdelay $0x1  }
0xc4: {  	v3 =	vadd.s32 v1, v3;
	_ =	sdelay $0x2  }
0xc5: {  	[tilespmem:s24], [sflag:$0x4] =	stream.indirect_vreg.gather [hbm4b:s4+s2], $0x80, v4, vm0, $0xb8;
	[tilespmem:$0x12600] =	vst v63  }
0xc6: {  	s31 =	simm.s32 $0x0  }
0xc7: {  	[tilespmem:s25], [sflag:$0x4] =	stream.indirect_vreg.gather [hbm4b:s4+s2], $0x80, v3, vm0, $0xb8;
	[tilespmem:$0x12600] =	vst v63  }
.LBB2_2:
0xc8: {  	_ =	swait.ge [sflag:s26], $0x4000  }
0xc9: {  	[sflag:s26] =	ssyncset.done $0x0  }
0xca: {  	[sflag:s26] =	ssyncadd.s32 $0xFFFFC000  }
0xcb: {  	s1 =	simm.s32 $0x0;
	_ =	swait.ge [sflag:s28], $0x4000  }
0xcc: {  	s6 =	sand.u32 $0x3800, s1;
	s1 =	sand.u32 $0x380, s1;
	[sflag:s28] =	ssyncset.done $0x0  }
0xcd: {  	s1 =	sor.u32 s1, s6;
	[sflag:s28] =	ssyncadd.s32 $0xFFFFC000  }
0xce: {  	v10 =	vld [tilespmem:s1+$0x6600]  }
0xcf: {  	v11 =	vld [tilespmem:s1+$0x6610]  }
0xd0: {  	v12 =	vld [tilespmem:s1+$0x6620]  }
0xd1: {  	v13 =	vld [tilespmem:s1+$0x6630]  }
0xd2: {  	v14 =	vld [tilespmem:s1+$0x6640]  }
0xd3: {  	v15 =	vld [tilespmem:s1+$0x6650]  }
0xd4: {  	v16 =	vld [tilespmem:s1+$0x6660]  }
0xd5: {  	v17 =	vld [tilespmem:s1+$0x6670]  }
0xd6: {  	v18 =	vld [tilespmem:s1+$0x6A00]  }
0xd7: {  	v9 =	vld [tilespmem:s1+$0x6A10]  }
0xd8: {  	v8 =	vld [tilespmem:s1+$0x6A20]  }
0xd9: {  	v7 =	vld [tilespmem:s1+$0x6A30]  }
0xda: {  	v6 =	vld [tilespmem:s1+$0x6A40]  }
0xdb: {  	v5 =	vld [tilespmem:s1+$0x6A50]  }
0xdc: {  	v4 =	vld [tilespmem:s1+$0x6A60]  }
0xdd: {  	v3 =	vld [tilespmem:s1+$0x6A70]  }
0xde: {  	v19 =	vld [tilespmem:s1+$0x2600]  }
0xdf: {  	v20 =	vld [tilespmem:s1+$0x2610]  }
0xe0: {  	v21 =	vld [tilespmem:s1+$0x2620]  }
0xe1: {  	v22 =	vld [tilespmem:s1+$0x2630]  }
0xe2: {  	v23 =	vld [tilespmem:s1+$0x2640]  }
0xe3: {  	v10 =	vadd.f32 v10, v19;
	v19 =	vld [tilespmem:s1+$0x2650]  }
0xe4: {  	v61 =	vld [tilespmem:s1+$0x2660];
	v11 =	vadd.f32 v11, v20  }
0xe5: {  	v62 =	vld [tilespmem:s1+$0x2670];
	[tilespmem:s1+$0x2600] =	vst v10;
	v10 =	vadd.f32 v12, v21  }
0xe6: {  	v63 =	vld [tilespmem:s1+$0x2A00];
	[tilespmem:s1+$0x2610] =	vst v11;
	v11 =	vadd.f32 v13, v22  }
0xe7: {  	v13 =	vld [tilespmem:s1+$0x2A10];
	[tilespmem:s1+$0x2620] =	vst v10;
	v10 =	vadd.f32 v14, v23  }
0xe8: {  	v12 =	vld [tilespmem:s1+$0x2A20];
	[tilespmem:s1+$0x2630] =	vst v11;
	v11 =	vadd.f32 v15, v19  }
0xe9: {  	v14 =	vadd.f32 v16, v61;
	[tilespmem:s1+$0x2640] =	vst v10;
	v10 =	vld [tilespmem:s1+$0x2A30]  }
0xea: {  	v16 =	vadd.f32 v17, v62;
	[tilespmem:s1+$0x2650] =	vst v11;
	v11 =	vld [tilespmem:s1+$0x2A40]  }
0xeb: {  	s14 =	simm.s32 $0x80;
	s6 =	simm.s32 $0x100;
	v15 =	vadd.f32 v18, v63;
	[tilespmem:s1+$0x2660] =	vst v14;
	v14 =	vld [tilespmem:s1+$0x2A50]  }
.LBB2_3:
0xec: {  	s7 =	sand.u32 $0x3800, s6;
	s12 =	sand.u32 $0x380, s14;
	p0 =	sne.s32 s6, $0x3F00;
	[tilespmem:s1+$0x2670] =	vst v16;
	v9 =	vadd.f32 v9, v13;
	v13 =	vld [tilespmem:s1+$0x2A60]  }
0xed: {  	s7 =	sor.u32 s12, s7;
	[tilespmem:s1+$0x2A00] =	vst v15;
	v8 =	vadd.f32 v8, v12;
	v12 =	vld [tilespmem:s1+$0x2A70]  }
0xee: {  	v15 =	vld [tilespmem:s7+$0x6600];
	[tilespmem:s1+$0x2A10] =	vst v9;
	v7 =	vadd.f32 v7, v10  }
0xef: {  	v10 =	vld [tilespmem:s7+$0x6610];
	[tilespmem:s1+$0x2A20] =	vst v8;
	v6 =	vadd.f32 v6, v11  }
0xf0: {  	v11 =	vld [tilespmem:s7+$0x6620];
	[tilespmem:s1+$0x2A30] =	vst v7;
	v5 =	vadd.f32 v5, v14  }
0xf1: {  	v14 =	vld [tilespmem:s7+$0x6630];
	[tilespmem:s1+$0x2A40] =	vst v6;
	v4 =	vadd.f32 v4, v13  }
0xf2: {  	v13 =	vld [tilespmem:s7+$0x6640];
	[tilespmem:s1+$0x2A50] =	vst v5;
	v3 =	vadd.f32 v3, v12  }
0xf3: {  	v12 =	vld [tilespmem:s7+$0x6650];
	[tilespmem:s1+$0x2A60] =	vst v4  }
0xf4: {  	v16 =	vld [tilespmem:s7+$0x6660];
	[tilespmem:s1+$0x2A70] =	vst v3;
	s1 =	smov.u32 s7  }
0xf5: {  	v17 =	vld [tilespmem:s1+$0x6670]  }
0xf6: {  	v18 =	vld [tilespmem:s1+$0x6A00]  }
0xf7: {  	v9 =	vld [tilespmem:s1+$0x6A10]  }
0xf8: {  	v8 =	vld [tilespmem:s1+$0x6A20]  }
0xf9: {  	v7 =	vld [tilespmem:s1+$0x6A30]  }
0xfa: {  	v6 =	vld [tilespmem:s1+$0x6A40]  }
0xfb: {  	v5 =	vld [tilespmem:s1+$0x6A50]  }
0xfc: {  	v4 =	vld [tilespmem:s1+$0x6A60]  }
0xfd: {  	v3 =	vld [tilespmem:s1+$0x6A70]  }
0xfe: {  	v19 =	vld [tilespmem:s1+$0x2600]  }
0xff: {  	v20 =	vld [tilespmem:s1+$0x2610]  }
0x100: {  	v21 =	vld [tilespmem:s1+$0x2620]  }
0x101: {  	v22 =	vld [tilespmem:s1+$0x2630]  }
0x102: {  	v23 =	vld [tilespmem:s1+$0x2640]  }
0x103: {  	v15 =	vadd.f32 v15, v19;
	v19 =	vld [tilespmem:s1+$0x2650]  }
0x104: {  	v10 =	vadd.f32 v10, v20;
	v20 =	vld [tilespmem:s1+$0x2660]  }
0x105: {  	[tilespmem:s1+$0x2600] =	vst v15;
	v11 =	vadd.f32 v11, v21;
	v15 =	vld [tilespmem:s1+$0x2670]  }
0x106: {  	[tilespmem:s1+$0x2610] =	vst v10;
	v10 =	vadd.f32 v14, v22;
	v14 =	vld [tilespmem:s1+$0x2A00]  }
.Ltmp0:
0x107: {  	[tilespmem:s1+$0x2620] =	vst v11;
	v11 =	vadd.f32 v13, v23;
	v13 =	vld [tilespmem:s1+$0x2A10];
	(pc) =	sbr.rel @p0 .LBB2_3-.Ltmp0, $4  }
0x108: {  	[tilespmem:s1+$0x2630] =	vst v10;
	v19 =	vadd.f32 v12, v19;
	v12 =	vld [tilespmem:s1+$0x2A20]  }
0x109: {  	[tilespmem:s1+$0x2640] =	vst v11;
	v20 =	vadd.f32 v16, v20;
	v10 =	vld [tilespmem:s1+$0x2A30]  }
0x10a: {  	[tilespmem:s1+$0x2650] =	vst v19;
	v16 =	vadd.f32 v17, v15;
	v11 =	vld [tilespmem:s1+$0x2A40]  }
0x10b: {  	s14 =	sadd.s32 $0x80, s14;
	s6 =	sadd.s32 $0x100, s6;
	[tilespmem:s1+$0x2660] =	vst v20;
	v15 =	vadd.f32 v18, v14;
	v14 =	vld [tilespmem:s1+$0x2A50]  }
0x10c: {  	[tilespmem:s1+$0x2670] =	vst v16;
	v9 =	vadd.f32 v9, v13;
	v13 =	vld [tilespmem:s1+$0x2A60]  }
0x10d: {  	[tilespmem:s1+$0x2A00] =	vst v15;
	v8 =	vadd.f32 v8, v12;
	v12 =	vld [tilespmem:s1+$0x2A70]  }
0x10e: {  	[tilespmem:s1+$0x2A10] =	vst v9;
	v7 =	vadd.f32 v7, v10  }
0x10f: {  	[tilespmem:s1+$0x2A20] =	vst v8;
	v6 =	vadd.f32 v6, v11  }
0x110: {  	[tilespmem:s1+$0x2A30] =	vst v7;
	v5 =	vadd.f32 v5, v14  }
0x111: {  	s6 =	sshll.u32 s31, $0xF;
	[tilespmem:s1+$0x2A40] =	vst v6;
	v4 =	vadd.f32 v4, v13  }
0x112: {  	s6 =	sadd.s32 s9, s6;
	[tilespmem:s1+$0x2A50] =	vst v5;
	v3 =	vadd.f32 v3, v12  }
0x113: {  	s6 =	sshrl.u32 s6, $0x3;
	[tilespmem:s1+$0x2A60] =	vst v4  }
0x114: {  	s7 =	sadd.s32 s5, s6;
	s6 =	simm.s32 $0x0;
	[tilespmem:s1+$0x2A70] =	vst v3;
	s1 =	sshll.u32 s31, $0x1  }
0x115: {  	[hbm4b:s7+s6] =	stream.linear.scatter [tilespmem:s15], [sflag:$0x5], $0x4000, $0x38;
	[tilespmem:$0x12600] =	vst v63  }
0x116: {  	s7 =	sadd.s32 $0x2, s1  }
0x117: {  	s12 =	smov.u32 s10;
	_ =	swait.ge [sflag:s13], $0x4000;
	p0 =	slt.s32 s7, s10  }
0x118: {  	[sflag:s13] =	ssyncset.done $0x0;
	s12 =	smov.u32 @p0 s7  }
0x119: {  	[sflag:s13] =	ssyncadd.s32 $0xFFFFC000;
	s7 =	sshll.u32 s12, $0x6  }
0x11a: {  	v3 =	vld [tilespmem:s7+$0x0];
	_ =	sdelay $0x4  }
0x11b: {  	v4 =	vshll.u32 v3, $0x1  }
0x11c: {  	v3 =	vand.u32 $0x7, v3;
	v4 =	vand.u32 $0xFFFFFFF0, v4  }
0x11d: {  	v3 =	vor.u32 v3, v4  }
0x11e: {  	v4 =	vperm.xlane v3, v0;
	_ =	sdelay $0x1  }
0x11f: {  	v3 =	vperm.xlane v3, v2;
	v4 =	vadd.s32 v1, v4;
	_ =	sdelay $0x1  }
0x120: {  	v3 =	vadd.s32 v1, v3;
	_ =	sdelay $0x2  }
0x121: {  	[tilespmem:s15], [sflag:$0x1] =	stream.indirect_vreg.gather [hbm4b:s3+s6], $0x80, v4, vm0, $0xb8;
	[tilespmem:$0x12600] =	vst v63  }
0x122: {  	s16 =	simm.s32 $0x2E00  }
0x123: {  	[tilespmem:s16], [sflag:$0x1] =	stream.indirect_vreg.gather [hbm4b:s3+s6], $0x80, v3, vm0, $0xb8;
	[tilespmem:$0x12600] =	vst v63  }
0x124: {  	v3 =	vld [tilespmem:s7+$0x10];
	_ =	sdelay $0x4  }
0x125: {  	v4 =	vshll.u32 v3, $0x1  }
0x126: {  	v3 =	vand.u32 $0x7, v3;
	v4 =	vand.u32 $0xFFFFFFF0, v4  }
0x127: {  	v3 =	vor.u32 v3, v4  }
0x128: {  	v4 =	vperm.xlane v3, v0;
	_ =	sdelay $0x1  }
0x129: {  	v3 =	vperm.xlane v3, v2;
	v4 =	vadd.s32 v1, v4;
	_ =	sdelay $0x1  }
0x12a: {  	v3 =	vadd.s32 v1, v3;
	_ =	sdelay $0x1  }
0x12b: {  	s14 =	simm.s32 $0x3600  }
0x12c: {  	[tilespmem:s14], [sflag:$0x1] =	stream.indirect_vreg.gather [hbm4b:s3+s6], $0x80, v4, vm0, $0xb8;
	[tilespmem:$0x12600] =	vst v63  }
0x12d: {  	s16 =	simm.s32 $0x3E00  }
0x12e: {  	[tilespmem:s16], [sflag:$0x1] =	stream.indirect_vreg.gather [hbm4b:s3+s6], $0x80, v3, vm0, $0xb8;
	[tilespmem:$0x12600] =	vst v63  }
0x12f: {  	v3 =	vld [tilespmem:s7+$0x20];
	_ =	sdelay $0x4  }
0x130: {  	v4 =	vshll.u32 v3, $0x1  }
0x131: {  	v3 =	vand.u32 $0x7, v3;
	v4 =	vand.u32 $0xFFFFFFF0, v4  }
0x132: {  	v3 =	vor.u32 v3, v4  }
0x133: {  	v4 =	vperm.xlane v3, v0;
	_ =	sdelay $0x1  }
0x134: {  	v3 =	vperm.xlane v3, v2;
	v4 =	vadd.s32 v1, v4;
	_ =	sdelay $0x1  }
0x135: {  	v3 =	vadd.s32 v1, v3;
	_ =	sdelay $0x1  }
0x136: {  	s14 =	simm.s32 $0x4600  }
0x137: {  	[tilespmem:s14], [sflag:$0x1] =	stream.indirect_vreg.gather [hbm4b:s3+s6], $0x80, v4, vm0, $0xb8;
	[tilespmem:$0x12600] =	vst v63  }
0x138: {  	s16 =	simm.s32 $0x4E00  }
0x139: {  	[tilespmem:s16], [sflag:$0x1] =	stream.indirect_vreg.gather [hbm4b:s3+s6], $0x80, v3, vm0, $0xb8;
	[tilespmem:$0x12600] =	vst v63  }
0x13a: {  	v3 =	vld [tilespmem:s7+$0x30];
	_ =	sdelay $0x4  }
0x13b: {  	v4 =	vshll.u32 v3, $0x1  }
0x13c: {  	v3 =	vand.u32 $0x7, v3;
	v4 =	vand.u32 $0xFFFFFFF0, v4  }
0x13d: {  	v3 =	vor.u32 v3, v4  }
0x13e: {  	v4 =	vperm.xlane v3, v0;
	_ =	sdelay $0x1  }
0x13f: {  	v3 =	vperm.xlane v3, v2;
	v4 =	vadd.s32 v1, v4;
	_ =	sdelay $0x1  }
0x140: {  	v3 =	vadd.s32 v1, v3;
	_ =	sdelay $0x1  }
0x141: {  	s14 =	simm.s32 $0x5600  }
0x142: {  	[tilespmem:s14], [sflag:$0x1] =	stream.indirect_vreg.gather [hbm4b:s3+s6], $0x80, v4, vm0, $0xb8;
	[tilespmem:$0x12600] =	vst v63  }
0x143: {  	s16 =	simm.s32 $0x5E00  }
0x144: {  	[tilespmem:s16], [sflag:$0x1] =	stream.indirect_vreg.gather [hbm4b:s3+s6], $0x80, v3, vm0, $0xb8;
	[tilespmem:$0x12600] =	vst v63  }
0x145: {  	v3 =	vld [tilespmem:s7+$0x1300];
	_ =	sdelay $0x4  }
0x146: {  	v4 =	vshll.u32 v3, $0x1  }
0x147: {  	v3 =	vand.u32 $0x7, v3;
	v4 =	vand.u32 $0xFFFFFFF0, v4  }
0x148: {  	v3 =	vor.u32 v3, v4  }
0x149: {  	v4 =	vperm.xlane v3, v0;
	_ =	sdelay $0x1  }
0x14a: {  	v3 =	vperm.xlane v3, v2;
	v4 =	vadd.s32 v1, v4;
	_ =	sdelay $0x1  }
0x14b: {  	v3 =	vadd.s32 v1, v3;
	_ =	sdelay $0x1  }
0x14c: {  	s14 =	simm.s32 $0x6600  }
0x14d: {  	[tilespmem:s14], [sflag:$0x2] =	stream.indirect_vreg.gather [hbm4b:s4+s6], $0x80, v4, vm0, $0xb8;
	[tilespmem:$0x12600] =	vst v63  }
0x14e: {  	s16 =	simm.s32 $0x6E00  }
0x14f: {  	[tilespmem:s16], [sflag:$0x2] =	stream.indirect_vreg.gather [hbm4b:s4+s6], $0x80, v3, vm0, $0xb8;
	[tilespmem:$0x12600] =	vst v63  }
0x150: {  	v3 =	vld [tilespmem:s7+$0x1310];
	_ =	sdelay $0x4  }
0x151: {  	v4 =	vshll.u32 v3, $0x1  }
0x152: {  	v3 =	vand.u32 $0x7, v3;
	v4 =	vand.u32 $0xFFFFFFF0, v4  }
0x153: {  	v3 =	vor.u32 v3, v4  }
0x154: {  	v4 =	vperm.xlane v3, v0;
	_ =	sdelay $0x1  }
0x155: {  	v3 =	vperm.xlane v3, v2;
	v4 =	vadd.s32 v1, v4;
	_ =	sdelay $0x1  }
0x156: {  	v3 =	vadd.s32 v1, v3;
	_ =	sdelay $0x1  }
0x157: {  	s14 =	simm.s32 $0x7600  }
0x158: {  	[tilespmem:s14], [sflag:$0x2] =	stream.indirect_vreg.gather [hbm4b:s4+s6], $0x80, v4, vm0, $0xb8;
	[tilespmem:$0x12600] =	vst v63  }
0x159: {  	s16 =	simm.s32 $0x7E00  }
0x15a: {  	[tilespmem:s16], [sflag:$0x2] =	stream.indirect_vreg.gather [hbm4b:s4+s6], $0x80, v3, vm0, $0xb8;
	[tilespmem:$0x12600] =	vst v63  }
0x15b: {  	v3 =	vld [tilespmem:s7+$0x1320];
	_ =	sdelay $0x4  }
0x15c: {  	v4 =	vshll.u32 v3, $0x1  }
0x15d: {  	v3 =	vand.u32 $0x7, v3;
	v4 =	vand.u32 $0xFFFFFFF0, v4  }
0x15e: {  	v3 =	vor.u32 v3, v4  }
0x15f: {  	v4 =	vperm.xlane v3, v0;
	_ =	sdelay $0x1  }
0x160: {  	v3 =	vperm.xlane v3, v2;
	v4 =	vadd.s32 v1, v4;
	_ =	sdelay $0x1  }
0x161: {  	v3 =	vadd.s32 v1, v3;
	_ =	sdelay $0x1  }
0x162: {  	s14 =	simm.s32 $0x8600  }
0x163: {  	[tilespmem:s14], [sflag:$0x2] =	stream.indirect_vreg.gather [hbm4b:s4+s6], $0x80, v4, vm0, $0xb8;
	[tilespmem:$0x12600] =	vst v63  }
0x164: {  	s16 =	simm.s32 $0x8E00  }
0x165: {  	[tilespmem:s16], [sflag:$0x2] =	stream.indirect_vreg.gather [hbm4b:s4+s6], $0x80, v3, vm0, $0xb8;
	[tilespmem:$0x12600] =	vst v63  }
0x166: {  	v3 =	vld [tilespmem:s7+$0x1330];
	_ =	sdelay $0x4  }
0x167: {  	v4 =	vshll.u32 v3, $0x1  }
0x168: {  	v3 =	vand.u32 $0x7, v3;
	v4 =	vand.u32 $0xFFFFFFF0, v4  }
0x169: {  	v3 =	vor.u32 v3, v4  }
0x16a: {  	v4 =	vperm.xlane v3, v0;
	_ =	sdelay $0x1  }
0x16b: {  	v3 =	vperm.xlane v3, v2;
	v4 =	vadd.s32 v1, v4;
	_ =	sdelay $0x1  }
0x16c: {  	v3 =	vadd.s32 v1, v3;
	_ =	sdelay $0x1  }
0x16d: {  	s12 =	simm.s32 $0x9600  }
0x16e: {  	[tilespmem:s12], [sflag:$0x2] =	stream.indirect_vreg.gather [hbm4b:s4+s6], $0x80, v4, vm0, $0xb8;
	[tilespmem:$0x12600] =	vst v63  }
0x16f: {  	s14 =	simm.s32 $0x9E00  }
0x170: {  	[tilespmem:s14], [sflag:$0x2] =	stream.indirect_vreg.gather [hbm4b:s4+s6], $0x80, v3, vm0, $0xb8;
	[tilespmem:$0x12600] =	vst v63  }
0x171: {  	_ =	swait.ge [sflag:s29], $0x4000  }
0x172: {  	[sflag:s29] =	ssyncset.done $0x0  }
0x173: {  	[sflag:s29] =	ssyncadd.s32 $0xFFFFC000  }
0x174: {  	_ =	swait.ge [sflag:s30], $0x4000  }
0x175: {  	s16 =	sand.u32 $0x3800, s6;
	s6 =	sand.u32 $0x380, s6;
	[sflag:s30] =	ssyncset.done $0x0  }
0x176: {  	s14 =	sor.u32 s6, s16;
	[sflag:s30] =	ssyncadd.s32 $0xFFFFC000  }
0x177: {  	v10 =	vld [tilespmem:s14+$0xE600]  }
0x178: {  	v11 =	vld [tilespmem:s14+$0xE610]  }
0x179: {  	v12 =	vld [tilespmem:s14+$0xE620]  }
0x17a: {  	v13 =	vld [tilespmem:s14+$0xE630]  }
0x17b: {  	v14 =	vld [tilespmem:s14+$0xE640]  }
0x17c: {  	v15 =	vld [tilespmem:s14+$0xE650]  }
0x17d: {  	v16 =	vld [tilespmem:s14+$0xE660]  }
0x17e: {  	v17 =	vld [tilespmem:s14+$0xE670]  }
0x17f: {  	v18 =	vld [tilespmem:s14+$0xEA00]  }
0x180: {  	v9 =	vld [tilespmem:s14+$0xEA10]  }
0x181: {  	v8 =	vld [tilespmem:s14+$0xEA20]  }
0x182: {  	v7 =	vld [tilespmem:s14+$0xEA30]  }
0x183: {  	v6 =	vld [tilespmem:s14+$0xEA40]  }
0x184: {  	v5 =	vld [tilespmem:s14+$0xEA50]  }
0x185: {  	v4 =	vld [tilespmem:s14+$0xEA60]  }
0x186: {  	v3 =	vld [tilespmem:s14+$0xEA70]  }
0x187: {  	v19 =	vld [tilespmem:s14+$0xA600]  }
0x188: {  	v20 =	vld [tilespmem:s14+$0xA610]  }
0x189: {  	v21 =	vld [tilespmem:s14+$0xA620]  }
0x18a: {  	v22 =	vld [tilespmem:s14+$0xA630]  }
0x18b: {  	v23 =	vld [tilespmem:s14+$0xA640]  }
0x18c: {  	v10 =	vadd.f32 v10, v19;
	v19 =	vld [tilespmem:s14+$0xA650]  }
0x18d: {  	v61 =	vld [tilespmem:s14+$0xA660];
	v11 =	vadd.f32 v11, v20  }
0x18e: {  	v62 =	vld [tilespmem:s14+$0xA670];
	[tilespmem:s14+$0xA600] =	vst v10;
	v10 =	vadd.f32 v12, v21  }
0x18f: {  	v63 =	vld [tilespmem:s14+$0xAA00];
	[tilespmem:s14+$0xA610] =	vst v11;
	v11 =	vadd.f32 v13, v22  }
0x190: {  	v13 =	vld [tilespmem:s14+$0xAA10];
	[tilespmem:s14+$0xA620] =	vst v10;
	v10 =	vadd.f32 v14, v23  }
0x191: {  	v12 =	vld [tilespmem:s14+$0xAA20];
	[tilespmem:s14+$0xA630] =	vst v11;
	v11 =	vadd.f32 v15, v19  }
0x192: {  	v14 =	vadd.f32 v16, v61;
	[tilespmem:s14+$0xA640] =	vst v10;
	v10 =	vld [tilespmem:s14+$0xAA30]  }
0x193: {  	v16 =	vadd.f32 v17, v62;
	[tilespmem:s14+$0xA650] =	vst v11;
	v11 =	vld [tilespmem:s14+$0xAA40]  }
0x194: {  	s7 =	simm.s32 $0x100;
	s6 =	simm.s32 $0x80;
	v15 =	vadd.f32 v18, v63;
	[tilespmem:s14+$0xA660] =	vst v14;
	v14 =	vld [tilespmem:s14+$0xAA50]  }
.LBB2_5:
0x195: {  	s12 =	sand.u32 $0x3800, s7;
	s16 =	sand.u32 $0x380, s6;
	p0 =	sne.s32 s7, $0x3F00;
	[tilespmem:s14+$0xA670] =	vst v16;
	v9 =	vadd.f32 v9, v13;
	v13 =	vld [tilespmem:s14+$0xAA60]  }
0x196: {  	s12 =	sor.u32 s16, s12;
	[tilespmem:s14+$0xAA00] =	vst v15;
	v8 =	vadd.f32 v8, v12;
	v12 =	vld [tilespmem:s14+$0xAA70]  }
0x197: {  	v15 =	vld [tilespmem:s12+$0xE600];
	[tilespmem:s14+$0xAA10] =	vst v9;
	v7 =	vadd.f32 v7, v10  }
0x198: {  	v10 =	vld [tilespmem:s12+$0xE610];
	[tilespmem:s14+$0xAA20] =	vst v8;
	v6 =	vadd.f32 v6, v11  }
0x199: {  	v11 =	vld [tilespmem:s12+$0xE620];
	[tilespmem:s14+$0xAA30] =	vst v7;
	v5 =	vadd.f32 v5, v14  }
0x19a: {  	v14 =	vld [tilespmem:s12+$0xE630];
	[tilespmem:s14+$0xAA40] =	vst v6;
	v4 =	vadd.f32 v4, v13  }
0x19b: {  	v13 =	vld [tilespmem:s12+$0xE640];
	[tilespmem:s14+$0xAA50] =	vst v5;
	v3 =	vadd.f32 v3, v12  }
0x19c: {  	v12 =	vld [tilespmem:s12+$0xE650];
	[tilespmem:s14+$0xAA60] =	vst v4  }
0x19d: {  	v16 =	vld [tilespmem:s12+$0xE660];
	[tilespmem:s14+$0xAA70] =	vst v3;
	s14 =	smov.u32 s12  }
0x19e: {  	v17 =	vld [tilespmem:s14+$0xE670]  }
0x19f: {  	v18 =	vld [tilespmem:s14+$0xEA00]  }
0x1a0: {  	v9 =	vld [tilespmem:s14+$0xEA10]  }
0x1a1: {  	v8 =	vld [tilespmem:s14+$0xEA20]  }
0x1a2: {  	v7 =	vld [tilespmem:s14+$0xEA30]  }
0x1a3: {  	v6 =	vld [tilespmem:s14+$0xEA40]  }
0x1a4: {  	v5 =	vld [tilespmem:s14+$0xEA50]  }
0x1a5: {  	v4 =	vld [tilespmem:s14+$0xEA60]  }
0x1a6: {  	v3 =	vld [tilespmem:s14+$0xEA70]  }
0x1a7: {  	v19 =	vld [tilespmem:s14+$0xA600]  }
0x1a8: {  	v20 =	vld [tilespmem:s14+$0xA610]  }
0x1a9: {  	v21 =	vld [tilespmem:s14+$0xA620]  }
0x1aa: {  	v22 =	vld [tilespmem:s14+$0xA630]  }
0x1ab: {  	v23 =	vld [tilespmem:s14+$0xA640]  }
0x1ac: {  	v15 =	vadd.f32 v15, v19;
	v19 =	vld [tilespmem:s14+$0xA650]  }
0x1ad: {  	v10 =	vadd.f32 v10, v20;
	v20 =	vld [tilespmem:s14+$0xA660]  }
0x1ae: {  	[tilespmem:s14+$0xA600] =	vst v15;
	v11 =	vadd.f32 v11, v21;
	v15 =	vld [tilespmem:s14+$0xA670]  }
0x1af: {  	[tilespmem:s14+$0xA610] =	vst v10;
	v10 =	vadd.f32 v14, v22;
	v14 =	vld [tilespmem:s14+$0xAA00]  }
.Ltmp1:
0x1b0: {  	[tilespmem:s14+$0xA620] =	vst v11;
	v11 =	vadd.f32 v13, v23;
	v13 =	vld [tilespmem:s14+$0xAA10];
	(pc) =	sbr.rel @p0 .LBB2_5-.Ltmp1, $4  }
0x1b1: {  	[tilespmem:s14+$0xA630] =	vst v10;
	v19 =	vadd.f32 v12, v19;
	v12 =	vld [tilespmem:s14+$0xAA20]  }
0x1b2: {  	[tilespmem:s14+$0xA640] =	vst v11;
	v20 =	vadd.f32 v16, v20;
	v10 =	vld [tilespmem:s14+$0xAA30]  }
0x1b3: {  	[tilespmem:s14+$0xA650] =	vst v19;
	v16 =	vadd.f32 v17, v15;
	v11 =	vld [tilespmem:s14+$0xAA40]  }
0x1b4: {  	s6 =	sadd.s32 $0x80, s6;
	s7 =	sadd.s32 $0x100, s7;
	[tilespmem:s14+$0xA660] =	vst v20;
	v15 =	vadd.f32 v18, v14;
	v14 =	vld [tilespmem:s14+$0xAA50]  }
0x1b5: {  	[tilespmem:s14+$0xA670] =	vst v16;
	v9 =	vadd.f32 v9, v13;
	v54 =	vld [tilespmem:s14+$0xAA60]  }
0x1b6: {  	v55 =	vld [tilespmem:s14+$0xAA70];
	[tilespmem:s14+$0xAA00] =	vst v15;
	v8 =	vadd.f32 v8, v12  }
0x1b7: {  	[tilespmem:s14+$0xAA10] =	vst v9;
	v7 =	vadd.f32 v7, v10  }
0x1b8: {  	[tilespmem:s14+$0xAA20] =	vst v8;
	v6 =	vadd.f32 v6, v11  }
0x1b9: {  	[tilespmem:s14+$0xAA30] =	vst v7;
	v5 =	vadd.f32 v5, v14  }
0x1ba: {  	[tilespmem:s14+$0xAA40] =	vst v6;
	v4 =	vadd.f32 v4, v54  }
0x1bb: {  	v3 =	vadd.f32 v3, v55;
	[tilespmem:s14+$0xAA50] =	vst v5  }
0x1bc: {  	s6 =	sshll.u32 s31, $0xC;
	[tilespmem:s14+$0xAA60] =	vst v4  }
0x1bd: {  	s1 =	sadd.s32 $0x3, s1;
	s6 =	sadd.s32 s6, s11;
	[tilespmem:s14+$0xAA70] =	vst v3  }
0x1be: {  	[hbm4b:s6+s2] =	stream.linear.scatter [tilespmem:s0], [sflag:$0x5], $0x4000, $0x38;
	[tilespmem:$0x12600] =	vst v63  }
0x1bf: {  	p0 =	slt.s32 s1, s10;
	s6 =	smov.u32 s10;
	_ =	swait.ge [sflag:s13], $0x4000  }
0x1c0: {  	s6 =	smov.u32 @p0 s1;
	[sflag:s13] =	ssyncset.done $0x0  }
0x1c1: {  	s1 =	sshll.u32 s6, $0x6;
	[sflag:s13] =	ssyncadd.s32 $0xFFFFC000  }
0x1c2: {  	v3 =	vld [tilespmem:s1+$0x0];
	_ =	sdelay $0x4  }
0x1c3: {  	v56 =	vshll.u32 v3, $0x1  }
0x1c4: {  	v3 =	vand.u32 $0x7, v3;
	v4 =	vand.u32 $0xFFFFFFF0, v56  }
0x1c5: {  	v3 =	vor.u32 v3, v4  }
0x1c6: {  	v4 =	vperm.xlane v3, v0;
	_ =	sdelay $0x1  }
0x1c7: {  	v3 =	vperm.xlane v3, v2;
	v4 =	vadd.s32 v1, v4;
	_ =	sdelay $0x1  }
0x1c8: {  	v3 =	vadd.s32 v1, v3;
	_ =	sdelay $0x2  }
0x1c9: {  	[tilespmem:s0], [sflag:$0x3] =	stream.indirect_vreg.gather [hbm4b:s3+s2], $0x80, v4, vm0, $0xb8;
	[tilespmem:$0x12600] =	vst v63  }
0x1ca: {  	s14 =	simm.s32 $0xAE00  }
0x1cb: {  	[tilespmem:s14], [sflag:$0x3] =	stream.indirect_vreg.gather [hbm4b:s3+s2], $0x80, v3, vm0, $0xb8;
	[tilespmem:$0x12600] =	vst v63  }
0x1cc: {  	v3 =	vld [tilespmem:s1+$0x10];
	_ =	sdelay $0x4  }
0x1cd: {  	v57 =	vshll.u32 v3, $0x1  }
0x1ce: {  	v3 =	vand.u32 $0x7, v3;
	v4 =	vand.u32 $0xFFFFFFF0, v57  }
0x1cf: {  	v3 =	vor.u32 v3, v4  }
0x1d0: {  	v4 =	vperm.xlane v3, v0;
	_ =	sdelay $0x1  }
0x1d1: {  	v3 =	vperm.xlane v3, v2;
	v4 =	vadd.s32 v1, v4;
	_ =	sdelay $0x1  }
0x1d2: {  	v3 =	vadd.s32 v1, v3;
	_ =	sdelay $0x1  }
0x1d3: {  	s16 =	simm.s32 $0xB600  }
0x1d4: {  	[tilespmem:s16], [sflag:$0x3] =	stream.indirect_vreg.gather [hbm4b:s3+s2], $0x80, v4, vm0, $0xb8;
	[tilespmem:$0x12600] =	vst v63  }
0x1d5: {  	s7 =	simm.s32 $0xBE00  }
0x1d6: {  	[tilespmem:s7], [sflag:$0x3] =	stream.indirect_vreg.gather [hbm4b:s3+s2], $0x80, v3, vm0, $0xb8;
	[tilespmem:$0x12600] =	vst v63  }
0x1d7: {  	v3 =	vld [tilespmem:s1+$0x20];
	_ =	sdelay $0x4  }
0x1d8: {  	v58 =	vshll.u32 v3, $0x1  }
0x1d9: {  	v3 =	vand.u32 $0x7, v3;
	v4 =	vand.u32 $0xFFFFFFF0, v58  }
0x1da: {  	v3 =	vor.u32 v3, v4  }
0x1db: {  	v4 =	vperm.xlane v3, v0;
	_ =	sdelay $0x1  }
0x1dc: {  	v3 =	vperm.xlane v3, v2;
	v4 =	vadd.s32 v1, v4;
	_ =	sdelay $0x1  }
0x1dd: {  	v3 =	vadd.s32 v1, v3;
	_ =	sdelay $0x1  }
0x1de: {  	s12 =	simm.s32 $0xC600  }
0x1df: {  	[tilespmem:s12], [sflag:$0x3] =	stream.indirect_vreg.gather [hbm4b:s3+s2], $0x80, v4, vm0, $0xb8;
	[tilespmem:$0x12600] =	vst v63  }
0x1e0: {  	s14 =	simm.s32 $0xCE00  }
0x1e1: {  	[tilespmem:s14], [sflag:$0x3] =	stream.indirect_vreg.gather [hbm4b:s3+s2], $0x80, v3, vm0, $0xb8;
	[tilespmem:$0x12600] =	vst v63  }
0x1e2: {  	v3 =	vld [tilespmem:s1+$0x30];
	_ =	sdelay $0x4  }
0x1e3: {  	v59 =	vshll.u32 v3, $0x1  }
0x1e4: {  	v3 =	vand.u32 $0x7, v3;
	v4 =	vand.u32 $0xFFFFFFF0, v59  }
0x1e5: {  	v3 =	vor.u32 v3, v4  }
0x1e6: {  	v4 =	vperm.xlane v3, v0;
	_ =	sdelay $0x1  }
0x1e7: {  	v3 =	vperm.xlane v3, v2;
	v4 =	vadd.s32 v1, v4;
	_ =	sdelay $0x1  }
0x1e8: {  	v3 =	vadd.s32 v1, v3;
	_ =	sdelay $0x1  }
0x1e9: {  	s16 =	simm.s32 $0xD600  }
0x1ea: {  	[tilespmem:s16], [sflag:$0x3] =	stream.indirect_vreg.gather [hbm4b:s3+s2], $0x80, v4, vm0, $0xb8;
	[tilespmem:$0x12600] =	vst v63  }
0x1eb: {  	_ = 	snop  }
0x1ec: {  	[tilespmem:s17], [sflag:$0x3] =	stream.indirect_vreg.gather [hbm4b:s3+s2], $0x80, v3, vm0, $0xb8;
	[tilespmem:$0x12600] =	vst v63  }
0x1ed: {  	v3 =	vld [tilespmem:s1+$0x1300];
	_ =	sdelay $0x4  }
0x1ee: {  	v60 =	vshll.u32 v3, $0x1  }
0x1ef: {  	v3 =	vand.u32 $0x7, v3;
	v4 =	vand.u32 $0xFFFFFFF0, v60  }
0x1f0: {  	v3 =	vor.u32 v3, v4  }
0x1f1: {  	v4 =	vperm.xlane v3, v0;
	_ =	sdelay $0x1  }
0x1f2: {  	v3 =	vperm.xlane v3, v2;
	v4 =	vadd.s32 v1, v4;
	_ =	sdelay $0x1  }
0x1f3: {  	v3 =	vadd.s32 v1, v3;
	_ =	sdelay $0x2  }
0x1f4: {  	[tilespmem:s18], [sflag:$0x4] =	stream.indirect_vreg.gather [hbm4b:s4+s2], $0x80, v4, vm0, $0xb8;
	[tilespmem:$0x12600] =	vst v63  }
0x1f5: {  	_ = 	snop  }
0x1f6: {  	[tilespmem:s19], [sflag:$0x4] =	stream.indirect_vreg.gather [hbm4b:s4+s2], $0x80, v3, vm0, $0xb8;
	[tilespmem:$0x12600] =	vst v63  }
0x1f7: {  	v3 =	vld [tilespmem:s1+$0x1310];
	_ =	sdelay $0x4  }
0x1f8: {  	v61 =	vshll.u32 v3, $0x1  }
0x1f9: {  	v3 =	vand.u32 $0x7, v3;
	v4 =	vand.u32 $0xFFFFFFF0, v61  }
0x1fa: {  	v3 =	vor.u32 v3, v4  }
0x1fb: {  	v4 =	vperm.xlane v3, v0;
	_ =	sdelay $0x1  }
0x1fc: {  	v3 =	vperm.xlane v3, v2;
	v4 =	vadd.s32 v1, v4;
	_ =	sdelay $0x1  }
0x1fd: {  	v3 =	vadd.s32 v1, v3;
	_ =	sdelay $0x2  }
0x1fe: {  	[tilespmem:s20], [sflag:$0x4] =	stream.indirect_vreg.gather [hbm4b:s4+s2], $0x80, v4, vm0, $0xb8;
	[tilespmem:$0x12600] =	vst v63  }
0x1ff: {  	_ = 	snop  }
0x200: {  	[tilespmem:s21], [sflag:$0x4] =	stream.indirect_vreg.gather [hbm4b:s4+s2], $0x80, v3, vm0, $0xb8;
	[tilespmem:$0x12600] =	vst v63  }
0x201: {  	v3 =	vld [tilespmem:s1+$0x1320];
	_ =	sdelay $0x4  }
0x202: {  	v62 =	vshll.u32 v3, $0x1  }
0x203: {  	v3 =	vand.u32 $0x7, v3;
	v4 =	vand.u32 $0xFFFFFFF0, v62  }
0x204: {  	v3 =	vor.u32 v3, v4  }
0x205: {  	v4 =	vperm.xlane v3, v0;
	_ =	sdelay $0x1  }
0x206: {  	v3 =	vperm.xlane v3, v2;
	v4 =	vadd.s32 v1, v4;
	_ =	sdelay $0x1  }
0x207: {  	v3 =	vadd.s32 v1, v3;
	_ =	sdelay $0x2  }
0x208: {  	[tilespmem:s22], [sflag:$0x4] =	stream.indirect_vreg.gather [hbm4b:s4+s2], $0x80, v4, vm0, $0xb8;
	[tilespmem:$0x12600] =	vst v63  }
0x209: {  	_ = 	snop  }
0x20a: {  	[tilespmem:s23], [sflag:$0x4] =	stream.indirect_vreg.gather [hbm4b:s4+s2], $0x80, v3, vm0, $0xb8;
	[tilespmem:$0x12600] =	vst v63  }
0x20b: {  	v3 =	vld [tilespmem:s1+$0x1330];
	_ =	sdelay $0x4  }
0x20c: {  	v63 =	vshll.u32 v3, $0x1  }
0x20d: {  	v3 =	vand.u32 $0x7, v3;
	v4 =	vand.u32 $0xFFFFFFF0, v63  }
0x20e: {  	v3 =	vor.u32 v3, v4  }
0x20f: {  	v4 =	vperm.xlane v3, v0;
	_ =	sdelay $0x1  }
0x210: {  	v3 =	vperm.xlane v3, v2;
	v4 =	vadd.s32 v1, v4  }
0x211: {  	s31 =	sadd.s32 $0x1, s31  }
0x212: {  	p0 =	sne.s32 s31, s8;
	v3 =	vadd.s32 v1, v3  }
.Ltmp2:
0x213: {  	_ = 	snop;
	(pc) =	sbr.rel @p0 .LBB2_2-.Ltmp2, $4  }
0x214: {  	_ = 	snop  }
0x215: {  	[tilespmem:s24], [sflag:$0x4] =	stream.indirect_vreg.gather [hbm4b:s4+s2], $0x80, v4, vm0, $0xb8;
	[tilespmem:$0x12600] =	vst v63  }
0x216: {  	_ = 	snop  }
0x217: {  	[tilespmem:s25], [sflag:$0x4] =	stream.indirect_vreg.gather [hbm4b:s4+s2], $0x80, v3, vm0, $0xb8;
	[tilespmem:$0x12600] =	vst v63  }
0x218: {  	_ =	swait.ge [sflag:s26], $0x4000  }
0x219: {  	[sflag:s26] =	ssyncset.done $0x0  }
0x21a: {  	[sflag:s26] =	ssyncadd.s32 $0xFFFFC000  }
0x21b: {  	_ =	swait.ge [sflag:s28], $0x4000  }
0x21c: {  	[sflag:s28] =	ssyncset.done $0x0  }
0x21d: {  	[sflag:s28] =	ssyncadd.s32 $0xFFFFC000  }
0x21e: {  	_ =	swait.ge [sflag:s29], $0x4000  }
0x21f: {  	[sflag:s29] =	ssyncset.done $0x0  }
0x220: {  	[sflag:s29] =	ssyncadd.s32 $0xFFFFC000  }
0x221: {  	_ =	swait.ge [sflag:s30], $0x4000  }
0x222: {  	s6 =	rddreg [dreg:$0x6]  }
0x223: {  	s1 =	rddreg [dreg:$0x5];
	s6 =	sadd.s32 $0x1, s6  }
0x224: {  	p0 =	sne.s32 s6, s1  }
.Ltmp3:
0x225: {  	_ = 	snop;
	(pc) =	sbr.rel @p0 .LBB2_1-.Ltmp3, $3  }
0x226: {  	_ =	sdelay $0x1  }
0x227: {  	[sflag:s30] =	ssyncset.done $0x0  }
0x228: {  	[sflag:s30] =	ssyncadd.s32 $0xFFFFC000  }
0x229: {  	_ =	sfence.sel $0x180000  }
0x22a: {  	[bflag:$0x0] =	sbarrier.arrive $0xFFFF  }
0x22b: {  	_ =	strace $0x90000056  }
0x22c: {  	s0 =	stileid.u32;
	[bflag:$0x2] =	sbarrier.arrive $0xFFFF  }
0x22d: {  	p0 =	sne.s32 s0, $0x0;
	s0 =	rddreg [dreg:$0x2]  }
0x22e: {  	s0 =	sadd.s32 @!p0 $0x100000, s0  }
0x22f: {  	[sflag:s0] =	ssyncadd.tile.s32 @!p0 $0x1;
	_ =	shalt  }
.Lfunc_end2:
_tile_overlayer_lowered:
.L_overlay_start_2:
0x230: {  	(tag) =	ssettag $0x2  }
0x231: {  	s0 =	rddreg [dreg:$0x0];
	s2 =	stileid.u32  }
0x232: {  	s1 =	rddreg [dreg:$0x1];
	p0 =	sne.s32 s2, $0x0  }
0x233: {  	s3 =	rddreg [dreg:$0x2];
	[bflag:$0x3] =	sbarrier.arrive $0xFFFF;
	s2 =	simm.s32 @!p0 $0x1C05  }
0x234: {  	[timem:s3], [sflag:s2] =	dma.local @!p0 [hbm:s0], s1  }
0x235: {  	s0 =	simm.s32 @!p0 $0x5  }
0x236: {  	_ =	swait.ge @!p0 [sflag:s0], s1  }
0x237: {  	s1 =	ssub.s32 @!p0 $0x0, s1;
	[sflag:s0] =	ssyncset.done @!p0 $0x0  }
0x238: {  	[sflag:s0] =	ssyncadd.s32 @!p0 s1  }
0x239: {  	[bflag:$0x3] =	sbarrier.arrive $0xFFFF  }
0x23a: {  	_ =	shalt  }

</sc_bundles>
